<compile_context>
chip_gen: v7x
topology: tpu7x:2x2x1
jax: 0.10.2.dev20260603
libtpu: 0.0.44.dev20260713+nightly
codegen_flags: <defaults>
</compile_context>

<pallas_src>
import jax
import jax.numpy as jnp
from jax import lax
from jax.experimental import pallas as pl
from jax.experimental.pallas import tpu as pltpu
from jax.experimental.pallas import tpu_sc as plsc

N = 10000
E = 320000
D = 128

NC = 2
NS = 16
NW = NC * NS
EW = E // NW
CH = 80
NCH = EW // CH
BC = 25
NB = NCH // BC

_F32 = jnp.float32


def _tc_prep_body(x_ref, wo_ref, bo_ref, watt_ref, batt_ref, ea_ref, y_ref):
    wv = jnp.dot(wo_ref[...], watt_ref[...], preferred_element_type=_F32)
    c0 = jnp.dot(bo_ref[...], watt_ref[...], preferred_element_type=_F32)
    cc = c0 + batt_ref[0, 0]
    a_col = jnp.dot(x_ref[...], wv, preferred_element_type=_F32) + cc
    a_row = lax.dot_general(wv, x_ref[...], (((0,), (1,)), ((), ())),
                            preferred_element_type=_F32) + cc
    g = jnp.max(a_row)
    ea_ref[...] = jnp.exp(a_row - g)
    y_ref[...] = x_ref[...] * jnp.exp(a_col - g)


_tc_prep = pl.pallas_call(
    _tc_prep_body,
    out_shape=[
        jax.ShapeDtypeStruct((1, N), _F32),
        jax.ShapeDtypeStruct((N, D), _F32),
    ],
)


def _sc_body(ea_hbm, eg_hbm, y_hbm, dp_hbm, hp_hbm,
             srcA, dstA, srcB, dstB, vals0, vals1, vals2, rows0, rows1,
             rows2, zbuf1, dacc, hacc, semr0, semr1, semr2, sems0, sems1,
             sems2, semss0, semss1, semss2, semsr0, semsr1, semsr2):
    c = lax.axis_index("c")
    s = lax.axis_index("s")
    wid = c * NS + s

    zeros16 = jnp.zeros((16,), _F32)

    def _zrow(j, _):
        for k in range(D // 16):
            rows0[j, pl.ds(k * 16, 16)] = zeros16
        return 0

    lax.fori_loop(0, CH, _zrow, 0)

    def _z1(i, _):
        zbuf1[pl.ds(i * 16, 16)] = zeros16
        return 0

    lax.fori_loop(0, 40, _z1, 0)

    base = pl.multiple_of(s * 624, 8)
    pltpu.async_copy(zbuf1, dacc.at[pl.ds(base, 640)], semr1)
    for k in range(8):
        pltpu.async_copy(rows0.at[pl.ds(0, 80)], hacc.at[pl.ds(base + k * 80, 80)],
                         semr0)
    for k in range(8):
        pltpu.make_async_copy(rows0.at[pl.ds(0, 80)],
                              hacc.at[pl.ds(base, 80)], semr0).wait()
    pltpu.make_async_copy(zbuf1, dacc.at[pl.ds(base, 640)], semr1).wait()

    plsc.subcore_barrier()

    bufs = ((rows0, vals0, semr0, sems0, semss0, semsr0),
            (rows1, vals1, semr1, sems1, semss1, semsr1),
            (rows2, vals2, semr2, sems2, semss2, semsr2))
    idxbufs = ((srcA, dstA), (srcB, dstB))

    def _issue_g(idx, j, b):
        rw, vv, sr, ss = bufs[b][:4]
        pltpu.async_copy(y_hbm.at[idx[0].at[j]], rw, sr)
        pltpu.async_copy(ea_hbm.at[idx[0].at[j]], vv, ss)

    def _wait_g(b):
        rw, vv, sr, ss = bufs[b][:4]
        pltpu.make_async_copy(y_hbm.at[srcA.at[0]], rw, sr).wait()
        pltpu.make_async_copy(ea_hbm.at[srcA.at[0]], vv, ss).wait()

    def _drain_ss(b):
        vv, sss = bufs[b][1], bufs[b][4]
        pltpu.make_async_copy(ea_hbm.at[srcA.at[0]], vv, sss).wait()
        pltpu.make_async_copy(y_hbm.at[srcA.at[0]], bufs[b][0], bufs[b][5]).wait()

    def _step(j, b, idx, drain=True, issue=None):
        _wait_g(b)
        bn = (b + 2) % 3
        if drain:
            _drain_ss(bn)
        if issue is not None:
            _issue_g(issue[0], issue[1], bn)
        rw, vv = bufs[b][0], bufs[b][1]
        pltpu.async_copy(vv, dacc.at[idx[1].at[j]], bufs[b][4], add=True)
        pltpu.async_copy(rw, hacc.at[idx[1].at[j]], bufs[b][5], add=True)

    pltpu.sync_copy(eg_hbm.at[0, wid, 0], srcA)
    pltpu.sync_copy(eg_hbm.at[1, wid, 0], dstA)
    _issue_g(idxbufs[0], 0, 0)
    _issue_g(idxbufs[0], 1, 1)

    for blk in range(NB):
        cur = idxbufs[blk % 2]
        nxt = idxbufs[1 - blk % 2]
        if blk + 1 < NB:
            pltpu.sync_copy(eg_hbm.at[0, wid, blk + 1], nxt[0])
            pltpu.sync_copy(eg_hbm.at[1, wid, blk + 1], nxt[1])
        ph = (blk * BC) % 3
        b0, b1, b2 = ph, (ph + 1) % 3, (ph + 2) % 3
        _step(0, b0, cur, drain=(blk > 0), issue=(cur, 2))

        def _loop(i, _):
            j = 1 + 3 * i
            _step(j, b1, cur, issue=(cur, j + 2))
            _step(j + 1, b2, cur, issue=(cur, j + 3))
            _step(j + 2, b0, cur, issue=(cur, j + 4))
            return 0

        lax.fori_loop(0, (BC - 4) // 3, _loop, 0)
        _step(BC - 3, b1, cur, issue=(cur, BC - 1))
        nx0 = (nxt, 0) if blk + 1 < NB else None
        nx1 = (nxt, 1) if blk + 1 < NB else None
        _step(BC - 2, b2, cur, issue=nx0)
        _step(BC - 1, b0, cur, issue=nx1)
    _drain_ss((NCH - 1) % 3)

    plsc.subcore_barrier()

    dpo = pl.multiple_of(c * N + s * 624, 8)
    pltpu.sync_copy(dacc.at[pl.ds(base, 640)], zbuf1)
    pltpu.async_copy(zbuf1, dp_hbm.at[pl.ds(dpo, 640)], semr1)
    for k in range(8):
        pltpu.async_copy(hacc.at[pl.ds(base + k * 80, 80)],
                         hp_hbm.at[c, pl.ds(base + k * 80, 80)], semr0)
    for k in range(8):
        pltpu.make_async_copy(hacc.at[pl.ds(base, 80)],
                              hp_hbm.at[c, pl.ds(base, 80)], semr0).wait()
    pltpu.make_async_copy(zbuf1, dp_hbm.at[pl.ds(dpo, 640)], semr1).wait()


_sc_edges = pl.kernel(
    _sc_body,
    out_type=[
        jax.ShapeDtypeStruct((NC * N,), _F32),
        jax.ShapeDtypeStruct((NC, N, D), _F32),
    ],
    mesh=plsc.VectorSubcoreMesh(core_axis_name="c", subcore_axis_name="s"),
    scratch_types=[
        pltpu.VMEM((BC, CH), jnp.int32),
        pltpu.VMEM((BC, CH), jnp.int32),
        pltpu.VMEM((BC, CH), jnp.int32),
        pltpu.VMEM((BC, CH), jnp.int32),
        pltpu.VMEM((CH,), _F32),
        pltpu.VMEM((CH,), _F32),
        pltpu.VMEM((CH,), _F32),
        pltpu.VMEM((CH, D), _F32),
        pltpu.VMEM((CH, D), _F32),
        pltpu.VMEM((CH, D), _F32),
        pltpu.VMEM((640,), _F32),
        pltpu.VMEM_SHARED((N,), _F32),
        pltpu.VMEM_SHARED((N, D), _F32),
        pltpu.SemaphoreType.DMA,
        pltpu.SemaphoreType.DMA,
        pltpu.SemaphoreType.DMA,
        pltpu.SemaphoreType.DMA,
        pltpu.SemaphoreType.DMA,
        pltpu.SemaphoreType.DMA,
        pltpu.SemaphoreType.DMA,
        pltpu.SemaphoreType.DMA,
        pltpu.SemaphoreType.DMA,
        pltpu.SemaphoreType.DMA,
        pltpu.SemaphoreType.DMA,
        pltpu.SemaphoreType.DMA,
    ],
)


def _tc_fin_body(hp_ref, dp_ref, o_ref):
    d = dp_ref[0] + dp_ref[1]
    r = (1.0 / (d + 1e-16)).reshape(N, 1)
    o_ref[...] = (hp_ref[0] + hp_ref[1]) * r


_tc_fin = pl.pallas_call(
    _tc_fin_body,
    out_shape=jax.ShapeDtypeStruct((N, D), _F32),
)


@jax.jit
def kernel(x, edge_index, W_o, b_o, W_att, b_att):
    eg = edge_index.reshape(2, NW, NB, BC, CH)
    ea, y = _tc_prep(x, W_o, b_o.reshape(1, D), W_att, b_att.reshape(1, 1))
    dp, hp = _sc_edges(ea.reshape(N), eg, y)
    return _tc_fin(hp, dp.reshape(NC, N))

# --- scband reference (transcript-rebuilt; emitter-appended) ---
"""Pipeline reference for scband-model-11433202942500 (READ-ONLY COPY).

The authoritative reference and input builder live on the scoring server;
editing this copy changes nothing except your own understanding.
"""

import jax, jax.numpy as jnp
import numpy as np

N = 10000
E = 320000
D = 128
ATT = 128

def setup_inputs(seed: int = 0) -> dict:
    key = jax.random.key(seed)
    k1, k2, k3, k4, k5, k6 = jax.random.split(key, 6)
    x = jax.random.normal(k1, (N, D), dtype=jnp.float32)
    edge_index = jax.random.randint(k2, (2, E), 0, N, dtype=jnp.int32)
    # learned params of ReviewAggregatorConv: w_o (Linear in_dim->att_dim), att (Linear att_dim->1)
    W_o = jax.random.normal(k3, (D, ATT), dtype=jnp.float32) * (1.0 / np.sqrt(D))
    b_o = jnp.zeros((ATT,), dtype=jnp.float32)
    W_att = jax.random.normal(k4, (ATT, 1), dtype=jnp.float32) * (1.0 / np.sqrt(ATT))
    b_att = jnp.zeros((1,), dtype=jnp.float32)
    return {"x": x, "edge_index": edge_index, "W_o": W_o, "b_o": b_o, "W_att": W_att, "b_att": b_att}

def reference(x, edge_index, W_o, b_o, W_att, b_att):
    # Faithful translation of ReviewAggregatorConv.forward on a (single-etype) graph:
    #   a = att(w_o(src_feats)) computed per src node,
    #   copy_u('a') to edges, edge_softmax over incoming edges of each dst,
    #   message = u_mul_e('h','a'), sum-reduce to dst.
    src = edge_index[0]
    dst = edge_index[1]
    a_node = jnp.dot(x, W_o) + b_o            # [N, ATT]
    a_node = jnp.dot(a_node, W_att) + b_att   # [N, 1] per-node attention logit
    a_e = jnp.take(a_node, src, axis=0)       # [E, 1] copy_u to edges (gather)
    # edge softmax grouped by destination node (segment softmax)
    seg_max = jax.ops.segment_max(a_e, dst, num_segments=N)  # [N, 1]
    a_exp = jnp.exp(a_e - jnp.take(seg_max, dst, axis=0))
    denom = jax.ops.segment_sum(a_exp, dst, num_segments=N)  # [N, 1]
    alpha = a_exp / (jnp.take(denom, dst, axis=0) + 1e-16)   # [E, 1]
    msg = jnp.take(x, src, axis=0) * alpha                   # [E, D] u_mul_e
    h = jax.ops.segment_sum(msg, dst, num_segments=N)        # [N, D] sum reduce
    return h

if __name__ == "__main__":
    import jax
    _d = setup_inputs()
    print(jax.jit(kernel)(*tuple(_d.values())))

</pallas_src>

<mosaic_0001>
#map = affine_map<(d0, d1) -> (0)>
#map1 = affine_map<(d0, d1) -> (0, 0, 0, 0, 0)>
#map2 = affine_map<(d0, d1) -> (0, 0)>
#map3 = affine_map<(d0, d1) -> (0, 0, 0)>
module attributes {stable_mosaic.version = 14 : i64} {
  func.func @_sc_body(%arg0: i32, %arg1: i32, %arg2: memref<10000xf32, #tpu.memory_space<hbm>>, %arg3: memref<2x32x5x25x80xi32, #tpu.memory_space<hbm>>, %arg4: memref<10000x128xf32, #tpu.memory_space<hbm>>, %arg5: memref<20000xf32, #tpu.memory_space<hbm>>, %arg6: memref<2x10000x128xf32, #tpu.memory_space<hbm>>, %arg7: memref<25x80xi32, #tpu.memory_space<vmem>>, %arg8: memref<25x80xi32, #tpu.memory_space<vmem>>, %arg9: memref<25x80xi32, #tpu.memory_space<vmem>>, %arg10: memref<25x80xi32, #tpu.memory_space<vmem>>, %arg11: memref<80xf32, #tpu.memory_space<vmem>>, %arg12: memref<80xf32, #tpu.memory_space<vmem>>, %arg13: memref<80xf32, #tpu.memory_space<vmem>>, %arg14: memref<80x128xf32, #tpu.memory_space<vmem>>, %arg15: memref<80x128xf32, #tpu.memory_space<vmem>>, %arg16: memref<80x128xf32, #tpu.memory_space<vmem>>, %arg17: memref<640xf32, #tpu.memory_space<vmem>>, %arg18: memref<10000xf32, #tpu.memory_space<vmem_shared>>, %arg19: memref<10000x128xf32, #tpu.memory_space<vmem_shared>>, %arg20: memref<!tpu.dma_semaphore, #tpu.memory_space<semaphore_mem>>, %arg21: memref<!tpu.dma_semaphore, #tpu.memory_space<semaphore_mem>>, %arg22: memref<!tpu.dma_semaphore, #tpu.memory_space<semaphore_mem>>, %arg23: memref<!tpu.dma_semaphore, #tpu.memory_space<semaphore_mem>>, %arg24: memref<!tpu.dma_semaphore, #tpu.memory_space<semaphore_mem>>, %arg25: memref<!tpu.dma_semaphore, #tpu.memory_space<semaphore_mem>>, %arg26: memref<!tpu.dma_semaphore, #tpu.memory_space<semaphore_mem>>, %arg27: memref<!tpu.dma_semaphore, #tpu.memory_space<semaphore_mem>>, %arg28: memref<!tpu.dma_semaphore, #tpu.memory_space<semaphore_mem>>, %arg29: memref<!tpu.dma_semaphore, #tpu.memory_space<semaphore_mem>>, %arg30: memref<!tpu.dma_semaphore, #tpu.memory_space<semaphore_mem>>, %arg31: memref<!tpu.dma_semaphore, #tpu.memory_space<semaphore_mem>>) attributes {dimension_semantics = [#tpu.dimension_semantics<core_parallel>, #tpu.dimension_semantics<subcore_parallel>], iteration_bounds = array<i64: 2, 16>, scalar_prefetch = 0 : i64, scratch_operands = 25 : i64, tpu.core_type = #tpu.core_type<sc_vector_subcore>, window_params = [{transform_indices = #map}, {transform_indices = #map1}, {transform_indices = #map2}, {transform_indices = #map}, {transform_indices = #map3}]} {
    %mul3A = arith.constant 16 : i32
    %mul3A_0 = arith.muli %arg0, %mul3A : i32
    %add3A = arith.addi %mul3A_0, %arg1 : i32
    %broadcast_in_dim3A = arith.constant 0.000000e+00 : f32
    %broadcast_in_dim3A_1 = vector.broadcast %broadcast_in_dim3A : f32 to vector<16xf32>
    %scan3A = arith.constant 0 : i32
    %scan3A_2 = arith.constant 0 : i32
    %scan3A_3 = arith.constant 80 : i32
    %scan3A_4 = arith.addi %scan3A_2, %scan3A_3 : i32
    %scan3A_5 = arith.constant 1 : i32
    %scan3A_6 = scf.for %scan3A_1412 = %scan3A_2 to %scan3A_4 step %scan3A_5 iter_args(%scan3A_1413 = %scan3A) -> (i32)  : i32 {
      %swap3A = arith.index_cast %scan3A_1412 : i32 to index
      %swap3A_1414 = arith.constant 0 : index
      %swap3A_1415 = tpu.vector_load %arg14[%swap3A, %swap3A_1414] {strides = array<i32>} : memref<80x128xf32, #tpu.memory_space<vmem>>, vector<1x16xf32>,
      %swap3A_1416 = vector.shape_cast %swap3A_1415 : vector<1x16xf32> to vector<16xf32>
      %swap3A_1417 = vector.shape_cast %broadcast_in_dim3A_1 : vector<16xf32> to vector<1x16xf32>
      tpu.vector_store %arg14[%swap3A, %swap3A_1414], %swap3A_1417 {strides = array<i32>} : memref<80x128xf32, #tpu.memory_space<vmem>>, vector<1x16xf32>,
      %swap3A_1418 = arith.index_cast %scan3A_1412 : i32 to index
      %swap3A_1419 = arith.constant 16 : index
      %swap3A_1420 = tpu.vector_load %arg14[%swap3A_1418, %swap3A_1419] {strides = array<i32>} : memref<80x128xf32, #tpu.memory_space<vmem>>, vector<1x16xf32>,
      %swap3A_1421 = vector.shape_cast %swap3A_1420 : vector<1x16xf32> to vector<16xf32>
      %swap3A_1422 = vector.shape_cast %broadcast_in_dim3A_1 : vector<16xf32> to vector<1x16xf32>
      tpu.vector_store %arg14[%swap3A_1418, %swap3A_1419], %swap3A_1422 {strides = array<i32>} : memref<80x128xf32, #tpu.memory_space<vmem>>, vector<1x16xf32>,
      %swap3A_1423 = arith.index_cast %scan3A_1412 : i32 to index
      %swap3A_1424 = arith.constant 32 : index
      %swap3A_1425 = tpu.vector_load %arg14[%swap3A_1423, %swap3A_1424] {strides = array<i32>} : memref<80x128xf32, #tpu.memory_space<vmem>>, vector<1x16xf32>,
      %swap3A_1426 = vector.shape_cast %swap3A_1425 : vector<1x16xf32> to vector<16xf32>
      %swap3A_1427 = vector.shape_cast %broadcast_in_dim3A_1 : vector<16xf32> to vector<1x16xf32>
      tpu.vector_store %arg14[%swap3A_1423, %swap3A_1424], %swap3A_1427 {strides = array<i32>} : memref<80x128xf32, #tpu.memory_space<vmem>>, vector<1x16xf32>,
      %swap3A_1428 = arith.index_cast %scan3A_1412 : i32 to index
      %swap3A_1429 = arith.constant 48 : index
      %swap3A_1430 = tpu.vector_load %arg14[%swap3A_1428, %swap3A_1429] {strides = array<i32>} : memref<80x128xf32, #tpu.memory_space<vmem>>, vector<1x16xf32>,
      %swap3A_1431 = vector.shape_cast %swap3A_1430 : vector<1x16xf32> to vector<16xf32>
      %swap3A_1432 = vector.shape_cast %broadcast_in_dim3A_1 : vector<16xf32> to vector<1x16xf32>
      tpu.vector_store %arg14[%swap3A_1428, %swap3A_1429], %swap3A_1432 {strides = array<i32>} : memref<80x128xf32, #tpu.memory_space<vmem>>, vector<1x16xf32>,
      %swap3A_1433 = arith.index_cast %scan3A_1412 : i32 to index
      %swap3A_1434 = arith.constant 64 : index
      %swap3A_1435 = tpu.vector_load %arg14[%swap3A_1433, %swap3A_1434] {strides = array<i32>} : memref<80x128xf32, #tpu.memory_space<vmem>>, vector<1x16xf32>,
      %swap3A_1436 = vector.shape_cast %swap3A_1435 : vector<1x16xf32> to vector<16xf32>
      %swap3A_1437 = vector.shape_cast %broadcast_in_dim3A_1 : vector<16xf32> to vector<1x16xf32>
      tpu.vector_store %arg14[%swap3A_1433, %swap3A_1434], %swap3A_1437 {strides = array<i32>} : memref<80x128xf32, #tpu.memory_space<vmem>>, vector<1x16xf32>,
      %swap3A_1438 = arith.index_cast %scan3A_1412 : i32 to index
      %swap3A_1439 = arith.constant 80 : index
      %swap3A_1440 = tpu.vector_load %arg14[%swap3A_1438, %swap3A_1439] {strides = array<i32>} : memref<80x128xf32, #tpu.memory_space<vmem>>, vector<1x16xf32>,
      %swap3A_1441 = vector.shape_cast %swap3A_1440 : vector<1x16xf32> to vector<16xf32>
      %swap3A_1442 = vector.shape_cast %broadcast_in_dim3A_1 : vector<16xf32> to vector<1x16xf32>
      tpu.vector_store %arg14[%swap3A_1438, %swap3A_1439], %swap3A_1442 {strides = array<i32>} : memref<80x128xf32, #tpu.memory_space<vmem>>, vector<1x16xf32>,
      %swap3A_1443 = arith.index_cast %scan3A_1412 : i32 to index
      %swap3A_1444 = arith.constant 96 : index
      %swap3A_1445 = tpu.vector_load %arg14[%swap3A_1443, %swap3A_1444] {strides = array<i32>} : memref<80x128xf32, #tpu.memory_space<vmem>>, vector<1x16xf32>,
      %swap3A_1446 = vector.shape_cast %swap3A_1445 : vector<1x16xf32> to vector<16xf32>
      %swap3A_1447 = vector.shape_cast %broadcast_in_dim3A_1 : vector<16xf32> to vector<1x16xf32>
      tpu.vector_store %arg14[%swap3A_1443, %swap3A_1444], %swap3A_1447 {strides = array<i32>} : memref<80x128xf32, #tpu.memory_space<vmem>>, vector<1x16xf32>,
      %swap3A_1448 = arith.index_cast %scan3A_1412 : i32 to index
      %swap3A_1449 = arith.constant 112 : index
      %swap3A_1450 = tpu.vector_load %arg14[%swap3A_1448, %swap3A_1449] {strides = array<i32>} : memref<80x128xf32, #tpu.memory_space<vmem>>, vector<1x16xf32>,
      %swap3A_1451 = vector.shape_cast %swap3A_1450 : vector<1x16xf32> to vector<16xf32>
      %swap3A_1452 = vector.shape_cast %broadcast_in_dim3A_1 : vector<16xf32> to vector<1x16xf32>
      tpu.vector_store %arg14[%swap3A_1448, %swap3A_1449], %swap3A_1452 {strides = array<i32>} : memref<80x128xf32, #tpu.memory_space<vmem>>, vector<1x16xf32>,
      %scan3A_1453 = arith.constant 0 : i32
      scf.yield %scan3A_1453 : i32
    }
    %scan3A_7 = arith.constant 80 : i32
    %scan3A_8 = arith.constant 0 : i32
    %scan3A_9 = arith.constant 0 : i32
    %scan3A_10 = arith.constant 40 : i32
    %scan3A_11 = arith.addi %scan3A_9, %scan3A_10 : i32
    %scan3A_12 = arith.constant 1 : i32
    %scan3A_13 = scf.for %scan3A_1412 = %scan3A_9 to %scan3A_11 step %scan3A_12 iter_args(%scan3A_1413 = %scan3A_8) -> (i32)  : i32 {
      %mul3A_1414 = arith.constant 16 : i32
      %mul3A_1415 = arith.muli %scan3A_1412, %mul3A_1414 : i32
      %swap3A = arith.index_cast %mul3A_1415 : i32 to index
      %swap3A_1416 = tpu.vector_load %arg17[%swap3A] {strides = array<i32>} : memref<640xf32, #tpu.memory_space<vmem>>, vector<16xf32>,
      %swap3A_1417 = vector.shape_cast %swap3A_1416 : vector<16xf32> to vector<16xf32>
      %swap3A_1418 = vector.shape_cast %broadcast_in_dim3A_1 : vector<16xf32> to vector<16xf32>
      tpu.vector_store %arg17[%swap3A], %swap3A_1418 {strides = array<i32>} : memref<640xf32, #tpu.memory_space<vmem>>, vector<16xf32>,
      %scan3A_1419 = arith.constant 0 : i32
      scf.yield %scan3A_1419 : i32
    }
    %scan3A_14 = arith.constant 40 : i32
    %mul3A_15 = arith.constant 624 : i32
    %mul3A_16 = arith.muli %arg1, %mul3A_15 : i32
    %multiple_of3A = tpu.assume_multiple %mul3A_16, 8 : i32
    %dma_start3A = tpu.memref_slice %arg18[%multiple_of3A] : memref<10000xf32, #tpu.memory_space<vmem_shared>> -> memref<640xf32, #tpu.memory_space<vmem_shared>>
    %dma_start3A_17 = tpu.memref_slice %arg18[%multiple_of3A] : memref<10000xf32, #tpu.memory_space<vmem_shared>> -> memref<640xf32, #tpu.memory_space<vmem_shared>>
    tpu.enqueue_dma source(%arg17 : memref<640xf32, #tpu.memory_space<vmem>>) target(%dma_start3A_17 : memref<640xf32, #tpu.memory_space<vmem_shared>>) target_semaphore(%arg21 : memref<!tpu.dma_semaphore, #tpu.memory_space<semaphore_mem>>)
    %add3A_18 = arith.constant 0 : i32
    %add3A_19 = arith.addi %multiple_of3A, %add3A_18 : i32
    %dma_start3A_20 = arith.constant 0 : i32
    %dma_start3A_21 = arith.constant 0 : i32
    %dma_start3A_22 = tpu.memref_slice %arg14[%dma_start3A_20, %dma_start3A_21] : memref<80x128xf32, #tpu.memory_space<vmem>> -> memref<80x128xf32, #tpu.memory_space<vmem>>
    %dma_start3A_23 = arith.constant 0 : i32
    %dma_start3A_24 = tpu.memref_slice %arg19[%add3A_19, %dma_start3A_23] : memref<10000x128xf32, #tpu.memory_space<vmem_shared>> -> memref<80x128xf32, #tpu.memory_space<vmem_shared>>
    %dma_start3A_25 = arith.constant 0 : i32
    %dma_start3A_26 = tpu.memref_slice %arg19[%add3A_19, %dma_start3A_25] : memref<10000x128xf32, #tpu.memory_space<vmem_shared>> -> memref<80x128xf32, #tpu.memory_space<vmem_shared>>
    %dma_start3A_27 = arith.constant 0 : i32
    %dma_start3A_28 = arith.constant 0 : i32
    %dma_start3A_29 = tpu.memref_slice %arg14[%dma_start3A_27, %dma_start3A_28] : memref<80x128xf32, #tpu.memory_space<vmem>> -> memref<80x128xf32, #tpu.memory_space<vmem>>
    tpu.enqueue_dma source(%dma_start3A_29 : memref<80x128xf32, #tpu.memory_space<vmem>>) target(%dma_start3A_26 : memref<80x128xf32, #tpu.memory_space<vmem_shared>>) target_semaphore(%arg20 : memref<!tpu.dma_semaphore, #tpu.memory_space<semaphore_mem>>)
    %add3A_30 = arith.constant 80 : i32
    %add3A_31 = arith.addi %multiple_of3A, %add3A_30 : i32
    %dma_start3A_32 = arith.constant 0 : i32
    %dma_start3A_33 = arith.constant 0 : i32
    %dma_start3A_34 = tpu.memref_slice %arg14[%dma_start3A_32, %dma_start3A_33] : memref<80x128xf32, #tpu.memory_space<vmem>> -> memref<80x128xf32, #tpu.memory_space<vmem>>
    %dma_start3A_35 = arith.constant 0 : i32
    %dma_start3A_36 = tpu.memref_slice %arg19[%add3A_31, %dma_start3A_35] : memref<10000x128xf32, #tpu.memory_space<vmem_shared>> -> memref<80x128xf32, #tpu.memory_space<vmem_shared>>
    %dma_start3A_37 = arith.constant 0 : i32
    %dma_start3A_38 = tpu.memref_slice %arg19[%add3A_31, %dma_start3A_37] : memref<10000x128xf32, #tpu.memory_space<vmem_shared>> -> memref<80x128xf32, #tpu.memory_space<vmem_shared>>
    %dma_start3A_39 = arith.constant 0 : i32
    %dma_start3A_40 = arith.constant 0 : i32
    %dma_start3A_41 = tpu.memref_slice %arg14[%dma_start3A_39, %dma_start3A_40] : memref<80x128xf32, #tpu.memory_space<vmem>> -> memref<80x128xf32, #tpu.memory_space<vmem>>
    tpu.enqueue_dma source(%dma_start3A_41 : memref<80x128xf32, #tpu.memory_space<vmem>>) target(%dma_start3A_38 : memref<80x128xf32, #tpu.memory_space<vmem_shared>>) target_semaphore(%arg20 : memref<!tpu.dma_semaphore, #tpu.memory_space<semaphore_mem>>)
    %add3A_42 = arith.constant 160 : i32
    %add3A_43 = arith.addi %multiple_of3A, %add3A_42 : i32
    %dma_start3A_44 = arith.constant 0 : i32
    %dma_start3A_45 = arith.constant 0 : i32
    %dma_start3A_46 = tpu.memref_slice %arg14[%dma_start3A_44, %dma_start3A_45] : memref<80x128xf32, #tpu.memory_space<vmem>> -> memref<80x128xf32, #tpu.memory_space<vmem>>
    %dma_start3A_47 = arith.constant 0 : i32
    %dma_start3A_48 = tpu.memref_slice %arg19[%add3A_43, %dma_start3A_47] : memref<10000x128xf32, #tpu.memory_space<vmem_shared>> -> memref<80x128xf32, #tpu.memory_space<vmem_shared>>
    %dma_start3A_49 = arith.constant 0 : i32
    %dma_start3A_50 = tpu.memref_slice %arg19[%add3A_43, %dma_start3A_49] : memref<10000x128xf32, #tpu.memory_space<vmem_shared>> -> memref<80x128xf32, #tpu.memory_space<vmem_shared>>
    %dma_start3A_51 = arith.constant 0 : i32
    %dma_start3A_52 = arith.constant 0 : i32
    %dma_start3A_53 = tpu.memref_slice %arg14[%dma_start3A_51, %dma_start3A_52] : memref<80x128xf32, #tpu.memory_space<vmem>> -> memref<80x128xf32, #tpu.memory_space<vmem>>
    tpu.enqueue_dma source(%dma_start3A_53 : memref<80x128xf32, #tpu.memory_space<vmem>>) target(%dma_start3A_50 : memref<80x128xf32, #tpu.memory_space<vmem_shared>>) target_semaphore(%arg20 : memref<!tpu.dma_semaphore, #tpu.memory_space<semaphore_mem>>)
    %add3A_54 = arith.constant 240 : i32
    %add3A_55 = arith.addi %multiple_of3A, %add3A_54 : i32
    %dma_start3A_56 = arith.constant 0 : i32
    %dma_start3A_57 = arith.constant 0 : i32
    %dma_start3A_58 = tpu.memref_slice %arg14[%dma_start3A_56, %dma_start3A_57] : memref<80x128xf32, #tpu.memory_space<vmem>> -> memref<80x128xf32, #tpu.memory_space<vmem>>
    %dma_start3A_59 = arith.constant 0 : i32
    %dma_start3A_60 = tpu.memref_slice %arg19[%add3A_55, %dma_start3A_59] : memref<10000x128xf32, #tpu.memory_space<vmem_shared>> -> memref<80x128xf32, #tpu.memory_space<vmem_shared>>
    %dma_start3A_61 = arith.constant 0 : i32
    %dma_start3A_62 = tpu.memref_slice %arg19[%add3A_55, %dma_start3A_61] : memref<10000x128xf32, #tpu.memory_space<vmem_shared>> -> memref<80x128xf32, #tpu.memory_space<vmem_shared>>
    %dma_start3A_63 = arith.constant 0 : i32
    %dma_start3A_64 = arith.constant 0 : i32
    %dma_start3A_65 = tpu.memref_slice %arg14[%dma_start3A_63, %dma_start3A_64] : memref<80x128xf32, #tpu.memory_space<vmem>> -> memref<80x128xf32, #tpu.memory_space<vmem>>
    tpu.enqueue_dma source(%dma_start3A_65 : memref<80x128xf32, #tpu.memory_space<vmem>>) target(%dma_start3A_62 : memref<80x128xf32, #tpu.memory_space<vmem_shared>>) target_semaphore(%arg20 : memref<!tpu.dma_semaphore, #tpu.memory_space<semaphore_mem>>)
    %add3A_66 = arith.constant 320 : i32
    %add3A_67 = arith.addi %multiple_of3A, %add3A_66 : i32
    %dma_start3A_68 = arith.constant 0 : i32
    %dma_start3A_69 = arith.constant 0 : i32
    %dma_start3A_70 = tpu.memref_slice %arg14[%dma_start3A_68, %dma_start3A_69] : memref<80x128xf32, #tpu.memory_space<vmem>> -> memref<80x128xf32, #tpu.memory_space<vmem>>
    %dma_start3A_71 = arith.constant 0 : i32
    %dma_start3A_72 = tpu.memref_slice %arg19[%add3A_67, %dma_start3A_71] : memref<10000x128xf32, #tpu.memory_space<vmem_shared>> -> memref<80x128xf32, #tpu.memory_space<vmem_shared>>
    %dma_start3A_73 = arith.constant 0 : i32
    %dma_start3A_74 = tpu.memref_slice %arg19[%add3A_67, %dma_start3A_73] : memref<10000x128xf32, #tpu.memory_space<vmem_shared>> -> memref<80x128xf32, #tpu.memory_space<vmem_shared>>
    %dma_start3A_75 = arith.constant 0 : i32
    %dma_start3A_76 = arith.constant 0 : i32
    %dma_start3A_77 = tpu.memref_slice %arg14[%dma_start3A_75, %dma_start3A_76] : memref<80x128xf32, #tpu.memory_space<vmem>> -> memref<80x128xf32, #tpu.memory_space<vmem>>
    tpu.enqueue_dma source(%dma_start3A_77 : memref<80x128xf32, #tpu.memory_space<vmem>>) target(%dma_start3A_74 : memref<80x128xf32, #tpu.memory_space<vmem_shared>>) target_semaphore(%arg20 : memref<!tpu.dma_semaphore, #tpu.memory_space<semaphore_mem>>)
    %add3A_78 = arith.constant 400 : i32
    %add3A_79 = arith.addi %multiple_of3A, %add3A_78 : i32
    %dma_start3A_80 = arith.constant 0 : i32
    %dma_start3A_81 = arith.constant 0 : i32
    %dma_start3A_82 = tpu.memref_slice %arg14[%dma_start3A_80, %dma_start3A_81] : memref<80x128xf32, #tpu.memory_space<vmem>> -> memref<80x128xf32, #tpu.memory_space<vmem>>
    %dma_start3A_83 = arith.constant 0 : i32
    %dma_start3A_84 = tpu.memref_slice %arg19[%add3A_79, %dma_start3A_83] : memref<10000x128xf32, #tpu.memory_space<vmem_shared>> -> memref<80x128xf32, #tpu.memory_space<vmem_shared>>
    %dma_start3A_85 = arith.constant 0 : i32
    %dma_start3A_86 = tpu.memref_slice %arg19[%add3A_79, %dma_start3A_85] : memref<10000x128xf32, #tpu.memory_space<vmem_shared>> -> memref<80x128xf32, #tpu.memory_space<vmem_shared>>
    %dma_start3A_87 = arith.constant 0 : i32
    %dma_start3A_88 = arith.constant 0 : i32
    %dma_start3A_89 = tpu.memref_slice %arg14[%dma_start3A_87, %dma_start3A_88] : memref<80x128xf32, #tpu.memory_space<vmem>> -> memref<80x128xf32, #tpu.memory_space<vmem>>
    tpu.enqueue_dma source(%dma_start3A_89 : memref<80x128xf32, #tpu.memory_space<vmem>>) target(%dma_start3A_86 : memref<80x128xf32, #tpu.memory_space<vmem_shared>>) target_semaphore(%arg20 : memref<!tpu.dma_semaphore, #tpu.memory_space<semaphore_mem>>)
    %add3A_90 = arith.constant 480 : i32
    %add3A_91 = arith.addi %multiple_of3A, %add3A_90 : i32
    %dma_start3A_92 = arith.constant 0 : i32
    %dma_start3A_93 = arith.constant 0 : i32
    %dma_start3A_94 = tpu.memref_slice %arg14[%dma_start3A_92, %dma_start3A_93] : memref<80x128xf32, #tpu.memory_space<vmem>> -> memref<80x128xf32, #tpu.memory_space<vmem>>
    %dma_start3A_95 = arith.constant 0 : i32
    %dma_start3A_96 = tpu.memref_slice %arg19[%add3A_91, %dma_start3A_95] : memref<10000x128xf32, #tpu.memory_space<vmem_shared>> -> memref<80x128xf32, #tpu.memory_space<vmem_shared>>
    %dma_start3A_97 = arith.constant 0 : i32
    %dma_start3A_98 = tpu.memref_slice %arg19[%add3A_91, %dma_start3A_97] : memref<10000x128xf32, #tpu.memory_space<vmem_shared>> -> memref<80x128xf32, #tpu.memory_space<vmem_shared>>
    %dma_start3A_99 = arith.constant 0 : i32
    %dma_start3A_100 = arith.constant 0 : i32
    %dma_start3A_101 = tpu.memref_slice %arg14[%dma_start3A_99, %dma_start3A_100] : memref<80x128xf32, #tpu.memory_space<vmem>> -> memref<80x128xf32, #tpu.memory_space<vmem>>
    tpu.enqueue_dma source(%dma_start3A_101 : memref<80x128xf32, #tpu.memory_space<vmem>>) target(%dma_start3A_98 : memref<80x128xf32, #tpu.memory_space<vmem_shared>>) target_semaphore(%arg20 : memref<!tpu.dma_semaphore, #tpu.memory_space<semaphore_mem>>)
    %add3A_102 = arith.constant 560 : i32
    %add3A_103 = arith.addi %multiple_of3A, %add3A_102 : i32
    %dma_start3A_104 = arith.constant 0 : i32
    %dma_start3A_105 = arith.constant 0 : i32
    %dma_start3A_106 = tpu.memref_slice %arg14[%dma_start3A_104, %dma_start3A_105] : memref<80x128xf32, #tpu.memory_space<vmem>> -> memref<80x128xf32, #tpu.memory_space<vmem>>
    %dma_start3A_107 = arith.constant 0 : i32
    %dma_start3A_108 = tpu.memref_slice %arg19[%add3A_103, %dma_start3A_107] : memref<10000x128xf32, #tpu.memory_space<vmem_shared>> -> memref<80x128xf32, #tpu.memory_space<vmem_shared>>
    %dma_start3A_109 = arith.constant 0 : i32
    %dma_start3A_110 = tpu.memref_slice %arg19[%add3A_103, %dma_start3A_109] : memref<10000x128xf32, #tpu.memory_space<vmem_shared>> -> memref<80x128xf32, #tpu.memory_space<vmem_shared>>
    %dma_start3A_111 = arith.constant 0 : i32
    %dma_start3A_112 = arith.constant 0 : i32
    %dma_start3A_113 = tpu.memref_slice %arg14[%dma_start3A_111, %dma_start3A_112] : memref<80x128xf32, #tpu.memory_space<vmem>> -> memref<80x128xf32, #tpu.memory_space<vmem>>
    tpu.enqueue_dma source(%dma_start3A_113 : memref<80x128xf32, #tpu.memory_space<vmem>>) target(%dma_start3A_110 : memref<80x128xf32, #tpu.memory_space<vmem_shared>>) target_semaphore(%arg20 : memref<!tpu.dma_semaphore, #tpu.memory_space<semaphore_mem>>)
    %dma_wait3A = arith.constant 0 : i32
    %dma_wait3A_114 = arith.constant 0 : i32
    %dma_wait3A_115 = tpu.memref_slice %arg14[%dma_wait3A, %dma_wait3A_114] : memref<80x128xf32, #tpu.memory_space<vmem>> -> memref<80x128xf32, #tpu.memory_space<vmem>>
    %dma_wait3A_116 = arith.constant 0 : i32
    %dma_wait3A_117 = tpu.memref_slice %arg19[%multiple_of3A, %dma_wait3A_116] : memref<10000x128xf32, #tpu.memory_space<vmem_shared>> -> memref<80x128xf32, #tpu.memory_space<vmem_shared>>
    %dma_wait3A_118 = arith.constant 0 : i32
    %dma_wait3A_119 = tpu.memref_slice %arg19[%multiple_of3A, %dma_wait3A_118] : memref<10000x128xf32, #tpu.memory_space<vmem_shared>> -> memref<80x128xf32, #tpu.memory_space<vmem_shared>>
    %dma_wait3A_120 = arith.constant 0 : i32
    %dma_wait3A_121 = arith.constant 0 : i32
    %dma_wait3A_122 = tpu.memref_slice %arg14[%dma_wait3A_120, %dma_wait3A_121] : memref<80x128xf32, #tpu.memory_space<vmem>> -> memref<80x128xf32, #tpu.memory_space<vmem>>
    tpu.wait_dma2 semaphore(%arg20 : memref<!tpu.dma_semaphore, #tpu.memory_space<semaphore_mem>>) src(%dma_wait3A_122 : memref<80x128xf32, #tpu.memory_space<vmem>>) dst(%dma_wait3A_119 : memref<80x128xf32, #tpu.memory_space<vmem_shared>>)
    %dma_wait3A_123 = arith.constant 0 : i32
    %dma_wait3A_124 = arith.constant 0 : i32
    %dma_wait3A_125 = tpu.memref_slice %arg14[%dma_wait3A_123, %dma_wait3A_124] : memref<80x128xf32, #tpu.memory_space<vmem>> -> memref<80x128xf32, #tpu.memory_space<vmem>>
    %dma_wait3A_126 = arith.constant 0 : i32
    %dma_wait3A_127 = tpu.memref_slice %arg19[%multiple_of3A, %dma_wait3A_126] : memref<10000x128xf32, #tpu.memory_space<vmem_shared>> -> memref<80x128xf32, #tpu.memory_space<vmem_shared>>
    %dma_wait3A_128 = arith.constant 0 : i32
    %dma_wait3A_129 = tpu.memref_slice %arg19[%multiple_of3A, %dma_wait3A_128] : memref<10000x128xf32, #tpu.memory_space<vmem_shared>> -> memref<80x128xf32, #tpu.memory_space<vmem_shared>>
    %dma_wait3A_130 = arith.constant 0 : i32
    %dma_wait3A_131 = arith.constant 0 : i32
    %dma_wait3A_132 = tpu.memref_slice %arg14[%dma_wait3A_130, %dma_wait3A_131] : memref<80x128xf32, #tpu.memory_space<vmem>> -> memref<80x128xf32, #tpu.memory_space<vmem>>
    tpu.wait_dma2 semaphore(%arg20 : memref<!tpu.dma_semaphore, #tpu.memory_space<semaphore_mem>>) src(%dma_wait3A_132 : memref<80x128xf32, #tpu.memory_space<vmem>>) dst(%dma_wait3A_129 : memref<80x128xf32, #tpu.memory_space<vmem_shared>>)
    %dma_wait3A_133 = arith.constant 0 : i32
    %dma_wait3A_134 = arith.constant 0 : i32
    %dma_wait3A_135 = tpu.memref_slice %arg14[%dma_wait3A_133, %dma_wait3A_134] : memref<80x128xf32, #tpu.memory_space<vmem>> -> memref<80x128xf32, #tpu.memory_space<vmem>>
    %dma_wait3A_136 = arith.constant 0 : i32
    %dma_wait3A_137 = tpu.memref_slice %arg19[%multiple_of3A, %dma_wait3A_136] : memref<10000x128xf32, #tpu.memory_space<vmem_shared>> -> memref<80x128xf32, #tpu.memory_space<vmem_shared>>
    %dma_wait3A_138 = arith.constant 0 : i32
    %dma_wait3A_139 = tpu.memref_slice %arg19[%multiple_of3A, %dma_wait3A_138] : memref<10000x128xf32, #tpu.memory_space<vmem_shared>> -> memref<80x128xf32, #tpu.memory_space<vmem_shared>>
    %dma_wait3A_140 = arith.constant 0 : i32
    %dma_wait3A_141 = arith.constant 0 : i32
    %dma_wait3A_142 = tpu.memref_slice %arg14[%dma_wait3A_140, %dma_wait3A_141] : memref<80x128xf32, #tpu.memory_space<vmem>> -> memref<80x128xf32, #tpu.memory_space<vmem>>
    tpu.wait_dma2 semaphore(%arg20 : memref<!tpu.dma_semaphore, #tpu.memory_space<semaphore_mem>>) src(%dma_wait3A_142 : memref<80x128xf32, #tpu.memory_space<vmem>>) dst(%dma_wait3A_139 : memref<80x128xf32, #tpu.memory_space<vmem_shared>>)
    %dma_wait3A_143 = arith.constant 0 : i32
    %dma_wait3A_144 = arith.constant 0 : i32
    %dma_wait3A_145 = tpu.memref_slice %arg14[%dma_wait3A_143, %dma_wait3A_144] : memref<80x128xf32, #tpu.memory_space<vmem>> -> memref<80x128xf32, #tpu.memory_space<vmem>>
    %dma_wait3A_146 = arith.constant 0 : i32
    %dma_wait3A_147 = tpu.memref_slice %arg19[%multiple_of3A, %dma_wait3A_146] : memref<10000x128xf32, #tpu.memory_space<vmem_shared>> -> memref<80x128xf32, #tpu.memory_space<vmem_shared>>
    %dma_wait3A_148 = arith.constant 0 : i32
    %dma_wait3A_149 = tpu.memref_slice %arg19[%multiple_of3A, %dma_wait3A_148] : memref<10000x128xf32, #tpu.memory_space<vmem_shared>> -> memref<80x128xf32, #tpu.memory_space<vmem_shared>>
    %dma_wait3A_150 = arith.constant 0 : i32
    %dma_wait3A_151 = arith.constant 0 : i32
    %dma_wait3A_152 = tpu.memref_slice %arg14[%dma_wait3A_150, %dma_wait3A_151] : memref<80x128xf32, #tpu.memory_space<vmem>> -> memref<80x128xf32, #tpu.memory_space<vmem>>
    tpu.wait_dma2 semaphore(%arg20 : memref<!tpu.dma_semaphore, #tpu.memory_space<semaphore_mem>>) src(%dma_wait3A_152 : memref<80x128xf32, #tpu.memory_space<vmem>>) dst(%dma_wait3A_149 : memref<80x128xf32, #tpu.memory_space<vmem_shared>>)
    %dma_wait3A_153 = arith.constant 0 : i32
    %dma_wait3A_154 = arith.constant 0 : i32
    %dma_wait3A_155 = tpu.memref_slice %arg14[%dma_wait3A_153, %dma_wait3A_154] : memref<80x128xf32, #tpu.memory_space<vmem>> -> memref<80x128xf32, #tpu.memory_space<vmem>>
    %dma_wait3A_156 = arith.constant 0 : i32
    %dma_wait3A_157 = tpu.memref_slice %arg19[%multiple_of3A, %dma_wait3A_156] : memref<10000x128xf32, #tpu.memory_space<vmem_shared>> -> memref<80x128xf32, #tpu.memory_space<vmem_shared>>
    %dma_wait3A_158 = arith.constant 0 : i32
    %dma_wait3A_159 = tpu.memref_slice %arg19[%multiple_of3A, %dma_wait3A_158] : memref<10000x128xf32, #tpu.memory_space<vmem_shared>> -> memref<80x128xf32, #tpu.memory_space<vmem_shared>>
    %dma_wait3A_160 = arith.constant 0 : i32
    %dma_wait3A_161 = arith.constant 0 : i32
    %dma_wait3A_162 = tpu.memref_slice %arg14[%dma_wait3A_160, %dma_wait3A_161] : memref<80x128xf32, #tpu.memory_space<vmem>> -> memref<80x128xf32, #tpu.memory_space<vmem>>
    tpu.wait_dma2 semaphore(%arg20 : memref<!tpu.dma_semaphore, #tpu.memory_space<semaphore_mem>>) src(%dma_wait3A_162 : memref<80x128xf32, #tpu.memory_space<vmem>>) dst(%dma_wait3A_159 : memref<80x128xf32, #tpu.memory_space<vmem_shared>>)
    %dma_wait3A_163 = arith.constant 0 : i32
    %dma_wait3A_164 = arith.constant 0 : i32
    %dma_wait3A_165 = tpu.memref_slice %arg14[%dma_wait3A_163, %dma_wait3A_164] : memref<80x128xf32, #tpu.memory_space<vmem>> -> memref<80x128xf32, #tpu.memory_space<vmem>>
    %dma_wait3A_166 = arith.constant 0 : i32
    %dma_wait3A_167 = tpu.memref_slice %arg19[%multiple_of3A, %dma_wait3A_166] : memref<10000x128xf32, #tpu.memory_space<vmem_shared>> -> memref<80x128xf32, #tpu.memory_space<vmem_shared>>
    %dma_wait3A_168 = arith.constant 0 : i32
    %dma_wait3A_169 = tpu.memref_slice %arg19[%multiple_of3A, %dma_wait3A_168] : memref<10000x128xf32, #tpu.memory_space<vmem_shared>> -> memref<80x128xf32, #tpu.memory_space<vmem_shared>>
    %dma_wait3A_170 = arith.constant 0 : i32
    %dma_wait3A_171 = arith.constant 0 : i32
    %dma_wait3A_172 = tpu.memref_slice %arg14[%dma_wait3A_170, %dma_wait3A_171] : memref<80x128xf32, #tpu.memory_space<vmem>> -> memref<80x128xf32, #tpu.memory_space<vmem>>
    tpu.wait_dma2 semaphore(%arg20 : memref<!tpu.dma_semaphore, #tpu.memory_space<semaphore_mem>>) src(%dma_wait3A_172 : memref<80x128xf32, #tpu.memory_space<vmem>>) dst(%dma_wait3A_169 : memref<80x128xf32, #tpu.memory_space<vmem_shared>>)
    %dma_wait3A_173 = arith.constant 0 : i32
    %dma_wait3A_174 = arith.constant 0 : i32
    %dma_wait3A_175 = tpu.memref_slice %arg14[%dma_wait3A_173, %dma_wait3A_174] : memref<80x128xf32, #tpu.memory_space<vmem>> -> memref<80x128xf32, #tpu.memory_space<vmem>>
    %dma_wait3A_176 = arith.constant 0 : i32
    %dma_wait3A_177 = tpu.memref_slice %arg19[%multiple_of3A, %dma_wait3A_176] : memref<10000x128xf32, #tpu.memory_space<vmem_shared>> -> memref<80x128xf32, #tpu.memory_space<vmem_shared>>
    %dma_wait3A_178 = arith.constant 0 : i32
    %dma_wait3A_179 = tpu.memref_slice %arg19[%multiple_of3A, %dma_wait3A_178] : memref<10000x128xf32, #tpu.memory_space<vmem_shared>> -> memref<80x128xf32, #tpu.memory_space<vmem_shared>>
    %dma_wait3A_180 = arith.constant 0 : i32
    %dma_wait3A_181 = arith.constant 0 : i32
    %dma_wait3A_182 = tpu.memref_slice %arg14[%dma_wait3A_180, %dma_wait3A_181] : memref<80x128xf32, #tpu.memory_space<vmem>> -> memref<80x128xf32, #tpu.memory_space<vmem>>
    tpu.wait_dma2 semaphore(%arg20 : memref<!tpu.dma_semaphore, #tpu.memory_space<semaphore_mem>>) src(%dma_wait3A_182 : memref<80x128xf32, #tpu.memory_space<vmem>>) dst(%dma_wait3A_179 : memref<80x128xf32, #tpu.memory_space<vmem_shared>>)
    %dma_wait3A_183 = arith.constant 0 : i32
    %dma_wait3A_184 = arith.constant 0 : i32
    %dma_wait3A_185 = tpu.memref_slice %arg14[%dma_wait3A_183, %dma_wait3A_184] : memref<80x128xf32, #tpu.memory_space<vmem>> -> memref<80x128xf32, #tpu.memory_space<vmem>>
    %dma_wait3A_186 = arith.constant 0 : i32
    %dma_wait3A_187 = tpu.memref_slice %arg19[%multiple_of3A, %dma_wait3A_186] : memref<10000x128xf32, #tpu.memory_space<vmem_shared>> -> memref<80x128xf32, #tpu.memory_space<vmem_shared>>
    %dma_wait3A_188 = arith.constant 0 : i32
    %dma_wait3A_189 = tpu.memref_slice %arg19[%multiple_of3A, %dma_wait3A_188] : memref<10000x128xf32, #tpu.memory_space<vmem_shared>> -> memref<80x128xf32, #tpu.memory_space<vmem_shared>>
    %dma_wait3A_190 = arith.constant 0 : i32
    %dma_wait3A_191 = arith.constant 0 : i32
    %dma_wait3A_192 = tpu.memref_slice %arg14[%dma_wait3A_190, %dma_wait3A_191] : memref<80x128xf32, #tpu.memory_space<vmem>> -> memref<80x128xf32, #tpu.memory_space<vmem>>
    tpu.wait_dma2 semaphore(%arg20 : memref<!tpu.dma_semaphore, #tpu.memory_space<semaphore_mem>>) src(%dma_wait3A_192 : memref<80x128xf32, #tpu.memory_space<vmem>>) dst(%dma_wait3A_189 : memref<80x128xf32, #tpu.memory_space<vmem_shared>>)
    %dma_wait3A_193 = tpu.memref_slice %arg18[%multiple_of3A] : memref<10000xf32, #tpu.memory_space<vmem_shared>> -> memref<640xf32, #tpu.memory_space<vmem_shared>>
    %dma_wait3A_194 = tpu.memref_slice %arg18[%multiple_of3A] : memref<10000xf32, #tpu.memory_space<vmem_shared>> -> memref<640xf32, #tpu.memory_space<vmem_shared>>
    tpu.wait_dma2 semaphore(%arg21 : memref<!tpu.dma_semaphore, #tpu.memory_space<semaphore_mem>>) src(%arg17 : memref<640xf32, #tpu.memory_space<vmem>>) dst(%dma_wait3A_194 : memref<640xf32, #tpu.memory_space<vmem_shared>>)
    %barrier3A = arith.constant 0 : index
    tpu.barrier barrier_id(%barrier3A)
    %run_scoped3A = arith.constant 0 : i32
    %run_scoped3A_195 = arith.constant 0 : i32
    "tpu.region"() ({
      %run_scoped3A_1412 = tpu.sem_alloc : memref<!tpu.dma_semaphore, #tpu.memory_space<semaphore_mem>>
      %dma_start3A_1413 = arith.constant 0 : i32
      %dma_start3A_1414 = arith.constant 0 : i32
      %dma_start3A_1415 = tpu.memref_slice %arg3[%run_scoped3A, %add3A, %run_scoped3A_195, %dma_start3A_1413, %dma_start3A_1414] : memref<2x32x5x25x80xi32, #tpu.memory_space<hbm>> -> memref<1x1x1x25x80xi32, #tpu.memory_space<hbm>>
      %dma_start3A_1416 = tpu.memref_squeeze %dma_start3A_1415 : memref<1x1x1x25x80xi32, #tpu.memory_space<hbm>> -> memref<25x80xi32, #tpu.memory_space<hbm>>
      %dma_start3A_1417 = arith.constant 0 : i32
      %dma_start3A_1418 = arith.constant 0 : i32
      %dma_start3A_1419 = tpu.memref_slice %arg3[%run_scoped3A, %add3A, %run_scoped3A_195, %dma_start3A_1417, %dma_start3A_1418] : memref<2x32x5x25x80xi32, #tpu.memory_space<hbm>> -> memref<1x1x1x25x80xi32, #tpu.memory_space<hbm>>
      %dma_start3A_1420 = tpu.memref_squeeze %dma_start3A_1419 : memref<1x1x1x25x80xi32, #tpu.memory_space<hbm>> -> memref<25x80xi32, #tpu.memory_space<hbm>>
      tpu.enqueue_dma source(%dma_start3A_1420 : memref<25x80xi32, #tpu.memory_space<hbm>>) target(%arg7 : memref<25x80xi32, #tpu.memory_space<vmem>>) target_semaphore(%run_scoped3A_1412 : memref<!tpu.dma_semaphore, #tpu.memory_space<semaphore_mem>>)
      %dma_wait3A_1421 = arith.constant 0 : i32
      %dma_wait3A_1422 = arith.constant 0 : i32
      %dma_wait3A_1423 = tpu.memref_slice %arg3[%run_scoped3A, %add3A, %run_scoped3A_195, %dma_wait3A_1421, %dma_wait3A_1422] : memref<2x32x5x25x80xi32, #tpu.memory_space<hbm>> -> memref<1x1x1x25x80xi32, #tpu.memory_space<hbm>>
      %dma_wait3A_1424 = tpu.memref_squeeze %dma_wait3A_1423 : memref<1x1x1x25x80xi32, #tpu.memory_space<hbm>> -> memref<25x80xi32, #tpu.memory_space<hbm>>
      %dma_wait3A_1425 = arith.constant 0 : i32
      %dma_wait3A_1426 = arith.constant 0 : i32
      %dma_wait3A_1427 = tpu.memref_slice %arg3[%run_scoped3A, %add3A, %run_scoped3A_195, %dma_wait3A_1425, %dma_wait3A_1426] : memref<2x32x5x25x80xi32, #tpu.memory_space<hbm>> -> memref<1x1x1x25x80xi32, #tpu.memory_space<hbm>>
      %dma_wait3A_1428 = tpu.memref_squeeze %dma_wait3A_1427 : memref<1x1x1x25x80xi32, #tpu.memory_space<hbm>> -> memref<25x80xi32, #tpu.memory_space<hbm>>
      tpu.wait_dma2 semaphore(%run_scoped3A_1412 : memref<!tpu.dma_semaphore, #tpu.memory_space<semaphore_mem>>) src(%dma_wait3A_1428 : memref<25x80xi32, #tpu.memory_space<hbm>>) dst(%arg7 : memref<25x80xi32, #tpu.memory_space<vmem>>)
      tpu.yield
    }) : () -> ()
    %run_scoped3A_196 = arith.constant 1 : i32
    %run_scoped3A_197 = arith.constant 0 : i32
    "tpu.region"() ({
      %run_scoped3A_1412 = tpu.sem_alloc : memref<!tpu.dma_semaphore, #tpu.memory_space<semaphore_mem>>
      %dma_start3A_1413 = arith.constant 0 : i32
      %dma_start3A_1414 = arith.constant 0 : i32
      %dma_start3A_1415 = tpu.memref_slice %arg3[%run_scoped3A_196, %add3A, %run_scoped3A_197, %dma_start3A_1413, %dma_start3A_1414] : memref<2x32x5x25x80xi32, #tpu.memory_space<hbm>> -> memref<1x1x1x25x80xi32, #tpu.memory_space<hbm>>
      %dma_start3A_1416 = tpu.memref_squeeze %dma_start3A_1415 : memref<1x1x1x25x80xi32, #tpu.memory_space<hbm>> -> memref<25x80xi32, #tpu.memory_space<hbm>>
      %dma_start3A_1417 = arith.constant 0 : i32
      %dma_start3A_1418 = arith.constant 0 : i32
      %dma_start3A_1419 = tpu.memref_slice %arg3[%run_scoped3A_196, %add3A, %run_scoped3A_197, %dma_start3A_1417, %dma_start3A_1418] : memref<2x32x5x25x80xi32, #tpu.memory_space<hbm>> -> memref<1x1x1x25x80xi32, #tpu.memory_space<hbm>>
      %dma_start3A_1420 = tpu.memref_squeeze %dma_start3A_1419 : memref<1x1x1x25x80xi32, #tpu.memory_space<hbm>> -> memref<25x80xi32, #tpu.memory_space<hbm>>
      tpu.enqueue_dma source(%dma_start3A_1420 : memref<25x80xi32, #tpu.memory_space<hbm>>) target(%arg8 : memref<25x80xi32, #tpu.memory_space<vmem>>) target_semaphore(%run_scoped3A_1412 : memref<!tpu.dma_semaphore, #tpu.memory_space<semaphore_mem>>)
      %dma_wait3A_1421 = arith.constant 0 : i32
      %dma_wait3A_1422 = arith.constant 0 : i32
      %dma_wait3A_1423 = tpu.memref_slice %arg3[%run_scoped3A_196, %add3A, %run_scoped3A_197, %dma_wait3A_1421, %dma_wait3A_1422] : memref<2x32x5x25x80xi32, #tpu.memory_space<hbm>> -> memref<1x1x1x25x80xi32, #tpu.memory_space<hbm>>
      %dma_wait3A_1424 = tpu.memref_squeeze %dma_wait3A_1423 : memref<1x1x1x25x80xi32, #tpu.memory_space<hbm>> -> memref<25x80xi32, #tpu.memory_space<hbm>>
      %dma_wait3A_1425 = arith.constant 0 : i32
      %dma_wait3A_1426 = arith.constant 0 : i32
      %dma_wait3A_1427 = tpu.memref_slice %arg3[%run_scoped3A_196, %add3A, %run_scoped3A_197, %dma_wait3A_1425, %dma_wait3A_1426] : memref<2x32x5x25x80xi32, #tpu.memory_space<hbm>> -> memref<1x1x1x25x80xi32, #tpu.memory_space<hbm>>
      %dma_wait3A_1428 = tpu.memref_squeeze %dma_wait3A_1427 : memref<1x1x1x25x80xi32, #tpu.memory_space<hbm>> -> memref<25x80xi32, #tpu.memory_space<hbm>>
      tpu.wait_dma2 semaphore(%run_scoped3A_1412 : memref<!tpu.dma_semaphore, #tpu.memory_space<semaphore_mem>>) src(%dma_wait3A_1428 : memref<25x80xi32, #tpu.memory_space<hbm>>) dst(%arg8 : memref<25x80xi32, #tpu.memory_space<vmem>>)
      tpu.yield
    }) : () -> ()
    %dma_start3A_198 = arith.constant 0 : i32
    %dma_start3A_199 = arith.constant 0 : i32
    %dma_start3A_200 = tpu.memref_slice %arg7[%dma_start3A_198, %dma_start3A_199] : memref<25x80xi32, #tpu.memory_space<vmem>> -> memref<1x80xi32, #tpu.memory_space<vmem>>
    %dma_start3A_201 = tpu.memref_squeeze %dma_start3A_200 : memref<1x80xi32, #tpu.memory_space<vmem>> -> memref<80xi32, #tpu.memory_space<vmem>>
    %dma_start3A_202 = arith.constant 0 : i32
    %dma_start3A_203 = arith.constant 0 : i32
    %dma_start3A_204 = tpu.memref_slice %arg4[%dma_start3A_202, %dma_start3A_203] : memref<10000x128xf32, #tpu.memory_space<hbm>> -> memref<10000x128xf32, #tpu.memory_space<hbm>>
    tpu.enqueue_indirect_dma source(%dma_start3A_204 : memref<10000x128xf32, #tpu.memory_space<hbm>>) target(%arg14 : memref<80x128xf32, #tpu.memory_space<vmem>>) offsets(%dma_start3A_201 : memref<80xi32, #tpu.memory_space<vmem>>) semaphore(%arg20 : memref<!tpu.dma_semaphore, #tpu.memory_space<semaphore_mem>>)
    %dma_start3A_205 = arith.constant 0 : i32
    %dma_start3A_206 = arith.constant 0 : i32
    %dma_start3A_207 = tpu.memref_slice %arg7[%dma_start3A_205, %dma_start3A_206] : memref<25x80xi32, #tpu.memory_space<vmem>> -> memref<1x80xi32, #tpu.memory_space<vmem>>
    %dma_start3A_208 = tpu.memref_squeeze %dma_start3A_207 : memref<1x80xi32, #tpu.memory_space<vmem>> -> memref<80xi32, #tpu.memory_space<vmem>>
    %dma_start3A_209 = arith.constant 0 : i32
    %dma_start3A_210 = tpu.memref_slice %arg2[%dma_start3A_209] : memref<10000xf32, #tpu.memory_space<hbm>> -> memref<10000xf32, #tpu.memory_space<hbm>>
    tpu.enqueue_indirect_dma source(%dma_start3A_210 : memref<10000xf32, #tpu.memory_space<hbm>>) target(%arg11 : memref<80xf32, #tpu.memory_space<vmem>>) offsets(%dma_start3A_208 : memref<80xi32, #tpu.memory_space<vmem>>) semaphore(%arg23 : memref<!tpu.dma_semaphore, #tpu.memory_space<semaphore_mem>>)
    %dma_start3A_211 = arith.constant 1 : i32
    %dma_start3A_212 = arith.constant 0 : i32
    %dma_start3A_213 = tpu.memref_slice %arg7[%dma_start3A_211, %dma_start3A_212] : memref<25x80xi32, #tpu.memory_space<vmem>> -> memref<1x80xi32, #tpu.memory_space<vmem>>
    %dma_start3A_214 = tpu.memref_squeeze %dma_start3A_213 : memref<1x80xi32, #tpu.memory_space<vmem>> -> memref<80xi32, #tpu.memory_space<vmem>>
    %dma_start3A_215 = arith.constant 0 : i32
    %dma_start3A_216 = arith.constant 0 : i32
    %dma_start3A_217 = tpu.memref_slice %arg4[%dma_start3A_215, %dma_start3A_216] : memref<10000x128xf32, #tpu.memory_space<hbm>> -> memref<10000x128xf32, #tpu.memory_space<hbm>>
    tpu.enqueue_indirect_dma source(%dma_start3A_217 : memref<10000x128xf32, #tpu.memory_space<hbm>>) target(%arg15 : memref<80x128xf32, #tpu.memory_space<vmem>>) offsets(%dma_start3A_214 : memref<80xi32, #tpu.memory_space<vmem>>) semaphore(%arg21 : memref<!tpu.dma_semaphore, #tpu.memory_space<semaphore_mem>>)
    %dma_start3A_218 = arith.constant 1 : i32
    %dma_start3A_219 = arith.constant 0 : i32
    %dma_start3A_220 = tpu.memref_slice %arg7[%dma_start3A_218, %dma_start3A_219] : memref<25x80xi32, #tpu.memory_space<vmem>> -> memref<1x80xi32, #tpu.memory_space<vmem>>
    %dma_start3A_221 = tpu.memref_squeeze %dma_start3A_220 : memref<1x80xi32, #tpu.memory_space<vmem>> -> memref<80xi32, #tpu.memory_space<vmem>>
    %dma_start3A_222 = arith.constant 0 : i32
    %dma_start3A_223 = tpu.memref_slice %arg2[%dma_start3A_222] : memref<10000xf32, #tpu.memory_space<hbm>> -> memref<10000xf32, #tpu.memory_space<hbm>>
    tpu.enqueue_indirect_dma source(%dma_start3A_223 : memref<10000xf32, #tpu.memory_space<hbm>>) target(%arg12 : memref<80xf32, #tpu.memory_space<vmem>>) offsets(%dma_start3A_221 : memref<80xi32, #tpu.memory_space<vmem>>) semaphore(%arg24 : memref<!tpu.dma_semaphore, #tpu.memory_space<semaphore_mem>>)
    %run_scoped3A_224 = arith.constant 0 : i32
    %run_scoped3A_225 = arith.constant 1 : i32
    "tpu.region"() ({
      %run_scoped3A_1412 = tpu.sem_alloc : memref<!tpu.dma_semaphore, #tpu.memory_space<semaphore_mem>>
      %dma_start3A_1413 = arith.constant 0 : i32
      %dma_start3A_1414 = arith.constant 0 : i32
      %dma_start3A_1415 = tpu.memref_slice %arg3[%run_scoped3A_224, %add3A, %run_scoped3A_225, %dma_start3A_1413, %dma_start3A_1414] : memref<2x32x5x25x80xi32, #tpu.memory_space<hbm>> -> memref<1x1x1x25x80xi32, #tpu.memory_space<hbm>>
      %dma_start3A_1416 = tpu.memref_squeeze %dma_start3A_1415 : memref<1x1x1x25x80xi32, #tpu.memory_space<hbm>> -> memref<25x80xi32, #tpu.memory_space<hbm>>
      %dma_start3A_1417 = arith.constant 0 : i32
      %dma_start3A_1418 = arith.constant 0 : i32
      %dma_start3A_1419 = tpu.memref_slice %arg3[%run_scoped3A_224, %add3A, %run_scoped3A_225, %dma_start3A_1417, %dma_start3A_1418] : memref<2x32x5x25x80xi32, #tpu.memory_space<hbm>> -> memref<1x1x1x25x80xi32, #tpu.memory_space<hbm>>
      %dma_start3A_1420 = tpu.memref_squeeze %dma_start3A_1419 : memref<1x1x1x25x80xi32, #tpu.memory_space<hbm>> -> memref<25x80xi32, #tpu.memory_space<hbm>>
      tpu.enqueue_dma source(%dma_start3A_1420 : memref<25x80xi32, #tpu.memory_space<hbm>>) target(%arg9 : memref<25x80xi32, #tpu.memory_space<vmem>>) target_semaphore(%run_scoped3A_1412 : memref<!tpu.dma_semaphore, #tpu.memory_space<semaphore_mem>>)
      %dma_wait3A_1421 = arith.constant 0 : i32
      %dma_wait3A_1422 = arith.constant 0 : i32
      %dma_wait3A_1423 = tpu.memref_slice %arg3[%run_scoped3A_224, %add3A, %run_scoped3A_225, %dma_wait3A_1421, %dma_wait3A_1422] : memref<2x32x5x25x80xi32, #tpu.memory_space<hbm>> -> memref<1x1x1x25x80xi32, #tpu.memory_space<hbm>>
      %dma_wait3A_1424 = tpu.memref_squeeze %dma_wait3A_1423 : memref<1x1x1x25x80xi32, #tpu.memory_space<hbm>> -> memref<25x80xi32, #tpu.memory_space<hbm>>
      %dma_wait3A_1425 = arith.constant 0 : i32
      %dma_wait3A_1426 = arith.constant 0 : i32
      %dma_wait3A_1427 = tpu.memref_slice %arg3[%run_scoped3A_224, %add3A, %run_scoped3A_225, %dma_wait3A_1425, %dma_wait3A_1426] : memref<2x32x5x25x80xi32, #tpu.memory_space<hbm>> -> memref<1x1x1x25x80xi32, #tpu.memory_space<hbm>>
      %dma_wait3A_1428 = tpu.memref_squeeze %dma_wait3A_1427 : memref<1x1x1x25x80xi32, #tpu.memory_space<hbm>> -> memref<25x80xi32, #tpu.memory_space<hbm>>
      tpu.wait_dma2 semaphore(%run_scoped3A_1412 : memref<!tpu.dma_semaphore, #tpu.memory_space<semaphore_mem>>) src(%dma_wait3A_1428 : memref<25x80xi32, #tpu.memory_space<hbm>>) dst(%arg9 : memref<25x80xi32, #tpu.memory_space<vmem>>)
      tpu.yield
    }) : () -> ()
    %run_scoped3A_226 = arith.constant 1 : i32
    %run_scoped3A_227 = arith.constant 1 : i32
    "tpu.region"() ({
      %run_scoped3A_1412 = tpu.sem_alloc : memref<!tpu.dma_semaphore, #tpu.memory_space<semaphore_mem>>
      %dma_start3A_1413 = arith.constant 0 : i32
      %dma_start3A_1414 = arith.constant 0 : i32
      %dma_start3A_1415 = tpu.memref_slice %arg3[%run_scoped3A_226, %add3A, %run_scoped3A_227, %dma_start3A_1413, %dma_start3A_1414] : memref<2x32x5x25x80xi32, #tpu.memory_space<hbm>> -> memref<1x1x1x25x80xi32, #tpu.memory_space<hbm>>
      %dma_start3A_1416 = tpu.memref_squeeze %dma_start3A_1415 : memref<1x1x1x25x80xi32, #tpu.memory_space<hbm>> -> memref<25x80xi32, #tpu.memory_space<hbm>>
      %dma_start3A_1417 = arith.constant 0 : i32
      %dma_start3A_1418 = arith.constant 0 : i32
      %dma_start3A_1419 = tpu.memref_slice %arg3[%run_scoped3A_226, %add3A, %run_scoped3A_227, %dma_start3A_1417, %dma_start3A_1418] : memref<2x32x5x25x80xi32, #tpu.memory_space<hbm>> -> memref<1x1x1x25x80xi32, #tpu.memory_space<hbm>>
      %dma_start3A_1420 = tpu.memref_squeeze %dma_start3A_1419 : memref<1x1x1x25x80xi32, #tpu.memory_space<hbm>> -> memref<25x80xi32, #tpu.memory_space<hbm>>
      tpu.enqueue_dma source(%dma_start3A_1420 : memref<25x80xi32, #tpu.memory_space<hbm>>) target(%arg10 : memref<25x80xi32, #tpu.memory_space<vmem>>) target_semaphore(%run_scoped3A_1412 : memref<!tpu.dma_semaphore, #tpu.memory_space<semaphore_mem>>)
      %dma_wait3A_1421 = arith.constant 0 : i32
      %dma_wait3A_1422 = arith.constant 0 : i32
      %dma_wait3A_1423 = tpu.memref_slice %arg3[%run_scoped3A_226, %add3A, %run_scoped3A_227, %dma_wait3A_1421, %dma_wait3A_1422] : memref<2x32x5x25x80xi32, #tpu.memory_space<hbm>> -> memref<1x1x1x25x80xi32, #tpu.memory_space<hbm>>
      %dma_wait3A_1424 = tpu.memref_squeeze %dma_wait3A_1423 : memref<1x1x1x25x80xi32, #tpu.memory_space<hbm>> -> memref<25x80xi32, #tpu.memory_space<hbm>>
      %dma_wait3A_1425 = arith.constant 0 : i32
      %dma_wait3A_1426 = arith.constant 0 : i32
      %dma_wait3A_1427 = tpu.memref_slice %arg3[%run_scoped3A_226, %add3A, %run_scoped3A_227, %dma_wait3A_1425, %dma_wait3A_1426] : memref<2x32x5x25x80xi32, #tpu.memory_space<hbm>> -> memref<1x1x1x25x80xi32, #tpu.memory_space<hbm>>
      %dma_wait3A_1428 = tpu.memref_squeeze %dma_wait3A_1427 : memref<1x1x1x25x80xi32, #tpu.memory_space<hbm>> -> memref<25x80xi32, #tpu.memory_space<hbm>>
      tpu.wait_dma2 semaphore(%run_scoped3A_1412 : memref<!tpu.dma_semaphore, #tpu.memory_space<semaphore_mem>>) src(%dma_wait3A_1428 : memref<25x80xi32, #tpu.memory_space<hbm>>) dst(%arg10 : memref<25x80xi32, #tpu.memory_space<vmem>>)
      tpu.yield
    }) : () -> ()
    %dma_wait3A_228 = arith.constant 0 : i32
    %dma_wait3A_229 = arith.constant 0 : i32
    %dma_wait3A_230 = tpu.memref_slice %arg7[%dma_wait3A_228, %dma_wait3A_229] : memref<25x80xi32, #tpu.memory_space<vmem>> -> memref<1x80xi32, #tpu.memory_space<vmem>>
    %dma_wait3A_231 = tpu.memref_squeeze %dma_wait3A_230 : memref<1x80xi32, #tpu.memory_space<vmem>> -> memref<80xi32, #tpu.memory_space<vmem>>
    %dma_wait3A_232 = arith.constant 0 : i32
    %dma_wait3A_233 = arith.constant 0 : i32
    %dma_wait3A_234 = tpu.memref_slice %arg4[%dma_wait3A_232, %dma_wait3A_233] : memref<10000x128xf32, #tpu.memory_space<hbm>> -> memref<10000x128xf32, #tpu.memory_space<hbm>>
    tpu.wait_indirect_dma semaphore(%arg20 : memref<!tpu.dma_semaphore, #tpu.memory_space<semaphore_mem>>) src(%dma_wait3A_234 : memref<10000x128xf32, #tpu.memory_space<hbm>>) dst(%arg14 : memref<80x128xf32, #tpu.memory_space<vmem>>)
    %dma_wait3A_235 = arith.constant 0 : i32
    %dma_wait3A_236 = arith.constant 0 : i32
    %dma_wait3A_237 = tpu.memref_slice %arg7[%dma_wait3A_235, %dma_wait3A_236] : memref<25x80xi32, #tpu.memory_space<vmem>> -> memref<1x80xi32, #tpu.memory_space<vmem>>
    %dma_wait3A_238 = tpu.memref_squeeze %dma_wait3A_237 : memref<1x80xi32, #tpu.memory_space<vmem>> -> memref<80xi32, #tpu.memory_space<vmem>>
    %dma_wait3A_239 = arith.constant 0 : i32
    %dma_wait3A_240 = tpu.memref_slice %arg2[%dma_wait3A_239] : memref<10000xf32, #tpu.memory_space<hbm>> -> memref<10000xf32, #tpu.memory_space<hbm>>
    tpu.wait_indirect_dma semaphore(%arg23 : memref<!tpu.dma_semaphore, #tpu.memory_space<semaphore_mem>>) src(%dma_wait3A_240 : memref<10000xf32, #tpu.memory_space<hbm>>) dst(%arg11 : memref<80xf32, #tpu.memory_space<vmem>>)
    %dma_start3A_241 = arith.constant 2 : i32
    %dma_start3A_242 = arith.constant 0 : i32
    %dma_start3A_243 = tpu.memref_slice %arg7[%dma_start3A_241, %dma_start3A_242] : memref<25x80xi32, #tpu.memory_space<vmem>> -> memref<1x80xi32, #tpu.memory_space<vmem>>
    %dma_start3A_244 = tpu.memref_squeeze %dma_start3A_243 : memref<1x80xi32, #tpu.memory_space<vmem>> -> memref<80xi32, #tpu.memory_space<vmem>>
    %dma_start3A_245 = arith.constant 0 : i32
    %dma_start3A_246 = arith.constant 0 : i32
    %dma_start3A_247 = tpu.memref_slice %arg4[%dma_start3A_245, %dma_start3A_246] : memref<10000x128xf32, #tpu.memory_space<hbm>> -> memref<10000x128xf32, #tpu.memory_space<hbm>>
    tpu.enqueue_indirect_dma source(%dma_start3A_247 : memref<10000x128xf32, #tpu.memory_space<hbm>>) target(%arg16 : memref<80x128xf32, #tpu.memory_space<vmem>>) offsets(%dma_start3A_244 : memref<80xi32, #tpu.memory_space<vmem>>) semaphore(%arg22 : memref<!tpu.dma_semaphore, #tpu.memory_space<semaphore_mem>>)
    %dma_start3A_248 = arith.constant 2 : i32
    %dma_start3A_249 = arith.constant 0 : i32
    %dma_start3A_250 = tpu.memref_slice %arg7[%dma_start3A_248, %dma_start3A_249] : memref<25x80xi32, #tpu.memory_space<vmem>> -> memref<1x80xi32, #tpu.memory_space<vmem>>
    %dma_start3A_251 = tpu.memref_squeeze %dma_start3A_250 : memref<1x80xi32, #tpu.memory_space<vmem>> -> memref<80xi32, #tpu.memory_space<vmem>>
    %dma_start3A_252 = arith.constant 0 : i32
    %dma_start3A_253 = tpu.memref_slice %arg2[%dma_start3A_252] : memref<10000xf32, #tpu.memory_space<hbm>> -> memref<10000xf32, #tpu.memory_space<hbm>>
    tpu.enqueue_indirect_dma source(%dma_start3A_253 : memref<10000xf32, #tpu.memory_space<hbm>>) target(%arg13 : memref<80xf32, #tpu.memory_space<vmem>>) offsets(%dma_start3A_251 : memref<80xi32, #tpu.memory_space<vmem>>) semaphore(%arg25 : memref<!tpu.dma_semaphore, #tpu.memory_space<semaphore_mem>>)
    %dma_start3A_254 = arith.constant 0 : i32
    %dma_start3A_255 = arith.constant 0 : i32
    %dma_start3A_256 = tpu.memref_slice %arg8[%dma_start3A_254, %dma_start3A_255] : memref<25x80xi32, #tpu.memory_space<vmem>> -> memref<1x80xi32, #tpu.memory_space<vmem>>
    %dma_start3A_257 = tpu.memref_squeeze %dma_start3A_256 : memref<1x80xi32, #tpu.memory_space<vmem>> -> memref<80xi32, #tpu.memory_space<vmem>>
    %dma_start3A_258 = arith.constant 0 : i32
    %dma_start3A_259 = tpu.memref_slice %arg18[%dma_start3A_258] : memref<10000xf32, #tpu.memory_space<vmem_shared>> -> memref<10000xf32, #tpu.memory_space<vmem_shared>>
    tpu.enqueue_indirect_dma source(%arg11 : memref<80xf32, #tpu.memory_space<vmem>>) target(%dma_start3A_259 : memref<10000xf32, #tpu.memory_space<vmem_shared>>) offsets(%dma_start3A_257 : memref<80xi32, #tpu.memory_space<vmem>>) semaphore(%arg26 : memref<!tpu.dma_semaphore, #tpu.memory_space<semaphore_mem>>) {add = true}
    %dma_start3A_260 = arith.constant 0 : i32
    %dma_start3A_261 = arith.constant 0 : i32
    %dma_start3A_262 = tpu.memref_slice %arg8[%dma_start3A_260, %dma_start3A_261] : memref<25x80xi32, #tpu.memory_space<vmem>> -> memref<1x80xi32, #tpu.memory_space<vmem>>
    %dma_start3A_263 = tpu.memref_squeeze %dma_start3A_262 : memref<1x80xi32, #tpu.memory_space<vmem>> -> memref<80xi32, #tpu.memory_space<vmem>>
    %dma_start3A_264 = arith.constant 0 : i32
    %dma_start3A_265 = arith.constant 0 : i32
    %dma_start3A_266 = tpu.memref_slice %arg19[%dma_start3A_264, %dma_start3A_265] : memref<10000x128xf32, #tpu.memory_space<vmem_shared>> -> memref<10000x128xf32, #tpu.memory_space<vmem_shared>>
    tpu.enqueue_indirect_dma source(%arg14 : memref<80x128xf32, #tpu.memory_space<vmem>>) target(%dma_start3A_266 : memref<10000x128xf32, #tpu.memory_space<vmem_shared>>) offsets(%dma_start3A_263 : memref<80xi32, #tpu.memory_space<vmem>>) semaphore(%arg29 : memref<!tpu.dma_semaphore, #tpu.memory_space<semaphore_mem>>) {add = true}
    %scan3A_267 = arith.constant 0 : i32
    %scan3A_268 = arith.constant 0 : i32
    %scan3A_269 = arith.constant 7 : i32
    %scan3A_270 = arith.addi %scan3A_268, %scan3A_269 : i32
    %scan3A_271 = arith.constant 1 : i32
    %scan3A_272 = scf.for %scan3A_1412 = %scan3A_268 to %scan3A_270 step %scan3A_271 iter_args(%scan3A_1413 = %scan3A_267) -> (i32)  : i32 {
      %mul3A_1414 = arith.constant 3 : i32
      %mul3A_1415 = arith.muli %mul3A_1414, %scan3A_1412 : i32
      %add3A_1416 = arith.constant 1 : i32
      %add3A_1417 = arith.addi %add3A_1416, %mul3A_1415 : i32
      %add3A_1418 = arith.constant 2 : i32
      %add3A_1419 = arith.addi %add3A_1417, %add3A_1418 : i32
      %dma_wait3A_1420 = arith.constant 0 : i32
      %dma_wait3A_1421 = arith.constant 0 : i32
      %dma_wait3A_1422 = tpu.memref_slice %arg7[%dma_wait3A_1420, %dma_wait3A_1421] : memref<25x80xi32, #tpu.memory_space<vmem>> -> memref<1x80xi32, #tpu.memory_space<vmem>>
      %dma_wait3A_1423 = tpu.memref_squeeze %dma_wait3A_1422 : memref<1x80xi32, #tpu.memory_space<vmem>> -> memref<80xi32, #tpu.memory_space<vmem>>
      %dma_wait3A_1424 = arith.constant 0 : i32
      %dma_wait3A_1425 = arith.constant 0 : i32
      %dma_wait3A_1426 = tpu.memref_slice %arg4[%dma_wait3A_1424, %dma_wait3A_1425] : memref<10000x128xf32, #tpu.memory_space<hbm>> -> memref<10000x128xf32, #tpu.memory_space<hbm>>
      tpu.wait_indirect_dma semaphore(%arg21 : memref<!tpu.dma_semaphore, #tpu.memory_space<semaphore_mem>>) src(%dma_wait3A_1426 : memref<10000x128xf32, #tpu.memory_space<hbm>>) dst(%arg15 : memref<80x128xf32, #tpu.memory_space<vmem>>)
      %dma_wait3A_1427 = arith.constant 0 : i32
      %dma_wait3A_1428 = arith.constant 0 : i32
      %dma_wait3A_1429 = tpu.memref_slice %arg7[%dma_wait3A_1427, %dma_wait3A_1428] : memref<25x80xi32, #tpu.memory_space<vmem>> -> memref<1x80xi32, #tpu.memory_space<vmem>>
      %dma_wait3A_1430 = tpu.memref_squeeze %dma_wait3A_1429 : memref<1x80xi32, #tpu.memory_space<vmem>> -> memref<80xi32, #tpu.memory_space<vmem>>
      %dma_wait3A_1431 = arith.constant 0 : i32
      %dma_wait3A_1432 = tpu.memref_slice %arg2[%dma_wait3A_1431] : memref<10000xf32, #tpu.memory_space<hbm>> -> memref<10000xf32, #tpu.memory_space<hbm>>
      tpu.wait_indirect_dma semaphore(%arg24 : memref<!tpu.dma_semaphore, #tpu.memory_space<semaphore_mem>>) src(%dma_wait3A_1432 : memref<10000xf32, #tpu.memory_space<hbm>>) dst(%arg12 : memref<80xf32, #tpu.memory_space<vmem>>)
      %dma_wait3A_1433 = arith.constant 0 : i32
      %dma_wait3A_1434 = arith.constant 0 : i32
      %dma_wait3A_1435 = tpu.memref_slice %arg7[%dma_wait3A_1433, %dma_wait3A_1434] : memref<25x80xi32, #tpu.memory_space<vmem>> -> memref<1x80xi32, #tpu.memory_space<vmem>>
      %dma_wait3A_1436 = tpu.memref_squeeze %dma_wait3A_1435 : memref<1x80xi32, #tpu.memory_space<vmem>> -> memref<80xi32, #tpu.memory_space<vmem>>
      %dma_wait3A_1437 = arith.constant 0 : i32
      %dma_wait3A_1438 = tpu.memref_slice %arg2[%dma_wait3A_1437] : memref<10000xf32, #tpu.memory_space<hbm>> -> memref<10000xf32, #tpu.memory_space<hbm>>
      tpu.wait_indirect_dma semaphore(%arg26 : memref<!tpu.dma_semaphore, #tpu.memory_space<semaphore_mem>>) src(%dma_wait3A_1438 : memref<10000xf32, #tpu.memory_space<hbm>>) dst(%arg11 : memref<80xf32, #tpu.memory_space<vmem>>)
      %dma_wait3A_1439 = arith.constant 0 : i32
      %dma_wait3A_1440 = arith.constant 0 : i32
      %dma_wait3A_1441 = tpu.memref_slice %arg7[%dma_wait3A_1439, %dma_wait3A_1440] : memref<25x80xi32, #tpu.memory_space<vmem>> -> memref<1x80xi32, #tpu.memory_space<vmem>>
      %dma_wait3A_1442 = tpu.memref_squeeze %dma_wait3A_1441 : memref<1x80xi32, #tpu.memory_space<vmem>> -> memref<80xi32, #tpu.memory_space<vmem>>
      %dma_wait3A_1443 = arith.constant 0 : i32
      %dma_wait3A_1444 = arith.constant 0 : i32
      %dma_wait3A_1445 = tpu.memref_slice %arg4[%dma_wait3A_1443, %dma_wait3A_1444] : memref<10000x128xf32, #tpu.memory_space<hbm>> -> memref<10000x128xf32, #tpu.memory_space<hbm>>
      tpu.wait_indirect_dma semaphore(%arg29 : memref<!tpu.dma_semaphore, #tpu.memory_space<semaphore_mem>>) src(%dma_wait3A_1445 : memref<10000x128xf32, #tpu.memory_space<hbm>>) dst(%arg14 : memref<80x128xf32, #tpu.memory_space<vmem>>)
      %dma_start3A_1446 = arith.constant 0 : i32
      %dma_start3A_1447 = tpu.memref_slice %arg7[%add3A_1419, %dma_start3A_1446] : memref<25x80xi32, #tpu.memory_space<vmem>> -> memref<1x80xi32, #tpu.memory_space<vmem>>
      %dma_start3A_1448 = tpu.memref_squeeze %dma_start3A_1447 : memref<1x80xi32, #tpu.memory_space<vmem>> -> memref<80xi32, #tpu.memory_space<vmem>>
      %dma_start3A_1449 = arith.constant 0 : i32
      %dma_start3A_1450 = arith.constant 0 : i32
      %dma_start3A_1451 = tpu.memref_slice %arg4[%dma_start3A_1449, %dma_start3A_1450] : memref<10000x128xf32, #tpu.memory_space<hbm>> -> memref<10000x128xf32, #tpu.memory_space<hbm>>
      tpu.enqueue_indirect_dma source(%dma_start3A_1451 : memref<10000x128xf32, #tpu.memory_space<hbm>>) target(%arg14 : memref<80x128xf32, #tpu.memory_space<vmem>>) offsets(%dma_start3A_1448 : memref<80xi32, #tpu.memory_space<vmem>>) semaphore(%arg20 : memref<!tpu.dma_semaphore, #tpu.memory_space<semaphore_mem>>)
      %dma_start3A_1452 = arith.constant 0 : i32
      %dma_start3A_1453 = tpu.memref_slice %arg7[%add3A_1419, %dma_start3A_1452] : memref<25x80xi32, #tpu.memory_space<vmem>> -> memref<1x80xi32, #tpu.memory_space<vmem>>
      %dma_start3A_1454 = tpu.memref_squeeze %dma_start3A_1453 : memref<1x80xi32, #tpu.memory_space<vmem>> -> memref<80xi32, #tpu.memory_space<vmem>>
      %dma_start3A_1455 = arith.constant 0 : i32
      %dma_start3A_1456 = tpu.memref_slice %arg2[%dma_start3A_1455] : memref<10000xf32, #tpu.memory_space<hbm>> -> memref<10000xf32, #tpu.memory_space<hbm>>
      tpu.enqueue_indirect_dma source(%dma_start3A_1456 : memref<10000xf32, #tpu.memory_space<hbm>>) target(%arg11 : memref<80xf32, #tpu.memory_space<vmem>>) offsets(%dma_start3A_1454 : memref<80xi32, #tpu.memory_space<vmem>>) semaphore(%arg23 : memref<!tpu.dma_semaphore, #tpu.memory_space<semaphore_mem>>)
      %dma_start3A_1457 = arith.constant 0 : i32
      %dma_start3A_1458 = tpu.memref_slice %arg8[%add3A_1417, %dma_start3A_1457] : memref<25x80xi32, #tpu.memory_space<vmem>> -> memref<1x80xi32, #tpu.memory_space<vmem>>
      %dma_start3A_1459 = tpu.memref_squeeze %dma_start3A_1458 : memref<1x80xi32, #tpu.memory_space<vmem>> -> memref<80xi32, #tpu.memory_space<vmem>>
      %dma_start3A_1460 = arith.constant 0 : i32
      %dma_start3A_1461 = tpu.memref_slice %arg18[%dma_start3A_1460] : memref<10000xf32, #tpu.memory_space<vmem_shared>> -> memref<10000xf32, #tpu.memory_space<vmem_shared>>
      tpu.enqueue_indirect_dma source(%arg12 : memref<80xf32, #tpu.memory_space<vmem>>) target(%dma_start3A_1461 : memref<10000xf32, #tpu.memory_space<vmem_shared>>) offsets(%dma_start3A_1459 : memref<80xi32, #tpu.memory_space<vmem>>) semaphore(%arg27 : memref<!tpu.dma_semaphore, #tpu.memory_space<semaphore_mem>>) {add = true}
      %dma_start3A_1462 = arith.constant 0 : i32
      %dma_start3A_1463 = tpu.memref_slice %arg8[%add3A_1417, %dma_start3A_1462] : memref<25x80xi32, #tpu.memory_space<vmem>> -> memref<1x80xi32, #tpu.memory_space<vmem>>
      %dma_start3A_1464 = tpu.memref_squeeze %dma_start3A_1463 : memref<1x80xi32, #tpu.memory_space<vmem>> -> memref<80xi32, #tpu.memory_space<vmem>>
      %dma_start3A_1465 = arith.constant 0 : i32
      %dma_start3A_1466 = arith.constant 0 : i32
      %dma_start3A_1467 = tpu.memref_slice %arg19[%dma_start3A_1465, %dma_start3A_1466] : memref<10000x128xf32, #tpu.memory_space<vmem_shared>> -> memref<10000x128xf32, #tpu.memory_space<vmem_shared>>
      tpu.enqueue_indirect_dma source(%arg15 : memref<80x128xf32, #tpu.memory_space<vmem>>) target(%dma_start3A_1467 : memref<10000x128xf32, #tpu.memory_space<vmem_shared>>) offsets(%dma_start3A_1464 : memref<80xi32, #tpu.memory_space<vmem>>) semaphore(%arg30 : memref<!tpu.dma_semaphore, #tpu.memory_space<semaphore_mem>>) {add = true}
      %add3A_1468 = arith.constant 1 : i32
      %add3A_1469 = arith.addi %add3A_1417, %add3A_1468 : i32
      %add3A_1470 = arith.constant 3 : i32
      %add3A_1471 = arith.addi %add3A_1417, %add3A_1470 : i32
      %dma_wait3A_1472 = arith.constant 0 : i32
      %dma_wait3A_1473 = arith.constant 0 : i32
      %dma_wait3A_1474 = tpu.memref_slice %arg7[%dma_wait3A_1472, %dma_wait3A_1473] : memref<25x80xi32, #tpu.memory_space<vmem>> -> memref<1x80xi32, #tpu.memory_space<vmem>>
      %dma_wait3A_1475 = tpu.memref_squeeze %dma_wait3A_1474 : memref<1x80xi32, #tpu.memory_space<vmem>> -> memref<80xi32, #tpu.memory_space<vmem>>
      %dma_wait3A_1476 = arith.constant 0 : i32
      %dma_wait3A_1477 = arith.constant 0 : i32
      %dma_wait3A_1478 = tpu.memref_slice %arg4[%dma_wait3A_1476, %dma_wait3A_1477] : memref<10000x128xf32, #tpu.memory_space<hbm>> -> memref<10000x128xf32, #tpu.memory_space<hbm>>
      tpu.wait_indirect_dma semaphore(%arg22 : memref<!tpu.dma_semaphore, #tpu.memory_space<semaphore_mem>>) src(%dma_wait3A_1478 : memref<10000x128xf32, #tpu.memory_space<hbm>>) dst(%arg16 : memref<80x128xf32, #tpu.memory_space<vmem>>)
      %dma_wait3A_1479 = arith.constant 0 : i32
      %dma_wait3A_1480 = arith.constant 0 : i32
      %dma_wait3A_1481 = tpu.memref_slice %arg7[%dma_wait3A_1479, %dma_wait3A_1480] : memref<25x80xi32, #tpu.memory_space<vmem>> -> memref<1x80xi32, #tpu.memory_space<vmem>>
      %dma_wait3A_1482 = tpu.memref_squeeze %dma_wait3A_1481 : memref<1x80xi32, #tpu.memory_space<vmem>> -> memref<80xi32, #tpu.memory_space<vmem>>
      %dma_wait3A_1483 = arith.constant 0 : i32
      %dma_wait3A_1484 = tpu.memref_slice %arg2[%dma_wait3A_1483] : memref<10000xf32, #tpu.memory_space<hbm>> -> memref<10000xf32, #tpu.memory_space<hbm>>
      tpu.wait_indirect_dma semaphore(%arg25 : memref<!tpu.dma_semaphore, #tpu.memory_space<semaphore_mem>>) src(%dma_wait3A_1484 : memref<10000xf32, #tpu.memory_space<hbm>>) dst(%arg13 : memref<80xf32, #tpu.memory_space<vmem>>)
      %dma_wait3A_1485 = arith.constant 0 : i32
      %dma_wait3A_1486 = arith.constant 0 : i32
      %dma_wait3A_1487 = tpu.memref_slice %arg7[%dma_wait3A_1485, %dma_wait3A_1486] : memref<25x80xi32, #tpu.memory_space<vmem>> -> memref<1x80xi32, #tpu.memory_space<vmem>>
      %dma_wait3A_1488 = tpu.memref_squeeze %dma_wait3A_1487 : memref<1x80xi32, #tpu.memory_space<vmem>> -> memref<80xi32, #tpu.memory_space<vmem>>
      %dma_wait3A_1489 = arith.constant 0 : i32
      %dma_wait3A_1490 = tpu.memref_slice %arg2[%dma_wait3A_1489] : memref<10000xf32, #tpu.memory_space<hbm>> -> memref<10000xf32, #tpu.memory_space<hbm>>
      tpu.wait_indirect_dma semaphore(%arg27 : memref<!tpu.dma_semaphore, #tpu.memory_space<semaphore_mem>>) src(%dma_wait3A_1490 : memref<10000xf32, #tpu.memory_space<hbm>>) dst(%arg12 : memref<80xf32, #tpu.memory_space<vmem>>)
      %dma_wait3A_1491 = arith.constant 0 : i32
      %dma_wait3A_1492 = arith.constant 0 : i32
      %dma_wait3A_1493 = tpu.memref_slice %arg7[%dma_wait3A_1491, %dma_wait3A_1492] : memref<25x80xi32, #tpu.memory_space<vmem>> -> memref<1x80xi32, #tpu.memory_space<vmem>>
      %dma_wait3A_1494 = tpu.memref_squeeze %dma_wait3A_1493 : memref<1x80xi32, #tpu.memory_space<vmem>> -> memref<80xi32, #tpu.memory_space<vmem>>
      %dma_wait3A_1495 = arith.constant 0 : i32
      %dma_wait3A_1496 = arith.constant 0 : i32
      %dma_wait3A_1497 = tpu.memref_slice %arg4[%dma_wait3A_1495, %dma_wait3A_1496] : memref<10000x128xf32, #tpu.memory_space<hbm>> -> memref<10000x128xf32, #tpu.memory_space<hbm>>
      tpu.wait_indirect_dma semaphore(%arg30 : memref<!tpu.dma_semaphore, #tpu.memory_space<semaphore_mem>>) src(%dma_wait3A_1497 : memref<10000x128xf32, #tpu.memory_space<hbm>>) dst(%arg15 : memref<80x128xf32, #tpu.memory_space<vmem>>)
      %dma_start3A_1498 = arith.constant 0 : i32
      %dma_start3A_1499 = tpu.memref_slice %arg7[%add3A_1471, %dma_start3A_1498] : memref<25x80xi32, #tpu.memory_space<vmem>> -> memref<1x80xi32, #tpu.memory_space<vmem>>
      %dma_start3A_1500 = tpu.memref_squeeze %dma_start3A_1499 : memref<1x80xi32, #tpu.memory_space<vmem>> -> memref<80xi32, #tpu.memory_space<vmem>>
      %dma_start3A_1501 = arith.constant 0 : i32
      %dma_start3A_1502 = arith.constant 0 : i32
      %dma_start3A_1503 = tpu.memref_slice %arg4[%dma_start3A_1501, %dma_start3A_1502] : memref<10000x128xf32, #tpu.memory_space<hbm>> -> memref<10000x128xf32, #tpu.memory_space<hbm>>
      tpu.enqueue_indirect_dma source(%dma_start3A_1503 : memref<10000x128xf32, #tpu.memory_space<hbm>>) target(%arg15 : memref<80x128xf32, #tpu.memory_space<vmem>>) offsets(%dma_start3A_1500 : memref<80xi32, #tpu.memory_space<vmem>>) semaphore(%arg21 : memref<!tpu.dma_semaphore, #tpu.memory_space<semaphore_mem>>)
      %dma_start3A_1504 = arith.constant 0 : i32
      %dma_start3A_1505 = tpu.memref_slice %arg7[%add3A_1471, %dma_start3A_1504] : memref<25x80xi32, #tpu.memory_space<vmem>> -> memref<1x80xi32, #tpu.memory_space<vmem>>
      %dma_start3A_1506 = tpu.memref_squeeze %dma_start3A_1505 : memref<1x80xi32, #tpu.memory_space<vmem>> -> memref<80xi32, #tpu.memory_space<vmem>>
      %dma_start3A_1507 = arith.constant 0 : i32
      %dma_start3A_1508 = tpu.memref_slice %arg2[%dma_start3A_1507] : memref<10000xf32, #tpu.memory_space<hbm>> -> memref<10000xf32, #tpu.memory_space<hbm>>
      tpu.enqueue_indirect_dma source(%dma_start3A_1508 : memref<10000xf32, #tpu.memory_space<hbm>>) target(%arg12 : memref<80xf32, #tpu.memory_space<vmem>>) offsets(%dma_start3A_1506 : memref<80xi32, #tpu.memory_space<vmem>>) semaphore(%arg24 : memref<!tpu.dma_semaphore, #tpu.memory_space<semaphore_mem>>)
      %dma_start3A_1509 = arith.constant 0 : i32
      %dma_start3A_1510 = tpu.memref_slice %arg8[%add3A_1469, %dma_start3A_1509] : memref<25x80xi32, #tpu.memory_space<vmem>> -> memref<1x80xi32, #tpu.memory_space<vmem>>
      %dma_start3A_1511 = tpu.memref_squeeze %dma_start3A_1510 : memref<1x80xi32, #tpu.memory_space<vmem>> -> memref<80xi32, #tpu.memory_space<vmem>>
      %dma_start3A_1512 = arith.constant 0 : i32
      %dma_start3A_1513 = tpu.memref_slice %arg18[%dma_start3A_1512] : memref<10000xf32, #tpu.memory_space<vmem_shared>> -> memref<10000xf32, #tpu.memory_space<vmem_shared>>
      tpu.enqueue_indirect_dma source(%arg13 : memref<80xf32, #tpu.memory_space<vmem>>) target(%dma_start3A_1513 : memref<10000xf32, #tpu.memory_space<vmem_shared>>) offsets(%dma_start3A_1511 : memref<80xi32, #tpu.memory_space<vmem>>) semaphore(%arg28 : memref<!tpu.dma_semaphore, #tpu.memory_space<semaphore_mem>>) {add = true}
      %dma_start3A_1514 = arith.constant 0 : i32
      %dma_start3A_1515 = tpu.memref_slice %arg8[%add3A_1469, %dma_start3A_1514] : memref<25x80xi32, #tpu.memory_space<vmem>> -> memref<1x80xi32, #tpu.memory_space<vmem>>
      %dma_start3A_1516 = tpu.memref_squeeze %dma_start3A_1515 : memref<1x80xi32, #tpu.memory_space<vmem>> -> memref<80xi32, #tpu.memory_space<vmem>>
      %dma_start3A_1517 = arith.constant 0 : i32
      %dma_start3A_1518 = arith.constant 0 : i32
      %dma_start3A_1519 = tpu.memref_slice %arg19[%dma_start3A_1517, %dma_start3A_1518] : memref<10000x128xf32, #tpu.memory_space<vmem_shared>> -> memref<10000x128xf32, #tpu.memory_space<vmem_shared>>
      tpu.enqueue_indirect_dma source(%arg16 : memref<80x128xf32, #tpu.memory_space<vmem>>) target(%dma_start3A_1519 : memref<10000x128xf32, #tpu.memory_space<vmem_shared>>) offsets(%dma_start3A_1516 : memref<80xi32, #tpu.memory_space<vmem>>) semaphore(%arg31 : memref<!tpu.dma_semaphore, #tpu.memory_space<semaphore_mem>>) {add = true}
      %add3A_1520 = arith.constant 2 : i32
      %add3A_1521 = arith.addi %add3A_1417, %add3A_1520 : i32
      %add3A_1522 = arith.constant 4 : i32
      %add3A_1523 = arith.addi %add3A_1417, %add3A_1522 : i32
      %dma_wait3A_1524 = arith.constant 0 : i32
      %dma_wait3A_1525 = arith.constant 0 : i32
      %dma_wait3A_1526 = tpu.memref_slice %arg7[%dma_wait3A_1524, %dma_wait3A_1525] : memref<25x80xi32, #tpu.memory_space<vmem>> -> memref<1x80xi32, #tpu.memory_space<vmem>>
      %dma_wait3A_1527 = tpu.memref_squeeze %dma_wait3A_1526 : memref<1x80xi32, #tpu.memory_space<vmem>> -> memref<80xi32, #tpu.memory_space<vmem>>
      %dma_wait3A_1528 = arith.constant 0 : i32
      %dma_wait3A_1529 = arith.constant 0 : i32
      %dma_wait3A_1530 = tpu.memref_slice %arg4[%dma_wait3A_1528, %dma_wait3A_1529] : memref<10000x128xf32, #tpu.memory_space<hbm>> -> memref<10000x128xf32, #tpu.memory_space<hbm>>
      tpu.wait_indirect_dma semaphore(%arg20 : memref<!tpu.dma_semaphore, #tpu.memory_space<semaphore_mem>>) src(%dma_wait3A_1530 : memref<10000x128xf32, #tpu.memory_space<hbm>>) dst(%arg14 : memref<80x128xf32, #tpu.memory_space<vmem>>)
      %dma_wait3A_1531 = arith.constant 0 : i32
      %dma_wait3A_1532 = arith.constant 0 : i32
      %dma_wait3A_1533 = tpu.memref_slice %arg7[%dma_wait3A_1531, %dma_wait3A_1532] : memref<25x80xi32, #tpu.memory_space<vmem>> -> memref<1x80xi32, #tpu.memory_space<vmem>>
      %dma_wait3A_1534 = tpu.memref_squeeze %dma_wait3A_1533 : memref<1x80xi32, #tpu.memory_space<vmem>> -> memref<80xi32, #tpu.memory_space<vmem>>
      %dma_wait3A_1535 = arith.constant 0 : i32
      %dma_wait3A_1536 = tpu.memref_slice %arg2[%dma_wait3A_1535] : memref<10000xf32, #tpu.memory_space<hbm>> -> memref<10000xf32, #tpu.memory_space<hbm>>
      tpu.wait_indirect_dma semaphore(%arg23 : memref<!tpu.dma_semaphore, #tpu.memory_space<semaphore_mem>>) src(%dma_wait3A_1536 : memref<10000xf32, #tpu.memory_space<hbm>>) dst(%arg11 : memref<80xf32, #tpu.memory_space<vmem>>)
      %dma_wait3A_1537 = arith.constant 0 : i32
      %dma_wait3A_1538 = arith.constant 0 : i32
      %dma_wait3A_1539 = tpu.memref_slice %arg7[%dma_wait3A_1537, %dma_wait3A_1538] : memref<25x80xi32, #tpu.memory_space<vmem>> -> memref<1x80xi32, #tpu.memory_space<vmem>>
      %dma_wait3A_1540 = tpu.memref_squeeze %dma_wait3A_1539 : memref<1x80xi32, #tpu.memory_space<vmem>> -> memref<80xi32, #tpu.memory_space<vmem>>
      %dma_wait3A_1541 = arith.constant 0 : i32
      %dma_wait3A_1542 = tpu.memref_slice %arg2[%dma_wait3A_1541] : memref<10000xf32, #tpu.memory_space<hbm>> -> memref<10000xf32, #tpu.memory_space<hbm>>
      tpu.wait_indirect_dma semaphore(%arg28 : memref<!tpu.dma_semaphore, #tpu.memory_space<semaphore_mem>>) src(%dma_wait3A_1542 : memref<10000xf32, #tpu.memory_space<hbm>>) dst(%arg13 : memref<80xf32, #tpu.memory_space<vmem>>)
      %dma_wait3A_1543 = arith.constant 0 : i32
      %dma_wait3A_1544 = arith.constant 0 : i32
      %dma_wait3A_1545 = tpu.memref_slice %arg7[%dma_wait3A_1543, %dma_wait3A_1544] : memref<25x80xi32, #tpu.memory_space<vmem>> -> memref<1x80xi32, #tpu.memory_space<vmem>>
      %dma_wait3A_1546 = tpu.memref_squeeze %dma_wait3A_1545 : memref<1x80xi32, #tpu.memory_space<vmem>> -> memref<80xi32, #tpu.memory_space<vmem>>
      %dma_wait3A_1547 = arith.constant 0 : i32
      %dma_wait3A_1548 = arith.constant 0 : i32
      %dma_wait3A_1549 = tpu.memref_slice %arg4[%dma_wait3A_1547, %dma_wait3A_1548] : memref<10000x128xf32, #tpu.memory_space<hbm>> -> memref<10000x128xf32, #tpu.memory_space<hbm>>
      tpu.wait_indirect_dma semaphore(%arg31 : memref<!tpu.dma_semaphore, #tpu.memory_space<semaphore_mem>>) src(%dma_wait3A_1549 : memref<10000x128xf32, #tpu.memory_space<hbm>>) dst(%arg16 : memref<80x128xf32, #tpu.memory_space<vmem>>)
      %dma_start3A_1550 = arith.constant 0 : i32
      %dma_start3A_1551 = tpu.memref_slice %arg7[%add3A_1523, %dma_start3A_1550] : memref<25x80xi32, #tpu.memory_space<vmem>> -> memref<1x80xi32, #tpu.memory_space<vmem>>
      %dma_start3A_1552 = tpu.memref_squeeze %dma_start3A_1551 : memref<1x80xi32, #tpu.memory_space<vmem>> -> memref<80xi32, #tpu.memory_space<vmem>>
      %dma_start3A_1553 = arith.constant 0 : i32
      %dma_start3A_1554 = arith.constant 0 : i32
      %dma_start3A_1555 = tpu.memref_slice %arg4[%dma_start3A_1553, %dma_start3A_1554] : memref<10000x128xf32, #tpu.memory_space<hbm>> -> memref<10000x128xf32, #tpu.memory_space<hbm>>
      tpu.enqueue_indirect_dma source(%dma_start3A_1555 : memref<10000x128xf32, #tpu.memory_space<hbm>>) target(%arg16 : memref<80x128xf32, #tpu.memory_space<vmem>>) offsets(%dma_start3A_1552 : memref<80xi32, #tpu.memory_space<vmem>>) semaphore(%arg22 : memref<!tpu.dma_semaphore, #tpu.memory_space<semaphore_mem>>)
      %dma_start3A_1556 = arith.constant 0 : i32
      %dma_start3A_1557 = tpu.memref_slice %arg7[%add3A_1523, %dma_start3A_1556] : memref<25x80xi32, #tpu.memory_space<vmem>> -> memref<1x80xi32, #tpu.memory_space<vmem>>
      %dma_start3A_1558 = tpu.memref_squeeze %dma_start3A_1557 : memref<1x80xi32, #tpu.memory_space<vmem>> -> memref<80xi32, #tpu.memory_space<vmem>>
      %dma_start3A_1559 = arith.constant 0 : i32
      %dma_start3A_1560 = tpu.memref_slice %arg2[%dma_start3A_1559] : memref<10000xf32, #tpu.memory_space<hbm>> -> memref<10000xf32, #tpu.memory_space<hbm>>
      tpu.enqueue_indirect_dma source(%dma_start3A_1560 : memref<10000xf32, #tpu.memory_space<hbm>>) target(%arg13 : memref<80xf32, #tpu.memory_space<vmem>>) offsets(%dma_start3A_1558 : memref<80xi32, #tpu.memory_space<vmem>>) semaphore(%arg25 : memref<!tpu.dma_semaphore, #tpu.memory_space<semaphore_mem>>)
      %dma_start3A_1561 = arith.constant 0 : i32
      %dma_start3A_1562 = tpu.memref_slice %arg8[%add3A_1521, %dma_start3A_1561] : memref<25x80xi32, #tpu.memory_space<vmem>> -> memref<1x80xi32, #tpu.memory_space<vmem>>
      %dma_start3A_1563 = tpu.memref_squeeze %dma_start3A_1562 : memref<1x80xi32, #tpu.memory_space<vmem>> -> memref<80xi32, #tpu.memory_space<vmem>>
      %dma_start3A_1564 = arith.constant 0 : i32
      %dma_start3A_1565 = tpu.memref_slice %arg18[%dma_start3A_1564] : memref<10000xf32, #tpu.memory_space<vmem_shared>> -> memref<10000xf32, #tpu.memory_space<vmem_shared>>
      tpu.enqueue_indirect_dma source(%arg11 : memref<80xf32, #tpu.memory_space<vmem>>) target(%dma_start3A_1565 : memref<10000xf32, #tpu.memory_space<vmem_shared>>) offsets(%dma_start3A_1563 : memref<80xi32, #tpu.memory_space<vmem>>) semaphore(%arg26 : memref<!tpu.dma_semaphore, #tpu.memory_space<semaphore_mem>>) {add = true}
      %dma_start3A_1566 = arith.constant 0 : i32
      %dma_start3A_1567 = tpu.memref_slice %arg8[%add3A_1521, %dma_start3A_1566] : memref<25x80xi32, #tpu.memory_space<vmem>> -> memref<1x80xi32, #tpu.memory_space<vmem>>
      %dma_start3A_1568 = tpu.memref_squeeze %dma_start3A_1567 : memref<1x80xi32, #tpu.memory_space<vmem>> -> memref<80xi32, #tpu.memory_space<vmem>>
      %dma_start3A_1569 = arith.constant 0 : i32
      %dma_start3A_1570 = arith.constant 0 : i32
      %dma_start3A_1571 = tpu.memref_slice %arg19[%dma_start3A_1569, %dma_start3A_1570] : memref<10000x128xf32, #tpu.memory_space<vmem_shared>> -> memref<10000x128xf32, #tpu.memory_space<vmem_shared>>
      tpu.enqueue_indirect_dma source(%arg14 : memref<80x128xf32, #tpu.memory_space<vmem>>) target(%dma_start3A_1571 : memref<10000x128xf32, #tpu.memory_space<vmem_shared>>) offsets(%dma_start3A_1568 : memref<80xi32, #tpu.memory_space<vmem>>) semaphore(%arg29 : memref<!tpu.dma_semaphore, #tpu.memory_space<semaphore_mem>>) {add = true}
      %scan3A_1572 = arith.constant 0 : i32
      scf.yield %scan3A_1572 : i32
    }
    %scan3A_273 = arith.constant 7 : i32
    %dma_wait3A_274 = arith.constant 0 : i32
    %dma_wait3A_275 = arith.constant 0 : i32
    %dma_wait3A_276 = tpu.memref_slice %arg7[%dma_wait3A_274, %dma_wait3A_275] : memref<25x80xi32, #tpu.memory_space<vmem>> -> memref<1x80xi32, #tpu.memory_space<vmem>>
    %dma_wait3A_277 = tpu.memref_squeeze %dma_wait3A_276 : memref<1x80xi32, #tpu.memory_space<vmem>> -> memref<80xi32, #tpu.memory_space<vmem>>
    %dma_wait3A_278 = arith.constant 0 : i32
    %dma_wait3A_279 = arith.constant 0 : i32
    %dma_wait3A_280 = tpu.memref_slice %arg4[%dma_wait3A_278, %dma_wait3A_279] : memref<10000x128xf32, #tpu.memory_space<hbm>> -> memref<10000x128xf32, #tpu.memory_space<hbm>>
    tpu.wait_indirect_dma semaphore(%arg21 : memref<!tpu.dma_semaphore, #tpu.memory_space<semaphore_mem>>) src(%dma_wait3A_280 : memref<10000x128xf32, #tpu.memory_space<hbm>>) dst(%arg15 : memref<80x128xf32, #tpu.memory_space<vmem>>)
    %dma_wait3A_281 = arith.constant 0 : i32
    %dma_wait3A_282 = arith.constant 0 : i32
    %dma_wait3A_283 = tpu.memref_slice %arg7[%dma_wait3A_281, %dma_wait3A_282] : memref<25x80xi32, #tpu.memory_space<vmem>> -> memref<1x80xi32, #tpu.memory_space<vmem>>
    %dma_wait3A_284 = tpu.memref_squeeze %dma_wait3A_283 : memref<1x80xi32, #tpu.memory_space<vmem>> -> memref<80xi32, #tpu.memory_space<vmem>>
    %dma_wait3A_285 = arith.constant 0 : i32
    %dma_wait3A_286 = tpu.memref_slice %arg2[%dma_wait3A_285] : memref<10000xf32, #tpu.memory_space<hbm>> -> memref<10000xf32, #tpu.memory_space<hbm>>
    tpu.wait_indirect_dma semaphore(%arg24 : memref<!tpu.dma_semaphore, #tpu.memory_space<semaphore_mem>>) src(%dma_wait3A_286 : memref<10000xf32, #tpu.memory_space<hbm>>) dst(%arg12 : memref<80xf32, #tpu.memory_space<vmem>>)
    %dma_wait3A_287 = arith.constant 0 : i32
    %dma_wait3A_288 = arith.constant 0 : i32
    %dma_wait3A_289 = tpu.memref_slice %arg7[%dma_wait3A_287, %dma_wait3A_288] : memref<25x80xi32, #tpu.memory_space<vmem>> -> memref<1x80xi32, #tpu.memory_space<vmem>>
    %dma_wait3A_290 = tpu.memref_squeeze %dma_wait3A_289 : memref<1x80xi32, #tpu.memory_space<vmem>> -> memref<80xi32, #tpu.memory_space<vmem>>
    %dma_wait3A_291 = arith.constant 0 : i32
    %dma_wait3A_292 = tpu.memref_slice %arg2[%dma_wait3A_291] : memref<10000xf32, #tpu.memory_space<hbm>> -> memref<10000xf32, #tpu.memory_space<hbm>>
    tpu.wait_indirect_dma semaphore(%arg26 : memref<!tpu.dma_semaphore, #tpu.memory_space<semaphore_mem>>) src(%dma_wait3A_292 : memref<10000xf32, #tpu.memory_space<hbm>>) dst(%arg11 : memref<80xf32, #tpu.memory_space<vmem>>)
    %dma_wait3A_293 = arith.constant 0 : i32
    %dma_wait3A_294 = arith.constant 0 : i32
    %dma_wait3A_295 = tpu.memref_slice %arg7[%dma_wait3A_293, %dma_wait3A_294] : memref<25x80xi32, #tpu.memory_space<vmem>> -> memref<1x80xi32, #tpu.memory_space<vmem>>
    %dma_wait3A_296 = tpu.memref_squeeze %dma_wait3A_295 : memref<1x80xi32, #tpu.memory_space<vmem>> -> memref<80xi32, #tpu.memory_space<vmem>>
    %dma_wait3A_297 = arith.constant 0 : i32
    %dma_wait3A_298 = arith.constant 0 : i32
    %dma_wait3A_299 = tpu.memref_slice %arg4[%dma_wait3A_297, %dma_wait3A_298] : memref<10000x128xf32, #tpu.memory_space<hbm>> -> memref<10000x128xf32, #tpu.memory_space<hbm>>
    tpu.wait_indirect_dma semaphore(%arg29 : memref<!tpu.dma_semaphore, #tpu.memory_space<semaphore_mem>>) src(%dma_wait3A_299 : memref<10000x128xf32, #tpu.memory_space<hbm>>) dst(%arg14 : memref<80x128xf32, #tpu.memory_space<vmem>>)
    %dma_start3A_300 = arith.constant 24 : i32
    %dma_start3A_301 = arith.constant 0 : i32
    %dma_start3A_302 = tpu.memref_slice %arg7[%dma_start3A_300, %dma_start3A_301] : memref<25x80xi32, #tpu.memory_space<vmem>> -> memref<1x80xi32, #tpu.memory_space<vmem>>
    %dma_start3A_303 = tpu.memref_squeeze %dma_start3A_302 : memref<1x80xi32, #tpu.memory_space<vmem>> -> memref<80xi32, #tpu.memory_space<vmem>>
    %dma_start3A_304 = arith.constant 0 : i32
    %dma_start3A_305 = arith.constant 0 : i32
    %dma_start3A_306 = tpu.memref_slice %arg4[%dma_start3A_304, %dma_start3A_305] : memref<10000x128xf32, #tpu.memory_space<hbm>> -> memref<10000x128xf32, #tpu.memory_space<hbm>>
    tpu.enqueue_indirect_dma source(%dma_start3A_306 : memref<10000x128xf32, #tpu.memory_space<hbm>>) target(%arg14 : memref<80x128xf32, #tpu.memory_space<vmem>>) offsets(%dma_start3A_303 : memref<80xi32, #tpu.memory_space<vmem>>) semaphore(%arg20 : memref<!tpu.dma_semaphore, #tpu.memory_space<semaphore_mem>>)
    %dma_start3A_307 = arith.constant 24 : i32
    %dma_start3A_308 = arith.constant 0 : i32
    %dma_start3A_309 = tpu.memref_slice %arg7[%dma_start3A_307, %dma_start3A_308] : memref<25x80xi32, #tpu.memory_space<vmem>> -> memref<1x80xi32, #tpu.memory_space<vmem>>
    %dma_start3A_310 = tpu.memref_squeeze %dma_start3A_309 : memref<1x80xi32, #tpu.memory_space<vmem>> -> memref<80xi32, #tpu.memory_space<vmem>>
    %dma_start3A_311 = arith.constant 0 : i32
    %dma_start3A_312 = tpu.memref_slice %arg2[%dma_start3A_311] : memref<10000xf32, #tpu.memory_space<hbm>> -> memref<10000xf32, #tpu.memory_space<hbm>>
    tpu.enqueue_indirect_dma source(%dma_start3A_312 : memref<10000xf32, #tpu.memory_space<hbm>>) target(%arg11 : memref<80xf32, #tpu.memory_space<vmem>>) offsets(%dma_start3A_310 : memref<80xi32, #tpu.memory_space<vmem>>) semaphore(%arg23 : memref<!tpu.dma_semaphore, #tpu.memory_space<semaphore_mem>>)
    %dma_start3A_313 = arith.constant 22 : i32
    %dma_start3A_314 = arith.constant 0 : i32
    %dma_start3A_315 = tpu.memref_slice %arg8[%dma_start3A_313, %dma_start3A_314] : memref<25x80xi32, #tpu.memory_space<vmem>> -> memref<1x80xi32, #tpu.memory_space<vmem>>
    %dma_start3A_316 = tpu.memref_squeeze %dma_start3A_315 : memref<1x80xi32, #tpu.memory_space<vmem>> -> memref<80xi32, #tpu.memory_space<vmem>>
    %dma_start3A_317 = arith.constant 0 : i32
    %dma_start3A_318 = tpu.memref_slice %arg18[%dma_start3A_317] : memref<10000xf32, #tpu.memory_space<vmem_shared>> -> memref<10000xf32, #tpu.memory_space<vmem_shared>>
    tpu.enqueue_indirect_dma source(%arg12 : memref<80xf32, #tpu.memory_space<vmem>>) target(%dma_start3A_318 : memref<10000xf32, #tpu.memory_space<vmem_shared>>) offsets(%dma_start3A_316 : memref<80xi32, #tpu.memory_space<vmem>>) semaphore(%arg27 : memref<!tpu.dma_semaphore, #tpu.memory_space<semaphore_mem>>) {add = true}
    %dma_start3A_319 = arith.constant 22 : i32
    %dma_start3A_320 = arith.constant 0 : i32
    %dma_start3A_321 = tpu.memref_slice %arg8[%dma_start3A_319, %dma_start3A_320] : memref<25x80xi32, #tpu.memory_space<vmem>> -> memref<1x80xi32, #tpu.memory_space<vmem>>
    %dma_start3A_322 = tpu.memref_squeeze %dma_start3A_321 : memref<1x80xi32, #tpu.memory_space<vmem>> -> memref<80xi32, #tpu.memory_space<vmem>>
    %dma_start3A_323 = arith.constant 0 : i32
    %dma_start3A_324 = arith.constant 0 : i32
    %dma_start3A_325 = tpu.memref_slice %arg19[%dma_start3A_323, %dma_start3A_324] : memref<10000x128xf32, #tpu.memory_space<vmem_shared>> -> memref<10000x128xf32, #tpu.memory_space<vmem_shared>>
    tpu.enqueue_indirect_dma source(%arg15 : memref<80x128xf32, #tpu.memory_space<vmem>>) target(%dma_start3A_325 : memref<10000x128xf32, #tpu.memory_space<vmem_shared>>) offsets(%dma_start3A_322 : memref<80xi32, #tpu.memory_space<vmem>>) semaphore(%arg30 : memref<!tpu.dma_semaphore, #tpu.memory_space<semaphore_mem>>) {add = true}
    %dma_wait3A_326 = arith.constant 0 : i32
    %dma_wait3A_327 = arith.constant 0 : i32
    %dma_wait3A_328 = tpu.memref_slice %arg7[%dma_wait3A_326, %dma_wait3A_327] : memref<25x80xi32, #tpu.memory_space<vmem>> -> memref<1x80xi32, #tpu.memory_space<vmem>>
    %dma_wait3A_329 = tpu.memref_squeeze %dma_wait3A_328 : memref<1x80xi32, #tpu.memory_space<vmem>> -> memref<80xi32, #tpu.memory_space<vmem>>
    %dma_wait3A_330 = arith.constant 0 : i32
    %dma_wait3A_331 = arith.constant 0 : i32
    %dma_wait3A_332 = tpu.memref_slice %arg4[%dma_wait3A_330, %dma_wait3A_331] : memref<10000x128xf32, #tpu.memory_space<hbm>> -> memref<10000x128xf32, #tpu.memory_space<hbm>>
    tpu.wait_indirect_dma semaphore(%arg22 : memref<!tpu.dma_semaphore, #tpu.memory_space<semaphore_mem>>) src(%dma_wait3A_332 : memref<10000x128xf32, #tpu.memory_space<hbm>>) dst(%arg16 : memref<80x128xf32, #tpu.memory_space<vmem>>)
    %dma_wait3A_333 = arith.constant 0 : i32
    %dma_wait3A_334 = arith.constant 0 : i32
    %dma_wait3A_335 = tpu.memref_slice %arg7[%dma_wait3A_333, %dma_wait3A_334] : memref<25x80xi32, #tpu.memory_space<vmem>> -> memref<1x80xi32, #tpu.memory_space<vmem>>
    %dma_wait3A_336 = tpu.memref_squeeze %dma_wait3A_335 : memref<1x80xi32, #tpu.memory_space<vmem>> -> memref<80xi32, #tpu.memory_space<vmem>>
    %dma_wait3A_337 = arith.constant 0 : i32
    %dma_wait3A_338 = tpu.memref_slice %arg2[%dma_wait3A_337] : memref<10000xf32, #tpu.memory_space<hbm>> -> memref<10000xf32, #tpu.memory_space<hbm>>
    tpu.wait_indirect_dma semaphore(%arg25 : memref<!tpu.dma_semaphore, #tpu.memory_space<semaphore_mem>>) src(%dma_wait3A_338 : memref<10000xf32, #tpu.memory_space<hbm>>) dst(%arg13 : memref<80xf32, #tpu.memory_space<vmem>>)
    %dma_wait3A_339 = arith.constant 0 : i32
    %dma_wait3A_340 = arith.constant 0 : i32
    %dma_wait3A_341 = tpu.memref_slice %arg7[%dma_wait3A_339, %dma_wait3A_340] : memref<25x80xi32, #tpu.memory_space<vmem>> -> memref<1x80xi32, #tpu.memory_space<vmem>>
    %dma_wait3A_342 = tpu.memref_squeeze %dma_wait3A_341 : memref<1x80xi32, #tpu.memory_space<vmem>> -> memref<80xi32, #tpu.memory_space<vmem>>
    %dma_wait3A_343 = arith.constant 0 : i32
    %dma_wait3A_344 = tpu.memref_slice %arg2[%dma_wait3A_343] : memref<10000xf32, #tpu.memory_space<hbm>> -> memref<10000xf32, #tpu.memory_space<hbm>>
    tpu.wait_indirect_dma semaphore(%arg27 : memref<!tpu.dma_semaphore, #tpu.memory_space<semaphore_mem>>) src(%dma_wait3A_344 : memref<10000xf32, #tpu.memory_space<hbm>>) dst(%arg12 : memref<80xf32, #tpu.memory_space<vmem>>)
    %dma_wait3A_345 = arith.constant 0 : i32
    %dma_wait3A_346 = arith.constant 0 : i32
    %dma_wait3A_347 = tpu.memref_slice %arg7[%dma_wait3A_345, %dma_wait3A_346] : memref<25x80xi32, #tpu.memory_space<vmem>> -> memref<1x80xi32, #tpu.memory_space<vmem>>
    %dma_wait3A_348 = tpu.memref_squeeze %dma_wait3A_347 : memref<1x80xi32, #tpu.memory_space<vmem>> -> memref<80xi32, #tpu.memory_space<vmem>>
    %dma_wait3A_349 = arith.constant 0 : i32
    %dma_wait3A_350 = arith.constant 0 : i32
    %dma_wait3A_351 = tpu.memref_slice %arg4[%dma_wait3A_349, %dma_wait3A_350] : memref<10000x128xf32, #tpu.memory_space<hbm>> -> memref<10000x128xf32, #tpu.memory_space<hbm>>
    tpu.wait_indirect_dma semaphore(%arg30 : memref<!tpu.dma_semaphore, #tpu.memory_space<semaphore_mem>>) src(%dma_wait3A_351 : memref<10000x128xf32, #tpu.memory_space<hbm>>) dst(%arg15 : memref<80x128xf32, #tpu.memory_space<vmem>>)
    %dma_start3A_352 = arith.constant 0 : i32
    %dma_start3A_353 = arith.constant 0 : i32
    %dma_start3A_354 = tpu.memref_slice %arg9[%dma_start3A_352, %dma_start3A_353] : memref<25x80xi32, #tpu.memory_space<vmem>> -> memref<1x80xi32, #tpu.memory_space<vmem>>
    %dma_start3A_355 = tpu.memref_squeeze %dma_start3A_354 : memref<1x80xi32, #tpu.memory_space<vmem>> -> memref<80xi32, #tpu.memory_space<vmem>>
    %dma_start3A_356 = arith.constant 0 : i32
    %dma_start3A_357 = arith.constant 0 : i32
    %dma_start3A_358 = tpu.memref_slice %arg4[%dma_start3A_356, %dma_start3A_357] : memref<10000x128xf32, #tpu.memory_space<hbm>> -> memref<10000x128xf32, #tpu.memory_space<hbm>>
    tpu.enqueue_indirect_dma source(%dma_start3A_358 : memref<10000x128xf32, #tpu.memory_space<hbm>>) target(%arg15 : memref<80x128xf32, #tpu.memory_space<vmem>>) offsets(%dma_start3A_355 : memref<80xi32, #tpu.memory_space<vmem>>) semaphore(%arg21 : memref<!tpu.dma_semaphore, #tpu.memory_space<semaphore_mem>>)
    %dma_start3A_359 = arith.constant 0 : i32
    %dma_start3A_360 = arith.constant 0 : i32
    %dma_start3A_361 = tpu.memref_slice %arg9[%dma_start3A_359, %dma_start3A_360] : memref<25x80xi32, #tpu.memory_space<vmem>> -> memref<1x80xi32, #tpu.memory_space<vmem>>
    %dma_start3A_362 = tpu.memref_squeeze %dma_start3A_361 : memref<1x80xi32, #tpu.memory_space<vmem>> -> memref<80xi32, #tpu.memory_space<vmem>>
    %dma_start3A_363 = arith.constant 0 : i32
    %dma_start3A_364 = tpu.memref_slice %arg2[%dma_start3A_363] : memref<10000xf32, #tpu.memory_space<hbm>> -> memref<10000xf32, #tpu.memory_space<hbm>>
    tpu.enqueue_indirect_dma source(%dma_start3A_364 : memref<10000xf32, #tpu.memory_space<hbm>>) target(%arg12 : memref<80xf32, #tpu.memory_space<vmem>>) offsets(%dma_start3A_362 : memref<80xi32, #tpu.memory_space<vmem>>) semaphore(%arg24 : memref<!tpu.dma_semaphore, #tpu.memory_space<semaphore_mem>>)
    %dma_start3A_365 = arith.constant 23 : i32
    %dma_start3A_366 = arith.constant 0 : i32
    %dma_start3A_367 = tpu.memref_slice %arg8[%dma_start3A_365, %dma_start3A_366] : memref<25x80xi32, #tpu.memory_space<vmem>> -> memref<1x80xi32, #tpu.memory_space<vmem>>
    %dma_start3A_368 = tpu.memref_squeeze %dma_start3A_367 : memref<1x80xi32, #tpu.memory_space<vmem>> -> memref<80xi32, #tpu.memory_space<vmem>>
    %dma_start3A_369 = arith.constant 0 : i32
    %dma_start3A_370 = tpu.memref_slice %arg18[%dma_start3A_369] : memref<10000xf32, #tpu.memory_space<vmem_shared>> -> memref<10000xf32, #tpu.memory_space<vmem_shared>>
    tpu.enqueue_indirect_dma source(%arg13 : memref<80xf32, #tpu.memory_space<vmem>>) target(%dma_start3A_370 : memref<10000xf32, #tpu.memory_space<vmem_shared>>) offsets(%dma_start3A_368 : memref<80xi32, #tpu.memory_space<vmem>>) semaphore(%arg28 : memref<!tpu.dma_semaphore, #tpu.memory_space<semaphore_mem>>) {add = true}
    %dma_start3A_371 = arith.constant 23 : i32
    %dma_start3A_372 = arith.constant 0 : i32
    %dma_start3A_373 = tpu.memref_slice %arg8[%dma_start3A_371, %dma_start3A_372] : memref<25x80xi32, #tpu.memory_space<vmem>> -> memref<1x80xi32, #tpu.memory_space<vmem>>
    %dma_start3A_374 = tpu.memref_squeeze %dma_start3A_373 : memref<1x80xi32, #tpu.memory_space<vmem>> -> memref<80xi32, #tpu.memory_space<vmem>>
    %dma_start3A_375 = arith.constant 0 : i32
    %dma_start3A_376 = arith.constant 0 : i32
    %dma_start3A_377 = tpu.memref_slice %arg19[%dma_start3A_375, %dma_start3A_376] : memref<10000x128xf32, #tpu.memory_space<vmem_shared>> -> memref<10000x128xf32, #tpu.memory_space<vmem_shared>>
    tpu.enqueue_indirect_dma source(%arg16 : memref<80x128xf32, #tpu.memory_space<vmem>>) target(%dma_start3A_377 : memref<10000x128xf32, #tpu.memory_space<vmem_shared>>) offsets(%dma_start3A_374 : memref<80xi32, #tpu.memory_space<vmem>>) semaphore(%arg31 : memref<!tpu.dma_semaphore, #tpu.memory_space<semaphore_mem>>) {add = true}
    %dma_wait3A_378 = arith.constant 0 : i32
    %dma_wait3A_379 = arith.constant 0 : i32
    %dma_wait3A_380 = tpu.memref_slice %arg7[%dma_wait3A_378, %dma_wait3A_379] : memref<25x80xi32, #tpu.memory_space<vmem>> -> memref<1x80xi32, #tpu.memory_space<vmem>>
    %dma_wait3A_381 = tpu.memref_squeeze %dma_wait3A_380 : memref<1x80xi32, #tpu.memory_space<vmem>> -> memref<80xi32, #tpu.memory_space<vmem>>
    %dma_wait3A_382 = arith.constant 0 : i32
    %dma_wait3A_383 = arith.constant 0 : i32
    %dma_wait3A_384 = tpu.memref_slice %arg4[%dma_wait3A_382, %dma_wait3A_383] : memref<10000x128xf32, #tpu.memory_space<hbm>> -> memref<10000x128xf32, #tpu.memory_space<hbm>>
    tpu.wait_indirect_dma semaphore(%arg20 : memref<!tpu.dma_semaphore, #tpu.memory_space<semaphore_mem>>) src(%dma_wait3A_384 : memref<10000x128xf32, #tpu.memory_space<hbm>>) dst(%arg14 : memref<80x128xf32, #tpu.memory_space<vmem>>)
    %dma_wait3A_385 = arith.constant 0 : i32
    %dma_wait3A_386 = arith.constant 0 : i32
    %dma_wait3A_387 = tpu.memref_slice %arg7[%dma_wait3A_385, %dma_wait3A_386] : memref<25x80xi32, #tpu.memory_space<vmem>> -> memref<1x80xi32, #tpu.memory_space<vmem>>
    %dma_wait3A_388 = tpu.memref_squeeze %dma_wait3A_387 : memref<1x80xi32, #tpu.memory_space<vmem>> -> memref<80xi32, #tpu.memory_space<vmem>>
    %dma_wait3A_389 = arith.constant 0 : i32
    %dma_wait3A_390 = tpu.memref_slice %arg2[%dma_wait3A_389] : memref<10000xf32, #tpu.memory_space<hbm>> -> memref<10000xf32, #tpu.memory_space<hbm>>
    tpu.wait_indirect_dma semaphore(%arg23 : memref<!tpu.dma_semaphore, #tpu.memory_space<semaphore_mem>>) src(%dma_wait3A_390 : memref<10000xf32, #tpu.memory_space<hbm>>) dst(%arg11 : memref<80xf32, #tpu.memory_space<vmem>>)
    %dma_wait3A_391 = arith.constant 0 : i32
    %dma_wait3A_392 = arith.constant 0 : i32
    %dma_wait3A_393 = tpu.memref_slice %arg7[%dma_wait3A_391, %dma_wait3A_392] : memref<25x80xi32, #tpu.memory_space<vmem>> -> memref<1x80xi32, #tpu.memory_space<vmem>>
    %dma_wait3A_394 = tpu.memref_squeeze %dma_wait3A_393 : memref<1x80xi32, #tpu.memory_space<vmem>> -> memref<80xi32, #tpu.memory_space<vmem>>
    %dma_wait3A_395 = arith.constant 0 : i32
    %dma_wait3A_396 = tpu.memref_slice %arg2[%dma_wait3A_395] : memref<10000xf32, #tpu.memory_space<hbm>> -> memref<10000xf32, #tpu.memory_space<hbm>>
    tpu.wait_indirect_dma semaphore(%arg28 : memref<!tpu.dma_semaphore, #tpu.memory_space<semaphore_mem>>) src(%dma_wait3A_396 : memref<10000xf32, #tpu.memory_space<hbm>>) dst(%arg13 : memref<80xf32, #tpu.memory_space<vmem>>)
    %dma_wait3A_397 = arith.constant 0 : i32
    %dma_wait3A_398 = arith.constant 0 : i32
    %dma_wait3A_399 = tpu.memref_slice %arg7[%dma_wait3A_397, %dma_wait3A_398] : memref<25x80xi32, #tpu.memory_space<vmem>> -> memref<1x80xi32, #tpu.memory_space<vmem>>
    %dma_wait3A_400 = tpu.memref_squeeze %dma_wait3A_399 : memref<1x80xi32, #tpu.memory_space<vmem>> -> memref<80xi32, #tpu.memory_space<vmem>>
    %dma_wait3A_401 = arith.constant 0 : i32
    %dma_wait3A_402 = arith.constant 0 : i32
    %dma_wait3A_403 = tpu.memref_slice %arg4[%dma_wait3A_401, %dma_wait3A_402] : memref<10000x128xf32, #tpu.memory_space<hbm>> -> memref<10000x128xf32, #tpu.memory_space<hbm>>
    tpu.wait_indirect_dma semaphore(%arg31 : memref<!tpu.dma_semaphore, #tpu.memory_space<semaphore_mem>>) src(%dma_wait3A_403 : memref<10000x128xf32, #tpu.memory_space<hbm>>) dst(%arg16 : memref<80x128xf32, #tpu.memory_space<vmem>>)
    %dma_start3A_404 = arith.constant 1 : i32
    %dma_start3A_405 = arith.constant 0 : i32
    %dma_start3A_406 = tpu.memref_slice %arg9[%dma_start3A_404, %dma_start3A_405] : memref<25x80xi32, #tpu.memory_space<vmem>> -> memref<1x80xi32, #tpu.memory_space<vmem>>
    %dma_start3A_407 = tpu.memref_squeeze %dma_start3A_406 : memref<1x80xi32, #tpu.memory_space<vmem>> -> memref<80xi32, #tpu.memory_space<vmem>>
    %dma_start3A_408 = arith.constant 0 : i32
    %dma_start3A_409 = arith.constant 0 : i32
    %dma_start3A_410 = tpu.memref_slice %arg4[%dma_start3A_408, %dma_start3A_409] : memref<10000x128xf32, #tpu.memory_space<hbm>> -> memref<10000x128xf32, #tpu.memory_space<hbm>>
    tpu.enqueue_indirect_dma source(%dma_start3A_410 : memref<10000x128xf32, #tpu.memory_space<hbm>>) target(%arg16 : memref<80x128xf32, #tpu.memory_space<vmem>>) offsets(%dma_start3A_407 : memref<80xi32, #tpu.memory_space<vmem>>) semaphore(%arg22 : memref<!tpu.dma_semaphore, #tpu.memory_space<semaphore_mem>>)
    %dma_start3A_411 = arith.constant 1 : i32
    %dma_start3A_412 = arith.constant 0 : i32
    %dma_start3A_413 = tpu.memref_slice %arg9[%dma_start3A_411, %dma_start3A_412] : memref<25x80xi32, #tpu.memory_space<vmem>> -> memref<1x80xi32, #tpu.memory_space<vmem>>
    %dma_start3A_414 = tpu.memref_squeeze %dma_start3A_413 : memref<1x80xi32, #tpu.memory_space<vmem>> -> memref<80xi32, #tpu.memory_space<vmem>>
    %dma_start3A_415 = arith.constant 0 : i32
    %dma_start3A_416 = tpu.memref_slice %arg2[%dma_start3A_415] : memref<10000xf32, #tpu.memory_space<hbm>> -> memref<10000xf32, #tpu.memory_space<hbm>>
    tpu.enqueue_indirect_dma source(%dma_start3A_416 : memref<10000xf32, #tpu.memory_space<hbm>>) target(%arg13 : memref<80xf32, #tpu.memory_space<vmem>>) offsets(%dma_start3A_414 : memref<80xi32, #tpu.memory_space<vmem>>) semaphore(%arg25 : memref<!tpu.dma_semaphore, #tpu.memory_space<semaphore_mem>>)
    %dma_start3A_417 = arith.constant 24 : i32
    %dma_start3A_418 = arith.constant 0 : i32
    %dma_start3A_419 = tpu.memref_slice %arg8[%dma_start3A_417, %dma_start3A_418] : memref<25x80xi32, #tpu.memory_space<vmem>> -> memref<1x80xi32, #tpu.memory_space<vmem>>
    %dma_start3A_420 = tpu.memref_squeeze %dma_start3A_419 : memref<1x80xi32, #tpu.memory_space<vmem>> -> memref<80xi32, #tpu.memory_space<vmem>>
    %dma_start3A_421 = arith.constant 0 : i32
    %dma_start3A_422 = tpu.memref_slice %arg18[%dma_start3A_421] : memref<10000xf32, #tpu.memory_space<vmem_shared>> -> memref<10000xf32, #tpu.memory_space<vmem_shared>>
    tpu.enqueue_indirect_dma source(%arg11 : memref<80xf32, #tpu.memory_space<vmem>>) target(%dma_start3A_422 : memref<10000xf32, #tpu.memory_space<vmem_shared>>) offsets(%dma_start3A_420 : memref<80xi32, #tpu.memory_space<vmem>>) semaphore(%arg26 : memref<!tpu.dma_semaphore, #tpu.memory_space<semaphore_mem>>) {add = true}
    %dma_start3A_423 = arith.constant 24 : i32
    %dma_start3A_424 = arith.constant 0 : i32
    %dma_start3A_425 = tpu.memref_slice %arg8[%dma_start3A_423, %dma_start3A_424] : memref<25x80xi32, #tpu.memory_space<vmem>> -> memref<1x80xi32, #tpu.memory_space<vmem>>
    %dma_start3A_426 = tpu.memref_squeeze %dma_start3A_425 : memref<1x80xi32, #tpu.memory_space<vmem>> -> memref<80xi32, #tpu.memory_space<vmem>>
    %dma_start3A_427 = arith.constant 0 : i32
    %dma_start3A_428 = arith.constant 0 : i32
    %dma_start3A_429 = tpu.memref_slice %arg19[%dma_start3A_427, %dma_start3A_428] : memref<10000x128xf32, #tpu.memory_space<vmem_shared>> -> memref<10000x128xf32, #tpu.memory_space<vmem_shared>>
    tpu.enqueue_indirect_dma source(%arg14 : memref<80x128xf32, #tpu.memory_space<vmem>>) target(%dma_start3A_429 : memref<10000x128xf32, #tpu.memory_space<vmem_shared>>) offsets(%dma_start3A_426 : memref<80xi32, #tpu.memory_space<vmem>>) semaphore(%arg29 : memref<!tpu.dma_semaphore, #tpu.memory_space<semaphore_mem>>) {add = true}
    %run_scoped3A_430 = arith.constant 0 : i32
    %run_scoped3A_431 = arith.constant 2 : i32
    "tpu.region"() ({
      %run_scoped3A_1412 = tpu.sem_alloc : memref<!tpu.dma_semaphore, #tpu.memory_space<semaphore_mem>>
      %dma_start3A_1413 = arith.constant 0 : i32
      %dma_start3A_1414 = arith.constant 0 : i32
      %dma_start3A_1415 = tpu.memref_slice %arg3[%run_scoped3A_430, %add3A, %run_scoped3A_431, %dma_start3A_1413, %dma_start3A_1414] : memref<2x32x5x25x80xi32, #tpu.memory_space<hbm>> -> memref<1x1x1x25x80xi32, #tpu.memory_space<hbm>>
      %dma_start3A_1416 = tpu.memref_squeeze %dma_start3A_1415 : memref<1x1x1x25x80xi32, #tpu.memory_space<hbm>> -> memref<25x80xi32, #tpu.memory_space<hbm>>
      %dma_start3A_1417 = arith.constant 0 : i32
      %dma_start3A_1418 = arith.constant 0 : i32
      %dma_start3A_1419 = tpu.memref_slice %arg3[%run_scoped3A_430, %add3A, %run_scoped3A_431, %dma_start3A_1417, %dma_start3A_1418] : memref<2x32x5x25x80xi32, #tpu.memory_space<hbm>> -> memref<1x1x1x25x80xi32, #tpu.memory_space<hbm>>
      %dma_start3A_1420 = tpu.memref_squeeze %dma_start3A_1419 : memref<1x1x1x25x80xi32, #tpu.memory_space<hbm>> -> memref<25x80xi32, #tpu.memory_space<hbm>>
      tpu.enqueue_dma source(%dma_start3A_1420 : memref<25x80xi32, #tpu.memory_space<hbm>>) target(%arg7 : memref<25x80xi32, #tpu.memory_space<vmem>>) target_semaphore(%run_scoped3A_1412 : memref<!tpu.dma_semaphore, #tpu.memory_space<semaphore_mem>>)
      %dma_wait3A_1421 = arith.constant 0 : i32
      %dma_wait3A_1422 = arith.constant 0 : i32
      %dma_wait3A_1423 = tpu.memref_slice %arg3[%run_scoped3A_430, %add3A, %run_scoped3A_431, %dma_wait3A_1421, %dma_wait3A_1422] : memref<2x32x5x25x80xi32, #tpu.memory_space<hbm>> -> memref<1x1x1x25x80xi32, #tpu.memory_space<hbm>>
      %dma_wait3A_1424 = tpu.memref_squeeze %dma_wait3A_1423 : memref<1x1x1x25x80xi32, #tpu.memory_space<hbm>> -> memref<25x80xi32, #tpu.memory_space<hbm>>
      %dma_wait3A_1425 = arith.constant 0 : i32
      %dma_wait3A_1426 = arith.constant 0 : i32
      %dma_wait3A_1427 = tpu.memref_slice %arg3[%run_scoped3A_430, %add3A, %run_scoped3A_431, %dma_wait3A_1425, %dma_wait3A_1426] : memref<2x32x5x25x80xi32, #tpu.memory_space<hbm>> -> memref<1x1x1x25x80xi32, #tpu.memory_space<hbm>>
      %dma_wait3A_1428 = tpu.memref_squeeze %dma_wait3A_1427 : memref<1x1x1x25x80xi32, #tpu.memory_space<hbm>> -> memref<25x80xi32, #tpu.memory_space<hbm>>
      tpu.wait_dma2 semaphore(%run_scoped3A_1412 : memref<!tpu.dma_semaphore, #tpu.memory_space<semaphore_mem>>) src(%dma_wait3A_1428 : memref<25x80xi32, #tpu.memory_space<hbm>>) dst(%arg7 : memref<25x80xi32, #tpu.memory_space<vmem>>)
      tpu.yield
    }) : () -> ()
    %run_scoped3A_432 = arith.constant 1 : i32
    %run_scoped3A_433 = arith.constant 2 : i32
    "tpu.region"() ({
      %run_scoped3A_1412 = tpu.sem_alloc : memref<!tpu.dma_semaphore, #tpu.memory_space<semaphore_mem>>
      %dma_start3A_1413 = arith.constant 0 : i32
      %dma_start3A_1414 = arith.constant 0 : i32
      %dma_start3A_1415 = tpu.memref_slice %arg3[%run_scoped3A_432, %add3A, %run_scoped3A_433, %dma_start3A_1413, %dma_start3A_1414] : memref<2x32x5x25x80xi32, #tpu.memory_space<hbm>> -> memref<1x1x1x25x80xi32, #tpu.memory_space<hbm>>
      %dma_start3A_1416 = tpu.memref_squeeze %dma_start3A_1415 : memref<1x1x1x25x80xi32, #tpu.memory_space<hbm>> -> memref<25x80xi32, #tpu.memory_space<hbm>>
      %dma_start3A_1417 = arith.constant 0 : i32
      %dma_start3A_1418 = arith.constant 0 : i32
      %dma_start3A_1419 = tpu.memref_slice %arg3[%run_scoped3A_432, %add3A, %run_scoped3A_433, %dma_start3A_1417, %dma_start3A_1418] : memref<2x32x5x25x80xi32, #tpu.memory_space<hbm>> -> memref<1x1x1x25x80xi32, #tpu.memory_space<hbm>>
      %dma_start3A_1420 = tpu.memref_squeeze %dma_start3A_1419 : memref<1x1x1x25x80xi32, #tpu.memory_space<hbm>> -> memref<25x80xi32, #tpu.memory_space<hbm>>
      tpu.enqueue_dma source(%dma_start3A_1420 : memref<25x80xi32, #tpu.memory_space<hbm>>) target(%arg8 : memref<25x80xi32, #tpu.memory_space<vmem>>) target_semaphore(%run_scoped3A_1412 : memref<!tpu.dma_semaphore, #tpu.memory_space<semaphore_mem>>)
      %dma_wait3A_1421 = arith.constant 0 : i32
      %dma_wait3A_1422 = arith.constant 0 : i32
      %dma_wait3A_1423 = tpu.memref_slice %arg3[%run_scoped3A_432, %add3A, %run_scoped3A_433, %dma_wait3A_1421, %dma_wait3A_1422] : memref<2x32x5x25x80xi32, #tpu.memory_space<hbm>> -> memref<1x1x1x25x80xi32, #tpu.memory_space<hbm>>
      %dma_wait3A_1424 = tpu.memref_squeeze %dma_wait3A_1423 : memref<1x1x1x25x80xi32, #tpu.memory_space<hbm>> -> memref<25x80xi32, #tpu.memory_space<hbm>>
      %dma_wait3A_1425 = arith.constant 0 : i32
      %dma_wait3A_1426 = arith.constant 0 : i32
      %dma_wait3A_1427 = tpu.memref_slice %arg3[%run_scoped3A_432, %add3A, %run_scoped3A_433, %dma_wait3A_1425, %dma_wait3A_1426] : memref<2x32x5x25x80xi32, #tpu.memory_space<hbm>> -> memref<1x1x1x25x80xi32, #tpu.memory_space<hbm>>
      %dma_wait3A_1428 = tpu.memref_squeeze %dma_wait3A_1427 : memref<1x1x1x25x80xi32, #tpu.memory_space<hbm>> -> memref<25x80xi32, #tpu.memory_space<hbm>>
      tpu.wait_dma2 semaphore(%run_scoped3A_1412 : memref<!tpu.dma_semaphore, #tpu.memory_space<semaphore_mem>>) src(%dma_wait3A_1428 : memref<25x80xi32, #tpu.memory_space<hbm>>) dst(%arg8 : memref<25x80xi32, #tpu.memory_space<vmem>>)
      tpu.yield
    }) : () -> ()
    %dma_wait3A_434 = arith.constant 0 : i32
    %dma_wait3A_435 = arith.constant 0 : i32
    %dma_wait3A_436 = tpu.memref_slice %arg7[%dma_wait3A_434, %dma_wait3A_435] : memref<25x80xi32, #tpu.memory_space<vmem>> -> memref<1x80xi32, #tpu.memory_space<vmem>>
    %dma_wait3A_437 = tpu.memref_squeeze %dma_wait3A_436 : memref<1x80xi32, #tpu.memory_space<vmem>> -> memref<80xi32, #tpu.memory_space<vmem>>
    %dma_wait3A_438 = arith.constant 0 : i32
    %dma_wait3A_439 = arith.constant 0 : i32
    %dma_wait3A_440 = tpu.memref_slice %arg4[%dma_wait3A_438, %dma_wait3A_439] : memref<10000x128xf32, #tpu.memory_space<hbm>> -> memref<10000x128xf32, #tpu.memory_space<hbm>>
    tpu.wait_indirect_dma semaphore(%arg21 : memref<!tpu.dma_semaphore, #tpu.memory_space<semaphore_mem>>) src(%dma_wait3A_440 : memref<10000x128xf32, #tpu.memory_space<hbm>>) dst(%arg15 : memref<80x128xf32, #tpu.memory_space<vmem>>)
    %dma_wait3A_441 = arith.constant 0 : i32
    %dma_wait3A_442 = arith.constant 0 : i32
    %dma_wait3A_443 = tpu.memref_slice %arg7[%dma_wait3A_441, %dma_wait3A_442] : memref<25x80xi32, #tpu.memory_space<vmem>> -> memref<1x80xi32, #tpu.memory_space<vmem>>
    %dma_wait3A_444 = tpu.memref_squeeze %dma_wait3A_443 : memref<1x80xi32, #tpu.memory_space<vmem>> -> memref<80xi32, #tpu.memory_space<vmem>>
    %dma_wait3A_445 = arith.constant 0 : i32
    %dma_wait3A_446 = tpu.memref_slice %arg2[%dma_wait3A_445] : memref<10000xf32, #tpu.memory_space<hbm>> -> memref<10000xf32, #tpu.memory_space<hbm>>
    tpu.wait_indirect_dma semaphore(%arg24 : memref<!tpu.dma_semaphore, #tpu.memory_space<semaphore_mem>>) src(%dma_wait3A_446 : memref<10000xf32, #tpu.memory_space<hbm>>) dst(%arg12 : memref<80xf32, #tpu.memory_space<vmem>>)
    %dma_wait3A_447 = arith.constant 0 : i32
    %dma_wait3A_448 = arith.constant 0 : i32
    %dma_wait3A_449 = tpu.memref_slice %arg7[%dma_wait3A_447, %dma_wait3A_448] : memref<25x80xi32, #tpu.memory_space<vmem>> -> memref<1x80xi32, #tpu.memory_space<vmem>>
    %dma_wait3A_450 = tpu.memref_squeeze %dma_wait3A_449 : memref<1x80xi32, #tpu.memory_space<vmem>> -> memref<80xi32, #tpu.memory_space<vmem>>
    %dma_wait3A_451 = arith.constant 0 : i32
    %dma_wait3A_452 = tpu.memref_slice %arg2[%dma_wait3A_451] : memref<10000xf32, #tpu.memory_space<hbm>> -> memref<10000xf32, #tpu.memory_space<hbm>>
    tpu.wait_indirect_dma semaphore(%arg26 : memref<!tpu.dma_semaphore, #tpu.memory_space<semaphore_mem>>) src(%dma_wait3A_452 : memref<10000xf32, #tpu.memory_space<hbm>>) dst(%arg11 : memref<80xf32, #tpu.memory_space<vmem>>)
    %dma_wait3A_453 = arith.constant 0 : i32
    %dma_wait3A_454 = arith.constant 0 : i32
    %dma_wait3A_455 = tpu.memref_slice %arg7[%dma_wait3A_453, %dma_wait3A_454] : memref<25x80xi32, #tpu.memory_space<vmem>> -> memref<1x80xi32, #tpu.memory_space<vmem>>
    %dma_wait3A_456 = tpu.memref_squeeze %dma_wait3A_455 : memref<1x80xi32, #tpu.memory_space<vmem>> -> memref<80xi32, #tpu.memory_space<vmem>>
    %dma_wait3A_457 = arith.constant 0 : i32
    %dma_wait3A_458 = arith.constant 0 : i32
    %dma_wait3A_459 = tpu.memref_slice %arg4[%dma_wait3A_457, %dma_wait3A_458] : memref<10000x128xf32, #tpu.memory_space<hbm>> -> memref<10000x128xf32, #tpu.memory_space<hbm>>
    tpu.wait_indirect_dma semaphore(%arg29 : memref<!tpu.dma_semaphore, #tpu.memory_space<semaphore_mem>>) src(%dma_wait3A_459 : memref<10000x128xf32, #tpu.memory_space<hbm>>) dst(%arg14 : memref<80x128xf32, #tpu.memory_space<vmem>>)
    %dma_start3A_460 = arith.constant 2 : i32
    %dma_start3A_461 = arith.constant 0 : i32
    %dma_start3A_462 = tpu.memref_slice %arg9[%dma_start3A_460, %dma_start3A_461] : memref<25x80xi32, #tpu.memory_space<vmem>> -> memref<1x80xi32, #tpu.memory_space<vmem>>
    %dma_start3A_463 = tpu.memref_squeeze %dma_start3A_462 : memref<1x80xi32, #tpu.memory_space<vmem>> -> memref<80xi32, #tpu.memory_space<vmem>>
    %dma_start3A_464 = arith.constant 0 : i32
    %dma_start3A_465 = arith.constant 0 : i32
    %dma_start3A_466 = tpu.memref_slice %arg4[%dma_start3A_464, %dma_start3A_465] : memref<10000x128xf32, #tpu.memory_space<hbm>> -> memref<10000x128xf32, #tpu.memory_space<hbm>>
    tpu.enqueue_indirect_dma source(%dma_start3A_466 : memref<10000x128xf32, #tpu.memory_space<hbm>>) target(%arg14 : memref<80x128xf32, #tpu.memory_space<vmem>>) offsets(%dma_start3A_463 : memref<80xi32, #tpu.memory_space<vmem>>) semaphore(%arg20 : memref<!tpu.dma_semaphore, #tpu.memory_space<semaphore_mem>>)
    %dma_start3A_467 = arith.constant 2 : i32
    %dma_start3A_468 = arith.constant 0 : i32
    %dma_start3A_469 = tpu.memref_slice %arg9[%dma_start3A_467, %dma_start3A_468] : memref<25x80xi32, #tpu.memory_space<vmem>> -> memref<1x80xi32, #tpu.memory_space<vmem>>
    %dma_start3A_470 = tpu.memref_squeeze %dma_start3A_469 : memref<1x80xi32, #tpu.memory_space<vmem>> -> memref<80xi32, #tpu.memory_space<vmem>>
    %dma_start3A_471 = arith.constant 0 : i32
    %dma_start3A_472 = tpu.memref_slice %arg2[%dma_start3A_471] : memref<10000xf32, #tpu.memory_space<hbm>> -> memref<10000xf32, #tpu.memory_space<hbm>>
    tpu.enqueue_indirect_dma source(%dma_start3A_472 : memref<10000xf32, #tpu.memory_space<hbm>>) target(%arg11 : memref<80xf32, #tpu.memory_space<vmem>>) offsets(%dma_start3A_470 : memref<80xi32, #tpu.memory_space<vmem>>) semaphore(%arg23 : memref<!tpu.dma_semaphore, #tpu.memory_space<semaphore_mem>>)
    %dma_start3A_473 = arith.constant 0 : i32
    %dma_start3A_474 = arith.constant 0 : i32
    %dma_start3A_475 = tpu.memref_slice %arg10[%dma_start3A_473, %dma_start3A_474] : memref<25x80xi32, #tpu.memory_space<vmem>> -> memref<1x80xi32, #tpu.memory_space<vmem>>
    %dma_start3A_476 = tpu.memref_squeeze %dma_start3A_475 : memref<1x80xi32, #tpu.memory_space<vmem>> -> memref<80xi32, #tpu.memory_space<vmem>>
    %dma_start3A_477 = arith.constant 0 : i32
    %dma_start3A_478 = tpu.memref_slice %arg18[%dma_start3A_477] : memref<10000xf32, #tpu.memory_space<vmem_shared>> -> memref<10000xf32, #tpu.memory_space<vmem_shared>>
    tpu.enqueue_indirect_dma source(%arg12 : memref<80xf32, #tpu.memory_space<vmem>>) target(%dma_start3A_478 : memref<10000xf32, #tpu.memory_space<vmem_shared>>) offsets(%dma_start3A_476 : memref<80xi32, #tpu.memory_space<vmem>>) semaphore(%arg27 : memref<!tpu.dma_semaphore, #tpu.memory_space<semaphore_mem>>) {add = true}
    %dma_start3A_479 = arith.constant 0 : i32
    %dma_start3A_480 = arith.constant 0 : i32
    %dma_start3A_481 = tpu.memref_slice %arg10[%dma_start3A_479, %dma_start3A_480] : memref<25x80xi32, #tpu.memory_space<vmem>> -> memref<1x80xi32, #tpu.memory_space<vmem>>
    %dma_start3A_482 = tpu.memref_squeeze %dma_start3A_481 : memref<1x80xi32, #tpu.memory_space<vmem>> -> memref<80xi32, #tpu.memory_space<vmem>>
    %dma_start3A_483 = arith.constant 0 : i32
    %dma_start3A_484 = arith.constant 0 : i32
    %dma_start3A_485 = tpu.memref_slice %arg19[%dma_start3A_483, %dma_start3A_484] : memref<10000x128xf32, #tpu.memory_space<vmem_shared>> -> memref<10000x128xf32, #tpu.memory_space<vmem_shared>>
    tpu.enqueue_indirect_dma source(%arg15 : memref<80x128xf32, #tpu.memory_space<vmem>>) target(%dma_start3A_485 : memref<10000x128xf32, #tpu.memory_space<vmem_shared>>) offsets(%dma_start3A_482 : memref<80xi32, #tpu.memory_space<vmem>>) semaphore(%arg30 : memref<!tpu.dma_semaphore, #tpu.memory_space<semaphore_mem>>) {add = true}
    %scan3A_486 = arith.constant 0 : i32
    %scan3A_487 = arith.constant 0 : i32
    %scan3A_488 = arith.constant 7 : i32
    %scan3A_489 = arith.addi %scan3A_487, %scan3A_488 : i32
    %scan3A_490 = arith.constant 1 : i32
    %scan3A_491 = scf.for %scan3A_1412 = %scan3A_487 to %scan3A_489 step %scan3A_490 iter_args(%scan3A_1413 = %scan3A_486) -> (i32)  : i32 {
      %mul3A_1414 = arith.constant 3 : i32
      %mul3A_1415 = arith.muli %mul3A_1414, %scan3A_1412 : i32
      %add3A_1416 = arith.constant 1 : i32
      %add3A_1417 = arith.addi %add3A_1416, %mul3A_1415 : i32
      %add3A_1418 = arith.constant 2 : i32
      %add3A_1419 = arith.addi %add3A_1417, %add3A_1418 : i32
      %dma_wait3A_1420 = arith.constant 0 : i32
      %dma_wait3A_1421 = arith.constant 0 : i32
      %dma_wait3A_1422 = tpu.memref_slice %arg7[%dma_wait3A_1420, %dma_wait3A_1421] : memref<25x80xi32, #tpu.memory_space<vmem>> -> memref<1x80xi32, #tpu.memory_space<vmem>>
      %dma_wait3A_1423 = tpu.memref_squeeze %dma_wait3A_1422 : memref<1x80xi32, #tpu.memory_space<vmem>> -> memref<80xi32, #tpu.memory_space<vmem>>
      %dma_wait3A_1424 = arith.constant 0 : i32
      %dma_wait3A_1425 = arith.constant 0 : i32
      %dma_wait3A_1426 = tpu.memref_slice %arg4[%dma_wait3A_1424, %dma_wait3A_1425] : memref<10000x128xf32, #tpu.memory_space<hbm>> -> memref<10000x128xf32, #tpu.memory_space<hbm>>
      tpu.wait_indirect_dma semaphore(%arg22 : memref<!tpu.dma_semaphore, #tpu.memory_space<semaphore_mem>>) src(%dma_wait3A_1426 : memref<10000x128xf32, #tpu.memory_space<hbm>>) dst(%arg16 : memref<80x128xf32, #tpu.memory_space<vmem>>)
      %dma_wait3A_1427 = arith.constant 0 : i32
      %dma_wait3A_1428 = arith.constant 0 : i32
      %dma_wait3A_1429 = tpu.memref_slice %arg7[%dma_wait3A_1427, %dma_wait3A_1428] : memref<25x80xi32, #tpu.memory_space<vmem>> -> memref<1x80xi32, #tpu.memory_space<vmem>>
      %dma_wait3A_1430 = tpu.memref_squeeze %dma_wait3A_1429 : memref<1x80xi32, #tpu.memory_space<vmem>> -> memref<80xi32, #tpu.memory_space<vmem>>
      %dma_wait3A_1431 = arith.constant 0 : i32
      %dma_wait3A_1432 = tpu.memref_slice %arg2[%dma_wait3A_1431] : memref<10000xf32, #tpu.memory_space<hbm>> -> memref<10000xf32, #tpu.memory_space<hbm>>
      tpu.wait_indirect_dma semaphore(%arg25 : memref<!tpu.dma_semaphore, #tpu.memory_space<semaphore_mem>>) src(%dma_wait3A_1432 : memref<10000xf32, #tpu.memory_space<hbm>>) dst(%arg13 : memref<80xf32, #tpu.memory_space<vmem>>)
      %dma_wait3A_1433 = arith.constant 0 : i32
      %dma_wait3A_1434 = arith.constant 0 : i32
      %dma_wait3A_1435 = tpu.memref_slice %arg7[%dma_wait3A_1433, %dma_wait3A_1434] : memref<25x80xi32, #tpu.memory_space<vmem>> -> memref<1x80xi32, #tpu.memory_space<vmem>>
      %dma_wait3A_1436 = tpu.memref_squeeze %dma_wait3A_1435 : memref<1x80xi32, #tpu.memory_space<vmem>> -> memref<80xi32, #tpu.memory_space<vmem>>
      %dma_wait3A_1437 = arith.constant 0 : i32
      %dma_wait3A_1438 = tpu.memref_slice %arg2[%dma_wait3A_1437] : memref<10000xf32, #tpu.memory_space<hbm>> -> memref<10000xf32, #tpu.memory_space<hbm>>
      tpu.wait_indirect_dma semaphore(%arg27 : memref<!tpu.dma_semaphore, #tpu.memory_space<semaphore_mem>>) src(%dma_wait3A_1438 : memref<10000xf32, #tpu.memory_space<hbm>>) dst(%arg12 : memref<80xf32, #tpu.memory_space<vmem>>)
      %dma_wait3A_1439 = arith.constant 0 : i32
      %dma_wait3A_1440 = arith.constant 0 : i32
      %dma_wait3A_1441 = tpu.memref_slice %arg7[%dma_wait3A_1439, %dma_wait3A_1440] : memref<25x80xi32, #tpu.memory_space<vmem>> -> memref<1x80xi32, #tpu.memory_space<vmem>>
      %dma_wait3A_1442 = tpu.memref_squeeze %dma_wait3A_1441 : memref<1x80xi32, #tpu.memory_space<vmem>> -> memref<80xi32, #tpu.memory_space<vmem>>
      %dma_wait3A_1443 = arith.constant 0 : i32
      %dma_wait3A_1444 = arith.constant 0 : i32
      %dma_wait3A_1445 = tpu.memref_slice %arg4[%dma_wait3A_1443, %dma_wait3A_1444] : memref<10000x128xf32, #tpu.memory_space<hbm>> -> memref<10000x128xf32, #tpu.memory_space<hbm>>
      tpu.wait_indirect_dma semaphore(%arg30 : memref<!tpu.dma_semaphore, #tpu.memory_space<semaphore_mem>>) src(%dma_wait3A_1445 : memref<10000x128xf32, #tpu.memory_space<hbm>>) dst(%arg15 : memref<80x128xf32, #tpu.memory_space<vmem>>)
      %dma_start3A_1446 = arith.constant 0 : i32
      %dma_start3A_1447 = tpu.memref_slice %arg9[%add3A_1419, %dma_start3A_1446] : memref<25x80xi32, #tpu.memory_space<vmem>> -> memref<1x80xi32, #tpu.memory_space<vmem>>
      %dma_start3A_1448 = tpu.memref_squeeze %dma_start3A_1447 : memref<1x80xi32, #tpu.memory_space<vmem>> -> memref<80xi32, #tpu.memory_space<vmem>>
      %dma_start3A_1449 = arith.constant 0 : i32
      %dma_start3A_1450 = arith.constant 0 : i32
      %dma_start3A_1451 = tpu.memref_slice %arg4[%dma_start3A_1449, %dma_start3A_1450] : memref<10000x128xf32, #tpu.memory_space<hbm>> -> memref<10000x128xf32, #tpu.memory_space<hbm>>
      tpu.enqueue_indirect_dma source(%dma_start3A_1451 : memref<10000x128xf32, #tpu.memory_space<hbm>>) target(%arg15 : memref<80x128xf32, #tpu.memory_space<vmem>>) offsets(%dma_start3A_1448 : memref<80xi32, #tpu.memory_space<vmem>>) semaphore(%arg21 : memref<!tpu.dma_semaphore, #tpu.memory_space<semaphore_mem>>)
      %dma_start3A_1452 = arith.constant 0 : i32
      %dma_start3A_1453 = tpu.memref_slice %arg9[%add3A_1419, %dma_start3A_1452] : memref<25x80xi32, #tpu.memory_space<vmem>> -> memref<1x80xi32, #tpu.memory_space<vmem>>
      %dma_start3A_1454 = tpu.memref_squeeze %dma_start3A_1453 : memref<1x80xi32, #tpu.memory_space<vmem>> -> memref<80xi32, #tpu.memory_space<vmem>>
      %dma_start3A_1455 = arith.constant 0 : i32
      %dma_start3A_1456 = tpu.memref_slice %arg2[%dma_start3A_1455] : memref<10000xf32, #tpu.memory_space<hbm>> -> memref<10000xf32, #tpu.memory_space<hbm>>
      tpu.enqueue_indirect_dma source(%dma_start3A_1456 : memref<10000xf32, #tpu.memory_space<hbm>>) target(%arg12 : memref<80xf32, #tpu.memory_space<vmem>>) offsets(%dma_start3A_1454 : memref<80xi32, #tpu.memory_space<vmem>>) semaphore(%arg24 : memref<!tpu.dma_semaphore, #tpu.memory_space<semaphore_mem>>)
      %dma_start3A_1457 = arith.constant 0 : i32
      %dma_start3A_1458 = tpu.memref_slice %arg10[%add3A_1417, %dma_start3A_1457] : memref<25x80xi32, #tpu.memory_space<vmem>> -> memref<1x80xi32, #tpu.memory_space<vmem>>
      %dma_start3A_1459 = tpu.memref_squeeze %dma_start3A_1458 : memref<1x80xi32, #tpu.memory_space<vmem>> -> memref<80xi32, #tpu.memory_space<vmem>>
      %dma_start3A_1460 = arith.constant 0 : i32
      %dma_start3A_1461 = tpu.memref_slice %arg18[%dma_start3A_1460] : memref<10000xf32, #tpu.memory_space<vmem_shared>> -> memref<10000xf32, #tpu.memory_space<vmem_shared>>
      tpu.enqueue_indirect_dma source(%arg13 : memref<80xf32, #tpu.memory_space<vmem>>) target(%dma_start3A_1461 : memref<10000xf32, #tpu.memory_space<vmem_shared>>) offsets(%dma_start3A_1459 : memref<80xi32, #tpu.memory_space<vmem>>) semaphore(%arg28 : memref<!tpu.dma_semaphore, #tpu.memory_space<semaphore_mem>>) {add = true}
      %dma_start3A_1462 = arith.constant 0 : i32
      %dma_start3A_1463 = tpu.memref_slice %arg10[%add3A_1417, %dma_start3A_1462] : memref<25x80xi32, #tpu.memory_space<vmem>> -> memref<1x80xi32, #tpu.memory_space<vmem>>
      %dma_start3A_1464 = tpu.memref_squeeze %dma_start3A_1463 : memref<1x80xi32, #tpu.memory_space<vmem>> -> memref<80xi32, #tpu.memory_space<vmem>>
      %dma_start3A_1465 = arith.constant 0 : i32
      %dma_start3A_1466 = arith.constant 0 : i32
      %dma_start3A_1467 = tpu.memref_slice %arg19[%dma_start3A_1465, %dma_start3A_1466] : memref<10000x128xf32, #tpu.memory_space<vmem_shared>> -> memref<10000x128xf32, #tpu.memory_space<vmem_shared>>
      tpu.enqueue_indirect_dma source(%arg16 : memref<80x128xf32, #tpu.memory_space<vmem>>) target(%dma_start3A_1467 : memref<10000x128xf32, #tpu.memory_space<vmem_shared>>) offsets(%dma_start3A_1464 : memref<80xi32, #tpu.memory_space<vmem>>) semaphore(%arg31 : memref<!tpu.dma_semaphore, #tpu.memory_space<semaphore_mem>>) {add = true}
      %add3A_1468 = arith.constant 1 : i32
      %add3A_1469 = arith.addi %add3A_1417, %add3A_1468 : i32
      %add3A_1470 = arith.constant 3 : i32
      %add3A_1471 = arith.addi %add3A_1417, %add3A_1470 : i32
      %dma_wait3A_1472 = arith.constant 0 : i32
      %dma_wait3A_1473 = arith.constant 0 : i32
      %dma_wait3A_1474 = tpu.memref_slice %arg7[%dma_wait3A_1472, %dma_wait3A_1473] : memref<25x80xi32, #tpu.memory_space<vmem>> -> memref<1x80xi32, #tpu.memory_space<vmem>>
      %dma_wait3A_1475 = tpu.memref_squeeze %dma_wait3A_1474 : memref<1x80xi32, #tpu.memory_space<vmem>> -> memref<80xi32, #tpu.memory_space<vmem>>
      %dma_wait3A_1476 = arith.constant 0 : i32
      %dma_wait3A_1477 = arith.constant 0 : i32
      %dma_wait3A_1478 = tpu.memref_slice %arg4[%dma_wait3A_1476, %dma_wait3A_1477] : memref<10000x128xf32, #tpu.memory_space<hbm>> -> memref<10000x128xf32, #tpu.memory_space<hbm>>
      tpu.wait_indirect_dma semaphore(%arg20 : memref<!tpu.dma_semaphore, #tpu.memory_space<semaphore_mem>>) src(%dma_wait3A_1478 : memref<10000x128xf32, #tpu.memory_space<hbm>>) dst(%arg14 : memref<80x128xf32, #tpu.memory_space<vmem>>)
      %dma_wait3A_1479 = arith.constant 0 : i32
      %dma_wait3A_1480 = arith.constant 0 : i32
      %dma_wait3A_1481 = tpu.memref_slice %arg7[%dma_wait3A_1479, %dma_wait3A_1480] : memref<25x80xi32, #tpu.memory_space<vmem>> -> memref<1x80xi32, #tpu.memory_space<vmem>>
      %dma_wait3A_1482 = tpu.memref_squeeze %dma_wait3A_1481 : memref<1x80xi32, #tpu.memory_space<vmem>> -> memref<80xi32, #tpu.memory_space<vmem>>
      %dma_wait3A_1483 = arith.constant 0 : i32
      %dma_wait3A_1484 = tpu.memref_slice %arg2[%dma_wait3A_1483] : memref<10000xf32, #tpu.memory_space<hbm>> -> memref<10000xf32, #tpu.memory_space<hbm>>
      tpu.wait_indirect_dma semaphore(%arg23 : memref<!tpu.dma_semaphore, #tpu.memory_space<semaphore_mem>>) src(%dma_wait3A_1484 : memref<10000xf32, #tpu.memory_space<hbm>>) dst(%arg11 : memref<80xf32, #tpu.memory_space<vmem>>)
      %dma_wait3A_1485 = arith.constant 0 : i32
      %dma_wait3A_1486 = arith.constant 0 : i32
      %dma_wait3A_1487 = tpu.memref_slice %arg7[%dma_wait3A_1485, %dma_wait3A_1486] : memref<25x80xi32, #tpu.memory_space<vmem>> -> memref<1x80xi32, #tpu.memory_space<vmem>>
      %dma_wait3A_1488 = tpu.memref_squeeze %dma_wait3A_1487 : memref<1x80xi32, #tpu.memory_space<vmem>> -> memref<80xi32, #tpu.memory_space<vmem>>
      %dma_wait3A_1489 = arith.constant 0 : i32
      %dma_wait3A_1490 = tpu.memref_slice %arg2[%dma_wait3A_1489] : memref<10000xf32, #tpu.memory_space<hbm>> -> memref<10000xf32, #tpu.memory_space<hbm>>
      tpu.wait_indirect_dma semaphore(%arg28 : memref<!tpu.dma_semaphore, #tpu.memory_space<semaphore_mem>>) src(%dma_wait3A_1490 : memref<10000xf32, #tpu.memory_space<hbm>>) dst(%arg13 : memref<80xf32, #tpu.memory_space<vmem>>)
      %dma_wait3A_1491 = arith.constant 0 : i32
      %dma_wait3A_1492 = arith.constant 0 : i32
      %dma_wait3A_1493 = tpu.memref_slice %arg7[%dma_wait3A_1491, %dma_wait3A_1492] : memref<25x80xi32, #tpu.memory_space<vmem>> -> memref<1x80xi32, #tpu.memory_space<vmem>>
      %dma_wait3A_1494 = tpu.memref_squeeze %dma_wait3A_1493 : memref<1x80xi32, #tpu.memory_space<vmem>> -> memref<80xi32, #tpu.memory_space<vmem>>
      %dma_wait3A_1495 = arith.constant 0 : i32
      %dma_wait3A_1496 = arith.constant 0 : i32
      %dma_wait3A_1497 = tpu.memref_slice %arg4[%dma_wait3A_1495, %dma_wait3A_1496] : memref<10000x128xf32, #tpu.memory_space<hbm>> -> memref<10000x128xf32, #tpu.memory_space<hbm>>
      tpu.wait_indirect_dma semaphore(%arg31 : memref<!tpu.dma_semaphore, #tpu.memory_space<semaphore_mem>>) src(%dma_wait3A_1497 : memref<10000x128xf32, #tpu.memory_space<hbm>>) dst(%arg16 : memref<80x128xf32, #tpu.memory_space<vmem>>)
      %dma_start3A_1498 = arith.constant 0 : i32
      %dma_start3A_1499 = tpu.memref_slice %arg9[%add3A_1471, %dma_start3A_1498] : memref<25x80xi32, #tpu.memory_space<vmem>> -> memref<1x80xi32, #tpu.memory_space<vmem>>
      %dma_start3A_1500 = tpu.memref_squeeze %dma_start3A_1499 : memref<1x80xi32, #tpu.memory_space<vmem>> -> memref<80xi32, #tpu.memory_space<vmem>>
      %dma_start3A_1501 = arith.constant 0 : i32
      %dma_start3A_1502 = arith.constant 0 : i32
      %dma_start3A_1503 = tpu.memref_slice %arg4[%dma_start3A_1501, %dma_start3A_1502] : memref<10000x128xf32, #tpu.memory_space<hbm>> -> memref<10000x128xf32, #tpu.memory_space<hbm>>
      tpu.enqueue_indirect_dma source(%dma_start3A_1503 : memref<10000x128xf32, #tpu.memory_space<hbm>>) target(%arg16 : memref<80x128xf32, #tpu.memory_space<vmem>>) offsets(%dma_start3A_1500 : memref<80xi32, #tpu.memory_space<vmem>>) semaphore(%arg22 : memref<!tpu.dma_semaphore, #tpu.memory_space<semaphore_mem>>)
      %dma_start3A_1504 = arith.constant 0 : i32
      %dma_start3A_1505 = tpu.memref_slice %arg9[%add3A_1471, %dma_start3A_1504] : memref<25x80xi32, #tpu.memory_space<vmem>> -> memref<1x80xi32, #tpu.memory_space<vmem>>
      %dma_start3A_1506 = tpu.memref_squeeze %dma_start3A_1505 : memref<1x80xi32, #tpu.memory_space<vmem>> -> memref<80xi32, #tpu.memory_space<vmem>>
      %dma_start3A_1507 = arith.constant 0 : i32
      %dma_start3A_1508 = tpu.memref_slice %arg2[%dma_start3A_1507] : memref<10000xf32, #tpu.memory_space<hbm>> -> memref<10000xf32, #tpu.memory_space<hbm>>
      tpu.enqueue_indirect_dma source(%dma_start3A_1508 : memref<10000xf32, #tpu.memory_space<hbm>>) target(%arg13 : memref<80xf32, #tpu.memory_space<vmem>>) offsets(%dma_start3A_1506 : memref<80xi32, #tpu.memory_space<vmem>>) semaphore(%arg25 : memref<!tpu.dma_semaphore, #tpu.memory_space<semaphore_mem>>)
      %dma_start3A_1509 = arith.constant 0 : i32
      %dma_start3A_1510 = tpu.memref_slice %arg10[%add3A_1469, %dma_start3A_1509] : memref<25x80xi32, #tpu.memory_space<vmem>> -> memref<1x80xi32, #tpu.memory_space<vmem>>
      %dma_start3A_1511 = tpu.memref_squeeze %dma_start3A_1510 : memref<1x80xi32, #tpu.memory_space<vmem>> -> memref<80xi32, #tpu.memory_space<vmem>>
      %dma_start3A_1512 = arith.constant 0 : i32
      %dma_start3A_1513 = tpu.memref_slice %arg18[%dma_start3A_1512] : memref<10000xf32, #tpu.memory_space<vmem_shared>> -> memref<10000xf32, #tpu.memory_space<vmem_shared>>
      tpu.enqueue_indirect_dma source(%arg11 : memref<80xf32, #tpu.memory_space<vmem>>) target(%dma_start3A_1513 : memref<10000xf32, #tpu.memory_space<vmem_shared>>) offsets(%dma_start3A_1511 : memref<80xi32, #tpu.memory_space<vmem>>) semaphore(%arg26 : memref<!tpu.dma_semaphore, #tpu.memory_space<semaphore_mem>>) {add = true}
      %dma_start3A_1514 = arith.constant 0 : i32
      %dma_start3A_1515 = tpu.memref_slice %arg10[%add3A_1469, %dma_start3A_1514] : memref<25x80xi32, #tpu.memory_space<vmem>> -> memref<1x80xi32, #tpu.memory_space<vmem>>
      %dma_start3A_1516 = tpu.memref_squeeze %dma_start3A_1515 : memref<1x80xi32, #tpu.memory_space<vmem>> -> memref<80xi32, #tpu.memory_space<vmem>>
      %dma_start3A_1517 = arith.constant 0 : i32
      %dma_start3A_1518 = arith.constant 0 : i32
      %dma_start3A_1519 = tpu.memref_slice %arg19[%dma_start3A_1517, %dma_start3A_1518] : memref<10000x128xf32, #tpu.memory_space<vmem_shared>> -> memref<10000x128xf32, #tpu.memory_space<vmem_shared>>
      tpu.enqueue_indirect_dma source(%arg14 : memref<80x128xf32, #tpu.memory_space<vmem>>) target(%dma_start3A_1519 : memref<10000x128xf32, #tpu.memory_space<vmem_shared>>) offsets(%dma_start3A_1516 : memref<80xi32, #tpu.memory_space<vmem>>) semaphore(%arg29 : memref<!tpu.dma_semaphore, #tpu.memory_space<semaphore_mem>>) {add = true}
      %add3A_1520 = arith.constant 2 : i32
      %add3A_1521 = arith.addi %add3A_1417, %add3A_1520 : i32
      %add3A_1522 = arith.constant 4 : i32
      %add3A_1523 = arith.addi %add3A_1417, %add3A_1522 : i32
      %dma_wait3A_1524 = arith.constant 0 : i32
      %dma_wait3A_1525 = arith.constant 0 : i32
      %dma_wait3A_1526 = tpu.memref_slice %arg7[%dma_wait3A_1524, %dma_wait3A_1525] : memref<25x80xi32, #tpu.memory_space<vmem>> -> memref<1x80xi32, #tpu.memory_space<vmem>>
      %dma_wait3A_1527 = tpu.memref_squeeze %dma_wait3A_1526 : memref<1x80xi32, #tpu.memory_space<vmem>> -> memref<80xi32, #tpu.memory_space<vmem>>
      %dma_wait3A_1528 = arith.constant 0 : i32
      %dma_wait3A_1529 = arith.constant 0 : i32
      %dma_wait3A_1530 = tpu.memref_slice %arg4[%dma_wait3A_1528, %dma_wait3A_1529] : memref<10000x128xf32, #tpu.memory_space<hbm>> -> memref<10000x128xf32, #tpu.memory_space<hbm>>
      tpu.wait_indirect_dma semaphore(%arg21 : memref<!tpu.dma_semaphore, #tpu.memory_space<semaphore_mem>>) src(%dma_wait3A_1530 : memref<10000x128xf32, #tpu.memory_space<hbm>>) dst(%arg15 : memref<80x128xf32, #tpu.memory_space<vmem>>)
      %dma_wait3A_1531 = arith.constant 0 : i32
      %dma_wait3A_1532 = arith.constant 0 : i32
      %dma_wait3A_1533 = tpu.memref_slice %arg7[%dma_wait3A_1531, %dma_wait3A_1532] : memref<25x80xi32, #tpu.memory_space<vmem>> -> memref<1x80xi32, #tpu.memory_space<vmem>>
      %dma_wait3A_1534 = tpu.memref_squeeze %dma_wait3A_1533 : memref<1x80xi32, #tpu.memory_space<vmem>> -> memref<80xi32, #tpu.memory_space<vmem>>
      %dma_wait3A_1535 = arith.constant 0 : i32
      %dma_wait3A_1536 = tpu.memref_slice %arg2[%dma_wait3A_1535] : memref<10000xf32, #tpu.memory_space<hbm>> -> memref<10000xf32, #tpu.memory_space<hbm>>
      tpu.wait_indirect_dma semaphore(%arg24 : memref<!tpu.dma_semaphore, #tpu.memory_space<semaphore_mem>>) src(%dma_wait3A_1536 : memref<10000xf32, #tpu.memory_space<hbm>>) dst(%arg12 : memref<80xf32, #tpu.memory_space<vmem>>)
      %dma_wait3A_1537 = arith.constant 0 : i32
      %dma_wait3A_1538 = arith.constant 0 : i32
      %dma_wait3A_1539 = tpu.memref_slice %arg7[%dma_wait3A_1537, %dma_wait3A_1538] : memref<25x80xi32, #tpu.memory_space<vmem>> -> memref<1x80xi32, #tpu.memory_space<vmem>>
      %dma_wait3A_1540 = tpu.memref_squeeze %dma_wait3A_1539 : memref<1x80xi32, #tpu.memory_space<vmem>> -> memref<80xi32, #tpu.memory_space<vmem>>
      %dma_wait3A_1541 = arith.constant 0 : i32
      %dma_wait3A_1542 = tpu.memref_slice %arg2[%dma_wait3A_1541] : memref<10000xf32, #tpu.memory_space<hbm>> -> memref<10000xf32, #tpu.memory_space<hbm>>
      tpu.wait_indirect_dma semaphore(%arg26 : memref<!tpu.dma_semaphore, #tpu.memory_space<semaphore_mem>>) src(%dma_wait3A_1542 : memref<10000xf32, #tpu.memory_space<hbm>>) dst(%arg11 : memref<80xf32, #tpu.memory_space<vmem>>)
      %dma_wait3A_1543 = arith.constant 0 : i32
      %dma_wait3A_1544 = arith.constant 0 : i32
      %dma_wait3A_1545 = tpu.memref_slice %arg7[%dma_wait3A_1543, %dma_wait3A_1544] : memref<25x80xi32, #tpu.memory_space<vmem>> -> memref<1x80xi32, #tpu.memory_space<vmem>>
      %dma_wait3A_1546 = tpu.memref_squeeze %dma_wait3A_1545 : memref<1x80xi32, #tpu.memory_space<vmem>> -> memref<80xi32, #tpu.memory_space<vmem>>
      %dma_wait3A_1547 = arith.constant 0 : i32
      %dma_wait3A_1548 = arith.constant 0 : i32
      %dma_wait3A_1549 = tpu.memref_slice %arg4[%dma_wait3A_1547, %dma_wait3A_1548] : memref<10000x128xf32, #tpu.memory_space<hbm>> -> memref<10000x128xf32, #tpu.memory_space<hbm>>
      tpu.wait_indirect_dma semaphore(%arg29 : memref<!tpu.dma_semaphore, #tpu.memory_space<semaphore_mem>>) src(%dma_wait3A_1549 : memref<10000x128xf32, #tpu.memory_space<hbm>>) dst(%arg14 : memref<80x128xf32, #tpu.memory_space<vmem>>)
      %dma_start3A_1550 = arith.constant 0 : i32
      %dma_start3A_1551 = tpu.memref_slice %arg9[%add3A_1523, %dma_start3A_1550] : memref<25x80xi32, #tpu.memory_space<vmem>> -> memref<1x80xi32, #tpu.memory_space<vmem>>
      %dma_start3A_1552 = tpu.memref_squeeze %dma_start3A_1551 : memref<1x80xi32, #tpu.memory_space<vmem>> -> memref<80xi32, #tpu.memory_space<vmem>>
      %dma_start3A_1553 = arith.constant 0 : i32
      %dma_start3A_1554 = arith.constant 0 : i32
      %dma_start3A_1555 = tpu.memref_slice %arg4[%dma_start3A_1553, %dma_start3A_1554] : memref<10000x128xf32, #tpu.memory_space<hbm>> -> memref<10000x128xf32, #tpu.memory_space<hbm>>
      tpu.enqueue_indirect_dma source(%dma_start3A_1555 : memref<10000x128xf32, #tpu.memory_space<hbm>>) target(%arg14 : memref<80x128xf32, #tpu.memory_space<vmem>>) offsets(%dma_start3A_1552 : memref<80xi32, #tpu.memory_space<vmem>>) semaphore(%arg20 : memref<!tpu.dma_semaphore, #tpu.memory_space<semaphore_mem>>)
      %dma_start3A_1556 = arith.constant 0 : i32
      %dma_start3A_1557 = tpu.memref_slice %arg9[%add3A_1523, %dma_start3A_1556] : memref<25x80xi32, #tpu.memory_space<vmem>> -> memref<1x80xi32, #tpu.memory_space<vmem>>
      %dma_start3A_1558 = tpu.memref_squeeze %dma_start3A_1557 : memref<1x80xi32, #tpu.memory_space<vmem>> -> memref<80xi32, #tpu.memory_space<vmem>>
      %dma_start3A_1559 = arith.constant 0 : i32
      %dma_start3A_1560 = tpu.memref_slice %arg2[%dma_start3A_1559] : memref<10000xf32, #tpu.memory_space<hbm>> -> memref<10000xf32, #tpu.memory_space<hbm>>
      tpu.enqueue_indirect_dma source(%dma_start3A_1560 : memref<10000xf32, #tpu.memory_space<hbm>>) target(%arg11 : memref<80xf32, #tpu.memory_space<vmem>>) offsets(%dma_start3A_1558 : memref<80xi32, #tpu.memory_space<vmem>>) semaphore(%arg23 : memref<!tpu.dma_semaphore, #tpu.memory_space<semaphore_mem>>)
      %dma_start3A_1561 = arith.constant 0 : i32
      %dma_start3A_1562 = tpu.memref_slice %arg10[%add3A_1521, %dma_start3A_1561] : memref<25x80xi32, #tpu.memory_space<vmem>> -> memref<1x80xi32, #tpu.memory_space<vmem>>
      %dma_start3A_1563 = tpu.memref_squeeze %dma_start3A_1562 : memref<1x80xi32, #tpu.memory_space<vmem>> -> memref<80xi32, #tpu.memory_space<vmem>>
      %dma_start3A_1564 = arith.constant 0 : i32
      %dma_start3A_1565 = tpu.memref_slice %arg18[%dma_start3A_1564] : memref<10000xf32, #tpu.memory_space<vmem_shared>> -> memref<10000xf32, #tpu.memory_space<vmem_shared>>
      tpu.enqueue_indirect_dma source(%arg12 : memref<80xf32, #tpu.memory_space<vmem>>) target(%dma_start3A_1565 : memref<10000xf32, #tpu.memory_space<vmem_shared>>) offsets(%dma_start3A_1563 : memref<80xi32, #tpu.memory_space<vmem>>) semaphore(%arg27 : memref<!tpu.dma_semaphore, #tpu.memory_space<semaphore_mem>>) {add = true}
      %dma_start3A_1566 = arith.constant 0 : i32
      %dma_start3A_1567 = tpu.memref_slice %arg10[%add3A_1521, %dma_start3A_1566] : memref<25x80xi32, #tpu.memory_space<vmem>> -> memref<1x80xi32, #tpu.memory_space<vmem>>
      %dma_start3A_1568 = tpu.memref_squeeze %dma_start3A_1567 : memref<1x80xi32, #tpu.memory_space<vmem>> -> memref<80xi32, #tpu.memory_space<vmem>>
      %dma_start3A_1569 = arith.constant 0 : i32
      %dma_start3A_1570 = arith.constant 0 : i32
      %dma_start3A_1571 = tpu.memref_slice %arg19[%dma_start3A_1569, %dma_start3A_1570] : memref<10000x128xf32, #tpu.memory_space<vmem_shared>> -> memref<10000x128xf32, #tpu.memory_space<vmem_shared>>
      tpu.enqueue_indirect_dma source(%arg15 : memref<80x128xf32, #tpu.memory_space<vmem>>) target(%dma_start3A_1571 : memref<10000x128xf32, #tpu.memory_space<vmem_shared>>) offsets(%dma_start3A_1568 : memref<80xi32, #tpu.memory_space<vmem>>) semaphore(%arg30 : memref<!tpu.dma_semaphore, #tpu.memory_space<semaphore_mem>>) {add = true}
      %scan3A_1572 = arith.constant 0 : i32
      scf.yield %scan3A_1572 : i32
    }
    %scan3A_492 = arith.constant 7 : i32
    %dma_wait3A_493 = arith.constant 0 : i32
    %dma_wait3A_494 = arith.constant 0 : i32
    %dma_wait3A_495 = tpu.memref_slice %arg7[%dma_wait3A_493, %dma_wait3A_494] : memref<25x80xi32, #tpu.memory_space<vmem>> -> memref<1x80xi32, #tpu.memory_space<vmem>>
    %dma_wait3A_496 = tpu.memref_squeeze %dma_wait3A_495 : memref<1x80xi32, #tpu.memory_space<vmem>> -> memref<80xi32, #tpu.memory_space<vmem>>
    %dma_wait3A_497 = arith.constant 0 : i32
    %dma_wait3A_498 = arith.constant 0 : i32
    %dma_wait3A_499 = tpu.memref_slice %arg4[%dma_wait3A_497, %dma_wait3A_498] : memref<10000x128xf32, #tpu.memory_space<hbm>> -> memref<10000x128xf32, #tpu.memory_space<hbm>>
    tpu.wait_indirect_dma semaphore(%arg22 : memref<!tpu.dma_semaphore, #tpu.memory_space<semaphore_mem>>) src(%dma_wait3A_499 : memref<10000x128xf32, #tpu.memory_space<hbm>>) dst(%arg16 : memref<80x128xf32, #tpu.memory_space<vmem>>)
    %dma_wait3A_500 = arith.constant 0 : i32
    %dma_wait3A_501 = arith.constant 0 : i32
    %dma_wait3A_502 = tpu.memref_slice %arg7[%dma_wait3A_500, %dma_wait3A_501] : memref<25x80xi32, #tpu.memory_space<vmem>> -> memref<1x80xi32, #tpu.memory_space<vmem>>
    %dma_wait3A_503 = tpu.memref_squeeze %dma_wait3A_502 : memref<1x80xi32, #tpu.memory_space<vmem>> -> memref<80xi32, #tpu.memory_space<vmem>>
    %dma_wait3A_504 = arith.constant 0 : i32
    %dma_wait3A_505 = tpu.memref_slice %arg2[%dma_wait3A_504] : memref<10000xf32, #tpu.memory_space<hbm>> -> memref<10000xf32, #tpu.memory_space<hbm>>
    tpu.wait_indirect_dma semaphore(%arg25 : memref<!tpu.dma_semaphore, #tpu.memory_space<semaphore_mem>>) src(%dma_wait3A_505 : memref<10000xf32, #tpu.memory_space<hbm>>) dst(%arg13 : memref<80xf32, #tpu.memory_space<vmem>>)
    %dma_wait3A_506 = arith.constant 0 : i32
    %dma_wait3A_507 = arith.constant 0 : i32
    %dma_wait3A_508 = tpu.memref_slice %arg7[%dma_wait3A_506, %dma_wait3A_507] : memref<25x80xi32, #tpu.memory_space<vmem>> -> memref<1x80xi32, #tpu.memory_space<vmem>>
    %dma_wait3A_509 = tpu.memref_squeeze %dma_wait3A_508 : memref<1x80xi32, #tpu.memory_space<vmem>> -> memref<80xi32, #tpu.memory_space<vmem>>
    %dma_wait3A_510 = arith.constant 0 : i32
    %dma_wait3A_511 = tpu.memref_slice %arg2[%dma_wait3A_510] : memref<10000xf32, #tpu.memory_space<hbm>> -> memref<10000xf32, #tpu.memory_space<hbm>>
    tpu.wait_indirect_dma semaphore(%arg27 : memref<!tpu.dma_semaphore, #tpu.memory_space<semaphore_mem>>) src(%dma_wait3A_511 : memref<10000xf32, #tpu.memory_space<hbm>>) dst(%arg12 : memref<80xf32, #tpu.memory_space<vmem>>)
    %dma_wait3A_512 = arith.constant 0 : i32
    %dma_wait3A_513 = arith.constant 0 : i32
    %dma_wait3A_514 = tpu.memref_slice %arg7[%dma_wait3A_512, %dma_wait3A_513] : memref<25x80xi32, #tpu.memory_space<vmem>> -> memref<1x80xi32, #tpu.memory_space<vmem>>
    %dma_wait3A_515 = tpu.memref_squeeze %dma_wait3A_514 : memref<1x80xi32, #tpu.memory_space<vmem>> -> memref<80xi32, #tpu.memory_space<vmem>>
    %dma_wait3A_516 = arith.constant 0 : i32
    %dma_wait3A_517 = arith.constant 0 : i32
    %dma_wait3A_518 = tpu.memref_slice %arg4[%dma_wait3A_516, %dma_wait3A_517] : memref<10000x128xf32, #tpu.memory_space<hbm>> -> memref<10000x128xf32, #tpu.memory_space<hbm>>
    tpu.wait_indirect_dma semaphore(%arg30 : memref<!tpu.dma_semaphore, #tpu.memory_space<semaphore_mem>>) src(%dma_wait3A_518 : memref<10000x128xf32, #tpu.memory_space<hbm>>) dst(%arg15 : memref<80x128xf32, #tpu.memory_space<vmem>>)
    %dma_start3A_519 = arith.constant 24 : i32
    %dma_start3A_520 = arith.constant 0 : i32
    %dma_start3A_521 = tpu.memref_slice %arg9[%dma_start3A_519, %dma_start3A_520] : memref<25x80xi32, #tpu.memory_space<vmem>> -> memref<1x80xi32, #tpu.memory_space<vmem>>
    %dma_start3A_522 = tpu.memref_squeeze %dma_start3A_521 : memref<1x80xi32, #tpu.memory_space<vmem>> -> memref<80xi32, #tpu.memory_space<vmem>>
    %dma_start3A_523 = arith.constant 0 : i32
    %dma_start3A_524 = arith.constant 0 : i32
    %dma_start3A_525 = tpu.memref_slice %arg4[%dma_start3A_523, %dma_start3A_524] : memref<10000x128xf32, #tpu.memory_space<hbm>> -> memref<10000x128xf32, #tpu.memory_space<hbm>>
    tpu.enqueue_indirect_dma source(%dma_start3A_525 : memref<10000x128xf32, #tpu.memory_space<hbm>>) target(%arg15 : memref<80x128xf32, #tpu.memory_space<vmem>>) offsets(%dma_start3A_522 : memref<80xi32, #tpu.memory_space<vmem>>) semaphore(%arg21 : memref<!tpu.dma_semaphore, #tpu.memory_space<semaphore_mem>>)
    %dma_start3A_526 = arith.constant 24 : i32
    %dma_start3A_527 = arith.constant 0 : i32
    %dma_start3A_528 = tpu.memref_slice %arg9[%dma_start3A_526, %dma_start3A_527] : memref<25x80xi32, #tpu.memory_space<vmem>> -> memref<1x80xi32, #tpu.memory_space<vmem>>
    %dma_start3A_529 = tpu.memref_squeeze %dma_start3A_528 : memref<1x80xi32, #tpu.memory_space<vmem>> -> memref<80xi32, #tpu.memory_space<vmem>>
    %dma_start3A_530 = arith.constant 0 : i32
    %dma_start3A_531 = tpu.memref_slice %arg2[%dma_start3A_530] : memref<10000xf32, #tpu.memory_space<hbm>> -> memref<10000xf32, #tpu.memory_space<hbm>>
    tpu.enqueue_indirect_dma source(%dma_start3A_531 : memref<10000xf32, #tpu.memory_space<hbm>>) target(%arg12 : memref<80xf32, #tpu.memory_space<vmem>>) offsets(%dma_start3A_529 : memref<80xi32, #tpu.memory_space<vmem>>) semaphore(%arg24 : memref<!tpu.dma_semaphore, #tpu.memory_space<semaphore_mem>>)
    %dma_start3A_532 = arith.constant 22 : i32
    %dma_start3A_533 = arith.constant 0 : i32
    %dma_start3A_534 = tpu.memref_slice %arg10[%dma_start3A_532, %dma_start3A_533] : memref<25x80xi32, #tpu.memory_space<vmem>> -> memref<1x80xi32, #tpu.memory_space<vmem>>
    %dma_start3A_535 = tpu.memref_squeeze %dma_start3A_534 : memref<1x80xi32, #tpu.memory_space<vmem>> -> memref<80xi32, #tpu.memory_space<vmem>>
    %dma_start3A_536 = arith.constant 0 : i32
    %dma_start3A_537 = tpu.memref_slice %arg18[%dma_start3A_536] : memref<10000xf32, #tpu.memory_space<vmem_shared>> -> memref<10000xf32, #tpu.memory_space<vmem_shared>>
    tpu.enqueue_indirect_dma source(%arg13 : memref<80xf32, #tpu.memory_space<vmem>>) target(%dma_start3A_537 : memref<10000xf32, #tpu.memory_space<vmem_shared>>) offsets(%dma_start3A_535 : memref<80xi32, #tpu.memory_space<vmem>>) semaphore(%arg28 : memref<!tpu.dma_semaphore, #tpu.memory_space<semaphore_mem>>) {add = true}
    %dma_start3A_538 = arith.constant 22 : i32
    %dma_start3A_539 = arith.constant 0 : i32
    %dma_start3A_540 = tpu.memref_slice %arg10[%dma_start3A_538, %dma_start3A_539] : memref<25x80xi32, #tpu.memory_space<vmem>> -> memref<1x80xi32, #tpu.memory_space<vmem>>
    %dma_start3A_541 = tpu.memref_squeeze %dma_start3A_540 : memref<1x80xi32, #tpu.memory_space<vmem>> -> memref<80xi32, #tpu.memory_space<vmem>>
    %dma_start3A_542 = arith.constant 0 : i32
    %dma_start3A_543 = arith.constant 0 : i32
    %dma_start3A_544 = tpu.memref_slice %arg19[%dma_start3A_542, %dma_start3A_543] : memref<10000x128xf32, #tpu.memory_space<vmem_shared>> -> memref<10000x128xf32, #tpu.memory_space<vmem_shared>>
    tpu.enqueue_indirect_dma source(%arg16 : memref<80x128xf32, #tpu.memory_space<vmem>>) target(%dma_start3A_544 : memref<10000x128xf32, #tpu.memory_space<vmem_shared>>) offsets(%dma_start3A_541 : memref<80xi32, #tpu.memory_space<vmem>>) semaphore(%arg31 : memref<!tpu.dma_semaphore, #tpu.memory_space<semaphore_mem>>) {add = true}
    %dma_wait3A_545 = arith.constant 0 : i32
    %dma_wait3A_546 = arith.constant 0 : i32
    %dma_wait3A_547 = tpu.memref_slice %arg7[%dma_wait3A_545, %dma_wait3A_546] : memref<25x80xi32, #tpu.memory_space<vmem>> -> memref<1x80xi32, #tpu.memory_space<vmem>>
    %dma_wait3A_548 = tpu.memref_squeeze %dma_wait3A_547 : memref<1x80xi32, #tpu.memory_space<vmem>> -> memref<80xi32, #tpu.memory_space<vmem>>
    %dma_wait3A_549 = arith.constant 0 : i32
    %dma_wait3A_550 = arith.constant 0 : i32
    %dma_wait3A_551 = tpu.memref_slice %arg4[%dma_wait3A_549, %dma_wait3A_550] : memref<10000x128xf32, #tpu.memory_space<hbm>> -> memref<10000x128xf32, #tpu.memory_space<hbm>>
    tpu.wait_indirect_dma semaphore(%arg20 : memref<!tpu.dma_semaphore, #tpu.memory_space<semaphore_mem>>) src(%dma_wait3A_551 : memref<10000x128xf32, #tpu.memory_space<hbm>>) dst(%arg14 : memref<80x128xf32, #tpu.memory_space<vmem>>)
    %dma_wait3A_552 = arith.constant 0 : i32
    %dma_wait3A_553 = arith.constant 0 : i32
    %dma_wait3A_554 = tpu.memref_slice %arg7[%dma_wait3A_552, %dma_wait3A_553] : memref<25x80xi32, #tpu.memory_space<vmem>> -> memref<1x80xi32, #tpu.memory_space<vmem>>
    %dma_wait3A_555 = tpu.memref_squeeze %dma_wait3A_554 : memref<1x80xi32, #tpu.memory_space<vmem>> -> memref<80xi32, #tpu.memory_space<vmem>>
    %dma_wait3A_556 = arith.constant 0 : i32
    %dma_wait3A_557 = tpu.memref_slice %arg2[%dma_wait3A_556] : memref<10000xf32, #tpu.memory_space<hbm>> -> memref<10000xf32, #tpu.memory_space<hbm>>
    tpu.wait_indirect_dma semaphore(%arg23 : memref<!tpu.dma_semaphore, #tpu.memory_space<semaphore_mem>>) src(%dma_wait3A_557 : memref<10000xf32, #tpu.memory_space<hbm>>) dst(%arg11 : memref<80xf32, #tpu.memory_space<vmem>>)
    %dma_wait3A_558 = arith.constant 0 : i32
    %dma_wait3A_559 = arith.constant 0 : i32
    %dma_wait3A_560 = tpu.memref_slice %arg7[%dma_wait3A_558, %dma_wait3A_559] : memref<25x80xi32, #tpu.memory_space<vmem>> -> memref<1x80xi32, #tpu.memory_space<vmem>>
    %dma_wait3A_561 = tpu.memref_squeeze %dma_wait3A_560 : memref<1x80xi32, #tpu.memory_space<vmem>> -> memref<80xi32, #tpu.memory_space<vmem>>
    %dma_wait3A_562 = arith.constant 0 : i32
    %dma_wait3A_563 = tpu.memref_slice %arg2[%dma_wait3A_562] : memref<10000xf32, #tpu.memory_space<hbm>> -> memref<10000xf32, #tpu.memory_space<hbm>>
    tpu.wait_indirect_dma semaphore(%arg28 : memref<!tpu.dma_semaphore, #tpu.memory_space<semaphore_mem>>) src(%dma_wait3A_563 : memref<10000xf32, #tpu.memory_space<hbm>>) dst(%arg13 : memref<80xf32, #tpu.memory_space<vmem>>)
    %dma_wait3A_564 = arith.constant 0 : i32
    %dma_wait3A_565 = arith.constant 0 : i32
    %dma_wait3A_566 = tpu.memref_slice %arg7[%dma_wait3A_564, %dma_wait3A_565] : memref<25x80xi32, #tpu.memory_space<vmem>> -> memref<1x80xi32, #tpu.memory_space<vmem>>
    %dma_wait3A_567 = tpu.memref_squeeze %dma_wait3A_566 : memref<1x80xi32, #tpu.memory_space<vmem>> -> memref<80xi32, #tpu.memory_space<vmem>>
    %dma_wait3A_568 = arith.constant 0 : i32
    %dma_wait3A_569 = arith.constant 0 : i32
    %dma_wait3A_570 = tpu.memref_slice %arg4[%dma_wait3A_568, %dma_wait3A_569] : memref<10000x128xf32, #tpu.memory_space<hbm>> -> memref<10000x128xf32, #tpu.memory_space<hbm>>
    tpu.wait_indirect_dma semaphore(%arg31 : memref<!tpu.dma_semaphore, #tpu.memory_space<semaphore_mem>>) src(%dma_wait3A_570 : memref<10000x128xf32, #tpu.memory_space<hbm>>) dst(%arg16 : memref<80x128xf32, #tpu.memory_space<vmem>>)
    %dma_start3A_571 = arith.constant 0 : i32
    %dma_start3A_572 = arith.constant 0 : i32
    %dma_start3A_573 = tpu.memref_slice %arg7[%dma_start3A_571, %dma_start3A_572] : memref<25x80xi32, #tpu.memory_space<vmem>> -> memref<1x80xi32, #tpu.memory_space<vmem>>
    %dma_start3A_574 = tpu.memref_squeeze %dma_start3A_573 : memref<1x80xi32, #tpu.memory_space<vmem>> -> memref<80xi32, #tpu.memory_space<vmem>>
    %dma_start3A_575 = arith.constant 0 : i32
    %dma_start3A_576 = arith.constant 0 : i32
    %dma_start3A_577 = tpu.memref_slice %arg4[%dma_start3A_575, %dma_start3A_576] : memref<10000x128xf32, #tpu.memory_space<hbm>> -> memref<10000x128xf32, #tpu.memory_space<hbm>>
    tpu.enqueue_indirect_dma source(%dma_start3A_577 : memref<10000x128xf32, #tpu.memory_space<hbm>>) target(%arg16 : memref<80x128xf32, #tpu.memory_space<vmem>>) offsets(%dma_start3A_574 : memref<80xi32, #tpu.memory_space<vmem>>) semaphore(%arg22 : memref<!tpu.dma_semaphore, #tpu.memory_space<semaphore_mem>>)
    %dma_start3A_578 = arith.constant 0 : i32
    %dma_start3A_579 = arith.constant 0 : i32
    %dma_start3A_580 = tpu.memref_slice %arg7[%dma_start3A_578, %dma_start3A_579] : memref<25x80xi32, #tpu.memory_space<vmem>> -> memref<1x80xi32, #tpu.memory_space<vmem>>
    %dma_start3A_581 = tpu.memref_squeeze %dma_start3A_580 : memref<1x80xi32, #tpu.memory_space<vmem>> -> memref<80xi32, #tpu.memory_space<vmem>>
    %dma_start3A_582 = arith.constant 0 : i32
    %dma_start3A_583 = tpu.memref_slice %arg2[%dma_start3A_582] : memref<10000xf32, #tpu.memory_space<hbm>> -> memref<10000xf32, #tpu.memory_space<hbm>>
    tpu.enqueue_indirect_dma source(%dma_start3A_583 : memref<10000xf32, #tpu.memory_space<hbm>>) target(%arg13 : memref<80xf32, #tpu.memory_space<vmem>>) offsets(%dma_start3A_581 : memref<80xi32, #tpu.memory_space<vmem>>) semaphore(%arg25 : memref<!tpu.dma_semaphore, #tpu.memory_space<semaphore_mem>>)
    %dma_start3A_584 = arith.constant 23 : i32
    %dma_start3A_585 = arith.constant 0 : i32
    %dma_start3A_586 = tpu.memref_slice %arg10[%dma_start3A_584, %dma_start3A_585] : memref<25x80xi32, #tpu.memory_space<vmem>> -> memref<1x80xi32, #tpu.memory_space<vmem>>
    %dma_start3A_587 = tpu.memref_squeeze %dma_start3A_586 : memref<1x80xi32, #tpu.memory_space<vmem>> -> memref<80xi32, #tpu.memory_space<vmem>>
    %dma_start3A_588 = arith.constant 0 : i32
    %dma_start3A_589 = tpu.memref_slice %arg18[%dma_start3A_588] : memref<10000xf32, #tpu.memory_space<vmem_shared>> -> memref<10000xf32, #tpu.memory_space<vmem_shared>>
    tpu.enqueue_indirect_dma source(%arg11 : memref<80xf32, #tpu.memory_space<vmem>>) target(%dma_start3A_589 : memref<10000xf32, #tpu.memory_space<vmem_shared>>) offsets(%dma_start3A_587 : memref<80xi32, #tpu.memory_space<vmem>>) semaphore(%arg26 : memref<!tpu.dma_semaphore, #tpu.memory_space<semaphore_mem>>) {add = true}
    %dma_start3A_590 = arith.constant 23 : i32
    %dma_start3A_591 = arith.constant 0 : i32
    %dma_start3A_592 = tpu.memref_slice %arg10[%dma_start3A_590, %dma_start3A_591] : memref<25x80xi32, #tpu.memory_space<vmem>> -> memref<1x80xi32, #tpu.memory_space<vmem>>
    %dma_start3A_593 = tpu.memref_squeeze %dma_start3A_592 : memref<1x80xi32, #tpu.memory_space<vmem>> -> memref<80xi32, #tpu.memory_space<vmem>>
    %dma_start3A_594 = arith.constant 0 : i32
    %dma_start3A_595 = arith.constant 0 : i32
    %dma_start3A_596 = tpu.memref_slice %arg19[%dma_start3A_594, %dma_start3A_595] : memref<10000x128xf32, #tpu.memory_space<vmem_shared>> -> memref<10000x128xf32, #tpu.memory_space<vmem_shared>>
    tpu.enqueue_indirect_dma source(%arg14 : memref<80x128xf32, #tpu.memory_space<vmem>>) target(%dma_start3A_596 : memref<10000x128xf32, #tpu.memory_space<vmem_shared>>) offsets(%dma_start3A_593 : memref<80xi32, #tpu.memory_space<vmem>>) semaphore(%arg29 : memref<!tpu.dma_semaphore, #tpu.memory_space<semaphore_mem>>) {add = true}
    %dma_wait3A_597 = arith.constant 0 : i32
    %dma_wait3A_598 = arith.constant 0 : i32
    %dma_wait3A_599 = tpu.memref_slice %arg7[%dma_wait3A_597, %dma_wait3A_598] : memref<25x80xi32, #tpu.memory_space<vmem>> -> memref<1x80xi32, #tpu.memory_space<vmem>>
    %dma_wait3A_600 = tpu.memref_squeeze %dma_wait3A_599 : memref<1x80xi32, #tpu.memory_space<vmem>> -> memref<80xi32, #tpu.memory_space<vmem>>
    %dma_wait3A_601 = arith.constant 0 : i32
    %dma_wait3A_602 = arith.constant 0 : i32
    %dma_wait3A_603 = tpu.memref_slice %arg4[%dma_wait3A_601, %dma_wait3A_602] : memref<10000x128xf32, #tpu.memory_space<hbm>> -> memref<10000x128xf32, #tpu.memory_space<hbm>>
    tpu.wait_indirect_dma semaphore(%arg21 : memref<!tpu.dma_semaphore, #tpu.memory_space<semaphore_mem>>) src(%dma_wait3A_603 : memref<10000x128xf32, #tpu.memory_space<hbm>>) dst(%arg15 : memref<80x128xf32, #tpu.memory_space<vmem>>)
    %dma_wait3A_604 = arith.constant 0 : i32
    %dma_wait3A_605 = arith.constant 0 : i32
    %dma_wait3A_606 = tpu.memref_slice %arg7[%dma_wait3A_604, %dma_wait3A_605] : memref<25x80xi32, #tpu.memory_space<vmem>> -> memref<1x80xi32, #tpu.memory_space<vmem>>
    %dma_wait3A_607 = tpu.memref_squeeze %dma_wait3A_606 : memref<1x80xi32, #tpu.memory_space<vmem>> -> memref<80xi32, #tpu.memory_space<vmem>>
    %dma_wait3A_608 = arith.constant 0 : i32
    %dma_wait3A_609 = tpu.memref_slice %arg2[%dma_wait3A_608] : memref<10000xf32, #tpu.memory_space<hbm>> -> memref<10000xf32, #tpu.memory_space<hbm>>
    tpu.wait_indirect_dma semaphore(%arg24 : memref<!tpu.dma_semaphore, #tpu.memory_space<semaphore_mem>>) src(%dma_wait3A_609 : memref<10000xf32, #tpu.memory_space<hbm>>) dst(%arg12 : memref<80xf32, #tpu.memory_space<vmem>>)
    %dma_wait3A_610 = arith.constant 0 : i32
    %dma_wait3A_611 = arith.constant 0 : i32
    %dma_wait3A_612 = tpu.memref_slice %arg7[%dma_wait3A_610, %dma_wait3A_611] : memref<25x80xi32, #tpu.memory_space<vmem>> -> memref<1x80xi32, #tpu.memory_space<vmem>>
    %dma_wait3A_613 = tpu.memref_squeeze %dma_wait3A_612 : memref<1x80xi32, #tpu.memory_space<vmem>> -> memref<80xi32, #tpu.memory_space<vmem>>
    %dma_wait3A_614 = arith.constant 0 : i32
    %dma_wait3A_615 = tpu.memref_slice %arg2[%dma_wait3A_614] : memref<10000xf32, #tpu.memory_space<hbm>> -> memref<10000xf32, #tpu.memory_space<hbm>>
    tpu.wait_indirect_dma semaphore(%arg26 : memref<!tpu.dma_semaphore, #tpu.memory_space<semaphore_mem>>) src(%dma_wait3A_615 : memref<10000xf32, #tpu.memory_space<hbm>>) dst(%arg11 : memref<80xf32, #tpu.memory_space<vmem>>)
    %dma_wait3A_616 = arith.constant 0 : i32
    %dma_wait3A_617 = arith.constant 0 : i32
    %dma_wait3A_618 = tpu.memref_slice %arg7[%dma_wait3A_616, %dma_wait3A_617] : memref<25x80xi32, #tpu.memory_space<vmem>> -> memref<1x80xi32, #tpu.memory_space<vmem>>
    %dma_wait3A_619 = tpu.memref_squeeze %dma_wait3A_618 : memref<1x80xi32, #tpu.memory_space<vmem>> -> memref<80xi32, #tpu.memory_space<vmem>>
    %dma_wait3A_620 = arith.constant 0 : i32
    %dma_wait3A_621 = arith.constant 0 : i32
    %dma_wait3A_622 = tpu.memref_slice %arg4[%dma_wait3A_620, %dma_wait3A_621] : memref<10000x128xf32, #tpu.memory_space<hbm>> -> memref<10000x128xf32, #tpu.memory_space<hbm>>
    tpu.wait_indirect_dma semaphore(%arg29 : memref<!tpu.dma_semaphore, #tpu.memory_space<semaphore_mem>>) src(%dma_wait3A_622 : memref<10000x128xf32, #tpu.memory_space<hbm>>) dst(%arg14 : memref<80x128xf32, #tpu.memory_space<vmem>>)
    %dma_start3A_623 = arith.constant 1 : i32
    %dma_start3A_624 = arith.constant 0 : i32
    %dma_start3A_625 = tpu.memref_slice %arg7[%dma_start3A_623, %dma_start3A_624] : memref<25x80xi32, #tpu.memory_space<vmem>> -> memref<1x80xi32, #tpu.memory_space<vmem>>
    %dma_start3A_626 = tpu.memref_squeeze %dma_start3A_625 : memref<1x80xi32, #tpu.memory_space<vmem>> -> memref<80xi32, #tpu.memory_space<vmem>>
    %dma_start3A_627 = arith.constant 0 : i32
    %dma_start3A_628 = arith.constant 0 : i32
    %dma_start3A_629 = tpu.memref_slice %arg4[%dma_start3A_627, %dma_start3A_628] : memref<10000x128xf32, #tpu.memory_space<hbm>> -> memref<10000x128xf32, #tpu.memory_space<hbm>>
    tpu.enqueue_indirect_dma source(%dma_start3A_629 : memref<10000x128xf32, #tpu.memory_space<hbm>>) target(%arg14 : memref<80x128xf32, #tpu.memory_space<vmem>>) offsets(%dma_start3A_626 : memref<80xi32, #tpu.memory_space<vmem>>) semaphore(%arg20 : memref<!tpu.dma_semaphore, #tpu.memory_space<semaphore_mem>>)
    %dma_start3A_630 = arith.constant 1 : i32
    %dma_start3A_631 = arith.constant 0 : i32
    %dma_start3A_632 = tpu.memref_slice %arg7[%dma_start3A_630, %dma_start3A_631] : memref<25x80xi32, #tpu.memory_space<vmem>> -> memref<1x80xi32, #tpu.memory_space<vmem>>
    %dma_start3A_633 = tpu.memref_squeeze %dma_start3A_632 : memref<1x80xi32, #tpu.memory_space<vmem>> -> memref<80xi32, #tpu.memory_space<vmem>>
    %dma_start3A_634 = arith.constant 0 : i32
    %dma_start3A_635 = tpu.memref_slice %arg2[%dma_start3A_634] : memref<10000xf32, #tpu.memory_space<hbm>> -> memref<10000xf32, #tpu.memory_space<hbm>>
    tpu.enqueue_indirect_dma source(%dma_start3A_635 : memref<10000xf32, #tpu.memory_space<hbm>>) target(%arg11 : memref<80xf32, #tpu.memory_space<vmem>>) offsets(%dma_start3A_633 : memref<80xi32, #tpu.memory_space<vmem>>) semaphore(%arg23 : memref<!tpu.dma_semaphore, #tpu.memory_space<semaphore_mem>>)
    %dma_start3A_636 = arith.constant 24 : i32
    %dma_start3A_637 = arith.constant 0 : i32
    %dma_start3A_638 = tpu.memref_slice %arg10[%dma_start3A_636, %dma_start3A_637] : memref<25x80xi32, #tpu.memory_space<vmem>> -> memref<1x80xi32, #tpu.memory_space<vmem>>
    %dma_start3A_639 = tpu.memref_squeeze %dma_start3A_638 : memref<1x80xi32, #tpu.memory_space<vmem>> -> memref<80xi32, #tpu.memory_space<vmem>>
    %dma_start3A_640 = arith.constant 0 : i32
    %dma_start3A_641 = tpu.memref_slice %arg18[%dma_start3A_640] : memref<10000xf32, #tpu.memory_space<vmem_shared>> -> memref<10000xf32, #tpu.memory_space<vmem_shared>>
    tpu.enqueue_indirect_dma source(%arg12 : memref<80xf32, #tpu.memory_space<vmem>>) target(%dma_start3A_641 : memref<10000xf32, #tpu.memory_space<vmem_shared>>) offsets(%dma_start3A_639 : memref<80xi32, #tpu.memory_space<vmem>>) semaphore(%arg27 : memref<!tpu.dma_semaphore, #tpu.memory_space<semaphore_mem>>) {add = true}
    %dma_start3A_642 = arith.constant 24 : i32
    %dma_start3A_643 = arith.constant 0 : i32
    %dma_start3A_644 = tpu.memref_slice %arg10[%dma_start3A_642, %dma_start3A_643] : memref<25x80xi32, #tpu.memory_space<vmem>> -> memref<1x80xi32, #tpu.memory_space<vmem>>
    %dma_start3A_645 = tpu.memref_squeeze %dma_start3A_644 : memref<1x80xi32, #tpu.memory_space<vmem>> -> memref<80xi32, #tpu.memory_space<vmem>>
    %dma_start3A_646 = arith.constant 0 : i32
    %dma_start3A_647 = arith.constant 0 : i32
    %dma_start3A_648 = tpu.memref_slice %arg19[%dma_start3A_646, %dma_start3A_647] : memref<10000x128xf32, #tpu.memory_space<vmem_shared>> -> memref<10000x128xf32, #tpu.memory_space<vmem_shared>>
    tpu.enqueue_indirect_dma source(%arg15 : memref<80x128xf32, #tpu.memory_space<vmem>>) target(%dma_start3A_648 : memref<10000x128xf32, #tpu.memory_space<vmem_shared>>) offsets(%dma_start3A_645 : memref<80xi32, #tpu.memory_space<vmem>>) semaphore(%arg30 : memref<!tpu.dma_semaphore, #tpu.memory_space<semaphore_mem>>) {add = true}
    %run_scoped3A_649 = arith.constant 0 : i32
    %run_scoped3A_650 = arith.constant 3 : i32
    "tpu.region"() ({
      %run_scoped3A_1412 = tpu.sem_alloc : memref<!tpu.dma_semaphore, #tpu.memory_space<semaphore_mem>>
      %dma_start3A_1413 = arith.constant 0 : i32
      %dma_start3A_1414 = arith.constant 0 : i32
      %dma_start3A_1415 = tpu.memref_slice %arg3[%run_scoped3A_649, %add3A, %run_scoped3A_650, %dma_start3A_1413, %dma_start3A_1414] : memref<2x32x5x25x80xi32, #tpu.memory_space<hbm>> -> memref<1x1x1x25x80xi32, #tpu.memory_space<hbm>>
      %dma_start3A_1416 = tpu.memref_squeeze %dma_start3A_1415 : memref<1x1x1x25x80xi32, #tpu.memory_space<hbm>> -> memref<25x80xi32, #tpu.memory_space<hbm>>
      %dma_start3A_1417 = arith.constant 0 : i32
      %dma_start3A_1418 = arith.constant 0 : i32
      %dma_start3A_1419 = tpu.memref_slice %arg3[%run_scoped3A_649, %add3A, %run_scoped3A_650, %dma_start3A_1417, %dma_start3A_1418] : memref<2x32x5x25x80xi32, #tpu.memory_space<hbm>> -> memref<1x1x1x25x80xi32, #tpu.memory_space<hbm>>
      %dma_start3A_1420 = tpu.memref_squeeze %dma_start3A_1419 : memref<1x1x1x25x80xi32, #tpu.memory_space<hbm>> -> memref<25x80xi32, #tpu.memory_space<hbm>>
      tpu.enqueue_dma source(%dma_start3A_1420 : memref<25x80xi32, #tpu.memory_space<hbm>>) target(%arg9 : memref<25x80xi32, #tpu.memory_space<vmem>>) target_semaphore(%run_scoped3A_1412 : memref<!tpu.dma_semaphore, #tpu.memory_space<semaphore_mem>>)
      %dma_wait3A_1421 = arith.constant 0 : i32
      %dma_wait3A_1422 = arith.constant 0 : i32
      %dma_wait3A_1423 = tpu.memref_slice %arg3[%run_scoped3A_649, %add3A, %run_scoped3A_650, %dma_wait3A_1421, %dma_wait3A_1422] : memref<2x32x5x25x80xi32, #tpu.memory_space<hbm>> -> memref<1x1x1x25x80xi32, #tpu.memory_space<hbm>>
      %dma_wait3A_1424 = tpu.memref_squeeze %dma_wait3A_1423 : memref<1x1x1x25x80xi32, #tpu.memory_space<hbm>> -> memref<25x80xi32, #tpu.memory_space<hbm>>
      %dma_wait3A_1425 = arith.constant 0 : i32
      %dma_wait3A_1426 = arith.constant 0 : i32
      %dma_wait3A_1427 = tpu.memref_slice %arg3[%run_scoped3A_649, %add3A, %run_scoped3A_650, %dma_wait3A_1425, %dma_wait3A_1426] : memref<2x32x5x25x80xi32, #tpu.memory_space<hbm>> -> memref<1x1x1x25x80xi32, #tpu.memory_space<hbm>>
      %dma_wait3A_1428 = tpu.memref_squeeze %dma_wait3A_1427 : memref<1x1x1x25x80xi32, #tpu.memory_space<hbm>> -> memref<25x80xi32, #tpu.memory_space<hbm>>
      tpu.wait_dma2 semaphore(%run_scoped3A_1412 : memref<!tpu.dma_semaphore, #tpu.memory_space<semaphore_mem>>) src(%dma_wait3A_1428 : memref<25x80xi32, #tpu.memory_space<hbm>>) dst(%arg9 : memref<25x80xi32, #tpu.memory_space<vmem>>)
      tpu.yield
    }) : () -> ()
    %run_scoped3A_651 = arith.constant 1 : i32
    %run_scoped3A_652 = arith.constant 3 : i32
    "tpu.region"() ({
      %run_scoped3A_1412 = tpu.sem_alloc : memref<!tpu.dma_semaphore, #tpu.memory_space<semaphore_mem>>
      %dma_start3A_1413 = arith.constant 0 : i32
      %dma_start3A_1414 = arith.constant 0 : i32
      %dma_start3A_1415 = tpu.memref_slice %arg3[%run_scoped3A_651, %add3A, %run_scoped3A_652, %dma_start3A_1413, %dma_start3A_1414] : memref<2x32x5x25x80xi32, #tpu.memory_space<hbm>> -> memref<1x1x1x25x80xi32, #tpu.memory_space<hbm>>
      %dma_start3A_1416 = tpu.memref_squeeze %dma_start3A_1415 : memref<1x1x1x25x80xi32, #tpu.memory_space<hbm>> -> memref<25x80xi32, #tpu.memory_space<hbm>>
      %dma_start3A_1417 = arith.constant 0 : i32
      %dma_start3A_1418 = arith.constant 0 : i32
      %dma_start3A_1419 = tpu.memref_slice %arg3[%run_scoped3A_651, %add3A, %run_scoped3A_652, %dma_start3A_1417, %dma_start3A_1418] : memref<2x32x5x25x80xi32, #tpu.memory_space<hbm>> -> memref<1x1x1x25x80xi32, #tpu.memory_space<hbm>>
      %dma_start3A_1420 = tpu.memref_squeeze %dma_start3A_1419 : memref<1x1x1x25x80xi32, #tpu.memory_space<hbm>> -> memref<25x80xi32, #tpu.memory_space<hbm>>
      tpu.enqueue_dma source(%dma_start3A_1420 : memref<25x80xi32, #tpu.memory_space<hbm>>) target(%arg10 : memref<25x80xi32, #tpu.memory_space<vmem>>) target_semaphore(%run_scoped3A_1412 : memref<!tpu.dma_semaphore, #tpu.memory_space<semaphore_mem>>)
      %dma_wait3A_1421 = arith.constant 0 : i32
      %dma_wait3A_1422 = arith.constant 0 : i32
      %dma_wait3A_1423 = tpu.memref_slice %arg3[%run_scoped3A_651, %add3A, %run_scoped3A_652, %dma_wait3A_1421, %dma_wait3A_1422] : memref<2x32x5x25x80xi32, #tpu.memory_space<hbm>> -> memref<1x1x1x25x80xi32, #tpu.memory_space<hbm>>
      %dma_wait3A_1424 = tpu.memref_squeeze %dma_wait3A_1423 : memref<1x1x1x25x80xi32, #tpu.memory_space<hbm>> -> memref<25x80xi32, #tpu.memory_space<hbm>>
      %dma_wait3A_1425 = arith.constant 0 : i32
      %dma_wait3A_1426 = arith.constant 0 : i32
      %dma_wait3A_1427 = tpu.memref_slice %arg3[%run_scoped3A_651, %add3A, %run_scoped3A_652, %dma_wait3A_1425, %dma_wait3A_1426] : memref<2x32x5x25x80xi32, #tpu.memory_space<hbm>> -> memref<1x1x1x25x80xi32, #tpu.memory_space<hbm>>
      %dma_wait3A_1428 = tpu.memref_squeeze %dma_wait3A_1427 : memref<1x1x1x25x80xi32, #tpu.memory_space<hbm>> -> memref<25x80xi32, #tpu.memory_space<hbm>>
      tpu.wait_dma2 semaphore(%run_scoped3A_1412 : memref<!tpu.dma_semaphore, #tpu.memory_space<semaphore_mem>>) src(%dma_wait3A_1428 : memref<25x80xi32, #tpu.memory_space<hbm>>) dst(%arg10 : memref<25x80xi32, #tpu.memory_space<vmem>>)
      tpu.yield
    }) : () -> ()
    %dma_wait3A_653 = arith.constant 0 : i32
    %dma_wait3A_654 = arith.constant 0 : i32
    %dma_wait3A_655 = tpu.memref_slice %arg7[%dma_wait3A_653, %dma_wait3A_654] : memref<25x80xi32, #tpu.memory_space<vmem>> -> memref<1x80xi32, #tpu.memory_space<vmem>>
    %dma_wait3A_656 = tpu.memref_squeeze %dma_wait3A_655 : memref<1x80xi32, #tpu.memory_space<vmem>> -> memref<80xi32, #tpu.memory_space<vmem>>
    %dma_wait3A_657 = arith.constant 0 : i32
    %dma_wait3A_658 = arith.constant 0 : i32
    %dma_wait3A_659 = tpu.memref_slice %arg4[%dma_wait3A_657, %dma_wait3A_658] : memref<10000x128xf32, #tpu.memory_space<hbm>> -> memref<10000x128xf32, #tpu.memory_space<hbm>>
    tpu.wait_indirect_dma semaphore(%arg22 : memref<!tpu.dma_semaphore, #tpu.memory_space<semaphore_mem>>) src(%dma_wait3A_659 : memref<10000x128xf32, #tpu.memory_space<hbm>>) dst(%arg16 : memref<80x128xf32, #tpu.memory_space<vmem>>)
    %dma_wait3A_660 = arith.constant 0 : i32
    %dma_wait3A_661 = arith.constant 0 : i32
    %dma_wait3A_662 = tpu.memref_slice %arg7[%dma_wait3A_660, %dma_wait3A_661] : memref<25x80xi32, #tpu.memory_space<vmem>> -> memref<1x80xi32, #tpu.memory_space<vmem>>
    %dma_wait3A_663 = tpu.memref_squeeze %dma_wait3A_662 : memref<1x80xi32, #tpu.memory_space<vmem>> -> memref<80xi32, #tpu.memory_space<vmem>>
    %dma_wait3A_664 = arith.constant 0 : i32
    %dma_wait3A_665 = tpu.memref_slice %arg2[%dma_wait3A_664] : memref<10000xf32, #tpu.memory_space<hbm>> -> memref<10000xf32, #tpu.memory_space<hbm>>
    tpu.wait_indirect_dma semaphore(%arg25 : memref<!tpu.dma_semaphore, #tpu.memory_space<semaphore_mem>>) src(%dma_wait3A_665 : memref<10000xf32, #tpu.memory_space<hbm>>) dst(%arg13 : memref<80xf32, #tpu.memory_space<vmem>>)
    %dma_wait3A_666 = arith.constant 0 : i32
    %dma_wait3A_667 = arith.constant 0 : i32
    %dma_wait3A_668 = tpu.memref_slice %arg7[%dma_wait3A_666, %dma_wait3A_667] : memref<25x80xi32, #tpu.memory_space<vmem>> -> memref<1x80xi32, #tpu.memory_space<vmem>>
    %dma_wait3A_669 = tpu.memref_squeeze %dma_wait3A_668 : memref<1x80xi32, #tpu.memory_space<vmem>> -> memref<80xi32, #tpu.memory_space<vmem>>
    %dma_wait3A_670 = arith.constant 0 : i32
    %dma_wait3A_671 = tpu.memref_slice %arg2[%dma_wait3A_670] : memref<10000xf32, #tpu.memory_space<hbm>> -> memref<10000xf32, #tpu.memory_space<hbm>>
    tpu.wait_indirect_dma semaphore(%arg27 : memref<!tpu.dma_semaphore, #tpu.memory_space<semaphore_mem>>) src(%dma_wait3A_671 : memref<10000xf32, #tpu.memory_space<hbm>>) dst(%arg12 : memref<80xf32, #tpu.memory_space<vmem>>)
    %dma_wait3A_672 = arith.constant 0 : i32
    %dma_wait3A_673 = arith.constant 0 : i32
    %dma_wait3A_674 = tpu.memref_slice %arg7[%dma_wait3A_672, %dma_wait3A_673] : memref<25x80xi32, #tpu.memory_space<vmem>> -> memref<1x80xi32, #tpu.memory_space<vmem>>
    %dma_wait3A_675 = tpu.memref_squeeze %dma_wait3A_674 : memref<1x80xi32, #tpu.memory_space<vmem>> -> memref<80xi32, #tpu.memory_space<vmem>>
    %dma_wait3A_676 = arith.constant 0 : i32
    %dma_wait3A_677 = arith.constant 0 : i32
    %dma_wait3A_678 = tpu.memref_slice %arg4[%dma_wait3A_676, %dma_wait3A_677] : memref<10000x128xf32, #tpu.memory_space<hbm>> -> memref<10000x128xf32, #tpu.memory_space<hbm>>
    tpu.wait_indirect_dma semaphore(%arg30 : memref<!tpu.dma_semaphore, #tpu.memory_space<semaphore_mem>>) src(%dma_wait3A_678 : memref<10000x128xf32, #tpu.memory_space<hbm>>) dst(%arg15 : memref<80x128xf32, #tpu.memory_space<vmem>>)
    %dma_start3A_679 = arith.constant 2 : i32
    %dma_start3A_680 = arith.constant 0 : i32
    %dma_start3A_681 = tpu.memref_slice %arg7[%dma_start3A_679, %dma_start3A_680] : memref<25x80xi32, #tpu.memory_space<vmem>> -> memref<1x80xi32, #tpu.memory_space<vmem>>
    %dma_start3A_682 = tpu.memref_squeeze %dma_start3A_681 : memref<1x80xi32, #tpu.memory_space<vmem>> -> memref<80xi32, #tpu.memory_space<vmem>>
    %dma_start3A_683 = arith.constant 0 : i32
    %dma_start3A_684 = arith.constant 0 : i32
    %dma_start3A_685 = tpu.memref_slice %arg4[%dma_start3A_683, %dma_start3A_684] : memref<10000x128xf32, #tpu.memory_space<hbm>> -> memref<10000x128xf32, #tpu.memory_space<hbm>>
    tpu.enqueue_indirect_dma source(%dma_start3A_685 : memref<10000x128xf32, #tpu.memory_space<hbm>>) target(%arg15 : memref<80x128xf32, #tpu.memory_space<vmem>>) offsets(%dma_start3A_682 : memref<80xi32, #tpu.memory_space<vmem>>) semaphore(%arg21 : memref<!tpu.dma_semaphore, #tpu.memory_space<semaphore_mem>>)
    %dma_start3A_686 = arith.constant 2 : i32
    %dma_start3A_687 = arith.constant 0 : i32
    %dma_start3A_688 = tpu.memref_slice %arg7[%dma_start3A_686, %dma_start3A_687] : memref<25x80xi32, #tpu.memory_space<vmem>> -> memref<1x80xi32, #tpu.memory_space<vmem>>
    %dma_start3A_689 = tpu.memref_squeeze %dma_start3A_688 : memref<1x80xi32, #tpu.memory_space<vmem>> -> memref<80xi32, #tpu.memory_space<vmem>>
    %dma_start3A_690 = arith.constant 0 : i32
    %dma_start3A_691 = tpu.memref_slice %arg2[%dma_start3A_690] : memref<10000xf32, #tpu.memory_space<hbm>> -> memref<10000xf32, #tpu.memory_space<hbm>>
    tpu.enqueue_indirect_dma source(%dma_start3A_691 : memref<10000xf32, #tpu.memory_space<hbm>>) target(%arg12 : memref<80xf32, #tpu.memory_space<vmem>>) offsets(%dma_start3A_689 : memref<80xi32, #tpu.memory_space<vmem>>) semaphore(%arg24 : memref<!tpu.dma_semaphore, #tpu.memory_space<semaphore_mem>>)
    %dma_start3A_692 = arith.constant 0 : i32
    %dma_start3A_693 = arith.constant 0 : i32
    %dma_start3A_694 = tpu.memref_slice %arg8[%dma_start3A_692, %dma_start3A_693] : memref<25x80xi32, #tpu.memory_space<vmem>> -> memref<1x80xi32, #tpu.memory_space<vmem>>
    %dma_start3A_695 = tpu.memref_squeeze %dma_start3A_694 : memref<1x80xi32, #tpu.memory_space<vmem>> -> memref<80xi32, #tpu.memory_space<vmem>>
    %dma_start3A_696 = arith.constant 0 : i32
    %dma_start3A_697 = tpu.memref_slice %arg18[%dma_start3A_696] : memref<10000xf32, #tpu.memory_space<vmem_shared>> -> memref<10000xf32, #tpu.memory_space<vmem_shared>>
    tpu.enqueue_indirect_dma source(%arg13 : memref<80xf32, #tpu.memory_space<vmem>>) target(%dma_start3A_697 : memref<10000xf32, #tpu.memory_space<vmem_shared>>) offsets(%dma_start3A_695 : memref<80xi32, #tpu.memory_space<vmem>>) semaphore(%arg28 : memref<!tpu.dma_semaphore, #tpu.memory_space<semaphore_mem>>) {add = true}
    %dma_start3A_698 = arith.constant 0 : i32
    %dma_start3A_699 = arith.constant 0 : i32
    %dma_start3A_700 = tpu.memref_slice %arg8[%dma_start3A_698, %dma_start3A_699] : memref<25x80xi32, #tpu.memory_space<vmem>> -> memref<1x80xi32, #tpu.memory_space<vmem>>
    %dma_start3A_701 = tpu.memref_squeeze %dma_start3A_700 : memref<1x80xi32, #tpu.memory_space<vmem>> -> memref<80xi32, #tpu.memory_space<vmem>>
    %dma_start3A_702 = arith.constant 0 : i32
    %dma_start3A_703 = arith.constant 0 : i32
    %dma_start3A_704 = tpu.memref_slice %arg19[%dma_start3A_702, %dma_start3A_703] : memref<10000x128xf32, #tpu.memory_space<vmem_shared>> -> memref<10000x128xf32, #tpu.memory_space<vmem_shared>>
    tpu.enqueue_indirect_dma source(%arg16 : memref<80x128xf32, #tpu.memory_space<vmem>>) target(%dma_start3A_704 : memref<10000x128xf32, #tpu.memory_space<vmem_shared>>) offsets(%dma_start3A_701 : memref<80xi32, #tpu.memory_space<vmem>>) semaphore(%arg31 : memref<!tpu.dma_semaphore, #tpu.memory_space<semaphore_mem>>) {add = true}
    %scan3A_705 = arith.constant 0 : i32
    %scan3A_706 = arith.constant 0 : i32
    %scan3A_707 = arith.constant 7 : i32
    %scan3A_708 = arith.addi %scan3A_706, %scan3A_707 : i32
    %scan3A_709 = arith.constant 1 : i32
    %scan3A_710 = scf.for %scan3A_1412 = %scan3A_706 to %scan3A_708 step %scan3A_709 iter_args(%scan3A_1413 = %scan3A_705) -> (i32)  : i32 {
      %mul3A_1414 = arith.constant 3 : i32
      %mul3A_1415 = arith.muli %mul3A_1414, %scan3A_1412 : i32
      %add3A_1416 = arith.constant 1 : i32
      %add3A_1417 = arith.addi %add3A_1416, %mul3A_1415 : i32
      %add3A_1418 = arith.constant 2 : i32
      %add3A_1419 = arith.addi %add3A_1417, %add3A_1418 : i32
      %dma_wait3A_1420 = arith.constant 0 : i32
      %dma_wait3A_1421 = arith.constant 0 : i32
      %dma_wait3A_1422 = tpu.memref_slice %arg7[%dma_wait3A_1420, %dma_wait3A_1421] : memref<25x80xi32, #tpu.memory_space<vmem>> -> memref<1x80xi32, #tpu.memory_space<vmem>>
      %dma_wait3A_1423 = tpu.memref_squeeze %dma_wait3A_1422 : memref<1x80xi32, #tpu.memory_space<vmem>> -> memref<80xi32, #tpu.memory_space<vmem>>
      %dma_wait3A_1424 = arith.constant 0 : i32
      %dma_wait3A_1425 = arith.constant 0 : i32
      %dma_wait3A_1426 = tpu.memref_slice %arg4[%dma_wait3A_1424, %dma_wait3A_1425] : memref<10000x128xf32, #tpu.memory_space<hbm>> -> memref<10000x128xf32, #tpu.memory_space<hbm>>
      tpu.wait_indirect_dma semaphore(%arg20 : memref<!tpu.dma_semaphore, #tpu.memory_space<semaphore_mem>>) src(%dma_wait3A_1426 : memref<10000x128xf32, #tpu.memory_space<hbm>>) dst(%arg14 : memref<80x128xf32, #tpu.memory_space<vmem>>)
      %dma_wait3A_1427 = arith.constant 0 : i32
      %dma_wait3A_1428 = arith.constant 0 : i32
      %dma_wait3A_1429 = tpu.memref_slice %arg7[%dma_wait3A_1427, %dma_wait3A_1428] : memref<25x80xi32, #tpu.memory_space<vmem>> -> memref<1x80xi32, #tpu.memory_space<vmem>>
      %dma_wait3A_1430 = tpu.memref_squeeze %dma_wait3A_1429 : memref<1x80xi32, #tpu.memory_space<vmem>> -> memref<80xi32, #tpu.memory_space<vmem>>
      %dma_wait3A_1431 = arith.constant 0 : i32
      %dma_wait3A_1432 = tpu.memref_slice %arg2[%dma_wait3A_1431] : memref<10000xf32, #tpu.memory_space<hbm>> -> memref<10000xf32, #tpu.memory_space<hbm>>
      tpu.wait_indirect_dma semaphore(%arg23 : memref<!tpu.dma_semaphore, #tpu.memory_space<semaphore_mem>>) src(%dma_wait3A_1432 : memref<10000xf32, #tpu.memory_space<hbm>>) dst(%arg11 : memref<80xf32, #tpu.memory_space<vmem>>)
      %dma_wait3A_1433 = arith.constant 0 : i32
      %dma_wait3A_1434 = arith.constant 0 : i32
      %dma_wait3A_1435 = tpu.memref_slice %arg7[%dma_wait3A_1433, %dma_wait3A_1434] : memref<25x80xi32, #tpu.memory_space<vmem>> -> memref<1x80xi32, #tpu.memory_space<vmem>>
      %dma_wait3A_1436 = tpu.memref_squeeze %dma_wait3A_1435 : memref<1x80xi32, #tpu.memory_space<vmem>> -> memref<80xi32, #tpu.memory_space<vmem>>
      %dma_wait3A_1437 = arith.constant 0 : i32
      %dma_wait3A_1438 = tpu.memref_slice %arg2[%dma_wait3A_1437] : memref<10000xf32, #tpu.memory_space<hbm>> -> memref<10000xf32, #tpu.memory_space<hbm>>
      tpu.wait_indirect_dma semaphore(%arg28 : memref<!tpu.dma_semaphore, #tpu.memory_space<semaphore_mem>>) src(%dma_wait3A_1438 : memref<10000xf32, #tpu.memory_space<hbm>>) dst(%arg13 : memref<80xf32, #tpu.memory_space<vmem>>)
      %dma_wait3A_1439 = arith.constant 0 : i32
      %dma_wait3A_1440 = arith.constant 0 : i32
      %dma_wait3A_1441 = tpu.memref_slice %arg7[%dma_wait3A_1439, %dma_wait3A_1440] : memref<25x80xi32, #tpu.memory_space<vmem>> -> memref<1x80xi32, #tpu.memory_space<vmem>>
      %dma_wait3A_1442 = tpu.memref_squeeze %dma_wait3A_1441 : memref<1x80xi32, #tpu.memory_space<vmem>> -> memref<80xi32, #tpu.memory_space<vmem>>
      %dma_wait3A_1443 = arith.constant 0 : i32
      %dma_wait3A_1444 = arith.constant 0 : i32
      %dma_wait3A_1445 = tpu.memref_slice %arg4[%dma_wait3A_1443, %dma_wait3A_1444] : memref<10000x128xf32, #tpu.memory_space<hbm>> -> memref<10000x128xf32, #tpu.memory_space<hbm>>
      tpu.wait_indirect_dma semaphore(%arg31 : memref<!tpu.dma_semaphore, #tpu.memory_space<semaphore_mem>>) src(%dma_wait3A_1445 : memref<10000x128xf32, #tpu.memory_space<hbm>>) dst(%arg16 : memref<80x128xf32, #tpu.memory_space<vmem>>)
      %dma_start3A_1446 = arith.constant 0 : i32
      %dma_start3A_1447 = tpu.memref_slice %arg7[%add3A_1419, %dma_start3A_1446] : memref<25x80xi32, #tpu.memory_space<vmem>> -> memref<1x80xi32, #tpu.memory_space<vmem>>
      %dma_start3A_1448 = tpu.memref_squeeze %dma_start3A_1447 : memref<1x80xi32, #tpu.memory_space<vmem>> -> memref<80xi32, #tpu.memory_space<vmem>>
      %dma_start3A_1449 = arith.constant 0 : i32
      %dma_start3A_1450 = arith.constant 0 : i32
      %dma_start3A_1451 = tpu.memref_slice %arg4[%dma_start3A_1449, %dma_start3A_1450] : memref<10000x128xf32, #tpu.memory_space<hbm>> -> memref<10000x128xf32, #tpu.memory_space<hbm>>
      tpu.enqueue_indirect_dma source(%dma_start3A_1451 : memref<10000x128xf32, #tpu.memory_space<hbm>>) target(%arg16 : memref<80x128xf32, #tpu.memory_space<vmem>>) offsets(%dma_start3A_1448 : memref<80xi32, #tpu.memory_space<vmem>>) semaphore(%arg22 : memref<!tpu.dma_semaphore, #tpu.memory_space<semaphore_mem>>)
      %dma_start3A_1452 = arith.constant 0 : i32
      %dma_start3A_1453 = tpu.memref_slice %arg7[%add3A_1419, %dma_start3A_1452] : memref<25x80xi32, #tpu.memory_space<vmem>> -> memref<1x80xi32, #tpu.memory_space<vmem>>
      %dma_start3A_1454 = tpu.memref_squeeze %dma_start3A_1453 : memref<1x80xi32, #tpu.memory_space<vmem>> -> memref<80xi32, #tpu.memory_space<vmem>>
      %dma_start3A_1455 = arith.constant 0 : i32
      %dma_start3A_1456 = tpu.memref_slice %arg2[%dma_start3A_1455] : memref<10000xf32, #tpu.memory_space<hbm>> -> memref<10000xf32, #tpu.memory_space<hbm>>
      tpu.enqueue_indirect_dma source(%dma_start3A_1456 : memref<10000xf32, #tpu.memory_space<hbm>>) target(%arg13 : memref<80xf32, #tpu.memory_space<vmem>>) offsets(%dma_start3A_1454 : memref<80xi32, #tpu.memory_space<vmem>>) semaphore(%arg25 : memref<!tpu.dma_semaphore, #tpu.memory_space<semaphore_mem>>)
      %dma_start3A_1457 = arith.constant 0 : i32
      %dma_start3A_1458 = tpu.memref_slice %arg8[%add3A_1417, %dma_start3A_1457] : memref<25x80xi32, #tpu.memory_space<vmem>> -> memref<1x80xi32, #tpu.memory_space<vmem>>
      %dma_start3A_1459 = tpu.memref_squeeze %dma_start3A_1458 : memref<1x80xi32, #tpu.memory_space<vmem>> -> memref<80xi32, #tpu.memory_space<vmem>>
      %dma_start3A_1460 = arith.constant 0 : i32
      %dma_start3A_1461 = tpu.memref_slice %arg18[%dma_start3A_1460] : memref<10000xf32, #tpu.memory_space<vmem_shared>> -> memref<10000xf32, #tpu.memory_space<vmem_shared>>
      tpu.enqueue_indirect_dma source(%arg11 : memref<80xf32, #tpu.memory_space<vmem>>) target(%dma_start3A_1461 : memref<10000xf32, #tpu.memory_space<vmem_shared>>) offsets(%dma_start3A_1459 : memref<80xi32, #tpu.memory_space<vmem>>) semaphore(%arg26 : memref<!tpu.dma_semaphore, #tpu.memory_space<semaphore_mem>>) {add = true}
      %dma_start3A_1462 = arith.constant 0 : i32
      %dma_start3A_1463 = tpu.memref_slice %arg8[%add3A_1417, %dma_start3A_1462] : memref<25x80xi32, #tpu.memory_space<vmem>> -> memref<1x80xi32, #tpu.memory_space<vmem>>
      %dma_start3A_1464 = tpu.memref_squeeze %dma_start3A_1463 : memref<1x80xi32, #tpu.memory_space<vmem>> -> memref<80xi32, #tpu.memory_space<vmem>>
      %dma_start3A_1465 = arith.constant 0 : i32
      %dma_start3A_1466 = arith.constant 0 : i32
      %dma_start3A_1467 = tpu.memref_slice %arg19[%dma_start3A_1465, %dma_start3A_1466] : memref<10000x128xf32, #tpu.memory_space<vmem_shared>> -> memref<10000x128xf32, #tpu.memory_space<vmem_shared>>
      tpu.enqueue_indirect_dma source(%arg14 : memref<80x128xf32, #tpu.memory_space<vmem>>) target(%dma_start3A_1467 : memref<10000x128xf32, #tpu.memory_space<vmem_shared>>) offsets(%dma_start3A_1464 : memref<80xi32, #tpu.memory_space<vmem>>) semaphore(%arg29 : memref<!tpu.dma_semaphore, #tpu.memory_space<semaphore_mem>>) {add = true}
      %add3A_1468 = arith.constant 1 : i32
      %add3A_1469 = arith.addi %add3A_1417, %add3A_1468 : i32
      %add3A_1470 = arith.constant 3 : i32
      %add3A_1471 = arith.addi %add3A_1417, %add3A_1470 : i32
      %dma_wait3A_1472 = arith.constant 0 : i32
      %dma_wait3A_1473 = arith.constant 0 : i32
      %dma_wait3A_1474 = tpu.memref_slice %arg7[%dma_wait3A_1472, %dma_wait3A_1473] : memref<25x80xi32, #tpu.memory_space<vmem>> -> memref<1x80xi32, #tpu.memory_space<vmem>>
      %dma_wait3A_1475 = tpu.memref_squeeze %dma_wait3A_1474 : memref<1x80xi32, #tpu.memory_space<vmem>> -> memref<80xi32, #tpu.memory_space<vmem>>
      %dma_wait3A_1476 = arith.constant 0 : i32
      %dma_wait3A_1477 = arith.constant 0 : i32
      %dma_wait3A_1478 = tpu.memref_slice %arg4[%dma_wait3A_1476, %dma_wait3A_1477] : memref<10000x128xf32, #tpu.memory_space<hbm>> -> memref<10000x128xf32, #tpu.memory_space<hbm>>
      tpu.wait_indirect_dma semaphore(%arg21 : memref<!tpu.dma_semaphore, #tpu.memory_space<semaphore_mem>>) src(%dma_wait3A_1478 : memref<10000x128xf32, #tpu.memory_space<hbm>>) dst(%arg15 : memref<80x128xf32, #tpu.memory_space<vmem>>)
      %dma_wait3A_1479 = arith.constant 0 : i32
      %dma_wait3A_1480 = arith.constant 0 : i32
      %dma_wait3A_1481 = tpu.memref_slice %arg7[%dma_wait3A_1479, %dma_wait3A_1480] : memref<25x80xi32, #tpu.memory_space<vmem>> -> memref<1x80xi32, #tpu.memory_space<vmem>>
      %dma_wait3A_1482 = tpu.memref_squeeze %dma_wait3A_1481 : memref<1x80xi32, #tpu.memory_space<vmem>> -> memref<80xi32, #tpu.memory_space<vmem>>
      %dma_wait3A_1483 = arith.constant 0 : i32
      %dma_wait3A_1484 = tpu.memref_slice %arg2[%dma_wait3A_1483] : memref<10000xf32, #tpu.memory_space<hbm>> -> memref<10000xf32, #tpu.memory_space<hbm>>
      tpu.wait_indirect_dma semaphore(%arg24 : memref<!tpu.dma_semaphore, #tpu.memory_space<semaphore_mem>>) src(%dma_wait3A_1484 : memref<10000xf32, #tpu.memory_space<hbm>>) dst(%arg12 : memref<80xf32, #tpu.memory_space<vmem>>)
      %dma_wait3A_1485 = arith.constant 0 : i32
      %dma_wait3A_1486 = arith.constant 0 : i32
      %dma_wait3A_1487 = tpu.memref_slice %arg7[%dma_wait3A_1485, %dma_wait3A_1486] : memref<25x80xi32, #tpu.memory_space<vmem>> -> memref<1x80xi32, #tpu.memory_space<vmem>>
      %dma_wait3A_1488 = tpu.memref_squeeze %dma_wait3A_1487 : memref<1x80xi32, #tpu.memory_space<vmem>> -> memref<80xi32, #tpu.memory_space<vmem>>
      %dma_wait3A_1489 = arith.constant 0 : i32
      %dma_wait3A_1490 = tpu.memref_slice %arg2[%dma_wait3A_1489] : memref<10000xf32, #tpu.memory_space<hbm>> -> memref<10000xf32, #tpu.memory_space<hbm>>
      tpu.wait_indirect_dma semaphore(%arg26 : memref<!tpu.dma_semaphore, #tpu.memory_space<semaphore_mem>>) src(%dma_wait3A_1490 : memref<10000xf32, #tpu.memory_space<hbm>>) dst(%arg11 : memref<80xf32, #tpu.memory_space<vmem>>)
      %dma_wait3A_1491 = arith.constant 0 : i32
      %dma_wait3A_1492 = arith.constant 0 : i32
      %dma_wait3A_1493 = tpu.memref_slice %arg7[%dma_wait3A_1491, %dma_wait3A_1492] : memref<25x80xi32, #tpu.memory_space<vmem>> -> memref<1x80xi32, #tpu.memory_space<vmem>>
      %dma_wait3A_1494 = tpu.memref_squeeze %dma_wait3A_1493 : memref<1x80xi32, #tpu.memory_space<vmem>> -> memref<80xi32, #tpu.memory_space<vmem>>
      %dma_wait3A_1495 = arith.constant 0 : i32
      %dma_wait3A_1496 = arith.constant 0 : i32
      %dma_wait3A_1497 = tpu.memref_slice %arg4[%dma_wait3A_1495, %dma_wait3A_1496] : memref<10000x128xf32, #tpu.memory_space<hbm>> -> memref<10000x128xf32, #tpu.memory_space<hbm>>
      tpu.wait_indirect_dma semaphore(%arg29 : memref<!tpu.dma_semaphore, #tpu.memory_space<semaphore_mem>>) src(%dma_wait3A_1497 : memref<10000x128xf32, #tpu.memory_space<hbm>>) dst(%arg14 : memref<80x128xf32, #tpu.memory_space<vmem>>)
      %dma_start3A_1498 = arith.constant 0 : i32
      %dma_start3A_1499 = tpu.memref_slice %arg7[%add3A_1471, %dma_start3A_1498] : memref<25x80xi32, #tpu.memory_space<vmem>> -> memref<1x80xi32, #tpu.memory_space<vmem>>
      %dma_start3A_1500 = tpu.memref_squeeze %dma_start3A_1499 : memref<1x80xi32, #tpu.memory_space<vmem>> -> memref<80xi32, #tpu.memory_space<vmem>>
      %dma_start3A_1501 = arith.constant 0 : i32
      %dma_start3A_1502 = arith.constant 0 : i32
      %dma_start3A_1503 = tpu.memref_slice %arg4[%dma_start3A_1501, %dma_start3A_1502] : memref<10000x128xf32, #tpu.memory_space<hbm>> -> memref<10000x128xf32, #tpu.memory_space<hbm>>
      tpu.enqueue_indirect_dma source(%dma_start3A_1503 : memref<10000x128xf32, #tpu.memory_space<hbm>>) target(%arg14 : memref<80x128xf32, #tpu.memory_space<vmem>>) offsets(%dma_start3A_1500 : memref<80xi32, #tpu.memory_space<vmem>>) semaphore(%arg20 : memref<!tpu.dma_semaphore, #tpu.memory_space<semaphore_mem>>)
      %dma_start3A_1504 = arith.constant 0 : i32
      %dma_start3A_1505 = tpu.memref_slice %arg7[%add3A_1471, %dma_start3A_1504] : memref<25x80xi32, #tpu.memory_space<vmem>> -> memref<1x80xi32, #tpu.memory_space<vmem>>
      %dma_start3A_1506 = tpu.memref_squeeze %dma_start3A_1505 : memref<1x80xi32, #tpu.memory_space<vmem>> -> memref<80xi32, #tpu.memory_space<vmem>>
      %dma_start3A_1507 = arith.constant 0 : i32
      %dma_start3A_1508 = tpu.memref_slice %arg2[%dma_start3A_1507] : memref<10000xf32, #tpu.memory_space<hbm>> -> memref<10000xf32, #tpu.memory_space<hbm>>
      tpu.enqueue_indirect_dma source(%dma_start3A_1508 : memref<10000xf32, #tpu.memory_space<hbm>>) target(%arg11 : memref<80xf32, #tpu.memory_space<vmem>>) offsets(%dma_start3A_1506 : memref<80xi32, #tpu.memory_space<vmem>>) semaphore(%arg23 : memref<!tpu.dma_semaphore, #tpu.memory_space<semaphore_mem>>)
      %dma_start3A_1509 = arith.constant 0 : i32
      %dma_start3A_1510 = tpu.memref_slice %arg8[%add3A_1469, %dma_start3A_1509] : memref<25x80xi32, #tpu.memory_space<vmem>> -> memref<1x80xi32, #tpu.memory_space<vmem>>
      %dma_start3A_1511 = tpu.memref_squeeze %dma_start3A_1510 : memref<1x80xi32, #tpu.memory_space<vmem>> -> memref<80xi32, #tpu.memory_space<vmem>>
      %dma_start3A_1512 = arith.constant 0 : i32
      %dma_start3A_1513 = tpu.memref_slice %arg18[%dma_start3A_1512] : memref<10000xf32, #tpu.memory_space<vmem_shared>> -> memref<10000xf32, #tpu.memory_space<vmem_shared>>
      tpu.enqueue_indirect_dma source(%arg12 : memref<80xf32, #tpu.memory_space<vmem>>) target(%dma_start3A_1513 : memref<10000xf32, #tpu.memory_space<vmem_shared>>) offsets(%dma_start3A_1511 : memref<80xi32, #tpu.memory_space<vmem>>) semaphore(%arg27 : memref<!tpu.dma_semaphore, #tpu.memory_space<semaphore_mem>>) {add = true}
      %dma_start3A_1514 = arith.constant 0 : i32
      %dma_start3A_1515 = tpu.memref_slice %arg8[%add3A_1469, %dma_start3A_1514] : memref<25x80xi32, #tpu.memory_space<vmem>> -> memref<1x80xi32, #tpu.memory_space<vmem>>
      %dma_start3A_1516 = tpu.memref_squeeze %dma_start3A_1515 : memref<1x80xi32, #tpu.memory_space<vmem>> -> memref<80xi32, #tpu.memory_space<vmem>>
      %dma_start3A_1517 = arith.constant 0 : i32
      %dma_start3A_1518 = arith.constant 0 : i32
      %dma_start3A_1519 = tpu.memref_slice %arg19[%dma_start3A_1517, %dma_start3A_1518] : memref<10000x128xf32, #tpu.memory_space<vmem_shared>> -> memref<10000x128xf32, #tpu.memory_space<vmem_shared>>
      tpu.enqueue_indirect_dma source(%arg15 : memref<80x128xf32, #tpu.memory_space<vmem>>) target(%dma_start3A_1519 : memref<10000x128xf32, #tpu.memory_space<vmem_shared>>) offsets(%dma_start3A_1516 : memref<80xi32, #tpu.memory_space<vmem>>) semaphore(%arg30 : memref<!tpu.dma_semaphore, #tpu.memory_space<semaphore_mem>>) {add = true}
      %add3A_1520 = arith.constant 2 : i32
      %add3A_1521 = arith.addi %add3A_1417, %add3A_1520 : i32
      %add3A_1522 = arith.constant 4 : i32
      %add3A_1523 = arith.addi %add3A_1417, %add3A_1522 : i32
      %dma_wait3A_1524 = arith.constant 0 : i32
      %dma_wait3A_1525 = arith.constant 0 : i32
      %dma_wait3A_1526 = tpu.memref_slice %arg7[%dma_wait3A_1524, %dma_wait3A_1525] : memref<25x80xi32, #tpu.memory_space<vmem>> -> memref<1x80xi32, #tpu.memory_space<vmem>>
      %dma_wait3A_1527 = tpu.memref_squeeze %dma_wait3A_1526 : memref<1x80xi32, #tpu.memory_space<vmem>> -> memref<80xi32, #tpu.memory_space<vmem>>
      %dma_wait3A_1528 = arith.constant 0 : i32
      %dma_wait3A_1529 = arith.constant 0 : i32
      %dma_wait3A_1530 = tpu.memref_slice %arg4[%dma_wait3A_1528, %dma_wait3A_1529] : memref<10000x128xf32, #tpu.memory_space<hbm>> -> memref<10000x128xf32, #tpu.memory_space<hbm>>
      tpu.wait_indirect_dma semaphore(%arg22 : memref<!tpu.dma_semaphore, #tpu.memory_space<semaphore_mem>>) src(%dma_wait3A_1530 : memref<10000x128xf32, #tpu.memory_space<hbm>>) dst(%arg16 : memref<80x128xf32, #tpu.memory_space<vmem>>)
      %dma_wait3A_1531 = arith.constant 0 : i32
      %dma_wait3A_1532 = arith.constant 0 : i32
      %dma_wait3A_1533 = tpu.memref_slice %arg7[%dma_wait3A_1531, %dma_wait3A_1532] : memref<25x80xi32, #tpu.memory_space<vmem>> -> memref<1x80xi32, #tpu.memory_space<vmem>>
      %dma_wait3A_1534 = tpu.memref_squeeze %dma_wait3A_1533 : memref<1x80xi32, #tpu.memory_space<vmem>> -> memref<80xi32, #tpu.memory_space<vmem>>
      %dma_wait3A_1535 = arith.constant 0 : i32
      %dma_wait3A_1536 = tpu.memref_slice %arg2[%dma_wait3A_1535] : memref<10000xf32, #tpu.memory_space<hbm>> -> memref<10000xf32, #tpu.memory_space<hbm>>
      tpu.wait_indirect_dma semaphore(%arg25 : memref<!tpu.dma_semaphore, #tpu.memory_space<semaphore_mem>>) src(%dma_wait3A_1536 : memref<10000xf32, #tpu.memory_space<hbm>>) dst(%arg13 : memref<80xf32, #tpu.memory_space<vmem>>)
      %dma_wait3A_1537 = arith.constant 0 : i32
      %dma_wait3A_1538 = arith.constant 0 : i32
      %dma_wait3A_1539 = tpu.memref_slice %arg7[%dma_wait3A_1537, %dma_wait3A_1538] : memref<25x80xi32, #tpu.memory_space<vmem>> -> memref<1x80xi32, #tpu.memory_space<vmem>>
      %dma_wait3A_1540 = tpu.memref_squeeze %dma_wait3A_1539 : memref<1x80xi32, #tpu.memory_space<vmem>> -> memref<80xi32, #tpu.memory_space<vmem>>
      %dma_wait3A_1541 = arith.constant 0 : i32
      %dma_wait3A_1542 = tpu.memref_slice %arg2[%dma_wait3A_1541] : memref<10000xf32, #tpu.memory_space<hbm>> -> memref<10000xf32, #tpu.memory_space<hbm>>
      tpu.wait_indirect_dma semaphore(%arg27 : memref<!tpu.dma_semaphore, #tpu.memory_space<semaphore_mem>>) src(%dma_wait3A_1542 : memref<10000xf32, #tpu.memory_space<hbm>>) dst(%arg12 : memref<80xf32, #tpu.memory_space<vmem>>)
      %dma_wait3A_1543 = arith.constant 0 : i32
      %dma_wait3A_1544 = arith.constant 0 : i32
      %dma_wait3A_1545 = tpu.memref_slice %arg7[%dma_wait3A_1543, %dma_wait3A_1544] : memref<25x80xi32, #tpu.memory_space<vmem>> -> memref<1x80xi32, #tpu.memory_space<vmem>>
      %dma_wait3A_1546 = tpu.memref_squeeze %dma_wait3A_1545 : memref<1x80xi32, #tpu.memory_space<vmem>> -> memref<80xi32, #tpu.memory_space<vmem>>
      %dma_wait3A_1547 = arith.constant 0 : i32
      %dma_wait3A_1548 = arith.constant 0 : i32
      %dma_wait3A_1549 = tpu.memref_slice %arg4[%dma_wait3A_1547, %dma_wait3A_1548] : memref<10000x128xf32, #tpu.memory_space<hbm>> -> memref<10000x128xf32, #tpu.memory_space<hbm>>
      tpu.wait_indirect_dma semaphore(%arg30 : memref<!tpu.dma_semaphore, #tpu.memory_space<semaphore_mem>>) src(%dma_wait3A_1549 : memref<10000x128xf32, #tpu.memory_space<hbm>>) dst(%arg15 : memref<80x128xf32, #tpu.memory_space<vmem>>)
      %dma_start3A_1550 = arith.constant 0 : i32
      %dma_start3A_1551 = tpu.memref_slice %arg7[%add3A_1523, %dma_start3A_1550] : memref<25x80xi32, #tpu.memory_space<vmem>> -> memref<1x80xi32, #tpu.memory_space<vmem>>
      %dma_start3A_1552 = tpu.memref_squeeze %dma_start3A_1551 : memref<1x80xi32, #tpu.memory_space<vmem>> -> memref<80xi32, #tpu.memory_space<vmem>>
      %dma_start3A_1553 = arith.constant 0 : i32
      %dma_start3A_1554 = arith.constant 0 : i32
      %dma_start3A_1555 = tpu.memref_slice %arg4[%dma_start3A_1553, %dma_start3A_1554] : memref<10000x128xf32, #tpu.memory_space<hbm>> -> memref<10000x128xf32, #tpu.memory_space<hbm>>
      tpu.enqueue_indirect_dma source(%dma_start3A_1555 : memref<10000x128xf32, #tpu.memory_space<hbm>>) target(%arg15 : memref<80x128xf32, #tpu.memory_space<vmem>>) offsets(%dma_start3A_1552 : memref<80xi32, #tpu.memory_space<vmem>>) semaphore(%arg21 : memref<!tpu.dma_semaphore, #tpu.memory_space<semaphore_mem>>)
      %dma_start3A_1556 = arith.constant 0 : i32
      %dma_start3A_1557 = tpu.memref_slice %arg7[%add3A_1523, %dma_start3A_1556] : memref<25x80xi32, #tpu.memory_space<vmem>> -> memref<1x80xi32, #tpu.memory_space<vmem>>
      %dma_start3A_1558 = tpu.memref_squeeze %dma_start3A_1557 : memref<1x80xi32, #tpu.memory_space<vmem>> -> memref<80xi32, #tpu.memory_space<vmem>>
      %dma_start3A_1559 = arith.constant 0 : i32
      %dma_start3A_1560 = tpu.memref_slice %arg2[%dma_start3A_1559] : memref<10000xf32, #tpu.memory_space<hbm>> -> memref<10000xf32, #tpu.memory_space<hbm>>
      tpu.enqueue_indirect_dma source(%dma_start3A_1560 : memref<10000xf32, #tpu.memory_space<hbm>>) target(%arg12 : memref<80xf32, #tpu.memory_space<vmem>>) offsets(%dma_start3A_1558 : memref<80xi32, #tpu.memory_space<vmem>>) semaphore(%arg24 : memref<!tpu.dma_semaphore, #tpu.memory_space<semaphore_mem>>)
      %dma_start3A_1561 = arith.constant 0 : i32
      %dma_start3A_1562 = tpu.memref_slice %arg8[%add3A_1521, %dma_start3A_1561] : memref<25x80xi32, #tpu.memory_space<vmem>> -> memref<1x80xi32, #tpu.memory_space<vmem>>
      %dma_start3A_1563 = tpu.memref_squeeze %dma_start3A_1562 : memref<1x80xi32, #tpu.memory_space<vmem>> -> memref<80xi32, #tpu.memory_space<vmem>>
      %dma_start3A_1564 = arith.constant 0 : i32
      %dma_start3A_1565 = tpu.memref_slice %arg18[%dma_start3A_1564] : memref<10000xf32, #tpu.memory_space<vmem_shared>> -> memref<10000xf32, #tpu.memory_space<vmem_shared>>
      tpu.enqueue_indirect_dma source(%arg13 : memref<80xf32, #tpu.memory_space<vmem>>) target(%dma_start3A_1565 : memref<10000xf32, #tpu.memory_space<vmem_shared>>) offsets(%dma_start3A_1563 : memref<80xi32, #tpu.memory_space<vmem>>) semaphore(%arg28 : memref<!tpu.dma_semaphore, #tpu.memory_space<semaphore_mem>>) {add = true}
      %dma_start3A_1566 = arith.constant 0 : i32
      %dma_start3A_1567 = tpu.memref_slice %arg8[%add3A_1521, %dma_start3A_1566] : memref<25x80xi32, #tpu.memory_space<vmem>> -> memref<1x80xi32, #tpu.memory_space<vmem>>
      %dma_start3A_1568 = tpu.memref_squeeze %dma_start3A_1567 : memref<1x80xi32, #tpu.memory_space<vmem>> -> memref<80xi32, #tpu.memory_space<vmem>>
      %dma_start3A_1569 = arith.constant 0 : i32
      %dma_start3A_1570 = arith.constant 0 : i32
      %dma_start3A_1571 = tpu.memref_slice %arg19[%dma_start3A_1569, %dma_start3A_1570] : memref<10000x128xf32, #tpu.memory_space<vmem_shared>> -> memref<10000x128xf32, #tpu.memory_space<vmem_shared>>
      tpu.enqueue_indirect_dma source(%arg16 : memref<80x128xf32, #tpu.memory_space<vmem>>) target(%dma_start3A_1571 : memref<10000x128xf32, #tpu.memory_space<vmem_shared>>) offsets(%dma_start3A_1568 : memref<80xi32, #tpu.memory_space<vmem>>) semaphore(%arg31 : memref<!tpu.dma_semaphore, #tpu.memory_space<semaphore_mem>>) {add = true}
      %scan3A_1572 = arith.constant 0 : i32
      scf.yield %scan3A_1572 : i32
    }
    %scan3A_711 = arith.constant 7 : i32
    %dma_wait3A_712 = arith.constant 0 : i32
    %dma_wait3A_713 = arith.constant 0 : i32
    %dma_wait3A_714 = tpu.memref_slice %arg7[%dma_wait3A_712, %dma_wait3A_713] : memref<25x80xi32, #tpu.memory_space<vmem>> -> memref<1x80xi32, #tpu.memory_space<vmem>>
    %dma_wait3A_715 = tpu.memref_squeeze %dma_wait3A_714 : memref<1x80xi32, #tpu.memory_space<vmem>> -> memref<80xi32, #tpu.memory_space<vmem>>
    %dma_wait3A_716 = arith.constant 0 : i32
    %dma_wait3A_717 = arith.constant 0 : i32
    %dma_wait3A_718 = tpu.memref_slice %arg4[%dma_wait3A_716, %dma_wait3A_717] : memref<10000x128xf32, #tpu.memory_space<hbm>> -> memref<10000x128xf32, #tpu.memory_space<hbm>>
    tpu.wait_indirect_dma semaphore(%arg20 : memref<!tpu.dma_semaphore, #tpu.memory_space<semaphore_mem>>) src(%dma_wait3A_718 : memref<10000x128xf32, #tpu.memory_space<hbm>>) dst(%arg14 : memref<80x128xf32, #tpu.memory_space<vmem>>)
    %dma_wait3A_719 = arith.constant 0 : i32
    %dma_wait3A_720 = arith.constant 0 : i32
    %dma_wait3A_721 = tpu.memref_slice %arg7[%dma_wait3A_719, %dma_wait3A_720] : memref<25x80xi32, #tpu.memory_space<vmem>> -> memref<1x80xi32, #tpu.memory_space<vmem>>
    %dma_wait3A_722 = tpu.memref_squeeze %dma_wait3A_721 : memref<1x80xi32, #tpu.memory_space<vmem>> -> memref<80xi32, #tpu.memory_space<vmem>>
    %dma_wait3A_723 = arith.constant 0 : i32
    %dma_wait3A_724 = tpu.memref_slice %arg2[%dma_wait3A_723] : memref<10000xf32, #tpu.memory_space<hbm>> -> memref<10000xf32, #tpu.memory_space<hbm>>
    tpu.wait_indirect_dma semaphore(%arg23 : memref<!tpu.dma_semaphore, #tpu.memory_space<semaphore_mem>>) src(%dma_wait3A_724 : memref<10000xf32, #tpu.memory_space<hbm>>) dst(%arg11 : memref<80xf32, #tpu.memory_space<vmem>>)
    %dma_wait3A_725 = arith.constant 0 : i32
    %dma_wait3A_726 = arith.constant 0 : i32
    %dma_wait3A_727 = tpu.memref_slice %arg7[%dma_wait3A_725, %dma_wait3A_726] : memref<25x80xi32, #tpu.memory_space<vmem>> -> memref<1x80xi32, #tpu.memory_space<vmem>>
    %dma_wait3A_728 = tpu.memref_squeeze %dma_wait3A_727 : memref<1x80xi32, #tpu.memory_space<vmem>> -> memref<80xi32, #tpu.memory_space<vmem>>
    %dma_wait3A_729 = arith.constant 0 : i32
    %dma_wait3A_730 = tpu.memref_slice %arg2[%dma_wait3A_729] : memref<10000xf32, #tpu.memory_space<hbm>> -> memref<10000xf32, #tpu.memory_space<hbm>>
    tpu.wait_indirect_dma semaphore(%arg28 : memref<!tpu.dma_semaphore, #tpu.memory_space<semaphore_mem>>) src(%dma_wait3A_730 : memref<10000xf32, #tpu.memory_space<hbm>>) dst(%arg13 : memref<80xf32, #tpu.memory_space<vmem>>)
    %dma_wait3A_731 = arith.constant 0 : i32
    %dma_wait3A_732 = arith.constant 0 : i32
    %dma_wait3A_733 = tpu.memref_slice %arg7[%dma_wait3A_731, %dma_wait3A_732] : memref<25x80xi32, #tpu.memory_space<vmem>> -> memref<1x80xi32, #tpu.memory_space<vmem>>
    %dma_wait3A_734 = tpu.memref_squeeze %dma_wait3A_733 : memref<1x80xi32, #tpu.memory_space<vmem>> -> memref<80xi32, #tpu.memory_space<vmem>>
    %dma_wait3A_735 = arith.constant 0 : i32
    %dma_wait3A_736 = arith.constant 0 : i32
    %dma_wait3A_737 = tpu.memref_slice %arg4[%dma_wait3A_735, %dma_wait3A_736] : memref<10000x128xf32, #tpu.memory_space<hbm>> -> memref<10000x128xf32, #tpu.memory_space<hbm>>
    tpu.wait_indirect_dma semaphore(%arg31 : memref<!tpu.dma_semaphore, #tpu.memory_space<semaphore_mem>>) src(%dma_wait3A_737 : memref<10000x128xf32, #tpu.memory_space<hbm>>) dst(%arg16 : memref<80x128xf32, #tpu.memory_space<vmem>>)
    %dma_start3A_738 = arith.constant 24 : i32
    %dma_start3A_739 = arith.constant 0 : i32
    %dma_start3A_740 = tpu.memref_slice %arg7[%dma_start3A_738, %dma_start3A_739] : memref<25x80xi32, #tpu.memory_space<vmem>> -> memref<1x80xi32, #tpu.memory_space<vmem>>
    %dma_start3A_741 = tpu.memref_squeeze %dma_start3A_740 : memref<1x80xi32, #tpu.memory_space<vmem>> -> memref<80xi32, #tpu.memory_space<vmem>>
    %dma_start3A_742 = arith.constant 0 : i32
    %dma_start3A_743 = arith.constant 0 : i32
    %dma_start3A_744 = tpu.memref_slice %arg4[%dma_start3A_742, %dma_start3A_743] : memref<10000x128xf32, #tpu.memory_space<hbm>> -> memref<10000x128xf32, #tpu.memory_space<hbm>>
    tpu.enqueue_indirect_dma source(%dma_start3A_744 : memref<10000x128xf32, #tpu.memory_space<hbm>>) target(%arg16 : memref<80x128xf32, #tpu.memory_space<vmem>>) offsets(%dma_start3A_741 : memref<80xi32, #tpu.memory_space<vmem>>) semaphore(%arg22 : memref<!tpu.dma_semaphore, #tpu.memory_space<semaphore_mem>>)
    %dma_start3A_745 = arith.constant 24 : i32
    %dma_start3A_746 = arith.constant 0 : i32
    %dma_start3A_747 = tpu.memref_slice %arg7[%dma_start3A_745, %dma_start3A_746] : memref<25x80xi32, #tpu.memory_space<vmem>> -> memref<1x80xi32, #tpu.memory_space<vmem>>
    %dma_start3A_748 = tpu.memref_squeeze %dma_start3A_747 : memref<1x80xi32, #tpu.memory_space<vmem>> -> memref<80xi32, #tpu.memory_space<vmem>>
    %dma_start3A_749 = arith.constant 0 : i32
    %dma_start3A_750 = tpu.memref_slice %arg2[%dma_start3A_749] : memref<10000xf32, #tpu.memory_space<hbm>> -> memref<10000xf32, #tpu.memory_space<hbm>>
    tpu.enqueue_indirect_dma source(%dma_start3A_750 : memref<10000xf32, #tpu.memory_space<hbm>>) target(%arg13 : memref<80xf32, #tpu.memory_space<vmem>>) offsets(%dma_start3A_748 : memref<80xi32, #tpu.memory_space<vmem>>) semaphore(%arg25 : memref<!tpu.dma_semaphore, #tpu.memory_space<semaphore_mem>>)
    %dma_start3A_751 = arith.constant 22 : i32
    %dma_start3A_752 = arith.constant 0 : i32
    %dma_start3A_753 = tpu.memref_slice %arg8[%dma_start3A_751, %dma_start3A_752] : memref<25x80xi32, #tpu.memory_space<vmem>> -> memref<1x80xi32, #tpu.memory_space<vmem>>
    %dma_start3A_754 = tpu.memref_squeeze %dma_start3A_753 : memref<1x80xi32, #tpu.memory_space<vmem>> -> memref<80xi32, #tpu.memory_space<vmem>>
    %dma_start3A_755 = arith.constant 0 : i32
    %dma_start3A_756 = tpu.memref_slice %arg18[%dma_start3A_755] : memref<10000xf32, #tpu.memory_space<vmem_shared>> -> memref<10000xf32, #tpu.memory_space<vmem_shared>>
    tpu.enqueue_indirect_dma source(%arg11 : memref<80xf32, #tpu.memory_space<vmem>>) target(%dma_start3A_756 : memref<10000xf32, #tpu.memory_space<vmem_shared>>) offsets(%dma_start3A_754 : memref<80xi32, #tpu.memory_space<vmem>>) semaphore(%arg26 : memref<!tpu.dma_semaphore, #tpu.memory_space<semaphore_mem>>) {add = true}
    %dma_start3A_757 = arith.constant 22 : i32
    %dma_start3A_758 = arith.constant 0 : i32
    %dma_start3A_759 = tpu.memref_slice %arg8[%dma_start3A_757, %dma_start3A_758] : memref<25x80xi32, #tpu.memory_space<vmem>> -> memref<1x80xi32, #tpu.memory_space<vmem>>
    %dma_start3A_760 = tpu.memref_squeeze %dma_start3A_759 : memref<1x80xi32, #tpu.memory_space<vmem>> -> memref<80xi32, #tpu.memory_space<vmem>>
    %dma_start3A_761 = arith.constant 0 : i32
    %dma_start3A_762 = arith.constant 0 : i32
    %dma_start3A_763 = tpu.memref_slice %arg19[%dma_start3A_761, %dma_start3A_762] : memref<10000x128xf32, #tpu.memory_space<vmem_shared>> -> memref<10000x128xf32, #tpu.memory_space<vmem_shared>>
    tpu.enqueue_indirect_dma source(%arg14 : memref<80x128xf32, #tpu.memory_space<vmem>>) target(%dma_start3A_763 : memref<10000x128xf32, #tpu.memory_space<vmem_shared>>) offsets(%dma_start3A_760 : memref<80xi32, #tpu.memory_space<vmem>>) semaphore(%arg29 : memref<!tpu.dma_semaphore, #tpu.memory_space<semaphore_mem>>) {add = true}
    %dma_wait3A_764 = arith.constant 0 : i32
    %dma_wait3A_765 = arith.constant 0 : i32
    %dma_wait3A_766 = tpu.memref_slice %arg7[%dma_wait3A_764, %dma_wait3A_765] : memref<25x80xi32, #tpu.memory_space<vmem>> -> memref<1x80xi32, #tpu.memory_space<vmem>>
    %dma_wait3A_767 = tpu.memref_squeeze %dma_wait3A_766 : memref<1x80xi32, #tpu.memory_space<vmem>> -> memref<80xi32, #tpu.memory_space<vmem>>
    %dma_wait3A_768 = arith.constant 0 : i32
    %dma_wait3A_769 = arith.constant 0 : i32
    %dma_wait3A_770 = tpu.memref_slice %arg4[%dma_wait3A_768, %dma_wait3A_769] : memref<10000x128xf32, #tpu.memory_space<hbm>> -> memref<10000x128xf32, #tpu.memory_space<hbm>>
    tpu.wait_indirect_dma semaphore(%arg21 : memref<!tpu.dma_semaphore, #tpu.memory_space<semaphore_mem>>) src(%dma_wait3A_770 : memref<10000x128xf32, #tpu.memory_space<hbm>>) dst(%arg15 : memref<80x128xf32, #tpu.memory_space<vmem>>)
    %dma_wait3A_771 = arith.constant 0 : i32
    %dma_wait3A_772 = arith.constant 0 : i32
    %dma_wait3A_773 = tpu.memref_slice %arg7[%dma_wait3A_771, %dma_wait3A_772] : memref<25x80xi32, #tpu.memory_space<vmem>> -> memref<1x80xi32, #tpu.memory_space<vmem>>
    %dma_wait3A_774 = tpu.memref_squeeze %dma_wait3A_773 : memref<1x80xi32, #tpu.memory_space<vmem>> -> memref<80xi32, #tpu.memory_space<vmem>>
    %dma_wait3A_775 = arith.constant 0 : i32
    %dma_wait3A_776 = tpu.memref_slice %arg2[%dma_wait3A_775] : memref<10000xf32, #tpu.memory_space<hbm>> -> memref<10000xf32, #tpu.memory_space<hbm>>
    tpu.wait_indirect_dma semaphore(%arg24 : memref<!tpu.dma_semaphore, #tpu.memory_space<semaphore_mem>>) src(%dma_wait3A_776 : memref<10000xf32, #tpu.memory_space<hbm>>) dst(%arg12 : memref<80xf32, #tpu.memory_space<vmem>>)
    %dma_wait3A_777 = arith.constant 0 : i32
    %dma_wait3A_778 = arith.constant 0 : i32
    %dma_wait3A_779 = tpu.memref_slice %arg7[%dma_wait3A_777, %dma_wait3A_778] : memref<25x80xi32, #tpu.memory_space<vmem>> -> memref<1x80xi32, #tpu.memory_space<vmem>>
    %dma_wait3A_780 = tpu.memref_squeeze %dma_wait3A_779 : memref<1x80xi32, #tpu.memory_space<vmem>> -> memref<80xi32, #tpu.memory_space<vmem>>
    %dma_wait3A_781 = arith.constant 0 : i32
    %dma_wait3A_782 = tpu.memref_slice %arg2[%dma_wait3A_781] : memref<10000xf32, #tpu.memory_space<hbm>> -> memref<10000xf32, #tpu.memory_space<hbm>>
    tpu.wait_indirect_dma semaphore(%arg26 : memref<!tpu.dma_semaphore, #tpu.memory_space<semaphore_mem>>) src(%dma_wait3A_782 : memref<10000xf32, #tpu.memory_space<hbm>>) dst(%arg11 : memref<80xf32, #tpu.memory_space<vmem>>)
    %dma_wait3A_783 = arith.constant 0 : i32
    %dma_wait3A_784 = arith.constant 0 : i32
    %dma_wait3A_785 = tpu.memref_slice %arg7[%dma_wait3A_783, %dma_wait3A_784] : memref<25x80xi32, #tpu.memory_space<vmem>> -> memref<1x80xi32, #tpu.memory_space<vmem>>
    %dma_wait3A_786 = tpu.memref_squeeze %dma_wait3A_785 : memref<1x80xi32, #tpu.memory_space<vmem>> -> memref<80xi32, #tpu.memory_space<vmem>>
    %dma_wait3A_787 = arith.constant 0 : i32
    %dma_wait3A_788 = arith.constant 0 : i32
    %dma_wait3A_789 = tpu.memref_slice %arg4[%dma_wait3A_787, %dma_wait3A_788] : memref<10000x128xf32, #tpu.memory_space<hbm>> -> memref<10000x128xf32, #tpu.memory_space<hbm>>
    tpu.wait_indirect_dma semaphore(%arg29 : memref<!tpu.dma_semaphore, #tpu.memory_space<semaphore_mem>>) src(%dma_wait3A_789 : memref<10000x128xf32, #tpu.memory_space<hbm>>) dst(%arg14 : memref<80x128xf32, #tpu.memory_space<vmem>>)
    %dma_start3A_790 = arith.constant 0 : i32
    %dma_start3A_791 = arith.constant 0 : i32
    %dma_start3A_792 = tpu.memref_slice %arg9[%dma_start3A_790, %dma_start3A_791] : memref<25x80xi32, #tpu.memory_space<vmem>> -> memref<1x80xi32, #tpu.memory_space<vmem>>
    %dma_start3A_793 = tpu.memref_squeeze %dma_start3A_792 : memref<1x80xi32, #tpu.memory_space<vmem>> -> memref<80xi32, #tpu.memory_space<vmem>>
    %dma_start3A_794 = arith.constant 0 : i32
    %dma_start3A_795 = arith.constant 0 : i32
    %dma_start3A_796 = tpu.memref_slice %arg4[%dma_start3A_794, %dma_start3A_795] : memref<10000x128xf32, #tpu.memory_space<hbm>> -> memref<10000x128xf32, #tpu.memory_space<hbm>>
    tpu.enqueue_indirect_dma source(%dma_start3A_796 : memref<10000x128xf32, #tpu.memory_space<hbm>>) target(%arg14 : memref<80x128xf32, #tpu.memory_space<vmem>>) offsets(%dma_start3A_793 : memref<80xi32, #tpu.memory_space<vmem>>) semaphore(%arg20 : memref<!tpu.dma_semaphore, #tpu.memory_space<semaphore_mem>>)
    %dma_start3A_797 = arith.constant 0 : i32
    %dma_start3A_798 = arith.constant 0 : i32
    %dma_start3A_799 = tpu.memref_slice %arg9[%dma_start3A_797, %dma_start3A_798] : memref<25x80xi32, #tpu.memory_space<vmem>> -> memref<1x80xi32, #tpu.memory_space<vmem>>
    %dma_start3A_800 = tpu.memref_squeeze %dma_start3A_799 : memref<1x80xi32, #tpu.memory_space<vmem>> -> memref<80xi32, #tpu.memory_space<vmem>>
    %dma_start3A_801 = arith.constant 0 : i32
    %dma_start3A_802 = tpu.memref_slice %arg2[%dma_start3A_801] : memref<10000xf32, #tpu.memory_space<hbm>> -> memref<10000xf32, #tpu.memory_space<hbm>>
    tpu.enqueue_indirect_dma source(%dma_start3A_802 : memref<10000xf32, #tpu.memory_space<hbm>>) target(%arg11 : memref<80xf32, #tpu.memory_space<vmem>>) offsets(%dma_start3A_800 : memref<80xi32, #tpu.memory_space<vmem>>) semaphore(%arg23 : memref<!tpu.dma_semaphore, #tpu.memory_space<semaphore_mem>>)
    %dma_start3A_803 = arith.constant 23 : i32
    %dma_start3A_804 = arith.constant 0 : i32
    %dma_start3A_805 = tpu.memref_slice %arg8[%dma_start3A_803, %dma_start3A_804] : memref<25x80xi32, #tpu.memory_space<vmem>> -> memref<1x80xi32, #tpu.memory_space<vmem>>
    %dma_start3A_806 = tpu.memref_squeeze %dma_start3A_805 : memref<1x80xi32, #tpu.memory_space<vmem>> -> memref<80xi32, #tpu.memory_space<vmem>>
    %dma_start3A_807 = arith.constant 0 : i32
    %dma_start3A_808 = tpu.memref_slice %arg18[%dma_start3A_807] : memref<10000xf32, #tpu.memory_space<vmem_shared>> -> memref<10000xf32, #tpu.memory_space<vmem_shared>>
    tpu.enqueue_indirect_dma source(%arg12 : memref<80xf32, #tpu.memory_space<vmem>>) target(%dma_start3A_808 : memref<10000xf32, #tpu.memory_space<vmem_shared>>) offsets(%dma_start3A_806 : memref<80xi32, #tpu.memory_space<vmem>>) semaphore(%arg27 : memref<!tpu.dma_semaphore, #tpu.memory_space<semaphore_mem>>) {add = true}
    %dma_start3A_809 = arith.constant 23 : i32
    %dma_start3A_810 = arith.constant 0 : i32
    %dma_start3A_811 = tpu.memref_slice %arg8[%dma_start3A_809, %dma_start3A_810] : memref<25x80xi32, #tpu.memory_space<vmem>> -> memref<1x80xi32, #tpu.memory_space<vmem>>
    %dma_start3A_812 = tpu.memref_squeeze %dma_start3A_811 : memref<1x80xi32, #tpu.memory_space<vmem>> -> memref<80xi32, #tpu.memory_space<vmem>>
    %dma_start3A_813 = arith.constant 0 : i32
    %dma_start3A_814 = arith.constant 0 : i32
    %dma_start3A_815 = tpu.memref_slice %arg19[%dma_start3A_813, %dma_start3A_814] : memref<10000x128xf32, #tpu.memory_space<vmem_shared>> -> memref<10000x128xf32, #tpu.memory_space<vmem_shared>>
    tpu.enqueue_indirect_dma source(%arg15 : memref<80x128xf32, #tpu.memory_space<vmem>>) target(%dma_start3A_815 : memref<10000x128xf32, #tpu.memory_space<vmem_shared>>) offsets(%dma_start3A_812 : memref<80xi32, #tpu.memory_space<vmem>>) semaphore(%arg30 : memref<!tpu.dma_semaphore, #tpu.memory_space<semaphore_mem>>) {add = true}
    %dma_wait3A_816 = arith.constant 0 : i32
    %dma_wait3A_817 = arith.constant 0 : i32
    %dma_wait3A_818 = tpu.memref_slice %arg7[%dma_wait3A_816, %dma_wait3A_817] : memref<25x80xi32, #tpu.memory_space<vmem>> -> memref<1x80xi32, #tpu.memory_space<vmem>>
    %dma_wait3A_819 = tpu.memref_squeeze %dma_wait3A_818 : memref<1x80xi32, #tpu.memory_space<vmem>> -> memref<80xi32, #tpu.memory_space<vmem>>
    %dma_wait3A_820 = arith.constant 0 : i32
    %dma_wait3A_821 = arith.constant 0 : i32
    %dma_wait3A_822 = tpu.memref_slice %arg4[%dma_wait3A_820, %dma_wait3A_821] : memref<10000x128xf32, #tpu.memory_space<hbm>> -> memref<10000x128xf32, #tpu.memory_space<hbm>>
    tpu.wait_indirect_dma semaphore(%arg22 : memref<!tpu.dma_semaphore, #tpu.memory_space<semaphore_mem>>) src(%dma_wait3A_822 : memref<10000x128xf32, #tpu.memory_space<hbm>>) dst(%arg16 : memref<80x128xf32, #tpu.memory_space<vmem>>)
    %dma_wait3A_823 = arith.constant 0 : i32
    %dma_wait3A_824 = arith.constant 0 : i32
    %dma_wait3A_825 = tpu.memref_slice %arg7[%dma_wait3A_823, %dma_wait3A_824] : memref<25x80xi32, #tpu.memory_space<vmem>> -> memref<1x80xi32, #tpu.memory_space<vmem>>
    %dma_wait3A_826 = tpu.memref_squeeze %dma_wait3A_825 : memref<1x80xi32, #tpu.memory_space<vmem>> -> memref<80xi32, #tpu.memory_space<vmem>>
    %dma_wait3A_827 = arith.constant 0 : i32
    %dma_wait3A_828 = tpu.memref_slice %arg2[%dma_wait3A_827] : memref<10000xf32, #tpu.memory_space<hbm>> -> memref<10000xf32, #tpu.memory_space<hbm>>
    tpu.wait_indirect_dma semaphore(%arg25 : memref<!tpu.dma_semaphore, #tpu.memory_space<semaphore_mem>>) src(%dma_wait3A_828 : memref<10000xf32, #tpu.memory_space<hbm>>) dst(%arg13 : memref<80xf32, #tpu.memory_space<vmem>>)
    %dma_wait3A_829 = arith.constant 0 : i32
    %dma_wait3A_830 = arith.constant 0 : i32
    %dma_wait3A_831 = tpu.memref_slice %arg7[%dma_wait3A_829, %dma_wait3A_830] : memref<25x80xi32, #tpu.memory_space<vmem>> -> memref<1x80xi32, #tpu.memory_space<vmem>>
    %dma_wait3A_832 = tpu.memref_squeeze %dma_wait3A_831 : memref<1x80xi32, #tpu.memory_space<vmem>> -> memref<80xi32, #tpu.memory_space<vmem>>
    %dma_wait3A_833 = arith.constant 0 : i32
    %dma_wait3A_834 = tpu.memref_slice %arg2[%dma_wait3A_833] : memref<10000xf32, #tpu.memory_space<hbm>> -> memref<10000xf32, #tpu.memory_space<hbm>>
    tpu.wait_indirect_dma semaphore(%arg27 : memref<!tpu.dma_semaphore, #tpu.memory_space<semaphore_mem>>) src(%dma_wait3A_834 : memref<10000xf32, #tpu.memory_space<hbm>>) dst(%arg12 : memref<80xf32, #tpu.memory_space<vmem>>)
    %dma_wait3A_835 = arith.constant 0 : i32
    %dma_wait3A_836 = arith.constant 0 : i32
    %dma_wait3A_837 = tpu.memref_slice %arg7[%dma_wait3A_835, %dma_wait3A_836] : memref<25x80xi32, #tpu.memory_space<vmem>> -> memref<1x80xi32, #tpu.memory_space<vmem>>
    %dma_wait3A_838 = tpu.memref_squeeze %dma_wait3A_837 : memref<1x80xi32, #tpu.memory_space<vmem>> -> memref<80xi32, #tpu.memory_space<vmem>>
    %dma_wait3A_839 = arith.constant 0 : i32
    %dma_wait3A_840 = arith.constant 0 : i32
    %dma_wait3A_841 = tpu.memref_slice %arg4[%dma_wait3A_839, %dma_wait3A_840] : memref<10000x128xf32, #tpu.memory_space<hbm>> -> memref<10000x128xf32, #tpu.memory_space<hbm>>
    tpu.wait_indirect_dma semaphore(%arg30 : memref<!tpu.dma_semaphore, #tpu.memory_space<semaphore_mem>>) src(%dma_wait3A_841 : memref<10000x128xf32, #tpu.memory_space<hbm>>) dst(%arg15 : memref<80x128xf32, #tpu.memory_space<vmem>>)
    %dma_start3A_842 = arith.constant 1 : i32
    %dma_start3A_843 = arith.constant 0 : i32
    %dma_start3A_844 = tpu.memref_slice %arg9[%dma_start3A_842, %dma_start3A_843] : memref<25x80xi32, #tpu.memory_space<vmem>> -> memref<1x80xi32, #tpu.memory_space<vmem>>
    %dma_start3A_845 = tpu.memref_squeeze %dma_start3A_844 : memref<1x80xi32, #tpu.memory_space<vmem>> -> memref<80xi32, #tpu.memory_space<vmem>>
    %dma_start3A_846 = arith.constant 0 : i32
    %dma_start3A_847 = arith.constant 0 : i32
    %dma_start3A_848 = tpu.memref_slice %arg4[%dma_start3A_846, %dma_start3A_847] : memref<10000x128xf32, #tpu.memory_space<hbm>> -> memref<10000x128xf32, #tpu.memory_space<hbm>>
    tpu.enqueue_indirect_dma source(%dma_start3A_848 : memref<10000x128xf32, #tpu.memory_space<hbm>>) target(%arg15 : memref<80x128xf32, #tpu.memory_space<vmem>>) offsets(%dma_start3A_845 : memref<80xi32, #tpu.memory_space<vmem>>) semaphore(%arg21 : memref<!tpu.dma_semaphore, #tpu.memory_space<semaphore_mem>>)
    %dma_start3A_849 = arith.constant 1 : i32
    %dma_start3A_850 = arith.constant 0 : i32
    %dma_start3A_851 = tpu.memref_slice %arg9[%dma_start3A_849, %dma_start3A_850] : memref<25x80xi32, #tpu.memory_space<vmem>> -> memref<1x80xi32, #tpu.memory_space<vmem>>
    %dma_start3A_852 = tpu.memref_squeeze %dma_start3A_851 : memref<1x80xi32, #tpu.memory_space<vmem>> -> memref<80xi32, #tpu.memory_space<vmem>>
    %dma_start3A_853 = arith.constant 0 : i32
    %dma_start3A_854 = tpu.memref_slice %arg2[%dma_start3A_853] : memref<10000xf32, #tpu.memory_space<hbm>> -> memref<10000xf32, #tpu.memory_space<hbm>>
    tpu.enqueue_indirect_dma source(%dma_start3A_854 : memref<10000xf32, #tpu.memory_space<hbm>>) target(%arg12 : memref<80xf32, #tpu.memory_space<vmem>>) offsets(%dma_start3A_852 : memref<80xi32, #tpu.memory_space<vmem>>) semaphore(%arg24 : memref<!tpu.dma_semaphore, #tpu.memory_space<semaphore_mem>>)
    %dma_start3A_855 = arith.constant 24 : i32
    %dma_start3A_856 = arith.constant 0 : i32
    %dma_start3A_857 = tpu.memref_slice %arg8[%dma_start3A_855, %dma_start3A_856] : memref<25x80xi32, #tpu.memory_space<vmem>> -> memref<1x80xi32, #tpu.memory_space<vmem>>
    %dma_start3A_858 = tpu.memref_squeeze %dma_start3A_857 : memref<1x80xi32, #tpu.memory_space<vmem>> -> memref<80xi32, #tpu.memory_space<vmem>>
    %dma_start3A_859 = arith.constant 0 : i32
    %dma_start3A_860 = tpu.memref_slice %arg18[%dma_start3A_859] : memref<10000xf32, #tpu.memory_space<vmem_shared>> -> memref<10000xf32, #tpu.memory_space<vmem_shared>>
    tpu.enqueue_indirect_dma source(%arg13 : memref<80xf32, #tpu.memory_space<vmem>>) target(%dma_start3A_860 : memref<10000xf32, #tpu.memory_space<vmem_shared>>) offsets(%dma_start3A_858 : memref<80xi32, #tpu.memory_space<vmem>>) semaphore(%arg28 : memref<!tpu.dma_semaphore, #tpu.memory_space<semaphore_mem>>) {add = true}
    %dma_start3A_861 = arith.constant 24 : i32
    %dma_start3A_862 = arith.constant 0 : i32
    %dma_start3A_863 = tpu.memref_slice %arg8[%dma_start3A_861, %dma_start3A_862] : memref<25x80xi32, #tpu.memory_space<vmem>> -> memref<1x80xi32, #tpu.memory_space<vmem>>
    %dma_start3A_864 = tpu.memref_squeeze %dma_start3A_863 : memref<1x80xi32, #tpu.memory_space<vmem>> -> memref<80xi32, #tpu.memory_space<vmem>>
    %dma_start3A_865 = arith.constant 0 : i32
    %dma_start3A_866 = arith.constant 0 : i32
    %dma_start3A_867 = tpu.memref_slice %arg19[%dma_start3A_865, %dma_start3A_866] : memref<10000x128xf32, #tpu.memory_space<vmem_shared>> -> memref<10000x128xf32, #tpu.memory_space<vmem_shared>>
    tpu.enqueue_indirect_dma source(%arg16 : memref<80x128xf32, #tpu.memory_space<vmem>>) target(%dma_start3A_867 : memref<10000x128xf32, #tpu.memory_space<vmem_shared>>) offsets(%dma_start3A_864 : memref<80xi32, #tpu.memory_space<vmem>>) semaphore(%arg31 : memref<!tpu.dma_semaphore, #tpu.memory_space<semaphore_mem>>) {add = true}
    %run_scoped3A_868 = arith.constant 0 : i32
    %run_scoped3A_869 = arith.constant 4 : i32
    "tpu.region"() ({
      %run_scoped3A_1412 = tpu.sem_alloc : memref<!tpu.dma_semaphore, #tpu.memory_space<semaphore_mem>>
      %dma_start3A_1413 = arith.constant 0 : i32
      %dma_start3A_1414 = arith.constant 0 : i32
      %dma_start3A_1415 = tpu.memref_slice %arg3[%run_scoped3A_868, %add3A, %run_scoped3A_869, %dma_start3A_1413, %dma_start3A_1414] : memref<2x32x5x25x80xi32, #tpu.memory_space<hbm>> -> memref<1x1x1x25x80xi32, #tpu.memory_space<hbm>>
      %dma_start3A_1416 = tpu.memref_squeeze %dma_start3A_1415 : memref<1x1x1x25x80xi32, #tpu.memory_space<hbm>> -> memref<25x80xi32, #tpu.memory_space<hbm>>
      %dma_start3A_1417 = arith.constant 0 : i32
      %dma_start3A_1418 = arith.constant 0 : i32
      %dma_start3A_1419 = tpu.memref_slice %arg3[%run_scoped3A_868, %add3A, %run_scoped3A_869, %dma_start3A_1417, %dma_start3A_1418] : memref<2x32x5x25x80xi32, #tpu.memory_space<hbm>> -> memref<1x1x1x25x80xi32, #tpu.memory_space<hbm>>
      %dma_start3A_1420 = tpu.memref_squeeze %dma_start3A_1419 : memref<1x1x1x25x80xi32, #tpu.memory_space<hbm>> -> memref<25x80xi32, #tpu.memory_space<hbm>>
      tpu.enqueue_dma source(%dma_start3A_1420 : memref<25x80xi32, #tpu.memory_space<hbm>>) target(%arg7 : memref<25x80xi32, #tpu.memory_space<vmem>>) target_semaphore(%run_scoped3A_1412 : memref<!tpu.dma_semaphore, #tpu.memory_space<semaphore_mem>>)
      %dma_wait3A_1421 = arith.constant 0 : i32
      %dma_wait3A_1422 = arith.constant 0 : i32
      %dma_wait3A_1423 = tpu.memref_slice %arg3[%run_scoped3A_868, %add3A, %run_scoped3A_869, %dma_wait3A_1421, %dma_wait3A_1422] : memref<2x32x5x25x80xi32, #tpu.memory_space<hbm>> -> memref<1x1x1x25x80xi32, #tpu.memory_space<hbm>>
      %dma_wait3A_1424 = tpu.memref_squeeze %dma_wait3A_1423 : memref<1x1x1x25x80xi32, #tpu.memory_space<hbm>> -> memref<25x80xi32, #tpu.memory_space<hbm>>
      %dma_wait3A_1425 = arith.constant 0 : i32
      %dma_wait3A_1426 = arith.constant 0 : i32
      %dma_wait3A_1427 = tpu.memref_slice %arg3[%run_scoped3A_868, %add3A, %run_scoped3A_869, %dma_wait3A_1425, %dma_wait3A_1426] : memref<2x32x5x25x80xi32, #tpu.memory_space<hbm>> -> memref<1x1x1x25x80xi32, #tpu.memory_space<hbm>>
      %dma_wait3A_1428 = tpu.memref_squeeze %dma_wait3A_1427 : memref<1x1x1x25x80xi32, #tpu.memory_space<hbm>> -> memref<25x80xi32, #tpu.memory_space<hbm>>
      tpu.wait_dma2 semaphore(%run_scoped3A_1412 : memref<!tpu.dma_semaphore, #tpu.memory_space<semaphore_mem>>) src(%dma_wait3A_1428 : memref<25x80xi32, #tpu.memory_space<hbm>>) dst(%arg7 : memref<25x80xi32, #tpu.memory_space<vmem>>)
      tpu.yield
    }) : () -> ()
    %run_scoped3A_870 = arith.constant 1 : i32
    %run_scoped3A_871 = arith.constant 4 : i32
    "tpu.region"() ({
      %run_scoped3A_1412 = tpu.sem_alloc : memref<!tpu.dma_semaphore, #tpu.memory_space<semaphore_mem>>
      %dma_start3A_1413 = arith.constant 0 : i32
      %dma_start3A_1414 = arith.constant 0 : i32
      %dma_start3A_1415 = tpu.memref_slice %arg3[%run_scoped3A_870, %add3A, %run_scoped3A_871, %dma_start3A_1413, %dma_start3A_1414] : memref<2x32x5x25x80xi32, #tpu.memory_space<hbm>> -> memref<1x1x1x25x80xi32, #tpu.memory_space<hbm>>
      %dma_start3A_1416 = tpu.memref_squeeze %dma_start3A_1415 : memref<1x1x1x25x80xi32, #tpu.memory_space<hbm>> -> memref<25x80xi32, #tpu.memory_space<hbm>>
      %dma_start3A_1417 = arith.constant 0 : i32
      %dma_start3A_1418 = arith.constant 0 : i32
      %dma_start3A_1419 = tpu.memref_slice %arg3[%run_scoped3A_870, %add3A, %run_scoped3A_871, %dma_start3A_1417, %dma_start3A_1418] : memref<2x32x5x25x80xi32, #tpu.memory_space<hbm>> -> memref<1x1x1x25x80xi32, #tpu.memory_space<hbm>>
      %dma_start3A_1420 = tpu.memref_squeeze %dma_start3A_1419 : memref<1x1x1x25x80xi32, #tpu.memory_space<hbm>> -> memref<25x80xi32, #tpu.memory_space<hbm>>
      tpu.enqueue_dma source(%dma_start3A_1420 : memref<25x80xi32, #tpu.memory_space<hbm>>) target(%arg8 : memref<25x80xi32, #tpu.memory_space<vmem>>) target_semaphore(%run_scoped3A_1412 : memref<!tpu.dma_semaphore, #tpu.memory_space<semaphore_mem>>)
      %dma_wait3A_1421 = arith.constant 0 : i32
      %dma_wait3A_1422 = arith.constant 0 : i32
      %dma_wait3A_1423 = tpu.memref_slice %arg3[%run_scoped3A_870, %add3A, %run_scoped3A_871, %dma_wait3A_1421, %dma_wait3A_1422] : memref<2x32x5x25x80xi32, #tpu.memory_space<hbm>> -> memref<1x1x1x25x80xi32, #tpu.memory_space<hbm>>
      %dma_wait3A_1424 = tpu.memref_squeeze %dma_wait3A_1423 : memref<1x1x1x25x80xi32, #tpu.memory_space<hbm>> -> memref<25x80xi32, #tpu.memory_space<hbm>>
      %dma_wait3A_1425 = arith.constant 0 : i32
      %dma_wait3A_1426 = arith.constant 0 : i32
      %dma_wait3A_1427 = tpu.memref_slice %arg3[%run_scoped3A_870, %add3A, %run_scoped3A_871, %dma_wait3A_1425, %dma_wait3A_1426] : memref<2x32x5x25x80xi32, #tpu.memory_space<hbm>> -> memref<1x1x1x25x80xi32, #tpu.memory_space<hbm>>
      %dma_wait3A_1428 = tpu.memref_squeeze %dma_wait3A_1427 : memref<1x1x1x25x80xi32, #tpu.memory_space<hbm>> -> memref<25x80xi32, #tpu.memory_space<hbm>>
      tpu.wait_dma2 semaphore(%run_scoped3A_1412 : memref<!tpu.dma_semaphore, #tpu.memory_space<semaphore_mem>>) src(%dma_wait3A_1428 : memref<25x80xi32, #tpu.memory_space<hbm>>) dst(%arg8 : memref<25x80xi32, #tpu.memory_space<vmem>>)
      tpu.yield
    }) : () -> ()
    %dma_wait3A_872 = arith.constant 0 : i32
    %dma_wait3A_873 = arith.constant 0 : i32
    %dma_wait3A_874 = tpu.memref_slice %arg7[%dma_wait3A_872, %dma_wait3A_873] : memref<25x80xi32, #tpu.memory_space<vmem>> -> memref<1x80xi32, #tpu.memory_space<vmem>>
    %dma_wait3A_875 = tpu.memref_squeeze %dma_wait3A_874 : memref<1x80xi32, #tpu.memory_space<vmem>> -> memref<80xi32, #tpu.memory_space<vmem>>
    %dma_wait3A_876 = arith.constant 0 : i32
    %dma_wait3A_877 = arith.constant 0 : i32
    %dma_wait3A_878 = tpu.memref_slice %arg4[%dma_wait3A_876, %dma_wait3A_877] : memref<10000x128xf32, #tpu.memory_space<hbm>> -> memref<10000x128xf32, #tpu.memory_space<hbm>>
    tpu.wait_indirect_dma semaphore(%arg20 : memref<!tpu.dma_semaphore, #tpu.memory_space<semaphore_mem>>) src(%dma_wait3A_878 : memref<10000x128xf32, #tpu.memory_space<hbm>>) dst(%arg14 : memref<80x128xf32, #tpu.memory_space<vmem>>)
    %dma_wait3A_879 = arith.constant 0 : i32
    %dma_wait3A_880 = arith.constant 0 : i32
    %dma_wait3A_881 = tpu.memref_slice %arg7[%dma_wait3A_879, %dma_wait3A_880] : memref<25x80xi32, #tpu.memory_space<vmem>> -> memref<1x80xi32, #tpu.memory_space<vmem>>
    %dma_wait3A_882 = tpu.memref_squeeze %dma_wait3A_881 : memref<1x80xi32, #tpu.memory_space<vmem>> -> memref<80xi32, #tpu.memory_space<vmem>>
    %dma_wait3A_883 = arith.constant 0 : i32
    %dma_wait3A_884 = tpu.memref_slice %arg2[%dma_wait3A_883] : memref<10000xf32, #tpu.memory_space<hbm>> -> memref<10000xf32, #tpu.memory_space<hbm>>
    tpu.wait_indirect_dma semaphore(%arg23 : memref<!tpu.dma_semaphore, #tpu.memory_space<semaphore_mem>>) src(%dma_wait3A_884 : memref<10000xf32, #tpu.memory_space<hbm>>) dst(%arg11 : memref<80xf32, #tpu.memory_space<vmem>>)
    %dma_wait3A_885 = arith.constant 0 : i32
    %dma_wait3A_886 = arith.constant 0 : i32
    %dma_wait3A_887 = tpu.memref_slice %arg7[%dma_wait3A_885, %dma_wait3A_886] : memref<25x80xi32, #tpu.memory_space<vmem>> -> memref<1x80xi32, #tpu.memory_space<vmem>>
    %dma_wait3A_888 = tpu.memref_squeeze %dma_wait3A_887 : memref<1x80xi32, #tpu.memory_space<vmem>> -> memref<80xi32, #tpu.memory_space<vmem>>
    %dma_wait3A_889 = arith.constant 0 : i32
    %dma_wait3A_890 = tpu.memref_slice %arg2[%dma_wait3A_889] : memref<10000xf32, #tpu.memory_space<hbm>> -> memref<10000xf32, #tpu.memory_space<hbm>>
    tpu.wait_indirect_dma semaphore(%arg28 : memref<!tpu.dma_semaphore, #tpu.memory_space<semaphore_mem>>) src(%dma_wait3A_890 : memref<10000xf32, #tpu.memory_space<hbm>>) dst(%arg13 : memref<80xf32, #tpu.memory_space<vmem>>)
    %dma_wait3A_891 = arith.constant 0 : i32
    %dma_wait3A_892 = arith.constant 0 : i32
    %dma_wait3A_893 = tpu.memref_slice %arg7[%dma_wait3A_891, %dma_wait3A_892] : memref<25x80xi32, #tpu.memory_space<vmem>> -> memref<1x80xi32, #tpu.memory_space<vmem>>
    %dma_wait3A_894 = tpu.memref_squeeze %dma_wait3A_893 : memref<1x80xi32, #tpu.memory_space<vmem>> -> memref<80xi32, #tpu.memory_space<vmem>>
    %dma_wait3A_895 = arith.constant 0 : i32
    %dma_wait3A_896 = arith.constant 0 : i32
    %dma_wait3A_897 = tpu.memref_slice %arg4[%dma_wait3A_895, %dma_wait3A_896] : memref<10000x128xf32, #tpu.memory_space<hbm>> -> memref<10000x128xf32, #tpu.memory_space<hbm>>
    tpu.wait_indirect_dma semaphore(%arg31 : memref<!tpu.dma_semaphore, #tpu.memory_space<semaphore_mem>>) src(%dma_wait3A_897 : memref<10000x128xf32, #tpu.memory_space<hbm>>) dst(%arg16 : memref<80x128xf32, #tpu.memory_space<vmem>>)
    %dma_start3A_898 = arith.constant 2 : i32
    %dma_start3A_899 = arith.constant 0 : i32
    %dma_start3A_900 = tpu.memref_slice %arg9[%dma_start3A_898, %dma_start3A_899] : memref<25x80xi32, #tpu.memory_space<vmem>> -> memref<1x80xi32, #tpu.memory_space<vmem>>
    %dma_start3A_901 = tpu.memref_squeeze %dma_start3A_900 : memref<1x80xi32, #tpu.memory_space<vmem>> -> memref<80xi32, #tpu.memory_space<vmem>>
    %dma_start3A_902 = arith.constant 0 : i32
    %dma_start3A_903 = arith.constant 0 : i32
    %dma_start3A_904 = tpu.memref_slice %arg4[%dma_start3A_902, %dma_start3A_903] : memref<10000x128xf32, #tpu.memory_space<hbm>> -> memref<10000x128xf32, #tpu.memory_space<hbm>>
    tpu.enqueue_indirect_dma source(%dma_start3A_904 : memref<10000x128xf32, #tpu.memory_space<hbm>>) target(%arg16 : memref<80x128xf32, #tpu.memory_space<vmem>>) offsets(%dma_start3A_901 : memref<80xi32, #tpu.memory_space<vmem>>) semaphore(%arg22 : memref<!tpu.dma_semaphore, #tpu.memory_space<semaphore_mem>>)
    %dma_start3A_905 = arith.constant 2 : i32
    %dma_start3A_906 = arith.constant 0 : i32
    %dma_start3A_907 = tpu.memref_slice %arg9[%dma_start3A_905, %dma_start3A_906] : memref<25x80xi32, #tpu.memory_space<vmem>> -> memref<1x80xi32, #tpu.memory_space<vmem>>
    %dma_start3A_908 = tpu.memref_squeeze %dma_start3A_907 : memref<1x80xi32, #tpu.memory_space<vmem>> -> memref<80xi32, #tpu.memory_space<vmem>>
    %dma_start3A_909 = arith.constant 0 : i32
    %dma_start3A_910 = tpu.memref_slice %arg2[%dma_start3A_909] : memref<10000xf32, #tpu.memory_space<hbm>> -> memref<10000xf32, #tpu.memory_space<hbm>>
    tpu.enqueue_indirect_dma source(%dma_start3A_910 : memref<10000xf32, #tpu.memory_space<hbm>>) target(%arg13 : memref<80xf32, #tpu.memory_space<vmem>>) offsets(%dma_start3A_908 : memref<80xi32, #tpu.memory_space<vmem>>) semaphore(%arg25 : memref<!tpu.dma_semaphore, #tpu.memory_space<semaphore_mem>>)
    %dma_start3A_911 = arith.constant 0 : i32
    %dma_start3A_912 = arith.constant 0 : i32
    %dma_start3A_913 = tpu.memref_slice %arg10[%dma_start3A_911, %dma_start3A_912] : memref<25x80xi32, #tpu.memory_space<vmem>> -> memref<1x80xi32, #tpu.memory_space<vmem>>
    %dma_start3A_914 = tpu.memref_squeeze %dma_start3A_913 : memref<1x80xi32, #tpu.memory_space<vmem>> -> memref<80xi32, #tpu.memory_space<vmem>>
    %dma_start3A_915 = arith.constant 0 : i32
    %dma_start3A_916 = tpu.memref_slice %arg18[%dma_start3A_915] : memref<10000xf32, #tpu.memory_space<vmem_shared>> -> memref<10000xf32, #tpu.memory_space<vmem_shared>>
    tpu.enqueue_indirect_dma source(%arg11 : memref<80xf32, #tpu.memory_space<vmem>>) target(%dma_start3A_916 : memref<10000xf32, #tpu.memory_space<vmem_shared>>) offsets(%dma_start3A_914 : memref<80xi32, #tpu.memory_space<vmem>>) semaphore(%arg26 : memref<!tpu.dma_semaphore, #tpu.memory_space<semaphore_mem>>) {add = true}
    %dma_start3A_917 = arith.constant 0 : i32
    %dma_start3A_918 = arith.constant 0 : i32
    %dma_start3A_919 = tpu.memref_slice %arg10[%dma_start3A_917, %dma_start3A_918] : memref<25x80xi32, #tpu.memory_space<vmem>> -> memref<1x80xi32, #tpu.memory_space<vmem>>
    %dma_start3A_920 = tpu.memref_squeeze %dma_start3A_919 : memref<1x80xi32, #tpu.memory_space<vmem>> -> memref<80xi32, #tpu.memory_space<vmem>>
    %dma_start3A_921 = arith.constant 0 : i32
    %dma_start3A_922 = arith.constant 0 : i32
    %dma_start3A_923 = tpu.memref_slice %arg19[%dma_start3A_921, %dma_start3A_922] : memref<10000x128xf32, #tpu.memory_space<vmem_shared>> -> memref<10000x128xf32, #tpu.memory_space<vmem_shared>>
    tpu.enqueue_indirect_dma source(%arg14 : memref<80x128xf32, #tpu.memory_space<vmem>>) target(%dma_start3A_923 : memref<10000x128xf32, #tpu.memory_space<vmem_shared>>) offsets(%dma_start3A_920 : memref<80xi32, #tpu.memory_space<vmem>>) semaphore(%arg29 : memref<!tpu.dma_semaphore, #tpu.memory_space<semaphore_mem>>) {add = true}
    %scan3A_924 = arith.constant 0 : i32
    %scan3A_925 = arith.constant 0 : i32
    %scan3A_926 = arith.constant 7 : i32
    %scan3A_927 = arith.addi %scan3A_925, %scan3A_926 : i32
    %scan3A_928 = arith.constant 1 : i32
    %scan3A_929 = scf.for %scan3A_1412 = %scan3A_925 to %scan3A_927 step %scan3A_928 iter_args(%scan3A_1413 = %scan3A_924) -> (i32)  : i32 {
      %mul3A_1414 = arith.constant 3 : i32
      %mul3A_1415 = arith.muli %mul3A_1414, %scan3A_1412 : i32
      %add3A_1416 = arith.constant 1 : i32
      %add3A_1417 = arith.addi %add3A_1416, %mul3A_1415 : i32
      %add3A_1418 = arith.constant 2 : i32
      %add3A_1419 = arith.addi %add3A_1417, %add3A_1418 : i32
      %dma_wait3A_1420 = arith.constant 0 : i32
      %dma_wait3A_1421 = arith.constant 0 : i32
      %dma_wait3A_1422 = tpu.memref_slice %arg7[%dma_wait3A_1420, %dma_wait3A_1421] : memref<25x80xi32, #tpu.memory_space<vmem>> -> memref<1x80xi32, #tpu.memory_space<vmem>>
      %dma_wait3A_1423 = tpu.memref_squeeze %dma_wait3A_1422 : memref<1x80xi32, #tpu.memory_space<vmem>> -> memref<80xi32, #tpu.memory_space<vmem>>
      %dma_wait3A_1424 = arith.constant 0 : i32
      %dma_wait3A_1425 = arith.constant 0 : i32
      %dma_wait3A_1426 = tpu.memref_slice %arg4[%dma_wait3A_1424, %dma_wait3A_1425] : memref<10000x128xf32, #tpu.memory_space<hbm>> -> memref<10000x128xf32, #tpu.memory_space<hbm>>
      tpu.wait_indirect_dma semaphore(%arg21 : memref<!tpu.dma_semaphore, #tpu.memory_space<semaphore_mem>>) src(%dma_wait3A_1426 : memref<10000x128xf32, #tpu.memory_space<hbm>>) dst(%arg15 : memref<80x128xf32, #tpu.memory_space<vmem>>)
      %dma_wait3A_1427 = arith.constant 0 : i32
      %dma_wait3A_1428 = arith.constant 0 : i32
      %dma_wait3A_1429 = tpu.memref_slice %arg7[%dma_wait3A_1427, %dma_wait3A_1428] : memref<25x80xi32, #tpu.memory_space<vmem>> -> memref<1x80xi32, #tpu.memory_space<vmem>>
      %dma_wait3A_1430 = tpu.memref_squeeze %dma_wait3A_1429 : memref<1x80xi32, #tpu.memory_space<vmem>> -> memref<80xi32, #tpu.memory_space<vmem>>
      %dma_wait3A_1431 = arith.constant 0 : i32
      %dma_wait3A_1432 = tpu.memref_slice %arg2[%dma_wait3A_1431] : memref<10000xf32, #tpu.memory_space<hbm>> -> memref<10000xf32, #tpu.memory_space<hbm>>
      tpu.wait_indirect_dma semaphore(%arg24 : memref<!tpu.dma_semaphore, #tpu.memory_space<semaphore_mem>>) src(%dma_wait3A_1432 : memref<10000xf32, #tpu.memory_space<hbm>>) dst(%arg12 : memref<80xf32, #tpu.memory_space<vmem>>)
      %dma_wait3A_1433 = arith.constant 0 : i32
      %dma_wait3A_1434 = arith.constant 0 : i32
      %dma_wait3A_1435 = tpu.memref_slice %arg7[%dma_wait3A_1433, %dma_wait3A_1434] : memref<25x80xi32, #tpu.memory_space<vmem>> -> memref<1x80xi32, #tpu.memory_space<vmem>>
      %dma_wait3A_1436 = tpu.memref_squeeze %dma_wait3A_1435 : memref<1x80xi32, #tpu.memory_space<vmem>> -> memref<80xi32, #tpu.memory_space<vmem>>
      %dma_wait3A_1437 = arith.constant 0 : i32
      %dma_wait3A_1438 = tpu.memref_slice %arg2[%dma_wait3A_1437] : memref<10000xf32, #tpu.memory_space<hbm>> -> memref<10000xf32, #tpu.memory_space<hbm>>
      tpu.wait_indirect_dma semaphore(%arg26 : memref<!tpu.dma_semaphore, #tpu.memory_space<semaphore_mem>>) src(%dma_wait3A_1438 : memref<10000xf32, #tpu.memory_space<hbm>>) dst(%arg11 : memref<80xf32, #tpu.memory_space<vmem>>)
      %dma_wait3A_1439 = arith.constant 0 : i32
      %dma_wait3A_1440 = arith.constant 0 : i32
      %dma_wait3A_1441 = tpu.memref_slice %arg7[%dma_wait3A_1439, %dma_wait3A_1440] : memref<25x80xi32, #tpu.memory_space<vmem>> -> memref<1x80xi32, #tpu.memory_space<vmem>>
      %dma_wait3A_1442 = tpu.memref_squeeze %dma_wait3A_1441 : memref<1x80xi32, #tpu.memory_space<vmem>> -> memref<80xi32, #tpu.memory_space<vmem>>
      %dma_wait3A_1443 = arith.constant 0 : i32
      %dma_wait3A_1444 = arith.constant 0 : i32
      %dma_wait3A_1445 = tpu.memref_slice %arg4[%dma_wait3A_1443, %dma_wait3A_1444] : memref<10000x128xf32, #tpu.memory_space<hbm>> -> memref<10000x128xf32, #tpu.memory_space<hbm>>
      tpu.wait_indirect_dma semaphore(%arg29 : memref<!tpu.dma_semaphore, #tpu.memory_space<semaphore_mem>>) src(%dma_wait3A_1445 : memref<10000x128xf32, #tpu.memory_space<hbm>>) dst(%arg14 : memref<80x128xf32, #tpu.memory_space<vmem>>)
      %dma_start3A_1446 = arith.constant 0 : i32
      %dma_start3A_1447 = tpu.memref_slice %arg9[%add3A_1419, %dma_start3A_1446] : memref<25x80xi32, #tpu.memory_space<vmem>> -> memref<1x80xi32, #tpu.memory_space<vmem>>
      %dma_start3A_1448 = tpu.memref_squeeze %dma_start3A_1447 : memref<1x80xi32, #tpu.memory_space<vmem>> -> memref<80xi32, #tpu.memory_space<vmem>>
      %dma_start3A_1449 = arith.constant 0 : i32
      %dma_start3A_1450 = arith.constant 0 : i32
      %dma_start3A_1451 = tpu.memref_slice %arg4[%dma_start3A_1449, %dma_start3A_1450] : memref<10000x128xf32, #tpu.memory_space<hbm>> -> memref<10000x128xf32, #tpu.memory_space<hbm>>
      tpu.enqueue_indirect_dma source(%dma_start3A_1451 : memref<10000x128xf32, #tpu.memory_space<hbm>>) target(%arg14 : memref<80x128xf32, #tpu.memory_space<vmem>>) offsets(%dma_start3A_1448 : memref<80xi32, #tpu.memory_space<vmem>>) semaphore(%arg20 : memref<!tpu.dma_semaphore, #tpu.memory_space<semaphore_mem>>)
      %dma_start3A_1452 = arith.constant 0 : i32
      %dma_start3A_1453 = tpu.memref_slice %arg9[%add3A_1419, %dma_start3A_1452] : memref<25x80xi32, #tpu.memory_space<vmem>> -> memref<1x80xi32, #tpu.memory_space<vmem>>
      %dma_start3A_1454 = tpu.memref_squeeze %dma_start3A_1453 : memref<1x80xi32, #tpu.memory_space<vmem>> -> memref<80xi32, #tpu.memory_space<vmem>>
      %dma_start3A_1455 = arith.constant 0 : i32
      %dma_start3A_1456 = tpu.memref_slice %arg2[%dma_start3A_1455] : memref<10000xf32, #tpu.memory_space<hbm>> -> memref<10000xf32, #tpu.memory_space<hbm>>
      tpu.enqueue_indirect_dma source(%dma_start3A_1456 : memref<10000xf32, #tpu.memory_space<hbm>>) target(%arg11 : memref<80xf32, #tpu.memory_space<vmem>>) offsets(%dma_start3A_1454 : memref<80xi32, #tpu.memory_space<vmem>>) semaphore(%arg23 : memref<!tpu.dma_semaphore, #tpu.memory_space<semaphore_mem>>)
      %dma_start3A_1457 = arith.constant 0 : i32
      %dma_start3A_1458 = tpu.memref_slice %arg10[%add3A_1417, %dma_start3A_1457] : memref<25x80xi32, #tpu.memory_space<vmem>> -> memref<1x80xi32, #tpu.memory_space<vmem>>
      %dma_start3A_1459 = tpu.memref_squeeze %dma_start3A_1458 : memref<1x80xi32, #tpu.memory_space<vmem>> -> memref<80xi32, #tpu.memory_space<vmem>>
      %dma_start3A_1460 = arith.constant 0 : i32
      %dma_start3A_1461 = tpu.memref_slice %arg18[%dma_start3A_1460] : memref<10000xf32, #tpu.memory_space<vmem_shared>> -> memref<10000xf32, #tpu.memory_space<vmem_shared>>
      tpu.enqueue_indirect_dma source(%arg12 : memref<80xf32, #tpu.memory_space<vmem>>) target(%dma_start3A_1461 : memref<10000xf32, #tpu.memory_space<vmem_shared>>) offsets(%dma_start3A_1459 : memref<80xi32, #tpu.memory_space<vmem>>) semaphore(%arg27 : memref<!tpu.dma_semaphore, #tpu.memory_space<semaphore_mem>>) {add = true}
      %dma_start3A_1462 = arith.constant 0 : i32
      %dma_start3A_1463 = tpu.memref_slice %arg10[%add3A_1417, %dma_start3A_1462] : memref<25x80xi32, #tpu.memory_space<vmem>> -> memref<1x80xi32, #tpu.memory_space<vmem>>
      %dma_start3A_1464 = tpu.memref_squeeze %dma_start3A_1463 : memref<1x80xi32, #tpu.memory_space<vmem>> -> memref<80xi32, #tpu.memory_space<vmem>>
      %dma_start3A_1465 = arith.constant 0 : i32
      %dma_start3A_1466 = arith.constant 0 : i32
      %dma_start3A_1467 = tpu.memref_slice %arg19[%dma_start3A_1465, %dma_start3A_1466] : memref<10000x128xf32, #tpu.memory_space<vmem_shared>> -> memref<10000x128xf32, #tpu.memory_space<vmem_shared>>
      tpu.enqueue_indirect_dma source(%arg15 : memref<80x128xf32, #tpu.memory_space<vmem>>) target(%dma_start3A_1467 : memref<10000x128xf32, #tpu.memory_space<vmem_shared>>) offsets(%dma_start3A_1464 : memref<80xi32, #tpu.memory_space<vmem>>) semaphore(%arg30 : memref<!tpu.dma_semaphore, #tpu.memory_space<semaphore_mem>>) {add = true}
      %add3A_1468 = arith.constant 1 : i32
      %add3A_1469 = arith.addi %add3A_1417, %add3A_1468 : i32
      %add3A_1470 = arith.constant 3 : i32
      %add3A_1471 = arith.addi %add3A_1417, %add3A_1470 : i32
      %dma_wait3A_1472 = arith.constant 0 : i32
      %dma_wait3A_1473 = arith.constant 0 : i32
      %dma_wait3A_1474 = tpu.memref_slice %arg7[%dma_wait3A_1472, %dma_wait3A_1473] : memref<25x80xi32, #tpu.memory_space<vmem>> -> memref<1x80xi32, #tpu.memory_space<vmem>>
      %dma_wait3A_1475 = tpu.memref_squeeze %dma_wait3A_1474 : memref<1x80xi32, #tpu.memory_space<vmem>> -> memref<80xi32, #tpu.memory_space<vmem>>
      %dma_wait3A_1476 = arith.constant 0 : i32
      %dma_wait3A_1477 = arith.constant 0 : i32
      %dma_wait3A_1478 = tpu.memref_slice %arg4[%dma_wait3A_1476, %dma_wait3A_1477] : memref<10000x128xf32, #tpu.memory_space<hbm>> -> memref<10000x128xf32, #tpu.memory_space<hbm>>
      tpu.wait_indirect_dma semaphore(%arg22 : memref<!tpu.dma_semaphore, #tpu.memory_space<semaphore_mem>>) src(%dma_wait3A_1478 : memref<10000x128xf32, #tpu.memory_space<hbm>>) dst(%arg16 : memref<80x128xf32, #tpu.memory_space<vmem>>)
      %dma_wait3A_1479 = arith.constant 0 : i32
      %dma_wait3A_1480 = arith.constant 0 : i32
      %dma_wait3A_1481 = tpu.memref_slice %arg7[%dma_wait3A_1479, %dma_wait3A_1480] : memref<25x80xi32, #tpu.memory_space<vmem>> -> memref<1x80xi32, #tpu.memory_space<vmem>>
      %dma_wait3A_1482 = tpu.memref_squeeze %dma_wait3A_1481 : memref<1x80xi32, #tpu.memory_space<vmem>> -> memref<80xi32, #tpu.memory_space<vmem>>
      %dma_wait3A_1483 = arith.constant 0 : i32
      %dma_wait3A_1484 = tpu.memref_slice %arg2[%dma_wait3A_1483] : memref<10000xf32, #tpu.memory_space<hbm>> -> memref<10000xf32, #tpu.memory_space<hbm>>
      tpu.wait_indirect_dma semaphore(%arg25 : memref<!tpu.dma_semaphore, #tpu.memory_space<semaphore_mem>>) src(%dma_wait3A_1484 : memref<10000xf32, #tpu.memory_space<hbm>>) dst(%arg13 : memref<80xf32, #tpu.memory_space<vmem>>)
      %dma_wait3A_1485 = arith.constant 0 : i32
      %dma_wait3A_1486 = arith.constant 0 : i32
      %dma_wait3A_1487 = tpu.memref_slice %arg7[%dma_wait3A_1485, %dma_wait3A_1486] : memref<25x80xi32, #tpu.memory_space<vmem>> -> memref<1x80xi32, #tpu.memory_space<vmem>>
      %dma_wait3A_1488 = tpu.memref_squeeze %dma_wait3A_1487 : memref<1x80xi32, #tpu.memory_space<vmem>> -> memref<80xi32, #tpu.memory_space<vmem>>
      %dma_wait3A_1489 = arith.constant 0 : i32
      %dma_wait3A_1490 = tpu.memref_slice %arg2[%dma_wait3A_1489] : memref<10000xf32, #tpu.memory_space<hbm>> -> memref<10000xf32, #tpu.memory_space<hbm>>
      tpu.wait_indirect_dma semaphore(%arg27 : memref<!tpu.dma_semaphore, #tpu.memory_space<semaphore_mem>>) src(%dma_wait3A_1490 : memref<10000xf32, #tpu.memory_space<hbm>>) dst(%arg12 : memref<80xf32, #tpu.memory_space<vmem>>)
      %dma_wait3A_1491 = arith.constant 0 : i32
      %dma_wait3A_1492 = arith.constant 0 : i32
      %dma_wait3A_1493 = tpu.memref_slice %arg7[%dma_wait3A_1491, %dma_wait3A_1492] : memref<25x80xi32, #tpu.memory_space<vmem>> -> memref<1x80xi32, #tpu.memory_space<vmem>>
      %dma_wait3A_1494 = tpu.memref_squeeze %dma_wait3A_1493 : memref<1x80xi32, #tpu.memory_space<vmem>> -> memref<80xi32, #tpu.memory_space<vmem>>
      %dma_wait3A_1495 = arith.constant 0 : i32
      %dma_wait3A_1496 = arith.constant 0 : i32
      %dma_wait3A_1497 = tpu.memref_slice %arg4[%dma_wait3A_1495, %dma_wait3A_1496] : memref<10000x128xf32, #tpu.memory_space<hbm>> -> memref<10000x128xf32, #tpu.memory_space<hbm>>
      tpu.wait_indirect_dma semaphore(%arg30 : memref<!tpu.dma_semaphore, #tpu.memory_space<semaphore_mem>>) src(%dma_wait3A_1497 : memref<10000x128xf32, #tpu.memory_space<hbm>>) dst(%arg15 : memref<80x128xf32, #tpu.memory_space<vmem>>)
      %dma_start3A_1498 = arith.constant 0 : i32
      %dma_start3A_1499 = tpu.memref_slice %arg9[%add3A_1471, %dma_start3A_1498] : memref<25x80xi32, #tpu.memory_space<vmem>> -> memref<1x80xi32, #tpu.memory_space<vmem>>
      %dma_start3A_1500 = tpu.memref_squeeze %dma_start3A_1499 : memref<1x80xi32, #tpu.memory_space<vmem>> -> memref<80xi32, #tpu.memory_space<vmem>>
      %dma_start3A_1501 = arith.constant 0 : i32
      %dma_start3A_1502 = arith.constant 0 : i32
      %dma_start3A_1503 = tpu.memref_slice %arg4[%dma_start3A_1501, %dma_start3A_1502] : memref<10000x128xf32, #tpu.memory_space<hbm>> -> memref<10000x128xf32, #tpu.memory_space<hbm>>
      tpu.enqueue_indirect_dma source(%dma_start3A_1503 : memref<10000x128xf32, #tpu.memory_space<hbm>>) target(%arg15 : memref<80x128xf32, #tpu.memory_space<vmem>>) offsets(%dma_start3A_1500 : memref<80xi32, #tpu.memory_space<vmem>>) semaphore(%arg21 : memref<!tpu.dma_semaphore, #tpu.memory_space<semaphore_mem>>)
      %dma_start3A_1504 = arith.constant 0 : i32
      %dma_start3A_1505 = tpu.memref_slice %arg9[%add3A_1471, %dma_start3A_1504] : memref<25x80xi32, #tpu.memory_space<vmem>> -> memref<1x80xi32, #tpu.memory_space<vmem>>
      %dma_start3A_1506 = tpu.memref_squeeze %dma_start3A_1505 : memref<1x80xi32, #tpu.memory_space<vmem>> -> memref<80xi32, #tpu.memory_space<vmem>>
      %dma_start3A_1507 = arith.constant 0 : i32
      %dma_start3A_1508 = tpu.memref_slice %arg2[%dma_start3A_1507] : memref<10000xf32, #tpu.memory_space<hbm>> -> memref<10000xf32, #tpu.memory_space<hbm>>
      tpu.enqueue_indirect_dma source(%dma_start3A_1508 : memref<10000xf32, #tpu.memory_space<hbm>>) target(%arg12 : memref<80xf32, #tpu.memory_space<vmem>>) offsets(%dma_start3A_1506 : memref<80xi32, #tpu.memory_space<vmem>>) semaphore(%arg24 : memref<!tpu.dma_semaphore, #tpu.memory_space<semaphore_mem>>)
      %dma_start3A_1509 = arith.constant 0 : i32
      %dma_start3A_1510 = tpu.memref_slice %arg10[%add3A_1469, %dma_start3A_1509] : memref<25x80xi32, #tpu.memory_space<vmem>> -> memref<1x80xi32, #tpu.memory_space<vmem>>
      %dma_start3A_1511 = tpu.memref_squeeze %dma_start3A_1510 : memref<1x80xi32, #tpu.memory_space<vmem>> -> memref<80xi32, #tpu.memory_space<vmem>>
      %dma_start3A_1512 = arith.constant 0 : i32
      %dma_start3A_1513 = tpu.memref_slice %arg18[%dma_start3A_1512] : memref<10000xf32, #tpu.memory_space<vmem_shared>> -> memref<10000xf32, #tpu.memory_space<vmem_shared>>
      tpu.enqueue_indirect_dma source(%arg13 : memref<80xf32, #tpu.memory_space<vmem>>) target(%dma_start3A_1513 : memref<10000xf32, #tpu.memory_space<vmem_shared>>) offsets(%dma_start3A_1511 : memref<80xi32, #tpu.memory_space<vmem>>) semaphore(%arg28 : memref<!tpu.dma_semaphore, #tpu.memory_space<semaphore_mem>>) {add = true}
      %dma_start3A_1514 = arith.constant 0 : i32
      %dma_start3A_1515 = tpu.memref_slice %arg10[%add3A_1469, %dma_start3A_1514] : memref<25x80xi32, #tpu.memory_space<vmem>> -> memref<1x80xi32, #tpu.memory_space<vmem>>
      %dma_start3A_1516 = tpu.memref_squeeze %dma_start3A_1515 : memref<1x80xi32, #tpu.memory_space<vmem>> -> memref<80xi32, #tpu.memory_space<vmem>>
      %dma_start3A_1517 = arith.constant 0 : i32
      %dma_start3A_1518 = arith.constant 0 : i32
      %dma_start3A_1519 = tpu.memref_slice %arg19[%dma_start3A_1517, %dma_start3A_1518] : memref<10000x128xf32, #tpu.memory_space<vmem_shared>> -> memref<10000x128xf32, #tpu.memory_space<vmem_shared>>
      tpu.enqueue_indirect_dma source(%arg16 : memref<80x128xf32, #tpu.memory_space<vmem>>) target(%dma_start3A_1519 : memref<10000x128xf32, #tpu.memory_space<vmem_shared>>) offsets(%dma_start3A_1516 : memref<80xi32, #tpu.memory_space<vmem>>) semaphore(%arg31 : memref<!tpu.dma_semaphore, #tpu.memory_space<semaphore_mem>>) {add = true}
      %add3A_1520 = arith.constant 2 : i32
      %add3A_1521 = arith.addi %add3A_1417, %add3A_1520 : i32
      %add3A_1522 = arith.constant 4 : i32
      %add3A_1523 = arith.addi %add3A_1417, %add3A_1522 : i32
      %dma_wait3A_1524 = arith.constant 0 : i32
      %dma_wait3A_1525 = arith.constant 0 : i32
      %dma_wait3A_1526 = tpu.memref_slice %arg7[%dma_wait3A_1524, %dma_wait3A_1525] : memref<25x80xi32, #tpu.memory_space<vmem>> -> memref<1x80xi32, #tpu.memory_space<vmem>>
      %dma_wait3A_1527 = tpu.memref_squeeze %dma_wait3A_1526 : memref<1x80xi32, #tpu.memory_space<vmem>> -> memref<80xi32, #tpu.memory_space<vmem>>
      %dma_wait3A_1528 = arith.constant 0 : i32
      %dma_wait3A_1529 = arith.constant 0 : i32
      %dma_wait3A_1530 = tpu.memref_slice %arg4[%dma_wait3A_1528, %dma_wait3A_1529] : memref<10000x128xf32, #tpu.memory_space<hbm>> -> memref<10000x128xf32, #tpu.memory_space<hbm>>
      tpu.wait_indirect_dma semaphore(%arg20 : memref<!tpu.dma_semaphore, #tpu.memory_space<semaphore_mem>>) src(%dma_wait3A_1530 : memref<10000x128xf32, #tpu.memory_space<hbm>>) dst(%arg14 : memref<80x128xf32, #tpu.memory_space<vmem>>)
      %dma_wait3A_1531 = arith.constant 0 : i32
      %dma_wait3A_1532 = arith.constant 0 : i32
      %dma_wait3A_1533 = tpu.memref_slice %arg7[%dma_wait3A_1531, %dma_wait3A_1532] : memref<25x80xi32, #tpu.memory_space<vmem>> -> memref<1x80xi32, #tpu.memory_space<vmem>>
      %dma_wait3A_1534 = tpu.memref_squeeze %dma_wait3A_1533 : memref<1x80xi32, #tpu.memory_space<vmem>> -> memref<80xi32, #tpu.memory_space<vmem>>
      %dma_wait3A_1535 = arith.constant 0 : i32
      %dma_wait3A_1536 = tpu.memref_slice %arg2[%dma_wait3A_1535] : memref<10000xf32, #tpu.memory_space<hbm>> -> memref<10000xf32, #tpu.memory_space<hbm>>
      tpu.wait_indirect_dma semaphore(%arg23 : memref<!tpu.dma_semaphore, #tpu.memory_space<semaphore_mem>>) src(%dma_wait3A_1536 : memref<10000xf32, #tpu.memory_space<hbm>>) dst(%arg11 : memref<80xf32, #tpu.memory_space<vmem>>)
      %dma_wait3A_1537 = arith.constant 0 : i32
      %dma_wait3A_1538 = arith.constant 0 : i32
      %dma_wait3A_1539 = tpu.memref_slice %arg7[%dma_wait3A_1537, %dma_wait3A_1538] : memref<25x80xi32, #tpu.memory_space<vmem>> -> memref<1x80xi32, #tpu.memory_space<vmem>>
      %dma_wait3A_1540 = tpu.memref_squeeze %dma_wait3A_1539 : memref<1x80xi32, #tpu.memory_space<vmem>> -> memref<80xi32, #tpu.memory_space<vmem>>
      %dma_wait3A_1541 = arith.constant 0 : i32
      %dma_wait3A_1542 = tpu.memref_slice %arg2[%dma_wait3A_1541] : memref<10000xf32, #tpu.memory_space<hbm>> -> memref<10000xf32, #tpu.memory_space<hbm>>
      tpu.wait_indirect_dma semaphore(%arg28 : memref<!tpu.dma_semaphore, #tpu.memory_space<semaphore_mem>>) src(%dma_wait3A_1542 : memref<10000xf32, #tpu.memory_space<hbm>>) dst(%arg13 : memref<80xf32, #tpu.memory_space<vmem>>)
      %dma_wait3A_1543 = arith.constant 0 : i32
      %dma_wait3A_1544 = arith.constant 0 : i32
      %dma_wait3A_1545 = tpu.memref_slice %arg7[%dma_wait3A_1543, %dma_wait3A_1544] : memref<25x80xi32, #tpu.memory_space<vmem>> -> memref<1x80xi32, #tpu.memory_space<vmem>>
      %dma_wait3A_1546 = tpu.memref_squeeze %dma_wait3A_1545 : memref<1x80xi32, #tpu.memory_space<vmem>> -> memref<80xi32, #tpu.memory_space<vmem>>
      %dma_wait3A_1547 = arith.constant 0 : i32
      %dma_wait3A_1548 = arith.constant 0 : i32
      %dma_wait3A_1549 = tpu.memref_slice %arg4[%dma_wait3A_1547, %dma_wait3A_1548] : memref<10000x128xf32, #tpu.memory_space<hbm>> -> memref<10000x128xf32, #tpu.memory_space<hbm>>
      tpu.wait_indirect_dma semaphore(%arg31 : memref<!tpu.dma_semaphore, #tpu.memory_space<semaphore_mem>>) src(%dma_wait3A_1549 : memref<10000x128xf32, #tpu.memory_space<hbm>>) dst(%arg16 : memref<80x128xf32, #tpu.memory_space<vmem>>)
      %dma_start3A_1550 = arith.constant 0 : i32
      %dma_start3A_1551 = tpu.memref_slice %arg9[%add3A_1523, %dma_start3A_1550] : memref<25x80xi32, #tpu.memory_space<vmem>> -> memref<1x80xi32, #tpu.memory_space<vmem>>
      %dma_start3A_1552 = tpu.memref_squeeze %dma_start3A_1551 : memref<1x80xi32, #tpu.memory_space<vmem>> -> memref<80xi32, #tpu.memory_space<vmem>>
      %dma_start3A_1553 = arith.constant 0 : i32
      %dma_start3A_1554 = arith.constant 0 : i32
      %dma_start3A_1555 = tpu.memref_slice %arg4[%dma_start3A_1553, %dma_start3A_1554] : memref<10000x128xf32, #tpu.memory_space<hbm>> -> memref<10000x128xf32, #tpu.memory_space<hbm>>
      tpu.enqueue_indirect_dma source(%dma_start3A_1555 : memref<10000x128xf32, #tpu.memory_space<hbm>>) target(%arg16 : memref<80x128xf32, #tpu.memory_space<vmem>>) offsets(%dma_start3A_1552 : memref<80xi32, #tpu.memory_space<vmem>>) semaphore(%arg22 : memref<!tpu.dma_semaphore, #tpu.memory_space<semaphore_mem>>)
      %dma_start3A_1556 = arith.constant 0 : i32
      %dma_start3A_1557 = tpu.memref_slice %arg9[%add3A_1523, %dma_start3A_1556] : memref<25x80xi32, #tpu.memory_space<vmem>> -> memref<1x80xi32, #tpu.memory_space<vmem>>
      %dma_start3A_1558 = tpu.memref_squeeze %dma_start3A_1557 : memref<1x80xi32, #tpu.memory_space<vmem>> -> memref<80xi32, #tpu.memory_space<vmem>>
      %dma_start3A_1559 = arith.constant 0 : i32
      %dma_start3A_1560 = tpu.memref_slice %arg2[%dma_start3A_1559] : memref<10000xf32, #tpu.memory_space<hbm>> -> memref<10000xf32, #tpu.memory_space<hbm>>
      tpu.enqueue_indirect_dma source(%dma_start3A_1560 : memref<10000xf32, #tpu.memory_space<hbm>>) target(%arg13 : memref<80xf32, #tpu.memory_space<vmem>>) offsets(%dma_start3A_1558 : memref<80xi32, #tpu.memory_space<vmem>>) semaphore(%arg25 : memref<!tpu.dma_semaphore, #tpu.memory_space<semaphore_mem>>)
      %dma_start3A_1561 = arith.constant 0 : i32
      %dma_start3A_1562 = tpu.memref_slice %arg10[%add3A_1521, %dma_start3A_1561] : memref<25x80xi32, #tpu.memory_space<vmem>> -> memref<1x80xi32, #tpu.memory_space<vmem>>
      %dma_start3A_1563 = tpu.memref_squeeze %dma_start3A_1562 : memref<1x80xi32, #tpu.memory_space<vmem>> -> memref<80xi32, #tpu.memory_space<vmem>>
      %dma_start3A_1564 = arith.constant 0 : i32
      %dma_start3A_1565 = tpu.memref_slice %arg18[%dma_start3A_1564] : memref<10000xf32, #tpu.memory_space<vmem_shared>> -> memref<10000xf32, #tpu.memory_space<vmem_shared>>
      tpu.enqueue_indirect_dma source(%arg11 : memref<80xf32, #tpu.memory_space<vmem>>) target(%dma_start3A_1565 : memref<10000xf32, #tpu.memory_space<vmem_shared>>) offsets(%dma_start3A_1563 : memref<80xi32, #tpu.memory_space<vmem>>) semaphore(%arg26 : memref<!tpu.dma_semaphore, #tpu.memory_space<semaphore_mem>>) {add = true}
      %dma_start3A_1566 = arith.constant 0 : i32
      %dma_start3A_1567 = tpu.memref_slice %arg10[%add3A_1521, %dma_start3A_1566] : memref<25x80xi32, #tpu.memory_space<vmem>> -> memref<1x80xi32, #tpu.memory_space<vmem>>
      %dma_start3A_1568 = tpu.memref_squeeze %dma_start3A_1567 : memref<1x80xi32, #tpu.memory_space<vmem>> -> memref<80xi32, #tpu.memory_space<vmem>>
      %dma_start3A_1569 = arith.constant 0 : i32
      %dma_start3A_1570 = arith.constant 0 : i32
      %dma_start3A_1571 = tpu.memref_slice %arg19[%dma_start3A_1569, %dma_start3A_1570] : memref<10000x128xf32, #tpu.memory_space<vmem_shared>> -> memref<10000x128xf32, #tpu.memory_space<vmem_shared>>
      tpu.enqueue_indirect_dma source(%arg14 : memref<80x128xf32, #tpu.memory_space<vmem>>) target(%dma_start3A_1571 : memref<10000x128xf32, #tpu.memory_space<vmem_shared>>) offsets(%dma_start3A_1568 : memref<80xi32, #tpu.memory_space<vmem>>) semaphore(%arg29 : memref<!tpu.dma_semaphore, #tpu.memory_space<semaphore_mem>>) {add = true}
      %scan3A_1572 = arith.constant 0 : i32
      scf.yield %scan3A_1572 : i32
    }
    %scan3A_930 = arith.constant 7 : i32
    %dma_wait3A_931 = arith.constant 0 : i32
    %dma_wait3A_932 = arith.constant 0 : i32
    %dma_wait3A_933 = tpu.memref_slice %arg7[%dma_wait3A_931, %dma_wait3A_932] : memref<25x80xi32, #tpu.memory_space<vmem>> -> memref<1x80xi32, #tpu.memory_space<vmem>>
    %dma_wait3A_934 = tpu.memref_squeeze %dma_wait3A_933 : memref<1x80xi32, #tpu.memory_space<vmem>> -> memref<80xi32, #tpu.memory_space<vmem>>
    %dma_wait3A_935 = arith.constant 0 : i32
    %dma_wait3A_936 = arith.constant 0 : i32
    %dma_wait3A_937 = tpu.memref_slice %arg4[%dma_wait3A_935, %dma_wait3A_936] : memref<10000x128xf32, #tpu.memory_space<hbm>> -> memref<10000x128xf32, #tpu.memory_space<hbm>>
    tpu.wait_indirect_dma semaphore(%arg21 : memref<!tpu.dma_semaphore, #tpu.memory_space<semaphore_mem>>) src(%dma_wait3A_937 : memref<10000x128xf32, #tpu.memory_space<hbm>>) dst(%arg15 : memref<80x128xf32, #tpu.memory_space<vmem>>)
    %dma_wait3A_938 = arith.constant 0 : i32
    %dma_wait3A_939 = arith.constant 0 : i32
    %dma_wait3A_940 = tpu.memref_slice %arg7[%dma_wait3A_938, %dma_wait3A_939] : memref<25x80xi32, #tpu.memory_space<vmem>> -> memref<1x80xi32, #tpu.memory_space<vmem>>
    %dma_wait3A_941 = tpu.memref_squeeze %dma_wait3A_940 : memref<1x80xi32, #tpu.memory_space<vmem>> -> memref<80xi32, #tpu.memory_space<vmem>>
    %dma_wait3A_942 = arith.constant 0 : i32
    %dma_wait3A_943 = tpu.memref_slice %arg2[%dma_wait3A_942] : memref<10000xf32, #tpu.memory_space<hbm>> -> memref<10000xf32, #tpu.memory_space<hbm>>
    tpu.wait_indirect_dma semaphore(%arg24 : memref<!tpu.dma_semaphore, #tpu.memory_space<semaphore_mem>>) src(%dma_wait3A_943 : memref<10000xf32, #tpu.memory_space<hbm>>) dst(%arg12 : memref<80xf32, #tpu.memory_space<vmem>>)
    %dma_wait3A_944 = arith.constant 0 : i32
    %dma_wait3A_945 = arith.constant 0 : i32
    %dma_wait3A_946 = tpu.memref_slice %arg7[%dma_wait3A_944, %dma_wait3A_945] : memref<25x80xi32, #tpu.memory_space<vmem>> -> memref<1x80xi32, #tpu.memory_space<vmem>>
    %dma_wait3A_947 = tpu.memref_squeeze %dma_wait3A_946 : memref<1x80xi32, #tpu.memory_space<vmem>> -> memref<80xi32, #tpu.memory_space<vmem>>
    %dma_wait3A_948 = arith.constant 0 : i32
    %dma_wait3A_949 = tpu.memref_slice %arg2[%dma_wait3A_948] : memref<10000xf32, #tpu.memory_space<hbm>> -> memref<10000xf32, #tpu.memory_space<hbm>>
    tpu.wait_indirect_dma semaphore(%arg26 : memref<!tpu.dma_semaphore, #tpu.memory_space<semaphore_mem>>) src(%dma_wait3A_949 : memref<10000xf32, #tpu.memory_space<hbm>>) dst(%arg11 : memref<80xf32, #tpu.memory_space<vmem>>)
    %dma_wait3A_950 = arith.constant 0 : i32
    %dma_wait3A_951 = arith.constant 0 : i32
    %dma_wait3A_952 = tpu.memref_slice %arg7[%dma_wait3A_950, %dma_wait3A_951] : memref<25x80xi32, #tpu.memory_space<vmem>> -> memref<1x80xi32, #tpu.memory_space<vmem>>
    %dma_wait3A_953 = tpu.memref_squeeze %dma_wait3A_952 : memref<1x80xi32, #tpu.memory_space<vmem>> -> memref<80xi32, #tpu.memory_space<vmem>>
    %dma_wait3A_954 = arith.constant 0 : i32
    %dma_wait3A_955 = arith.constant 0 : i32
    %dma_wait3A_956 = tpu.memref_slice %arg4[%dma_wait3A_954, %dma_wait3A_955] : memref<10000x128xf32, #tpu.memory_space<hbm>> -> memref<10000x128xf32, #tpu.memory_space<hbm>>
    tpu.wait_indirect_dma semaphore(%arg29 : memref<!tpu.dma_semaphore, #tpu.memory_space<semaphore_mem>>) src(%dma_wait3A_956 : memref<10000x128xf32, #tpu.memory_space<hbm>>) dst(%arg14 : memref<80x128xf32, #tpu.memory_space<vmem>>)
    %dma_start3A_957 = arith.constant 24 : i32
    %dma_start3A_958 = arith.constant 0 : i32
    %dma_start3A_959 = tpu.memref_slice %arg9[%dma_start3A_957, %dma_start3A_958] : memref<25x80xi32, #tpu.memory_space<vmem>> -> memref<1x80xi32, #tpu.memory_space<vmem>>
    %dma_start3A_960 = tpu.memref_squeeze %dma_start3A_959 : memref<1x80xi32, #tpu.memory_space<vmem>> -> memref<80xi32, #tpu.memory_space<vmem>>
    %dma_start3A_961 = arith.constant 0 : i32
    %dma_start3A_962 = arith.constant 0 : i32
    %dma_start3A_963 = tpu.memref_slice %arg4[%dma_start3A_961, %dma_start3A_962] : memref<10000x128xf32, #tpu.memory_space<hbm>> -> memref<10000x128xf32, #tpu.memory_space<hbm>>
    tpu.enqueue_indirect_dma source(%dma_start3A_963 : memref<10000x128xf32, #tpu.memory_space<hbm>>) target(%arg14 : memref<80x128xf32, #tpu.memory_space<vmem>>) offsets(%dma_start3A_960 : memref<80xi32, #tpu.memory_space<vmem>>) semaphore(%arg20 : memref<!tpu.dma_semaphore, #tpu.memory_space<semaphore_mem>>)
    %dma_start3A_964 = arith.constant 24 : i32
    %dma_start3A_965 = arith.constant 0 : i32
    %dma_start3A_966 = tpu.memref_slice %arg9[%dma_start3A_964, %dma_start3A_965] : memref<25x80xi32, #tpu.memory_space<vmem>> -> memref<1x80xi32, #tpu.memory_space<vmem>>
    %dma_start3A_967 = tpu.memref_squeeze %dma_start3A_966 : memref<1x80xi32, #tpu.memory_space<vmem>> -> memref<80xi32, #tpu.memory_space<vmem>>
    %dma_start3A_968 = arith.constant 0 : i32
    %dma_start3A_969 = tpu.memref_slice %arg2[%dma_start3A_968] : memref<10000xf32, #tpu.memory_space<hbm>> -> memref<10000xf32, #tpu.memory_space<hbm>>
    tpu.enqueue_indirect_dma source(%dma_start3A_969 : memref<10000xf32, #tpu.memory_space<hbm>>) target(%arg11 : memref<80xf32, #tpu.memory_space<vmem>>) offsets(%dma_start3A_967 : memref<80xi32, #tpu.memory_space<vmem>>) semaphore(%arg23 : memref<!tpu.dma_semaphore, #tpu.memory_space<semaphore_mem>>)
    %dma_start3A_970 = arith.constant 22 : i32
    %dma_start3A_971 = arith.constant 0 : i32
    %dma_start3A_972 = tpu.memref_slice %arg10[%dma_start3A_970, %dma_start3A_971] : memref<25x80xi32, #tpu.memory_space<vmem>> -> memref<1x80xi32, #tpu.memory_space<vmem>>
    %dma_start3A_973 = tpu.memref_squeeze %dma_start3A_972 : memref<1x80xi32, #tpu.memory_space<vmem>> -> memref<80xi32, #tpu.memory_space<vmem>>
    %dma_start3A_974 = arith.constant 0 : i32
    %dma_start3A_975 = tpu.memref_slice %arg18[%dma_start3A_974] : memref<10000xf32, #tpu.memory_space<vmem_shared>> -> memref<10000xf32, #tpu.memory_space<vmem_shared>>
    tpu.enqueue_indirect_dma source(%arg12 : memref<80xf32, #tpu.memory_space<vmem>>) target(%dma_start3A_975 : memref<10000xf32, #tpu.memory_space<vmem_shared>>) offsets(%dma_start3A_973 : memref<80xi32, #tpu.memory_space<vmem>>) semaphore(%arg27 : memref<!tpu.dma_semaphore, #tpu.memory_space<semaphore_mem>>) {add = true}
    %dma_start3A_976 = arith.constant 22 : i32
    %dma_start3A_977 = arith.constant 0 : i32
    %dma_start3A_978 = tpu.memref_slice %arg10[%dma_start3A_976, %dma_start3A_977] : memref<25x80xi32, #tpu.memory_space<vmem>> -> memref<1x80xi32, #tpu.memory_space<vmem>>
    %dma_start3A_979 = tpu.memref_squeeze %dma_start3A_978 : memref<1x80xi32, #tpu.memory_space<vmem>> -> memref<80xi32, #tpu.memory_space<vmem>>
    %dma_start3A_980 = arith.constant 0 : i32
    %dma_start3A_981 = arith.constant 0 : i32
    %dma_start3A_982 = tpu.memref_slice %arg19[%dma_start3A_980, %dma_start3A_981] : memref<10000x128xf32, #tpu.memory_space<vmem_shared>> -> memref<10000x128xf32, #tpu.memory_space<vmem_shared>>
    tpu.enqueue_indirect_dma source(%arg15 : memref<80x128xf32, #tpu.memory_space<vmem>>) target(%dma_start3A_982 : memref<10000x128xf32, #tpu.memory_space<vmem_shared>>) offsets(%dma_start3A_979 : memref<80xi32, #tpu.memory_space<vmem>>) semaphore(%arg30 : memref<!tpu.dma_semaphore, #tpu.memory_space<semaphore_mem>>) {add = true}
    %dma_wait3A_983 = arith.constant 0 : i32
    %dma_wait3A_984 = arith.constant 0 : i32
    %dma_wait3A_985 = tpu.memref_slice %arg7[%dma_wait3A_983, %dma_wait3A_984] : memref<25x80xi32, #tpu.memory_space<vmem>> -> memref<1x80xi32, #tpu.memory_space<vmem>>
    %dma_wait3A_986 = tpu.memref_squeeze %dma_wait3A_985 : memref<1x80xi32, #tpu.memory_space<vmem>> -> memref<80xi32, #tpu.memory_space<vmem>>
    %dma_wait3A_987 = arith.constant 0 : i32
    %dma_wait3A_988 = arith.constant 0 : i32
    %dma_wait3A_989 = tpu.memref_slice %arg4[%dma_wait3A_987, %dma_wait3A_988] : memref<10000x128xf32, #tpu.memory_space<hbm>> -> memref<10000x128xf32, #tpu.memory_space<hbm>>
    tpu.wait_indirect_dma semaphore(%arg22 : memref<!tpu.dma_semaphore, #tpu.memory_space<semaphore_mem>>) src(%dma_wait3A_989 : memref<10000x128xf32, #tpu.memory_space<hbm>>) dst(%arg16 : memref<80x128xf32, #tpu.memory_space<vmem>>)
    %dma_wait3A_990 = arith.constant 0 : i32
    %dma_wait3A_991 = arith.constant 0 : i32
    %dma_wait3A_992 = tpu.memref_slice %arg7[%dma_wait3A_990, %dma_wait3A_991] : memref<25x80xi32, #tpu.memory_space<vmem>> -> memref<1x80xi32, #tpu.memory_space<vmem>>
    %dma_wait3A_993 = tpu.memref_squeeze %dma_wait3A_992 : memref<1x80xi32, #tpu.memory_space<vmem>> -> memref<80xi32, #tpu.memory_space<vmem>>
    %dma_wait3A_994 = arith.constant 0 : i32
    %dma_wait3A_995 = tpu.memref_slice %arg2[%dma_wait3A_994] : memref<10000xf32, #tpu.memory_space<hbm>> -> memref<10000xf32, #tpu.memory_space<hbm>>
    tpu.wait_indirect_dma semaphore(%arg25 : memref<!tpu.dma_semaphore, #tpu.memory_space<semaphore_mem>>) src(%dma_wait3A_995 : memref<10000xf32, #tpu.memory_space<hbm>>) dst(%arg13 : memref<80xf32, #tpu.memory_space<vmem>>)
    %dma_wait3A_996 = arith.constant 0 : i32
    %dma_wait3A_997 = arith.constant 0 : i32
    %dma_wait3A_998 = tpu.memref_slice %arg7[%dma_wait3A_996, %dma_wait3A_997] : memref<25x80xi32, #tpu.memory_space<vmem>> -> memref<1x80xi32, #tpu.memory_space<vmem>>
    %dma_wait3A_999 = tpu.memref_squeeze %dma_wait3A_998 : memref<1x80xi32, #tpu.memory_space<vmem>> -> memref<80xi32, #tpu.memory_space<vmem>>
    %dma_wait3A_1000 = arith.constant 0 : i32
    %dma_wait3A_1001 = tpu.memref_slice %arg2[%dma_wait3A_1000] : memref<10000xf32, #tpu.memory_space<hbm>> -> memref<10000xf32, #tpu.memory_space<hbm>>
    tpu.wait_indirect_dma semaphore(%arg27 : memref<!tpu.dma_semaphore, #tpu.memory_space<semaphore_mem>>) src(%dma_wait3A_1001 : memref<10000xf32, #tpu.memory_space<hbm>>) dst(%arg12 : memref<80xf32, #tpu.memory_space<vmem>>)
    %dma_wait3A_1002 = arith.constant 0 : i32
    %dma_wait3A_1003 = arith.constant 0 : i32
    %dma_wait3A_1004 = tpu.memref_slice %arg7[%dma_wait3A_1002, %dma_wait3A_1003] : memref<25x80xi32, #tpu.memory_space<vmem>> -> memref<1x80xi32, #tpu.memory_space<vmem>>
    %dma_wait3A_1005 = tpu.memref_squeeze %dma_wait3A_1004 : memref<1x80xi32, #tpu.memory_space<vmem>> -> memref<80xi32, #tpu.memory_space<vmem>>
    %dma_wait3A_1006 = arith.constant 0 : i32
    %dma_wait3A_1007 = arith.constant 0 : i32
    %dma_wait3A_1008 = tpu.memref_slice %arg4[%dma_wait3A_1006, %dma_wait3A_1007] : memref<10000x128xf32, #tpu.memory_space<hbm>> -> memref<10000x128xf32, #tpu.memory_space<hbm>>
    tpu.wait_indirect_dma semaphore(%arg30 : memref<!tpu.dma_semaphore, #tpu.memory_space<semaphore_mem>>) src(%dma_wait3A_1008 : memref<10000x128xf32, #tpu.memory_space<hbm>>) dst(%arg15 : memref<80x128xf32, #tpu.memory_space<vmem>>)
    %dma_start3A_1009 = arith.constant 0 : i32
    %dma_start3A_1010 = arith.constant 0 : i32
    %dma_start3A_1011 = tpu.memref_slice %arg7[%dma_start3A_1009, %dma_start3A_1010] : memref<25x80xi32, #tpu.memory_space<vmem>> -> memref<1x80xi32, #tpu.memory_space<vmem>>
    %dma_start3A_1012 = tpu.memref_squeeze %dma_start3A_1011 : memref<1x80xi32, #tpu.memory_space<vmem>> -> memref<80xi32, #tpu.memory_space<vmem>>
    %dma_start3A_1013 = arith.constant 0 : i32
    %dma_start3A_1014 = arith.constant 0 : i32
    %dma_start3A_1015 = tpu.memref_slice %arg4[%dma_start3A_1013, %dma_start3A_1014] : memref<10000x128xf32, #tpu.memory_space<hbm>> -> memref<10000x128xf32, #tpu.memory_space<hbm>>
    tpu.enqueue_indirect_dma source(%dma_start3A_1015 : memref<10000x128xf32, #tpu.memory_space<hbm>>) target(%arg15 : memref<80x128xf32, #tpu.memory_space<vmem>>) offsets(%dma_start3A_1012 : memref<80xi32, #tpu.memory_space<vmem>>) semaphore(%arg21 : memref<!tpu.dma_semaphore, #tpu.memory_space<semaphore_mem>>)
    %dma_start3A_1016 = arith.constant 0 : i32
    %dma_start3A_1017 = arith.constant 0 : i32
    %dma_start3A_1018 = tpu.memref_slice %arg7[%dma_start3A_1016, %dma_start3A_1017] : memref<25x80xi32, #tpu.memory_space<vmem>> -> memref<1x80xi32, #tpu.memory_space<vmem>>
    %dma_start3A_1019 = tpu.memref_squeeze %dma_start3A_1018 : memref<1x80xi32, #tpu.memory_space<vmem>> -> memref<80xi32, #tpu.memory_space<vmem>>
    %dma_start3A_1020 = arith.constant 0 : i32
    %dma_start3A_1021 = tpu.memref_slice %arg2[%dma_start3A_1020] : memref<10000xf32, #tpu.memory_space<hbm>> -> memref<10000xf32, #tpu.memory_space<hbm>>
    tpu.enqueue_indirect_dma source(%dma_start3A_1021 : memref<10000xf32, #tpu.memory_space<hbm>>) target(%arg12 : memref<80xf32, #tpu.memory_space<vmem>>) offsets(%dma_start3A_1019 : memref<80xi32, #tpu.memory_space<vmem>>) semaphore(%arg24 : memref<!tpu.dma_semaphore, #tpu.memory_space<semaphore_mem>>)
    %dma_start3A_1022 = arith.constant 23 : i32
    %dma_start3A_1023 = arith.constant 0 : i32
    %dma_start3A_1024 = tpu.memref_slice %arg10[%dma_start3A_1022, %dma_start3A_1023] : memref<25x80xi32, #tpu.memory_space<vmem>> -> memref<1x80xi32, #tpu.memory_space<vmem>>
    %dma_start3A_1025 = tpu.memref_squeeze %dma_start3A_1024 : memref<1x80xi32, #tpu.memory_space<vmem>> -> memref<80xi32, #tpu.memory_space<vmem>>
    %dma_start3A_1026 = arith.constant 0 : i32
    %dma_start3A_1027 = tpu.memref_slice %arg18[%dma_start3A_1026] : memref<10000xf32, #tpu.memory_space<vmem_shared>> -> memref<10000xf32, #tpu.memory_space<vmem_shared>>
    tpu.enqueue_indirect_dma source(%arg13 : memref<80xf32, #tpu.memory_space<vmem>>) target(%dma_start3A_1027 : memref<10000xf32, #tpu.memory_space<vmem_shared>>) offsets(%dma_start3A_1025 : memref<80xi32, #tpu.memory_space<vmem>>) semaphore(%arg28 : memref<!tpu.dma_semaphore, #tpu.memory_space<semaphore_mem>>) {add = true}
    %dma_start3A_1028 = arith.constant 23 : i32
    %dma_start3A_1029 = arith.constant 0 : i32
    %dma_start3A_1030 = tpu.memref_slice %arg10[%dma_start3A_1028, %dma_start3A_1029] : memref<25x80xi32, #tpu.memory_space<vmem>> -> memref<1x80xi32, #tpu.memory_space<vmem>>
    %dma_start3A_1031 = tpu.memref_squeeze %dma_start3A_1030 : memref<1x80xi32, #tpu.memory_space<vmem>> -> memref<80xi32, #tpu.memory_space<vmem>>
    %dma_start3A_1032 = arith.constant 0 : i32
    %dma_start3A_1033 = arith.constant 0 : i32
    %dma_start3A_1034 = tpu.memref_slice %arg19[%dma_start3A_1032, %dma_start3A_1033] : memref<10000x128xf32, #tpu.memory_space<vmem_shared>> -> memref<10000x128xf32, #tpu.memory_space<vmem_shared>>
    tpu.enqueue_indirect_dma source(%arg16 : memref<80x128xf32, #tpu.memory_space<vmem>>) target(%dma_start3A_1034 : memref<10000x128xf32, #tpu.memory_space<vmem_shared>>) offsets(%dma_start3A_1031 : memref<80xi32, #tpu.memory_space<vmem>>) semaphore(%arg31 : memref<!tpu.dma_semaphore, #tpu.memory_space<semaphore_mem>>) {add = true}
    %dma_wait3A_1035 = arith.constant 0 : i32
    %dma_wait3A_1036 = arith.constant 0 : i32
    %dma_wait3A_1037 = tpu.memref_slice %arg7[%dma_wait3A_1035, %dma_wait3A_1036] : memref<25x80xi32, #tpu.memory_space<vmem>> -> memref<1x80xi32, #tpu.memory_space<vmem>>
    %dma_wait3A_1038 = tpu.memref_squeeze %dma_wait3A_1037 : memref<1x80xi32, #tpu.memory_space<vmem>> -> memref<80xi32, #tpu.memory_space<vmem>>
    %dma_wait3A_1039 = arith.constant 0 : i32
    %dma_wait3A_1040 = arith.constant 0 : i32
    %dma_wait3A_1041 = tpu.memref_slice %arg4[%dma_wait3A_1039, %dma_wait3A_1040] : memref<10000x128xf32, #tpu.memory_space<hbm>> -> memref<10000x128xf32, #tpu.memory_space<hbm>>
    tpu.wait_indirect_dma semaphore(%arg20 : memref<!tpu.dma_semaphore, #tpu.memory_space<semaphore_mem>>) src(%dma_wait3A_1041 : memref<10000x128xf32, #tpu.memory_space<hbm>>) dst(%arg14 : memref<80x128xf32, #tpu.memory_space<vmem>>)
    %dma_wait3A_1042 = arith.constant 0 : i32
    %dma_wait3A_1043 = arith.constant 0 : i32
    %dma_wait3A_1044 = tpu.memref_slice %arg7[%dma_wait3A_1042, %dma_wait3A_1043] : memref<25x80xi32, #tpu.memory_space<vmem>> -> memref<1x80xi32, #tpu.memory_space<vmem>>
    %dma_wait3A_1045 = tpu.memref_squeeze %dma_wait3A_1044 : memref<1x80xi32, #tpu.memory_space<vmem>> -> memref<80xi32, #tpu.memory_space<vmem>>
    %dma_wait3A_1046 = arith.constant 0 : i32
    %dma_wait3A_1047 = tpu.memref_slice %arg2[%dma_wait3A_1046] : memref<10000xf32, #tpu.memory_space<hbm>> -> memref<10000xf32, #tpu.memory_space<hbm>>
    tpu.wait_indirect_dma semaphore(%arg23 : memref<!tpu.dma_semaphore, #tpu.memory_space<semaphore_mem>>) src(%dma_wait3A_1047 : memref<10000xf32, #tpu.memory_space<hbm>>) dst(%arg11 : memref<80xf32, #tpu.memory_space<vmem>>)
    %dma_wait3A_1048 = arith.constant 0 : i32
    %dma_wait3A_1049 = arith.constant 0 : i32
    %dma_wait3A_1050 = tpu.memref_slice %arg7[%dma_wait3A_1048, %dma_wait3A_1049] : memref<25x80xi32, #tpu.memory_space<vmem>> -> memref<1x80xi32, #tpu.memory_space<vmem>>
    %dma_wait3A_1051 = tpu.memref_squeeze %dma_wait3A_1050 : memref<1x80xi32, #tpu.memory_space<vmem>> -> memref<80xi32, #tpu.memory_space<vmem>>
    %dma_wait3A_1052 = arith.constant 0 : i32
    %dma_wait3A_1053 = tpu.memref_slice %arg2[%dma_wait3A_1052] : memref<10000xf32, #tpu.memory_space<hbm>> -> memref<10000xf32, #tpu.memory_space<hbm>>
    tpu.wait_indirect_dma semaphore(%arg28 : memref<!tpu.dma_semaphore, #tpu.memory_space<semaphore_mem>>) src(%dma_wait3A_1053 : memref<10000xf32, #tpu.memory_space<hbm>>) dst(%arg13 : memref<80xf32, #tpu.memory_space<vmem>>)
    %dma_wait3A_1054 = arith.constant 0 : i32
    %dma_wait3A_1055 = arith.constant 0 : i32
    %dma_wait3A_1056 = tpu.memref_slice %arg7[%dma_wait3A_1054, %dma_wait3A_1055] : memref<25x80xi32, #tpu.memory_space<vmem>> -> memref<1x80xi32, #tpu.memory_space<vmem>>
    %dma_wait3A_1057 = tpu.memref_squeeze %dma_wait3A_1056 : memref<1x80xi32, #tpu.memory_space<vmem>> -> memref<80xi32, #tpu.memory_space<vmem>>
    %dma_wait3A_1058 = arith.constant 0 : i32
    %dma_wait3A_1059 = arith.constant 0 : i32
    %dma_wait3A_1060 = tpu.memref_slice %arg4[%dma_wait3A_1058, %dma_wait3A_1059] : memref<10000x128xf32, #tpu.memory_space<hbm>> -> memref<10000x128xf32, #tpu.memory_space<hbm>>
    tpu.wait_indirect_dma semaphore(%arg31 : memref<!tpu.dma_semaphore, #tpu.memory_space<semaphore_mem>>) src(%dma_wait3A_1060 : memref<10000x128xf32, #tpu.memory_space<hbm>>) dst(%arg16 : memref<80x128xf32, #tpu.memory_space<vmem>>)
    %dma_start3A_1061 = arith.constant 1 : i32
    %dma_start3A_1062 = arith.constant 0 : i32
    %dma_start3A_1063 = tpu.memref_slice %arg7[%dma_start3A_1061, %dma_start3A_1062] : memref<25x80xi32, #tpu.memory_space<vmem>> -> memref<1x80xi32, #tpu.memory_space<vmem>>
    %dma_start3A_1064 = tpu.memref_squeeze %dma_start3A_1063 : memref<1x80xi32, #tpu.memory_space<vmem>> -> memref<80xi32, #tpu.memory_space<vmem>>
    %dma_start3A_1065 = arith.constant 0 : i32
    %dma_start3A_1066 = arith.constant 0 : i32
    %dma_start3A_1067 = tpu.memref_slice %arg4[%dma_start3A_1065, %dma_start3A_1066] : memref<10000x128xf32, #tpu.memory_space<hbm>> -> memref<10000x128xf32, #tpu.memory_space<hbm>>
    tpu.enqueue_indirect_dma source(%dma_start3A_1067 : memref<10000x128xf32, #tpu.memory_space<hbm>>) target(%arg16 : memref<80x128xf32, #tpu.memory_space<vmem>>) offsets(%dma_start3A_1064 : memref<80xi32, #tpu.memory_space<vmem>>) semaphore(%arg22 : memref<!tpu.dma_semaphore, #tpu.memory_space<semaphore_mem>>)
    %dma_start3A_1068 = arith.constant 1 : i32
    %dma_start3A_1069 = arith.constant 0 : i32
    %dma_start3A_1070 = tpu.memref_slice %arg7[%dma_start3A_1068, %dma_start3A_1069] : memref<25x80xi32, #tpu.memory_space<vmem>> -> memref<1x80xi32, #tpu.memory_space<vmem>>
    %dma_start3A_1071 = tpu.memref_squeeze %dma_start3A_1070 : memref<1x80xi32, #tpu.memory_space<vmem>> -> memref<80xi32, #tpu.memory_space<vmem>>
    %dma_start3A_1072 = arith.constant 0 : i32
    %dma_start3A_1073 = tpu.memref_slice %arg2[%dma_start3A_1072] : memref<10000xf32, #tpu.memory_space<hbm>> -> memref<10000xf32, #tpu.memory_space<hbm>>
    tpu.enqueue_indirect_dma source(%dma_start3A_1073 : memref<10000xf32, #tpu.memory_space<hbm>>) target(%arg13 : memref<80xf32, #tpu.memory_space<vmem>>) offsets(%dma_start3A_1071 : memref<80xi32, #tpu.memory_space<vmem>>) semaphore(%arg25 : memref<!tpu.dma_semaphore, #tpu.memory_space<semaphore_mem>>)
    %dma_start3A_1074 = arith.constant 24 : i32
    %dma_start3A_1075 = arith.constant 0 : i32
    %dma_start3A_1076 = tpu.memref_slice %arg10[%dma_start3A_1074, %dma_start3A_1075] : memref<25x80xi32, #tpu.memory_space<vmem>> -> memref<1x80xi32, #tpu.memory_space<vmem>>
    %dma_start3A_1077 = tpu.memref_squeeze %dma_start3A_1076 : memref<1x80xi32, #tpu.memory_space<vmem>> -> memref<80xi32, #tpu.memory_space<vmem>>
    %dma_start3A_1078 = arith.constant 0 : i32
    %dma_start3A_1079 = tpu.memref_slice %arg18[%dma_start3A_1078] : memref<10000xf32, #tpu.memory_space<vmem_shared>> -> memref<10000xf32, #tpu.memory_space<vmem_shared>>
    tpu.enqueue_indirect_dma source(%arg11 : memref<80xf32, #tpu.memory_space<vmem>>) target(%dma_start3A_1079 : memref<10000xf32, #tpu.memory_space<vmem_shared>>) offsets(%dma_start3A_1077 : memref<80xi32, #tpu.memory_space<vmem>>) semaphore(%arg26 : memref<!tpu.dma_semaphore, #tpu.memory_space<semaphore_mem>>) {add = true}
    %dma_start3A_1080 = arith.constant 24 : i32
    %dma_start3A_1081 = arith.constant 0 : i32
    %dma_start3A_1082 = tpu.memref_slice %arg10[%dma_start3A_1080, %dma_start3A_1081] : memref<25x80xi32, #tpu.memory_space<vmem>> -> memref<1x80xi32, #tpu.memory_space<vmem>>
    %dma_start3A_1083 = tpu.memref_squeeze %dma_start3A_1082 : memref<1x80xi32, #tpu.memory_space<vmem>> -> memref<80xi32, #tpu.memory_space<vmem>>
    %dma_start3A_1084 = arith.constant 0 : i32
    %dma_start3A_1085 = arith.constant 0 : i32
    %dma_start3A_1086 = tpu.memref_slice %arg19[%dma_start3A_1084, %dma_start3A_1085] : memref<10000x128xf32, #tpu.memory_space<vmem_shared>> -> memref<10000x128xf32, #tpu.memory_space<vmem_shared>>
    tpu.enqueue_indirect_dma source(%arg14 : memref<80x128xf32, #tpu.memory_space<vmem>>) target(%dma_start3A_1086 : memref<10000x128xf32, #tpu.memory_space<vmem_shared>>) offsets(%dma_start3A_1083 : memref<80xi32, #tpu.memory_space<vmem>>) semaphore(%arg29 : memref<!tpu.dma_semaphore, #tpu.memory_space<semaphore_mem>>) {add = true}
    %dma_wait3A_1087 = arith.constant 0 : i32
    %dma_wait3A_1088 = arith.constant 0 : i32
    %dma_wait3A_1089 = tpu.memref_slice %arg7[%dma_wait3A_1087, %dma_wait3A_1088] : memref<25x80xi32, #tpu.memory_space<vmem>> -> memref<1x80xi32, #tpu.memory_space<vmem>>
    %dma_wait3A_1090 = tpu.memref_squeeze %dma_wait3A_1089 : memref<1x80xi32, #tpu.memory_space<vmem>> -> memref<80xi32, #tpu.memory_space<vmem>>
    %dma_wait3A_1091 = arith.constant 0 : i32
    %dma_wait3A_1092 = arith.constant 0 : i32
    %dma_wait3A_1093 = tpu.memref_slice %arg4[%dma_wait3A_1091, %dma_wait3A_1092] : memref<10000x128xf32, #tpu.memory_space<hbm>> -> memref<10000x128xf32, #tpu.memory_space<hbm>>
    tpu.wait_indirect_dma semaphore(%arg21 : memref<!tpu.dma_semaphore, #tpu.memory_space<semaphore_mem>>) src(%dma_wait3A_1093 : memref<10000x128xf32, #tpu.memory_space<hbm>>) dst(%arg15 : memref<80x128xf32, #tpu.memory_space<vmem>>)
    %dma_wait3A_1094 = arith.constant 0 : i32
    %dma_wait3A_1095 = arith.constant 0 : i32
    %dma_wait3A_1096 = tpu.memref_slice %arg7[%dma_wait3A_1094, %dma_wait3A_1095] : memref<25x80xi32, #tpu.memory_space<vmem>> -> memref<1x80xi32, #tpu.memory_space<vmem>>
    %dma_wait3A_1097 = tpu.memref_squeeze %dma_wait3A_1096 : memref<1x80xi32, #tpu.memory_space<vmem>> -> memref<80xi32, #tpu.memory_space<vmem>>
    %dma_wait3A_1098 = arith.constant 0 : i32
    %dma_wait3A_1099 = tpu.memref_slice %arg2[%dma_wait3A_1098] : memref<10000xf32, #tpu.memory_space<hbm>> -> memref<10000xf32, #tpu.memory_space<hbm>>
    tpu.wait_indirect_dma semaphore(%arg24 : memref<!tpu.dma_semaphore, #tpu.memory_space<semaphore_mem>>) src(%dma_wait3A_1099 : memref<10000xf32, #tpu.memory_space<hbm>>) dst(%arg12 : memref<80xf32, #tpu.memory_space<vmem>>)
    %dma_wait3A_1100 = arith.constant 0 : i32
    %dma_wait3A_1101 = arith.constant 0 : i32
    %dma_wait3A_1102 = tpu.memref_slice %arg7[%dma_wait3A_1100, %dma_wait3A_1101] : memref<25x80xi32, #tpu.memory_space<vmem>> -> memref<1x80xi32, #tpu.memory_space<vmem>>
    %dma_wait3A_1103 = tpu.memref_squeeze %dma_wait3A_1102 : memref<1x80xi32, #tpu.memory_space<vmem>> -> memref<80xi32, #tpu.memory_space<vmem>>
    %dma_wait3A_1104 = arith.constant 0 : i32
    %dma_wait3A_1105 = tpu.memref_slice %arg2[%dma_wait3A_1104] : memref<10000xf32, #tpu.memory_space<hbm>> -> memref<10000xf32, #tpu.memory_space<hbm>>
    tpu.wait_indirect_dma semaphore(%arg26 : memref<!tpu.dma_semaphore, #tpu.memory_space<semaphore_mem>>) src(%dma_wait3A_1105 : memref<10000xf32, #tpu.memory_space<hbm>>) dst(%arg11 : memref<80xf32, #tpu.memory_space<vmem>>)
    %dma_wait3A_1106 = arith.constant 0 : i32
    %dma_wait3A_1107 = arith.constant 0 : i32
    %dma_wait3A_1108 = tpu.memref_slice %arg7[%dma_wait3A_1106, %dma_wait3A_1107] : memref<25x80xi32, #tpu.memory_space<vmem>> -> memref<1x80xi32, #tpu.memory_space<vmem>>
    %dma_wait3A_1109 = tpu.memref_squeeze %dma_wait3A_1108 : memref<1x80xi32, #tpu.memory_space<vmem>> -> memref<80xi32, #tpu.memory_space<vmem>>
    %dma_wait3A_1110 = arith.constant 0 : i32
    %dma_wait3A_1111 = arith.constant 0 : i32
    %dma_wait3A_1112 = tpu.memref_slice %arg4[%dma_wait3A_1110, %dma_wait3A_1111] : memref<10000x128xf32, #tpu.memory_space<hbm>> -> memref<10000x128xf32, #tpu.memory_space<hbm>>
    tpu.wait_indirect_dma semaphore(%arg29 : memref<!tpu.dma_semaphore, #tpu.memory_space<semaphore_mem>>) src(%dma_wait3A_1112 : memref<10000x128xf32, #tpu.memory_space<hbm>>) dst(%arg14 : memref<80x128xf32, #tpu.memory_space<vmem>>)
    %dma_start3A_1113 = arith.constant 2 : i32
    %dma_start3A_1114 = arith.constant 0 : i32
    %dma_start3A_1115 = tpu.memref_slice %arg7[%dma_start3A_1113, %dma_start3A_1114] : memref<25x80xi32, #tpu.memory_space<vmem>> -> memref<1x80xi32, #tpu.memory_space<vmem>>
    %dma_start3A_1116 = tpu.memref_squeeze %dma_start3A_1115 : memref<1x80xi32, #tpu.memory_space<vmem>> -> memref<80xi32, #tpu.memory_space<vmem>>
    %dma_start3A_1117 = arith.constant 0 : i32
    %dma_start3A_1118 = arith.constant 0 : i32
    %dma_start3A_1119 = tpu.memref_slice %arg4[%dma_start3A_1117, %dma_start3A_1118] : memref<10000x128xf32, #tpu.memory_space<hbm>> -> memref<10000x128xf32, #tpu.memory_space<hbm>>
    tpu.enqueue_indirect_dma source(%dma_start3A_1119 : memref<10000x128xf32, #tpu.memory_space<hbm>>) target(%arg14 : memref<80x128xf32, #tpu.memory_space<vmem>>) offsets(%dma_start3A_1116 : memref<80xi32, #tpu.memory_space<vmem>>) semaphore(%arg20 : memref<!tpu.dma_semaphore, #tpu.memory_space<semaphore_mem>>)
    %dma_start3A_1120 = arith.constant 2 : i32
    %dma_start3A_1121 = arith.constant 0 : i32
    %dma_start3A_1122 = tpu.memref_slice %arg7[%dma_start3A_1120, %dma_start3A_1121] : memref<25x80xi32, #tpu.memory_space<vmem>> -> memref<1x80xi32, #tpu.memory_space<vmem>>
    %dma_start3A_1123 = tpu.memref_squeeze %dma_start3A_1122 : memref<1x80xi32, #tpu.memory_space<vmem>> -> memref<80xi32, #tpu.memory_space<vmem>>
    %dma_start3A_1124 = arith.constant 0 : i32
    %dma_start3A_1125 = tpu.memref_slice %arg2[%dma_start3A_1124] : memref<10000xf32, #tpu.memory_space<hbm>> -> memref<10000xf32, #tpu.memory_space<hbm>>
    tpu.enqueue_indirect_dma source(%dma_start3A_1125 : memref<10000xf32, #tpu.memory_space<hbm>>) target(%arg11 : memref<80xf32, #tpu.memory_space<vmem>>) offsets(%dma_start3A_1123 : memref<80xi32, #tpu.memory_space<vmem>>) semaphore(%arg23 : memref<!tpu.dma_semaphore, #tpu.memory_space<semaphore_mem>>)
    %dma_start3A_1126 = arith.constant 0 : i32
    %dma_start3A_1127 = arith.constant 0 : i32
    %dma_start3A_1128 = tpu.memref_slice %arg8[%dma_start3A_1126, %dma_start3A_1127] : memref<25x80xi32, #tpu.memory_space<vmem>> -> memref<1x80xi32, #tpu.memory_space<vmem>>
    %dma_start3A_1129 = tpu.memref_squeeze %dma_start3A_1128 : memref<1x80xi32, #tpu.memory_space<vmem>> -> memref<80xi32, #tpu.memory_space<vmem>>
    %dma_start3A_1130 = arith.constant 0 : i32
    %dma_start3A_1131 = tpu.memref_slice %arg18[%dma_start3A_1130] : memref<10000xf32, #tpu.memory_space<vmem_shared>> -> memref<10000xf32, #tpu.memory_space<vmem_shared>>
    tpu.enqueue_indirect_dma source(%arg12 : memref<80xf32, #tpu.memory_space<vmem>>) target(%dma_start3A_1131 : memref<10000xf32, #tpu.memory_space<vmem_shared>>) offsets(%dma_start3A_1129 : memref<80xi32, #tpu.memory_space<vmem>>) semaphore(%arg27 : memref<!tpu.dma_semaphore, #tpu.memory_space<semaphore_mem>>) {add = true}
    %dma_start3A_1132 = arith.constant 0 : i32
    %dma_start3A_1133 = arith.constant 0 : i32
    %dma_start3A_1134 = tpu.memref_slice %arg8[%dma_start3A_1132, %dma_start3A_1133] : memref<25x80xi32, #tpu.memory_space<vmem>> -> memref<1x80xi32, #tpu.memory_space<vmem>>
    %dma_start3A_1135 = tpu.memref_squeeze %dma_start3A_1134 : memref<1x80xi32, #tpu.memory_space<vmem>> -> memref<80xi32, #tpu.memory_space<vmem>>
    %dma_start3A_1136 = arith.constant 0 : i32
    %dma_start3A_1137 = arith.constant 0 : i32
    %dma_start3A_1138 = tpu.memref_slice %arg19[%dma_start3A_1136, %dma_start3A_1137] : memref<10000x128xf32, #tpu.memory_space<vmem_shared>> -> memref<10000x128xf32, #tpu.memory_space<vmem_shared>>
    tpu.enqueue_indirect_dma source(%arg15 : memref<80x128xf32, #tpu.memory_space<vmem>>) target(%dma_start3A_1138 : memref<10000x128xf32, #tpu.memory_space<vmem_shared>>) offsets(%dma_start3A_1135 : memref<80xi32, #tpu.memory_space<vmem>>) semaphore(%arg30 : memref<!tpu.dma_semaphore, #tpu.memory_space<semaphore_mem>>) {add = true}
    %scan3A_1139 = arith.constant 0 : i32
    %scan3A_1140 = arith.constant 0 : i32
    %scan3A_1141 = arith.constant 7 : i32
    %scan3A_1142 = arith.addi %scan3A_1140, %scan3A_1141 : i32
    %scan3A_1143 = arith.constant 1 : i32
    %scan3A_1144 = scf.for %scan3A_1412 = %scan3A_1140 to %scan3A_1142 step %scan3A_1143 iter_args(%scan3A_1413 = %scan3A_1139) -> (i32)  : i32 {
      %mul3A_1414 = arith.constant 3 : i32
      %mul3A_1415 = arith.muli %mul3A_1414, %scan3A_1412 : i32
      %add3A_1416 = arith.constant 1 : i32
      %add3A_1417 = arith.addi %add3A_1416, %mul3A_1415 : i32
      %add3A_1418 = arith.constant 2 : i32
      %add3A_1419 = arith.addi %add3A_1417, %add3A_1418 : i32
      %dma_wait3A_1420 = arith.constant 0 : i32
      %dma_wait3A_1421 = arith.constant 0 : i32
      %dma_wait3A_1422 = tpu.memref_slice %arg7[%dma_wait3A_1420, %dma_wait3A_1421] : memref<25x80xi32, #tpu.memory_space<vmem>> -> memref<1x80xi32, #tpu.memory_space<vmem>>
      %dma_wait3A_1423 = tpu.memref_squeeze %dma_wait3A_1422 : memref<1x80xi32, #tpu.memory_space<vmem>> -> memref<80xi32, #tpu.memory_space<vmem>>
      %dma_wait3A_1424 = arith.constant 0 : i32
      %dma_wait3A_1425 = arith.constant 0 : i32
      %dma_wait3A_1426 = tpu.memref_slice %arg4[%dma_wait3A_1424, %dma_wait3A_1425] : memref<10000x128xf32, #tpu.memory_space<hbm>> -> memref<10000x128xf32, #tpu.memory_space<hbm>>
      tpu.wait_indirect_dma semaphore(%arg22 : memref<!tpu.dma_semaphore, #tpu.memory_space<semaphore_mem>>) src(%dma_wait3A_1426 : memref<10000x128xf32, #tpu.memory_space<hbm>>) dst(%arg16 : memref<80x128xf32, #tpu.memory_space<vmem>>)
      %dma_wait3A_1427 = arith.constant 0 : i32
      %dma_wait3A_1428 = arith.constant 0 : i32
      %dma_wait3A_1429 = tpu.memref_slice %arg7[%dma_wait3A_1427, %dma_wait3A_1428] : memref<25x80xi32, #tpu.memory_space<vmem>> -> memref<1x80xi32, #tpu.memory_space<vmem>>
      %dma_wait3A_1430 = tpu.memref_squeeze %dma_wait3A_1429 : memref<1x80xi32, #tpu.memory_space<vmem>> -> memref<80xi32, #tpu.memory_space<vmem>>
      %dma_wait3A_1431 = arith.constant 0 : i32
      %dma_wait3A_1432 = tpu.memref_slice %arg2[%dma_wait3A_1431] : memref<10000xf32, #tpu.memory_space<hbm>> -> memref<10000xf32, #tpu.memory_space<hbm>>
      tpu.wait_indirect_dma semaphore(%arg25 : memref<!tpu.dma_semaphore, #tpu.memory_space<semaphore_mem>>) src(%dma_wait3A_1432 : memref<10000xf32, #tpu.memory_space<hbm>>) dst(%arg13 : memref<80xf32, #tpu.memory_space<vmem>>)
      %dma_wait3A_1433 = arith.constant 0 : i32
      %dma_wait3A_1434 = arith.constant 0 : i32
      %dma_wait3A_1435 = tpu.memref_slice %arg7[%dma_wait3A_1433, %dma_wait3A_1434] : memref<25x80xi32, #tpu.memory_space<vmem>> -> memref<1x80xi32, #tpu.memory_space<vmem>>
      %dma_wait3A_1436 = tpu.memref_squeeze %dma_wait3A_1435 : memref<1x80xi32, #tpu.memory_space<vmem>> -> memref<80xi32, #tpu.memory_space<vmem>>
      %dma_wait3A_1437 = arith.constant 0 : i32
      %dma_wait3A_1438 = tpu.memref_slice %arg2[%dma_wait3A_1437] : memref<10000xf32, #tpu.memory_space<hbm>> -> memref<10000xf32, #tpu.memory_space<hbm>>
      tpu.wait_indirect_dma semaphore(%arg27 : memref<!tpu.dma_semaphore, #tpu.memory_space<semaphore_mem>>) src(%dma_wait3A_1438 : memref<10000xf32, #tpu.memory_space<hbm>>) dst(%arg12 : memref<80xf32, #tpu.memory_space<vmem>>)
      %dma_wait3A_1439 = arith.constant 0 : i32
      %dma_wait3A_1440 = arith.constant 0 : i32
      %dma_wait3A_1441 = tpu.memref_slice %arg7[%dma_wait3A_1439, %dma_wait3A_1440] : memref<25x80xi32, #tpu.memory_space<vmem>> -> memref<1x80xi32, #tpu.memory_space<vmem>>
      %dma_wait3A_1442 = tpu.memref_squeeze %dma_wait3A_1441 : memref<1x80xi32, #tpu.memory_space<vmem>> -> memref<80xi32, #tpu.memory_space<vmem>>
      %dma_wait3A_1443 = arith.constant 0 : i32
      %dma_wait3A_1444 = arith.constant 0 : i32
      %dma_wait3A_1445 = tpu.memref_slice %arg4[%dma_wait3A_1443, %dma_wait3A_1444] : memref<10000x128xf32, #tpu.memory_space<hbm>> -> memref<10000x128xf32, #tpu.memory_space<hbm>>
      tpu.wait_indirect_dma semaphore(%arg30 : memref<!tpu.dma_semaphore, #tpu.memory_space<semaphore_mem>>) src(%dma_wait3A_1445 : memref<10000x128xf32, #tpu.memory_space<hbm>>) dst(%arg15 : memref<80x128xf32, #tpu.memory_space<vmem>>)
      %dma_start3A_1446 = arith.constant 0 : i32
      %dma_start3A_1447 = tpu.memref_slice %arg7[%add3A_1419, %dma_start3A_1446] : memref<25x80xi32, #tpu.memory_space<vmem>> -> memref<1x80xi32, #tpu.memory_space<vmem>>
      %dma_start3A_1448 = tpu.memref_squeeze %dma_start3A_1447 : memref<1x80xi32, #tpu.memory_space<vmem>> -> memref<80xi32, #tpu.memory_space<vmem>>
      %dma_start3A_1449 = arith.constant 0 : i32
      %dma_start3A_1450 = arith.constant 0 : i32
      %dma_start3A_1451 = tpu.memref_slice %arg4[%dma_start3A_1449, %dma_start3A_1450] : memref<10000x128xf32, #tpu.memory_space<hbm>> -> memref<10000x128xf32, #tpu.memory_space<hbm>>
      tpu.enqueue_indirect_dma source(%dma_start3A_1451 : memref<10000x128xf32, #tpu.memory_space<hbm>>) target(%arg15 : memref<80x128xf32, #tpu.memory_space<vmem>>) offsets(%dma_start3A_1448 : memref<80xi32, #tpu.memory_space<vmem>>) semaphore(%arg21 : memref<!tpu.dma_semaphore, #tpu.memory_space<semaphore_mem>>)
      %dma_start3A_1452 = arith.constant 0 : i32
      %dma_start3A_1453 = tpu.memref_slice %arg7[%add3A_1419, %dma_start3A_1452] : memref<25x80xi32, #tpu.memory_space<vmem>> -> memref<1x80xi32, #tpu.memory_space<vmem>>
      %dma_start3A_1454 = tpu.memref_squeeze %dma_start3A_1453 : memref<1x80xi32, #tpu.memory_space<vmem>> -> memref<80xi32, #tpu.memory_space<vmem>>
      %dma_start3A_1455 = arith.constant 0 : i32
      %dma_start3A_1456 = tpu.memref_slice %arg2[%dma_start3A_1455] : memref<10000xf32, #tpu.memory_space<hbm>> -> memref<10000xf32, #tpu.memory_space<hbm>>
      tpu.enqueue_indirect_dma source(%dma_start3A_1456 : memref<10000xf32, #tpu.memory_space<hbm>>) target(%arg12 : memref<80xf32, #tpu.memory_space<vmem>>) offsets(%dma_start3A_1454 : memref<80xi32, #tpu.memory_space<vmem>>) semaphore(%arg24 : memref<!tpu.dma_semaphore, #tpu.memory_space<semaphore_mem>>)
      %dma_start3A_1457 = arith.constant 0 : i32
      %dma_start3A_1458 = tpu.memref_slice %arg8[%add3A_1417, %dma_start3A_1457] : memref<25x80xi32, #tpu.memory_space<vmem>> -> memref<1x80xi32, #tpu.memory_space<vmem>>
      %dma_start3A_1459 = tpu.memref_squeeze %dma_start3A_1458 : memref<1x80xi32, #tpu.memory_space<vmem>> -> memref<80xi32, #tpu.memory_space<vmem>>
      %dma_start3A_1460 = arith.constant 0 : i32
      %dma_start3A_1461 = tpu.memref_slice %arg18[%dma_start3A_1460] : memref<10000xf32, #tpu.memory_space<vmem_shared>> -> memref<10000xf32, #tpu.memory_space<vmem_shared>>
      tpu.enqueue_indirect_dma source(%arg13 : memref<80xf32, #tpu.memory_space<vmem>>) target(%dma_start3A_1461 : memref<10000xf32, #tpu.memory_space<vmem_shared>>) offsets(%dma_start3A_1459 : memref<80xi32, #tpu.memory_space<vmem>>) semaphore(%arg28 : memref<!tpu.dma_semaphore, #tpu.memory_space<semaphore_mem>>) {add = true}
      %dma_start3A_1462 = arith.constant 0 : i32
      %dma_start3A_1463 = tpu.memref_slice %arg8[%add3A_1417, %dma_start3A_1462] : memref<25x80xi32, #tpu.memory_space<vmem>> -> memref<1x80xi32, #tpu.memory_space<vmem>>
      %dma_start3A_1464 = tpu.memref_squeeze %dma_start3A_1463 : memref<1x80xi32, #tpu.memory_space<vmem>> -> memref<80xi32, #tpu.memory_space<vmem>>
      %dma_start3A_1465 = arith.constant 0 : i32
      %dma_start3A_1466 = arith.constant 0 : i32
      %dma_start3A_1467 = tpu.memref_slice %arg19[%dma_start3A_1465, %dma_start3A_1466] : memref<10000x128xf32, #tpu.memory_space<vmem_shared>> -> memref<10000x128xf32, #tpu.memory_space<vmem_shared>>
      tpu.enqueue_indirect_dma source(%arg16 : memref<80x128xf32, #tpu.memory_space<vmem>>) target(%dma_start3A_1467 : memref<10000x128xf32, #tpu.memory_space<vmem_shared>>) offsets(%dma_start3A_1464 : memref<80xi32, #tpu.memory_space<vmem>>) semaphore(%arg31 : memref<!tpu.dma_semaphore, #tpu.memory_space<semaphore_mem>>) {add = true}
      %add3A_1468 = arith.constant 1 : i32
      %add3A_1469 = arith.addi %add3A_1417, %add3A_1468 : i32
      %add3A_1470 = arith.constant 3 : i32
      %add3A_1471 = arith.addi %add3A_1417, %add3A_1470 : i32
      %dma_wait3A_1472 = arith.constant 0 : i32
      %dma_wait3A_1473 = arith.constant 0 : i32
      %dma_wait3A_1474 = tpu.memref_slice %arg7[%dma_wait3A_1472, %dma_wait3A_1473] : memref<25x80xi32, #tpu.memory_space<vmem>> -> memref<1x80xi32, #tpu.memory_space<vmem>>
      %dma_wait3A_1475 = tpu.memref_squeeze %dma_wait3A_1474 : memref<1x80xi32, #tpu.memory_space<vmem>> -> memref<80xi32, #tpu.memory_space<vmem>>
      %dma_wait3A_1476 = arith.constant 0 : i32
      %dma_wait3A_1477 = arith.constant 0 : i32
      %dma_wait3A_1478 = tpu.memref_slice %arg4[%dma_wait3A_1476, %dma_wait3A_1477] : memref<10000x128xf32, #tpu.memory_space<hbm>> -> memref<10000x128xf32, #tpu.memory_space<hbm>>
      tpu.wait_indirect_dma semaphore(%arg20 : memref<!tpu.dma_semaphore, #tpu.memory_space<semaphore_mem>>) src(%dma_wait3A_1478 : memref<10000x128xf32, #tpu.memory_space<hbm>>) dst(%arg14 : memref<80x128xf32, #tpu.memory_space<vmem>>)
      %dma_wait3A_1479 = arith.constant 0 : i32
      %dma_wait3A_1480 = arith.constant 0 : i32
      %dma_wait3A_1481 = tpu.memref_slice %arg7[%dma_wait3A_1479, %dma_wait3A_1480] : memref<25x80xi32, #tpu.memory_space<vmem>> -> memref<1x80xi32, #tpu.memory_space<vmem>>
      %dma_wait3A_1482 = tpu.memref_squeeze %dma_wait3A_1481 : memref<1x80xi32, #tpu.memory_space<vmem>> -> memref<80xi32, #tpu.memory_space<vmem>>
      %dma_wait3A_1483 = arith.constant 0 : i32
      %dma_wait3A_1484 = tpu.memref_slice %arg2[%dma_wait3A_1483] : memref<10000xf32, #tpu.memory_space<hbm>> -> memref<10000xf32, #tpu.memory_space<hbm>>
      tpu.wait_indirect_dma semaphore(%arg23 : memref<!tpu.dma_semaphore, #tpu.memory_space<semaphore_mem>>) src(%dma_wait3A_1484 : memref<10000xf32, #tpu.memory_space<hbm>>) dst(%arg11 : memref<80xf32, #tpu.memory_space<vmem>>)
      %dma_wait3A_1485 = arith.constant 0 : i32
      %dma_wait3A_1486 = arith.constant 0 : i32
      %dma_wait3A_1487 = tpu.memref_slice %arg7[%dma_wait3A_1485, %dma_wait3A_1486] : memref<25x80xi32, #tpu.memory_space<vmem>> -> memref<1x80xi32, #tpu.memory_space<vmem>>
      %dma_wait3A_1488 = tpu.memref_squeeze %dma_wait3A_1487 : memref<1x80xi32, #tpu.memory_space<vmem>> -> memref<80xi32, #tpu.memory_space<vmem>>
      %dma_wait3A_1489 = arith.constant 0 : i32
      %dma_wait3A_1490 = tpu.memref_slice %arg2[%dma_wait3A_1489] : memref<10000xf32, #tpu.memory_space<hbm>> -> memref<10000xf32, #tpu.memory_space<hbm>>
      tpu.wait_indirect_dma semaphore(%arg28 : memref<!tpu.dma_semaphore, #tpu.memory_space<semaphore_mem>>) src(%dma_wait3A_1490 : memref<10000xf32, #tpu.memory_space<hbm>>) dst(%arg13 : memref<80xf32, #tpu.memory_space<vmem>>)
      %dma_wait3A_1491 = arith.constant 0 : i32
      %dma_wait3A_1492 = arith.constant 0 : i32
      %dma_wait3A_1493 = tpu.memref_slice %arg7[%dma_wait3A_1491, %dma_wait3A_1492] : memref<25x80xi32, #tpu.memory_space<vmem>> -> memref<1x80xi32, #tpu.memory_space<vmem>>
      %dma_wait3A_1494 = tpu.memref_squeeze %dma_wait3A_1493 : memref<1x80xi32, #tpu.memory_space<vmem>> -> memref<80xi32, #tpu.memory_space<vmem>>
      %dma_wait3A_1495 = arith.constant 0 : i32
      %dma_wait3A_1496 = arith.constant 0 : i32
      %dma_wait3A_1497 = tpu.memref_slice %arg4[%dma_wait3A_1495, %dma_wait3A_1496] : memref<10000x128xf32, #tpu.memory_space<hbm>> -> memref<10000x128xf32, #tpu.memory_space<hbm>>
      tpu.wait_indirect_dma semaphore(%arg31 : memref<!tpu.dma_semaphore, #tpu.memory_space<semaphore_mem>>) src(%dma_wait3A_1497 : memref<10000x128xf32, #tpu.memory_space<hbm>>) dst(%arg16 : memref<80x128xf32, #tpu.memory_space<vmem>>)
      %dma_start3A_1498 = arith.constant 0 : i32
      %dma_start3A_1499 = tpu.memref_slice %arg7[%add3A_1471, %dma_start3A_1498] : memref<25x80xi32, #tpu.memory_space<vmem>> -> memref<1x80xi32, #tpu.memory_space<vmem>>
      %dma_start3A_1500 = tpu.memref_squeeze %dma_start3A_1499 : memref<1x80xi32, #tpu.memory_space<vmem>> -> memref<80xi32, #tpu.memory_space<vmem>>
      %dma_start3A_1501 = arith.constant 0 : i32
      %dma_start3A_1502 = arith.constant 0 : i32
      %dma_start3A_1503 = tpu.memref_slice %arg4[%dma_start3A_1501, %dma_start3A_1502] : memref<10000x128xf32, #tpu.memory_space<hbm>> -> memref<10000x128xf32, #tpu.memory_space<hbm>>
      tpu.enqueue_indirect_dma source(%dma_start3A_1503 : memref<10000x128xf32, #tpu.memory_space<hbm>>) target(%arg16 : memref<80x128xf32, #tpu.memory_space<vmem>>) offsets(%dma_start3A_1500 : memref<80xi32, #tpu.memory_space<vmem>>) semaphore(%arg22 : memref<!tpu.dma_semaphore, #tpu.memory_space<semaphore_mem>>)
      %dma_start3A_1504 = arith.constant 0 : i32
      %dma_start3A_1505 = tpu.memref_slice %arg7[%add3A_1471, %dma_start3A_1504] : memref<25x80xi32, #tpu.memory_space<vmem>> -> memref<1x80xi32, #tpu.memory_space<vmem>>
      %dma_start3A_1506 = tpu.memref_squeeze %dma_start3A_1505 : memref<1x80xi32, #tpu.memory_space<vmem>> -> memref<80xi32, #tpu.memory_space<vmem>>
      %dma_start3A_1507 = arith.constant 0 : i32
      %dma_start3A_1508 = tpu.memref_slice %arg2[%dma_start3A_1507] : memref<10000xf32, #tpu.memory_space<hbm>> -> memref<10000xf32, #tpu.memory_space<hbm>>
      tpu.enqueue_indirect_dma source(%dma_start3A_1508 : memref<10000xf32, #tpu.memory_space<hbm>>) target(%arg13 : memref<80xf32, #tpu.memory_space<vmem>>) offsets(%dma_start3A_1506 : memref<80xi32, #tpu.memory_space<vmem>>) semaphore(%arg25 : memref<!tpu.dma_semaphore, #tpu.memory_space<semaphore_mem>>)
      %dma_start3A_1509 = arith.constant 0 : i32
      %dma_start3A_1510 = tpu.memref_slice %arg8[%add3A_1469, %dma_start3A_1509] : memref<25x80xi32, #tpu.memory_space<vmem>> -> memref<1x80xi32, #tpu.memory_space<vmem>>
      %dma_start3A_1511 = tpu.memref_squeeze %dma_start3A_1510 : memref<1x80xi32, #tpu.memory_space<vmem>> -> memref<80xi32, #tpu.memory_space<vmem>>
      %dma_start3A_1512 = arith.constant 0 : i32
      %dma_start3A_1513 = tpu.memref_slice %arg18[%dma_start3A_1512] : memref<10000xf32, #tpu.memory_space<vmem_shared>> -> memref<10000xf32, #tpu.memory_space<vmem_shared>>
      tpu.enqueue_indirect_dma source(%arg11 : memref<80xf32, #tpu.memory_space<vmem>>) target(%dma_start3A_1513 : memref<10000xf32, #tpu.memory_space<vmem_shared>>) offsets(%dma_start3A_1511 : memref<80xi32, #tpu.memory_space<vmem>>) semaphore(%arg26 : memref<!tpu.dma_semaphore, #tpu.memory_space<semaphore_mem>>) {add = true}
      %dma_start3A_1514 = arith.constant 0 : i32
      %dma_start3A_1515 = tpu.memref_slice %arg8[%add3A_1469, %dma_start3A_1514] : memref<25x80xi32, #tpu.memory_space<vmem>> -> memref<1x80xi32, #tpu.memory_space<vmem>>
      %dma_start3A_1516 = tpu.memref_squeeze %dma_start3A_1515 : memref<1x80xi32, #tpu.memory_space<vmem>> -> memref<80xi32, #tpu.memory_space<vmem>>
      %dma_start3A_1517 = arith.constant 0 : i32
      %dma_start3A_1518 = arith.constant 0 : i32
      %dma_start3A_1519 = tpu.memref_slice %arg19[%dma_start3A_1517, %dma_start3A_1518] : memref<10000x128xf32, #tpu.memory_space<vmem_shared>> -> memref<10000x128xf32, #tpu.memory_space<vmem_shared>>
      tpu.enqueue_indirect_dma source(%arg14 : memref<80x128xf32, #tpu.memory_space<vmem>>) target(%dma_start3A_1519 : memref<10000x128xf32, #tpu.memory_space<vmem_shared>>) offsets(%dma_start3A_1516 : memref<80xi32, #tpu.memory_space<vmem>>) semaphore(%arg29 : memref<!tpu.dma_semaphore, #tpu.memory_space<semaphore_mem>>) {add = true}
      %add3A_1520 = arith.constant 2 : i32
      %add3A_1521 = arith.addi %add3A_1417, %add3A_1520 : i32
      %add3A_1522 = arith.constant 4 : i32
      %add3A_1523 = arith.addi %add3A_1417, %add3A_1522 : i32
      %dma_wait3A_1524 = arith.constant 0 : i32
      %dma_wait3A_1525 = arith.constant 0 : i32
      %dma_wait3A_1526 = tpu.memref_slice %arg7[%dma_wait3A_1524, %dma_wait3A_1525] : memref<25x80xi32, #tpu.memory_space<vmem>> -> memref<1x80xi32, #tpu.memory_space<vmem>>
      %dma_wait3A_1527 = tpu.memref_squeeze %dma_wait3A_1526 : memref<1x80xi32, #tpu.memory_space<vmem>> -> memref<80xi32, #tpu.memory_space<vmem>>
      %dma_wait3A_1528 = arith.constant 0 : i32
      %dma_wait3A_1529 = arith.constant 0 : i32
      %dma_wait3A_1530 = tpu.memref_slice %arg4[%dma_wait3A_1528, %dma_wait3A_1529] : memref<10000x128xf32, #tpu.memory_space<hbm>> -> memref<10000x128xf32, #tpu.memory_space<hbm>>
      tpu.wait_indirect_dma semaphore(%arg21 : memref<!tpu.dma_semaphore, #tpu.memory_space<semaphore_mem>>) src(%dma_wait3A_1530 : memref<10000x128xf32, #tpu.memory_space<hbm>>) dst(%arg15 : memref<80x128xf32, #tpu.memory_space<vmem>>)
      %dma_wait3A_1531 = arith.constant 0 : i32
      %dma_wait3A_1532 = arith.constant 0 : i32
      %dma_wait3A_1533 = tpu.memref_slice %arg7[%dma_wait3A_1531, %dma_wait3A_1532] : memref<25x80xi32, #tpu.memory_space<vmem>> -> memref<1x80xi32, #tpu.memory_space<vmem>>
      %dma_wait3A_1534 = tpu.memref_squeeze %dma_wait3A_1533 : memref<1x80xi32, #tpu.memory_space<vmem>> -> memref<80xi32, #tpu.memory_space<vmem>>
      %dma_wait3A_1535 = arith.constant 0 : i32
      %dma_wait3A_1536 = tpu.memref_slice %arg2[%dma_wait3A_1535] : memref<10000xf32, #tpu.memory_space<hbm>> -> memref<10000xf32, #tpu.memory_space<hbm>>
      tpu.wait_indirect_dma semaphore(%arg24 : memref<!tpu.dma_semaphore, #tpu.memory_space<semaphore_mem>>) src(%dma_wait3A_1536 : memref<10000xf32, #tpu.memory_space<hbm>>) dst(%arg12 : memref<80xf32, #tpu.memory_space<vmem>>)
      %dma_wait3A_1537 = arith.constant 0 : i32
      %dma_wait3A_1538 = arith.constant 0 : i32
      %dma_wait3A_1539 = tpu.memref_slice %arg7[%dma_wait3A_1537, %dma_wait3A_1538] : memref<25x80xi32, #tpu.memory_space<vmem>> -> memref<1x80xi32, #tpu.memory_space<vmem>>
      %dma_wait3A_1540 = tpu.memref_squeeze %dma_wait3A_1539 : memref<1x80xi32, #tpu.memory_space<vmem>> -> memref<80xi32, #tpu.memory_space<vmem>>
      %dma_wait3A_1541 = arith.constant 0 : i32
      %dma_wait3A_1542 = tpu.memref_slice %arg2[%dma_wait3A_1541] : memref<10000xf32, #tpu.memory_space<hbm>> -> memref<10000xf32, #tpu.memory_space<hbm>>
      tpu.wait_indirect_dma semaphore(%arg26 : memref<!tpu.dma_semaphore, #tpu.memory_space<semaphore_mem>>) src(%dma_wait3A_1542 : memref<10000xf32, #tpu.memory_space<hbm>>) dst(%arg11 : memref<80xf32, #tpu.memory_space<vmem>>)
      %dma_wait3A_1543 = arith.constant 0 : i32
      %dma_wait3A_1544 = arith.constant 0 : i32
      %dma_wait3A_1545 = tpu.memref_slice %arg7[%dma_wait3A_1543, %dma_wait3A_1544] : memref<25x80xi32, #tpu.memory_space<vmem>> -> memref<1x80xi32, #tpu.memory_space<vmem>>
      %dma_wait3A_1546 = tpu.memref_squeeze %dma_wait3A_1545 : memref<1x80xi32, #tpu.memory_space<vmem>> -> memref<80xi32, #tpu.memory_space<vmem>>
      %dma_wait3A_1547 = arith.constant 0 : i32
      %dma_wait3A_1548 = arith.constant 0 : i32
      %dma_wait3A_1549 = tpu.memref_slice %arg4[%dma_wait3A_1547, %dma_wait3A_1548] : memref<10000x128xf32, #tpu.memory_space<hbm>> -> memref<10000x128xf32, #tpu.memory_space<hbm>>
      tpu.wait_indirect_dma semaphore(%arg29 : memref<!tpu.dma_semaphore, #tpu.memory_space<semaphore_mem>>) src(%dma_wait3A_1549 : memref<10000x128xf32, #tpu.memory_space<hbm>>) dst(%arg14 : memref<80x128xf32, #tpu.memory_space<vmem>>)
      %dma_start3A_1550 = arith.constant 0 : i32
      %dma_start3A_1551 = tpu.memref_slice %arg7[%add3A_1523, %dma_start3A_1550] : memref<25x80xi32, #tpu.memory_space<vmem>> -> memref<1x80xi32, #tpu.memory_space<vmem>>
      %dma_start3A_1552 = tpu.memref_squeeze %dma_start3A_1551 : memref<1x80xi32, #tpu.memory_space<vmem>> -> memref<80xi32, #tpu.memory_space<vmem>>
      %dma_start3A_1553 = arith.constant 0 : i32
      %dma_start3A_1554 = arith.constant 0 : i32
      %dma_start3A_1555 = tpu.memref_slice %arg4[%dma_start3A_1553, %dma_start3A_1554] : memref<10000x128xf32, #tpu.memory_space<hbm>> -> memref<10000x128xf32, #tpu.memory_space<hbm>>
      tpu.enqueue_indirect_dma source(%dma_start3A_1555 : memref<10000x128xf32, #tpu.memory_space<hbm>>) target(%arg14 : memref<80x128xf32, #tpu.memory_space<vmem>>) offsets(%dma_start3A_1552 : memref<80xi32, #tpu.memory_space<vmem>>) semaphore(%arg20 : memref<!tpu.dma_semaphore, #tpu.memory_space<semaphore_mem>>)
      %dma_start3A_1556 = arith.constant 0 : i32
      %dma_start3A_1557 = tpu.memref_slice %arg7[%add3A_1523, %dma_start3A_1556] : memref<25x80xi32, #tpu.memory_space<vmem>> -> memref<1x80xi32, #tpu.memory_space<vmem>>
      %dma_start3A_1558 = tpu.memref_squeeze %dma_start3A_1557 : memref<1x80xi32, #tpu.memory_space<vmem>> -> memref<80xi32, #tpu.memory_space<vmem>>
      %dma_start3A_1559 = arith.constant 0 : i32
      %dma_start3A_1560 = tpu.memref_slice %arg2[%dma_start3A_1559] : memref<10000xf32, #tpu.memory_space<hbm>> -> memref<10000xf32, #tpu.memory_space<hbm>>
      tpu.enqueue_indirect_dma source(%dma_start3A_1560 : memref<10000xf32, #tpu.memory_space<hbm>>) target(%arg11 : memref<80xf32, #tpu.memory_space<vmem>>) offsets(%dma_start3A_1558 : memref<80xi32, #tpu.memory_space<vmem>>) semaphore(%arg23 : memref<!tpu.dma_semaphore, #tpu.memory_space<semaphore_mem>>)
      %dma_start3A_1561 = arith.constant 0 : i32
      %dma_start3A_1562 = tpu.memref_slice %arg8[%add3A_1521, %dma_start3A_1561] : memref<25x80xi32, #tpu.memory_space<vmem>> -> memref<1x80xi32, #tpu.memory_space<vmem>>
      %dma_start3A_1563 = tpu.memref_squeeze %dma_start3A_1562 : memref<1x80xi32, #tpu.memory_space<vmem>> -> memref<80xi32, #tpu.memory_space<vmem>>
      %dma_start3A_1564 = arith.constant 0 : i32
      %dma_start3A_1565 = tpu.memref_slice %arg18[%dma_start3A_1564] : memref<10000xf32, #tpu.memory_space<vmem_shared>> -> memref<10000xf32, #tpu.memory_space<vmem_shared>>
      tpu.enqueue_indirect_dma source(%arg12 : memref<80xf32, #tpu.memory_space<vmem>>) target(%dma_start3A_1565 : memref<10000xf32, #tpu.memory_space<vmem_shared>>) offsets(%dma_start3A_1563 : memref<80xi32, #tpu.memory_space<vmem>>) semaphore(%arg27 : memref<!tpu.dma_semaphore, #tpu.memory_space<semaphore_mem>>) {add = true}
      %dma_start3A_1566 = arith.constant 0 : i32
      %dma_start3A_1567 = tpu.memref_slice %arg8[%add3A_1521, %dma_start3A_1566] : memref<25x80xi32, #tpu.memory_space<vmem>> -> memref<1x80xi32, #tpu.memory_space<vmem>>
      %dma_start3A_1568 = tpu.memref_squeeze %dma_start3A_1567 : memref<1x80xi32, #tpu.memory_space<vmem>> -> memref<80xi32, #tpu.memory_space<vmem>>
      %dma_start3A_1569 = arith.constant 0 : i32
      %dma_start3A_1570 = arith.constant 0 : i32
      %dma_start3A_1571 = tpu.memref_slice %arg19[%dma_start3A_1569, %dma_start3A_1570] : memref<10000x128xf32, #tpu.memory_space<vmem_shared>> -> memref<10000x128xf32, #tpu.memory_space<vmem_shared>>
      tpu.enqueue_indirect_dma source(%arg15 : memref<80x128xf32, #tpu.memory_space<vmem>>) target(%dma_start3A_1571 : memref<10000x128xf32, #tpu.memory_space<vmem_shared>>) offsets(%dma_start3A_1568 : memref<80xi32, #tpu.memory_space<vmem>>) semaphore(%arg30 : memref<!tpu.dma_semaphore, #tpu.memory_space<semaphore_mem>>) {add = true}
      %scan3A_1572 = arith.constant 0 : i32
      scf.yield %scan3A_1572 : i32
    }
    %scan3A_1145 = arith.constant 7 : i32
    %dma_wait3A_1146 = arith.constant 0 : i32
    %dma_wait3A_1147 = arith.constant 0 : i32
    %dma_wait3A_1148 = tpu.memref_slice %arg7[%dma_wait3A_1146, %dma_wait3A_1147] : memref<25x80xi32, #tpu.memory_space<vmem>> -> memref<1x80xi32, #tpu.memory_space<vmem>>
    %dma_wait3A_1149 = tpu.memref_squeeze %dma_wait3A_1148 : memref<1x80xi32, #tpu.memory_space<vmem>> -> memref<80xi32, #tpu.memory_space<vmem>>
    %dma_wait3A_1150 = arith.constant 0 : i32
    %dma_wait3A_1151 = arith.constant 0 : i32
    %dma_wait3A_1152 = tpu.memref_slice %arg4[%dma_wait3A_1150, %dma_wait3A_1151] : memref<10000x128xf32, #tpu.memory_space<hbm>> -> memref<10000x128xf32, #tpu.memory_space<hbm>>
    tpu.wait_indirect_dma semaphore(%arg22 : memref<!tpu.dma_semaphore, #tpu.memory_space<semaphore_mem>>) src(%dma_wait3A_1152 : memref<10000x128xf32, #tpu.memory_space<hbm>>) dst(%arg16 : memref<80x128xf32, #tpu.memory_space<vmem>>)
    %dma_wait3A_1153 = arith.constant 0 : i32
    %dma_wait3A_1154 = arith.constant 0 : i32
    %dma_wait3A_1155 = tpu.memref_slice %arg7[%dma_wait3A_1153, %dma_wait3A_1154] : memref<25x80xi32, #tpu.memory_space<vmem>> -> memref<1x80xi32, #tpu.memory_space<vmem>>
    %dma_wait3A_1156 = tpu.memref_squeeze %dma_wait3A_1155 : memref<1x80xi32, #tpu.memory_space<vmem>> -> memref<80xi32, #tpu.memory_space<vmem>>
    %dma_wait3A_1157 = arith.constant 0 : i32
    %dma_wait3A_1158 = tpu.memref_slice %arg2[%dma_wait3A_1157] : memref<10000xf32, #tpu.memory_space<hbm>> -> memref<10000xf32, #tpu.memory_space<hbm>>
    tpu.wait_indirect_dma semaphore(%arg25 : memref<!tpu.dma_semaphore, #tpu.memory_space<semaphore_mem>>) src(%dma_wait3A_1158 : memref<10000xf32, #tpu.memory_space<hbm>>) dst(%arg13 : memref<80xf32, #tpu.memory_space<vmem>>)
    %dma_wait3A_1159 = arith.constant 0 : i32
    %dma_wait3A_1160 = arith.constant 0 : i32
    %dma_wait3A_1161 = tpu.memref_slice %arg7[%dma_wait3A_1159, %dma_wait3A_1160] : memref<25x80xi32, #tpu.memory_space<vmem>> -> memref<1x80xi32, #tpu.memory_space<vmem>>
    %dma_wait3A_1162 = tpu.memref_squeeze %dma_wait3A_1161 : memref<1x80xi32, #tpu.memory_space<vmem>> -> memref<80xi32, #tpu.memory_space<vmem>>
    %dma_wait3A_1163 = arith.constant 0 : i32
    %dma_wait3A_1164 = tpu.memref_slice %arg2[%dma_wait3A_1163] : memref<10000xf32, #tpu.memory_space<hbm>> -> memref<10000xf32, #tpu.memory_space<hbm>>
    tpu.wait_indirect_dma semaphore(%arg27 : memref<!tpu.dma_semaphore, #tpu.memory_space<semaphore_mem>>) src(%dma_wait3A_1164 : memref<10000xf32, #tpu.memory_space<hbm>>) dst(%arg12 : memref<80xf32, #tpu.memory_space<vmem>>)
    %dma_wait3A_1165 = arith.constant 0 : i32
    %dma_wait3A_1166 = arith.constant 0 : i32
    %dma_wait3A_1167 = tpu.memref_slice %arg7[%dma_wait3A_1165, %dma_wait3A_1166] : memref<25x80xi32, #tpu.memory_space<vmem>> -> memref<1x80xi32, #tpu.memory_space<vmem>>
    %dma_wait3A_1168 = tpu.memref_squeeze %dma_wait3A_1167 : memref<1x80xi32, #tpu.memory_space<vmem>> -> memref<80xi32, #tpu.memory_space<vmem>>
    %dma_wait3A_1169 = arith.constant 0 : i32
    %dma_wait3A_1170 = arith.constant 0 : i32
    %dma_wait3A_1171 = tpu.memref_slice %arg4[%dma_wait3A_1169, %dma_wait3A_1170] : memref<10000x128xf32, #tpu.memory_space<hbm>> -> memref<10000x128xf32, #tpu.memory_space<hbm>>
    tpu.wait_indirect_dma semaphore(%arg30 : memref<!tpu.dma_semaphore, #tpu.memory_space<semaphore_mem>>) src(%dma_wait3A_1171 : memref<10000x128xf32, #tpu.memory_space<hbm>>) dst(%arg15 : memref<80x128xf32, #tpu.memory_space<vmem>>)
    %dma_start3A_1172 = arith.constant 24 : i32
    %dma_start3A_1173 = arith.constant 0 : i32
    %dma_start3A_1174 = tpu.memref_slice %arg7[%dma_start3A_1172, %dma_start3A_1173] : memref<25x80xi32, #tpu.memory_space<vmem>> -> memref<1x80xi32, #tpu.memory_space<vmem>>
    %dma_start3A_1175 = tpu.memref_squeeze %dma_start3A_1174 : memref<1x80xi32, #tpu.memory_space<vmem>> -> memref<80xi32, #tpu.memory_space<vmem>>
    %dma_start3A_1176 = arith.constant 0 : i32
    %dma_start3A_1177 = arith.constant 0 : i32
    %dma_start3A_1178 = tpu.memref_slice %arg4[%dma_start3A_1176, %dma_start3A_1177] : memref<10000x128xf32, #tpu.memory_space<hbm>> -> memref<10000x128xf32, #tpu.memory_space<hbm>>
    tpu.enqueue_indirect_dma source(%dma_start3A_1178 : memref<10000x128xf32, #tpu.memory_space<hbm>>) target(%arg15 : memref<80x128xf32, #tpu.memory_space<vmem>>) offsets(%dma_start3A_1175 : memref<80xi32, #tpu.memory_space<vmem>>) semaphore(%arg21 : memref<!tpu.dma_semaphore, #tpu.memory_space<semaphore_mem>>)
    %dma_start3A_1179 = arith.constant 24 : i32
    %dma_start3A_1180 = arith.constant 0 : i32
    %dma_start3A_1181 = tpu.memref_slice %arg7[%dma_start3A_1179, %dma_start3A_1180] : memref<25x80xi32, #tpu.memory_space<vmem>> -> memref<1x80xi32, #tpu.memory_space<vmem>>
    %dma_start3A_1182 = tpu.memref_squeeze %dma_start3A_1181 : memref<1x80xi32, #tpu.memory_space<vmem>> -> memref<80xi32, #tpu.memory_space<vmem>>
    %dma_start3A_1183 = arith.constant 0 : i32
    %dma_start3A_1184 = tpu.memref_slice %arg2[%dma_start3A_1183] : memref<10000xf32, #tpu.memory_space<hbm>> -> memref<10000xf32, #tpu.memory_space<hbm>>
    tpu.enqueue_indirect_dma source(%dma_start3A_1184 : memref<10000xf32, #tpu.memory_space<hbm>>) target(%arg12 : memref<80xf32, #tpu.memory_space<vmem>>) offsets(%dma_start3A_1182 : memref<80xi32, #tpu.memory_space<vmem>>) semaphore(%arg24 : memref<!tpu.dma_semaphore, #tpu.memory_space<semaphore_mem>>)
    %dma_start3A_1185 = arith.constant 22 : i32
    %dma_start3A_1186 = arith.constant 0 : i32
    %dma_start3A_1187 = tpu.memref_slice %arg8[%dma_start3A_1185, %dma_start3A_1186] : memref<25x80xi32, #tpu.memory_space<vmem>> -> memref<1x80xi32, #tpu.memory_space<vmem>>
    %dma_start3A_1188 = tpu.memref_squeeze %dma_start3A_1187 : memref<1x80xi32, #tpu.memory_space<vmem>> -> memref<80xi32, #tpu.memory_space<vmem>>
    %dma_start3A_1189 = arith.constant 0 : i32
    %dma_start3A_1190 = tpu.memref_slice %arg18[%dma_start3A_1189] : memref<10000xf32, #tpu.memory_space<vmem_shared>> -> memref<10000xf32, #tpu.memory_space<vmem_shared>>
    tpu.enqueue_indirect_dma source(%arg13 : memref<80xf32, #tpu.memory_space<vmem>>) target(%dma_start3A_1190 : memref<10000xf32, #tpu.memory_space<vmem_shared>>) offsets(%dma_start3A_1188 : memref<80xi32, #tpu.memory_space<vmem>>) semaphore(%arg28 : memref<!tpu.dma_semaphore, #tpu.memory_space<semaphore_mem>>) {add = true}
    %dma_start3A_1191 = arith.constant 22 : i32
    %dma_start3A_1192 = arith.constant 0 : i32
    %dma_start3A_1193 = tpu.memref_slice %arg8[%dma_start3A_1191, %dma_start3A_1192] : memref<25x80xi32, #tpu.memory_space<vmem>> -> memref<1x80xi32, #tpu.memory_space<vmem>>
    %dma_start3A_1194 = tpu.memref_squeeze %dma_start3A_1193 : memref<1x80xi32, #tpu.memory_space<vmem>> -> memref<80xi32, #tpu.memory_space<vmem>>
    %dma_start3A_1195 = arith.constant 0 : i32
    %dma_start3A_1196 = arith.constant 0 : i32
    %dma_start3A_1197 = tpu.memref_slice %arg19[%dma_start3A_1195, %dma_start3A_1196] : memref<10000x128xf32, #tpu.memory_space<vmem_shared>> -> memref<10000x128xf32, #tpu.memory_space<vmem_shared>>
    tpu.enqueue_indirect_dma source(%arg16 : memref<80x128xf32, #tpu.memory_space<vmem>>) target(%dma_start3A_1197 : memref<10000x128xf32, #tpu.memory_space<vmem_shared>>) offsets(%dma_start3A_1194 : memref<80xi32, #tpu.memory_space<vmem>>) semaphore(%arg31 : memref<!tpu.dma_semaphore, #tpu.memory_space<semaphore_mem>>) {add = true}
    %dma_wait3A_1198 = arith.constant 0 : i32
    %dma_wait3A_1199 = arith.constant 0 : i32
    %dma_wait3A_1200 = tpu.memref_slice %arg7[%dma_wait3A_1198, %dma_wait3A_1199] : memref<25x80xi32, #tpu.memory_space<vmem>> -> memref<1x80xi32, #tpu.memory_space<vmem>>
    %dma_wait3A_1201 = tpu.memref_squeeze %dma_wait3A_1200 : memref<1x80xi32, #tpu.memory_space<vmem>> -> memref<80xi32, #tpu.memory_space<vmem>>
    %dma_wait3A_1202 = arith.constant 0 : i32
    %dma_wait3A_1203 = arith.constant 0 : i32
    %dma_wait3A_1204 = tpu.memref_slice %arg4[%dma_wait3A_1202, %dma_wait3A_1203] : memref<10000x128xf32, #tpu.memory_space<hbm>> -> memref<10000x128xf32, #tpu.memory_space<hbm>>
    tpu.wait_indirect_dma semaphore(%arg20 : memref<!tpu.dma_semaphore, #tpu.memory_space<semaphore_mem>>) src(%dma_wait3A_1204 : memref<10000x128xf32, #tpu.memory_space<hbm>>) dst(%arg14 : memref<80x128xf32, #tpu.memory_space<vmem>>)
    %dma_wait3A_1205 = arith.constant 0 : i32
    %dma_wait3A_1206 = arith.constant 0 : i32
    %dma_wait3A_1207 = tpu.memref_slice %arg7[%dma_wait3A_1205, %dma_wait3A_1206] : memref<25x80xi32, #tpu.memory_space<vmem>> -> memref<1x80xi32, #tpu.memory_space<vmem>>
    %dma_wait3A_1208 = tpu.memref_squeeze %dma_wait3A_1207 : memref<1x80xi32, #tpu.memory_space<vmem>> -> memref<80xi32, #tpu.memory_space<vmem>>
    %dma_wait3A_1209 = arith.constant 0 : i32
    %dma_wait3A_1210 = tpu.memref_slice %arg2[%dma_wait3A_1209] : memref<10000xf32, #tpu.memory_space<hbm>> -> memref<10000xf32, #tpu.memory_space<hbm>>
    tpu.wait_indirect_dma semaphore(%arg23 : memref<!tpu.dma_semaphore, #tpu.memory_space<semaphore_mem>>) src(%dma_wait3A_1210 : memref<10000xf32, #tpu.memory_space<hbm>>) dst(%arg11 : memref<80xf32, #tpu.memory_space<vmem>>)
    %dma_wait3A_1211 = arith.constant 0 : i32
    %dma_wait3A_1212 = arith.constant 0 : i32
    %dma_wait3A_1213 = tpu.memref_slice %arg7[%dma_wait3A_1211, %dma_wait3A_1212] : memref<25x80xi32, #tpu.memory_space<vmem>> -> memref<1x80xi32, #tpu.memory_space<vmem>>
    %dma_wait3A_1214 = tpu.memref_squeeze %dma_wait3A_1213 : memref<1x80xi32, #tpu.memory_space<vmem>> -> memref<80xi32, #tpu.memory_space<vmem>>
    %dma_wait3A_1215 = arith.constant 0 : i32
    %dma_wait3A_1216 = tpu.memref_slice %arg2[%dma_wait3A_1215] : memref<10000xf32, #tpu.memory_space<hbm>> -> memref<10000xf32, #tpu.memory_space<hbm>>
    tpu.wait_indirect_dma semaphore(%arg28 : memref<!tpu.dma_semaphore, #tpu.memory_space<semaphore_mem>>) src(%dma_wait3A_1216 : memref<10000xf32, #tpu.memory_space<hbm>>) dst(%arg13 : memref<80xf32, #tpu.memory_space<vmem>>)
    %dma_wait3A_1217 = arith.constant 0 : i32
    %dma_wait3A_1218 = arith.constant 0 : i32
    %dma_wait3A_1219 = tpu.memref_slice %arg7[%dma_wait3A_1217, %dma_wait3A_1218] : memref<25x80xi32, #tpu.memory_space<vmem>> -> memref<1x80xi32, #tpu.memory_space<vmem>>
    %dma_wait3A_1220 = tpu.memref_squeeze %dma_wait3A_1219 : memref<1x80xi32, #tpu.memory_space<vmem>> -> memref<80xi32, #tpu.memory_space<vmem>>
    %dma_wait3A_1221 = arith.constant 0 : i32
    %dma_wait3A_1222 = arith.constant 0 : i32
    %dma_wait3A_1223 = tpu.memref_slice %arg4[%dma_wait3A_1221, %dma_wait3A_1222] : memref<10000x128xf32, #tpu.memory_space<hbm>> -> memref<10000x128xf32, #tpu.memory_space<hbm>>
    tpu.wait_indirect_dma semaphore(%arg31 : memref<!tpu.dma_semaphore, #tpu.memory_space<semaphore_mem>>) src(%dma_wait3A_1223 : memref<10000x128xf32, #tpu.memory_space<hbm>>) dst(%arg16 : memref<80x128xf32, #tpu.memory_space<vmem>>)
    %dma_start3A_1224 = arith.constant 23 : i32
    %dma_start3A_1225 = arith.constant 0 : i32
    %dma_start3A_1226 = tpu.memref_slice %arg8[%dma_start3A_1224, %dma_start3A_1225] : memref<25x80xi32, #tpu.memory_space<vmem>> -> memref<1x80xi32, #tpu.memory_space<vmem>>
    %dma_start3A_1227 = tpu.memref_squeeze %dma_start3A_1226 : memref<1x80xi32, #tpu.memory_space<vmem>> -> memref<80xi32, #tpu.memory_space<vmem>>
    %dma_start3A_1228 = arith.constant 0 : i32
    %dma_start3A_1229 = tpu.memref_slice %arg18[%dma_start3A_1228] : memref<10000xf32, #tpu.memory_space<vmem_shared>> -> memref<10000xf32, #tpu.memory_space<vmem_shared>>
    tpu.enqueue_indirect_dma source(%arg11 : memref<80xf32, #tpu.memory_space<vmem>>) target(%dma_start3A_1229 : memref<10000xf32, #tpu.memory_space<vmem_shared>>) offsets(%dma_start3A_1227 : memref<80xi32, #tpu.memory_space<vmem>>) semaphore(%arg26 : memref<!tpu.dma_semaphore, #tpu.memory_space<semaphore_mem>>) {add = true}
    %dma_start3A_1230 = arith.constant 23 : i32
    %dma_start3A_1231 = arith.constant 0 : i32
    %dma_start3A_1232 = tpu.memref_slice %arg8[%dma_start3A_1230, %dma_start3A_1231] : memref<25x80xi32, #tpu.memory_space<vmem>> -> memref<1x80xi32, #tpu.memory_space<vmem>>
    %dma_start3A_1233 = tpu.memref_squeeze %dma_start3A_1232 : memref<1x80xi32, #tpu.memory_space<vmem>> -> memref<80xi32, #tpu.memory_space<vmem>>
    %dma_start3A_1234 = arith.constant 0 : i32
    %dma_start3A_1235 = arith.constant 0 : i32
    %dma_start3A_1236 = tpu.memref_slice %arg19[%dma_start3A_1234, %dma_start3A_1235] : memref<10000x128xf32, #tpu.memory_space<vmem_shared>> -> memref<10000x128xf32, #tpu.memory_space<vmem_shared>>
    tpu.enqueue_indirect_dma source(%arg14 : memref<80x128xf32, #tpu.memory_space<vmem>>) target(%dma_start3A_1236 : memref<10000x128xf32, #tpu.memory_space<vmem_shared>>) offsets(%dma_start3A_1233 : memref<80xi32, #tpu.memory_space<vmem>>) semaphore(%arg29 : memref<!tpu.dma_semaphore, #tpu.memory_space<semaphore_mem>>) {add = true}
    %dma_wait3A_1237 = arith.constant 0 : i32
    %dma_wait3A_1238 = arith.constant 0 : i32
    %dma_wait3A_1239 = tpu.memref_slice %arg7[%dma_wait3A_1237, %dma_wait3A_1238] : memref<25x80xi32, #tpu.memory_space<vmem>> -> memref<1x80xi32, #tpu.memory_space<vmem>>
    %dma_wait3A_1240 = tpu.memref_squeeze %dma_wait3A_1239 : memref<1x80xi32, #tpu.memory_space<vmem>> -> memref<80xi32, #tpu.memory_space<vmem>>
    %dma_wait3A_1241 = arith.constant 0 : i32
    %dma_wait3A_1242 = arith.constant 0 : i32
    %dma_wait3A_1243 = tpu.memref_slice %arg4[%dma_wait3A_1241, %dma_wait3A_1242] : memref<10000x128xf32, #tpu.memory_space<hbm>> -> memref<10000x128xf32, #tpu.memory_space<hbm>>
    tpu.wait_indirect_dma semaphore(%arg21 : memref<!tpu.dma_semaphore, #tpu.memory_space<semaphore_mem>>) src(%dma_wait3A_1243 : memref<10000x128xf32, #tpu.memory_space<hbm>>) dst(%arg15 : memref<80x128xf32, #tpu.memory_space<vmem>>)
    %dma_wait3A_1244 = arith.constant 0 : i32
    %dma_wait3A_1245 = arith.constant 0 : i32
    %dma_wait3A_1246 = tpu.memref_slice %arg7[%dma_wait3A_1244, %dma_wait3A_1245] : memref<25x80xi32, #tpu.memory_space<vmem>> -> memref<1x80xi32, #tpu.memory_space<vmem>>
    %dma_wait3A_1247 = tpu.memref_squeeze %dma_wait3A_1246 : memref<1x80xi32, #tpu.memory_space<vmem>> -> memref<80xi32, #tpu.memory_space<vmem>>
    %dma_wait3A_1248 = arith.constant 0 : i32
    %dma_wait3A_1249 = tpu.memref_slice %arg2[%dma_wait3A_1248] : memref<10000xf32, #tpu.memory_space<hbm>> -> memref<10000xf32, #tpu.memory_space<hbm>>
    tpu.wait_indirect_dma semaphore(%arg24 : memref<!tpu.dma_semaphore, #tpu.memory_space<semaphore_mem>>) src(%dma_wait3A_1249 : memref<10000xf32, #tpu.memory_space<hbm>>) dst(%arg12 : memref<80xf32, #tpu.memory_space<vmem>>)
    %dma_wait3A_1250 = arith.constant 0 : i32
    %dma_wait3A_1251 = arith.constant 0 : i32
    %dma_wait3A_1252 = tpu.memref_slice %arg7[%dma_wait3A_1250, %dma_wait3A_1251] : memref<25x80xi32, #tpu.memory_space<vmem>> -> memref<1x80xi32, #tpu.memory_space<vmem>>
    %dma_wait3A_1253 = tpu.memref_squeeze %dma_wait3A_1252 : memref<1x80xi32, #tpu.memory_space<vmem>> -> memref<80xi32, #tpu.memory_space<vmem>>
    %dma_wait3A_1254 = arith.constant 0 : i32
    %dma_wait3A_1255 = tpu.memref_slice %arg2[%dma_wait3A_1254] : memref<10000xf32, #tpu.memory_space<hbm>> -> memref<10000xf32, #tpu.memory_space<hbm>>
    tpu.wait_indirect_dma semaphore(%arg26 : memref<!tpu.dma_semaphore, #tpu.memory_space<semaphore_mem>>) src(%dma_wait3A_1255 : memref<10000xf32, #tpu.memory_space<hbm>>) dst(%arg11 : memref<80xf32, #tpu.memory_space<vmem>>)
    %dma_wait3A_1256 = arith.constant 0 : i32
    %dma_wait3A_1257 = arith.constant 0 : i32
    %dma_wait3A_1258 = tpu.memref_slice %arg7[%dma_wait3A_1256, %dma_wait3A_1257] : memref<25x80xi32, #tpu.memory_space<vmem>> -> memref<1x80xi32, #tpu.memory_space<vmem>>
    %dma_wait3A_1259 = tpu.memref_squeeze %dma_wait3A_1258 : memref<1x80xi32, #tpu.memory_space<vmem>> -> memref<80xi32, #tpu.memory_space<vmem>>
    %dma_wait3A_1260 = arith.constant 0 : i32
    %dma_wait3A_1261 = arith.constant 0 : i32
    %dma_wait3A_1262 = tpu.memref_slice %arg4[%dma_wait3A_1260, %dma_wait3A_1261] : memref<10000x128xf32, #tpu.memory_space<hbm>> -> memref<10000x128xf32, #tpu.memory_space<hbm>>
    tpu.wait_indirect_dma semaphore(%arg29 : memref<!tpu.dma_semaphore, #tpu.memory_space<semaphore_mem>>) src(%dma_wait3A_1262 : memref<10000x128xf32, #tpu.memory_space<hbm>>) dst(%arg14 : memref<80x128xf32, #tpu.memory_space<vmem>>)
    %dma_start3A_1263 = arith.constant 24 : i32
    %dma_start3A_1264 = arith.constant 0 : i32
    %dma_start3A_1265 = tpu.memref_slice %arg8[%dma_start3A_1263, %dma_start3A_1264] : memref<25x80xi32, #tpu.memory_space<vmem>> -> memref<1x80xi32, #tpu.memory_space<vmem>>
    %dma_start3A_1266 = tpu.memref_squeeze %dma_start3A_1265 : memref<1x80xi32, #tpu.memory_space<vmem>> -> memref<80xi32, #tpu.memory_space<vmem>>
    %dma_start3A_1267 = arith.constant 0 : i32
    %dma_start3A_1268 = tpu.memref_slice %arg18[%dma_start3A_1267] : memref<10000xf32, #tpu.memory_space<vmem_shared>> -> memref<10000xf32, #tpu.memory_space<vmem_shared>>
    tpu.enqueue_indirect_dma source(%arg12 : memref<80xf32, #tpu.memory_space<vmem>>) target(%dma_start3A_1268 : memref<10000xf32, #tpu.memory_space<vmem_shared>>) offsets(%dma_start3A_1266 : memref<80xi32, #tpu.memory_space<vmem>>) semaphore(%arg27 : memref<!tpu.dma_semaphore, #tpu.memory_space<semaphore_mem>>) {add = true}
    %dma_start3A_1269 = arith.constant 24 : i32
    %dma_start3A_1270 = arith.constant 0 : i32
    %dma_start3A_1271 = tpu.memref_slice %arg8[%dma_start3A_1269, %dma_start3A_1270] : memref<25x80xi32, #tpu.memory_space<vmem>> -> memref<1x80xi32, #tpu.memory_space<vmem>>
    %dma_start3A_1272 = tpu.memref_squeeze %dma_start3A_1271 : memref<1x80xi32, #tpu.memory_space<vmem>> -> memref<80xi32, #tpu.memory_space<vmem>>
    %dma_start3A_1273 = arith.constant 0 : i32
    %dma_start3A_1274 = arith.constant 0 : i32
    %dma_start3A_1275 = tpu.memref_slice %arg19[%dma_start3A_1273, %dma_start3A_1274] : memref<10000x128xf32, #tpu.memory_space<vmem_shared>> -> memref<10000x128xf32, #tpu.memory_space<vmem_shared>>
    tpu.enqueue_indirect_dma source(%arg15 : memref<80x128xf32, #tpu.memory_space<vmem>>) target(%dma_start3A_1275 : memref<10000x128xf32, #tpu.memory_space<vmem_shared>>) offsets(%dma_start3A_1272 : memref<80xi32, #tpu.memory_space<vmem>>) semaphore(%arg30 : memref<!tpu.dma_semaphore, #tpu.memory_space<semaphore_mem>>) {add = true}
    %dma_wait3A_1276 = arith.constant 0 : i32
    %dma_wait3A_1277 = arith.constant 0 : i32
    %dma_wait3A_1278 = tpu.memref_slice %arg7[%dma_wait3A_1276, %dma_wait3A_1277] : memref<25x80xi32, #tpu.memory_space<vmem>> -> memref<1x80xi32, #tpu.memory_space<vmem>>
    %dma_wait3A_1279 = tpu.memref_squeeze %dma_wait3A_1278 : memref<1x80xi32, #tpu.memory_space<vmem>> -> memref<80xi32, #tpu.memory_space<vmem>>
    %dma_wait3A_1280 = arith.constant 0 : i32
    %dma_wait3A_1281 = tpu.memref_slice %arg2[%dma_wait3A_1280] : memref<10000xf32, #tpu.memory_space<hbm>> -> memref<10000xf32, #tpu.memory_space<hbm>>
    tpu.wait_indirect_dma semaphore(%arg27 : memref<!tpu.dma_semaphore, #tpu.memory_space<semaphore_mem>>) src(%dma_wait3A_1281 : memref<10000xf32, #tpu.memory_space<hbm>>) dst(%arg12 : memref<80xf32, #tpu.memory_space<vmem>>)
    %dma_wait3A_1282 = arith.constant 0 : i32
    %dma_wait3A_1283 = arith.constant 0 : i32
    %dma_wait3A_1284 = tpu.memref_slice %arg7[%dma_wait3A_1282, %dma_wait3A_1283] : memref<25x80xi32, #tpu.memory_space<vmem>> -> memref<1x80xi32, #tpu.memory_space<vmem>>
    %dma_wait3A_1285 = tpu.memref_squeeze %dma_wait3A_1284 : memref<1x80xi32, #tpu.memory_space<vmem>> -> memref<80xi32, #tpu.memory_space<vmem>>
    %dma_wait3A_1286 = arith.constant 0 : i32
    %dma_wait3A_1287 = arith.constant 0 : i32
    %dma_wait3A_1288 = tpu.memref_slice %arg4[%dma_wait3A_1286, %dma_wait3A_1287] : memref<10000x128xf32, #tpu.memory_space<hbm>> -> memref<10000x128xf32, #tpu.memory_space<hbm>>
    tpu.wait_indirect_dma semaphore(%arg30 : memref<!tpu.dma_semaphore, #tpu.memory_space<semaphore_mem>>) src(%dma_wait3A_1288 : memref<10000x128xf32, #tpu.memory_space<hbm>>) dst(%arg15 : memref<80x128xf32, #tpu.memory_space<vmem>>)
    %barrier3A_1289 = arith.constant 0 : index
    tpu.barrier barrier_id(%barrier3A_1289)
    %mul3A_1290 = arith.constant 10000 : i32
    %mul3A_1291 = arith.muli %arg0, %mul3A_1290 : i32
    %mul3A_1292 = arith.constant 624 : i32
    %mul3A_1293 = arith.muli %arg1, %mul3A_1292 : i32
    %add3A_1294 = arith.addi %mul3A_1291, %mul3A_1293 : i32
    %multiple_of3A_1295 = tpu.assume_multiple %add3A_1294, 8 : i32
    "tpu.region"() ({
      %run_scoped3A_1412 = tpu.sem_alloc : memref<!tpu.dma_semaphore, #tpu.memory_space<semaphore_mem>>
      %dma_start3A_1413 = tpu.memref_slice %arg18[%multiple_of3A] : memref<10000xf32, #tpu.memory_space<vmem_shared>> -> memref<640xf32, #tpu.memory_space<vmem_shared>>
      %dma_start3A_1414 = tpu.memref_slice %arg18[%multiple_of3A] : memref<10000xf32, #tpu.memory_space<vmem_shared>> -> memref<640xf32, #tpu.memory_space<vmem_shared>>
      tpu.enqueue_dma source(%dma_start3A_1414 : memref<640xf32, #tpu.memory_space<vmem_shared>>) target(%arg17 : memref<640xf32, #tpu.memory_space<vmem>>) target_semaphore(%run_scoped3A_1412 : memref<!tpu.dma_semaphore, #tpu.memory_space<semaphore_mem>>)
      %dma_wait3A_1415 = tpu.memref_slice %arg18[%multiple_of3A] : memref<10000xf32, #tpu.memory_space<vmem_shared>> -> memref<640xf32, #tpu.memory_space<vmem_shared>>
      %dma_wait3A_1416 = tpu.memref_slice %arg18[%multiple_of3A] : memref<10000xf32, #tpu.memory_space<vmem_shared>> -> memref<640xf32, #tpu.memory_space<vmem_shared>>
      tpu.wait_dma2 semaphore(%run_scoped3A_1412 : memref<!tpu.dma_semaphore, #tpu.memory_space<semaphore_mem>>) src(%dma_wait3A_1416 : memref<640xf32, #tpu.memory_space<vmem_shared>>) dst(%arg17 : memref<640xf32, #tpu.memory_space<vmem>>)
      tpu.yield
    }) : () -> ()
    %dma_start3A_1296 = tpu.memref_slice %arg5[%multiple_of3A_1295] : memref<20000xf32, #tpu.memory_space<hbm>> -> memref<640xf32, #tpu.memory_space<hbm>>
    %dma_start3A_1297 = tpu.memref_slice %arg5[%multiple_of3A_1295] : memref<20000xf32, #tpu.memory_space<hbm>> -> memref<640xf32, #tpu.memory_space<hbm>>
    tpu.enqueue_dma source(%arg17 : memref<640xf32, #tpu.memory_space<vmem>>) target(%dma_start3A_1297 : memref<640xf32, #tpu.memory_space<hbm>>) target_semaphore(%arg21 : memref<!tpu.dma_semaphore, #tpu.memory_space<semaphore_mem>>)
    %add3A_1298 = arith.constant 0 : i32
    %add3A_1299 = arith.addi %multiple_of3A, %add3A_1298 : i32
    %add3A_1300 = arith.constant 0 : i32
    %add3A_1301 = arith.addi %multiple_of3A, %add3A_1300 : i32
    %dma_start3A_1302 = arith.constant 0 : i32
    %dma_start3A_1303 = tpu.memref_slice %arg6[%arg0, %add3A_1301, %dma_start3A_1302] : memref<2x10000x128xf32, #tpu.memory_space<hbm>> -> memref<1x80x128xf32, #tpu.memory_space<hbm>>
    %dma_start3A_1304 = tpu.memref_squeeze %dma_start3A_1303 : memref<1x80x128xf32, #tpu.memory_space<hbm>> -> memref<80x128xf32, #tpu.memory_space<hbm>>
    %dma_start3A_1305 = arith.constant 0 : i32
    %dma_start3A_1306 = tpu.memref_slice %arg19[%add3A_1299, %dma_start3A_1305] : memref<10000x128xf32, #tpu.memory_space<vmem_shared>> -> memref<80x128xf32, #tpu.memory_space<vmem_shared>>
    tpu.enqueue_dma source(%dma_start3A_1306 : memref<80x128xf32, #tpu.memory_space<vmem_shared>>) target(%dma_start3A_1304 : memref<80x128xf32, #tpu.memory_space<hbm>>) target_semaphore(%arg20 : memref<!tpu.dma_semaphore, #tpu.memory_space<semaphore_mem>>)
    %add3A_1307 = arith.constant 80 : i32
    %add3A_1308 = arith.addi %multiple_of3A, %add3A_1307 : i32
    %add3A_1309 = arith.constant 80 : i32
    %add3A_1310 = arith.addi %multiple_of3A, %add3A_1309 : i32
    %dma_start3A_1311 = arith.constant 0 : i32
    %dma_start3A_1312 = tpu.memref_slice %arg6[%arg0, %add3A_1310, %dma_start3A_1311] : memref<2x10000x128xf32, #tpu.memory_space<hbm>> -> memref<1x80x128xf32, #tpu.memory_space<hbm>>
    %dma_start3A_1313 = tpu.memref_squeeze %dma_start3A_1312 : memref<1x80x128xf32, #tpu.memory_space<hbm>> -> memref<80x128xf32, #tpu.memory_space<hbm>>
    %dma_start3A_1314 = arith.constant 0 : i32
    %dma_start3A_1315 = tpu.memref_slice %arg19[%add3A_1308, %dma_start3A_1314] : memref<10000x128xf32, #tpu.memory_space<vmem_shared>> -> memref<80x128xf32, #tpu.memory_space<vmem_shared>>
    tpu.enqueue_dma source(%dma_start3A_1315 : memref<80x128xf32, #tpu.memory_space<vmem_shared>>) target(%dma_start3A_1313 : memref<80x128xf32, #tpu.memory_space<hbm>>) target_semaphore(%arg20 : memref<!tpu.dma_semaphore, #tpu.memory_space<semaphore_mem>>)
    %add3A_1316 = arith.constant 160 : i32
    %add3A_1317 = arith.addi %multiple_of3A, %add3A_1316 : i32
    %add3A_1318 = arith.constant 160 : i32
    %add3A_1319 = arith.addi %multiple_of3A, %add3A_1318 : i32
    %dma_start3A_1320 = arith.constant 0 : i32
    %dma_start3A_1321 = tpu.memref_slice %arg6[%arg0, %add3A_1319, %dma_start3A_1320] : memref<2x10000x128xf32, #tpu.memory_space<hbm>> -> memref<1x80x128xf32, #tpu.memory_space<hbm>>
    %dma_start3A_1322 = tpu.memref_squeeze %dma_start3A_1321 : memref<1x80x128xf32, #tpu.memory_space<hbm>> -> memref<80x128xf32, #tpu.memory_space<hbm>>
    %dma_start3A_1323 = arith.constant 0 : i32
    %dma_start3A_1324 = tpu.memref_slice %arg19[%add3A_1317, %dma_start3A_1323] : memref<10000x128xf32, #tpu.memory_space<vmem_shared>> -> memref<80x128xf32, #tpu.memory_space<vmem_shared>>
    tpu.enqueue_dma source(%dma_start3A_1324 : memref<80x128xf32, #tpu.memory_space<vmem_shared>>) target(%dma_start3A_1322 : memref<80x128xf32, #tpu.memory_space<hbm>>) target_semaphore(%arg20 : memref<!tpu.dma_semaphore, #tpu.memory_space<semaphore_mem>>)
    %add3A_1325 = arith.constant 240 : i32
    %add3A_1326 = arith.addi %multiple_of3A, %add3A_1325 : i32
    %add3A_1327 = arith.constant 240 : i32
    %add3A_1328 = arith.addi %multiple_of3A, %add3A_1327 : i32
    %dma_start3A_1329 = arith.constant 0 : i32
    %dma_start3A_1330 = tpu.memref_slice %arg6[%arg0, %add3A_1328, %dma_start3A_1329] : memref<2x10000x128xf32, #tpu.memory_space<hbm>> -> memref<1x80x128xf32, #tpu.memory_space<hbm>>
    %dma_start3A_1331 = tpu.memref_squeeze %dma_start3A_1330 : memref<1x80x128xf32, #tpu.memory_space<hbm>> -> memref<80x128xf32, #tpu.memory_space<hbm>>
    %dma_start3A_1332 = arith.constant 0 : i32
    %dma_start3A_1333 = tpu.memref_slice %arg19[%add3A_1326, %dma_start3A_1332] : memref<10000x128xf32, #tpu.memory_space<vmem_shared>> -> memref<80x128xf32, #tpu.memory_space<vmem_shared>>
    tpu.enqueue_dma source(%dma_start3A_1333 : memref<80x128xf32, #tpu.memory_space<vmem_shared>>) target(%dma_start3A_1331 : memref<80x128xf32, #tpu.memory_space<hbm>>) target_semaphore(%arg20 : memref<!tpu.dma_semaphore, #tpu.memory_space<semaphore_mem>>)
    %add3A_1334 = arith.constant 320 : i32
    %add3A_1335 = arith.addi %multiple_of3A, %add3A_1334 : i32
    %add3A_1336 = arith.constant 320 : i32
    %add3A_1337 = arith.addi %multiple_of3A, %add3A_1336 : i32
    %dma_start3A_1338 = arith.constant 0 : i32
    %dma_start3A_1339 = tpu.memref_slice %arg6[%arg0, %add3A_1337, %dma_start3A_1338] : memref<2x10000x128xf32, #tpu.memory_space<hbm>> -> memref<1x80x128xf32, #tpu.memory_space<hbm>>
    %dma_start3A_1340 = tpu.memref_squeeze %dma_start3A_1339 : memref<1x80x128xf32, #tpu.memory_space<hbm>> -> memref<80x128xf32, #tpu.memory_space<hbm>>
    %dma_start3A_1341 = arith.constant 0 : i32
    %dma_start3A_1342 = tpu.memref_slice %arg19[%add3A_1335, %dma_start3A_1341] : memref<10000x128xf32, #tpu.memory_space<vmem_shared>> -> memref<80x128xf32, #tpu.memory_space<vmem_shared>>
    tpu.enqueue_dma source(%dma_start3A_1342 : memref<80x128xf32, #tpu.memory_space<vmem_shared>>) target(%dma_start3A_1340 : memref<80x128xf32, #tpu.memory_space<hbm>>) target_semaphore(%arg20 : memref<!tpu.dma_semaphore, #tpu.memory_space<semaphore_mem>>)
    %add3A_1343 = arith.constant 400 : i32
    %add3A_1344 = arith.addi %multiple_of3A, %add3A_1343 : i32
    %add3A_1345 = arith.constant 400 : i32
    %add3A_1346 = arith.addi %multiple_of3A, %add3A_1345 : i32
    %dma_start3A_1347 = arith.constant 0 : i32
    %dma_start3A_1348 = tpu.memref_slice %arg6[%arg0, %add3A_1346, %dma_start3A_1347] : memref<2x10000x128xf32, #tpu.memory_space<hbm>> -> memref<1x80x128xf32, #tpu.memory_space<hbm>>
    %dma_start3A_1349 = tpu.memref_squeeze %dma_start3A_1348 : memref<1x80x128xf32, #tpu.memory_space<hbm>> -> memref<80x128xf32, #tpu.memory_space<hbm>>
    %dma_start3A_1350 = arith.constant 0 : i32
    %dma_start3A_1351 = tpu.memref_slice %arg19[%add3A_1344, %dma_start3A_1350] : memref<10000x128xf32, #tpu.memory_space<vmem_shared>> -> memref<80x128xf32, #tpu.memory_space<vmem_shared>>
    tpu.enqueue_dma source(%dma_start3A_1351 : memref<80x128xf32, #tpu.memory_space<vmem_shared>>) target(%dma_start3A_1349 : memref<80x128xf32, #tpu.memory_space<hbm>>) target_semaphore(%arg20 : memref<!tpu.dma_semaphore, #tpu.memory_space<semaphore_mem>>)
    %add3A_1352 = arith.constant 480 : i32
    %add3A_1353 = arith.addi %multiple_of3A, %add3A_1352 : i32
    %add3A_1354 = arith.constant 480 : i32
    %add3A_1355 = arith.addi %multiple_of3A, %add3A_1354 : i32
    %dma_start3A_1356 = arith.constant 0 : i32
    %dma_start3A_1357 = tpu.memref_slice %arg6[%arg0, %add3A_1355, %dma_start3A_1356] : memref<2x10000x128xf32, #tpu.memory_space<hbm>> -> memref<1x80x128xf32, #tpu.memory_space<hbm>>
    %dma_start3A_1358 = tpu.memref_squeeze %dma_start3A_1357 : memref<1x80x128xf32, #tpu.memory_space<hbm>> -> memref<80x128xf32, #tpu.memory_space<hbm>>
    %dma_start3A_1359 = arith.constant 0 : i32
    %dma_start3A_1360 = tpu.memref_slice %arg19[%add3A_1353, %dma_start3A_1359] : memref<10000x128xf32, #tpu.memory_space<vmem_shared>> -> memref<80x128xf32, #tpu.memory_space<vmem_shared>>
    tpu.enqueue_dma source(%dma_start3A_1360 : memref<80x128xf32, #tpu.memory_space<vmem_shared>>) target(%dma_start3A_1358 : memref<80x128xf32, #tpu.memory_space<hbm>>) target_semaphore(%arg20 : memref<!tpu.dma_semaphore, #tpu.memory_space<semaphore_mem>>)
    %add3A_1361 = arith.constant 560 : i32
    %add3A_1362 = arith.addi %multiple_of3A, %add3A_1361 : i32
    %add3A_1363 = arith.constant 560 : i32
    %add3A_1364 = arith.addi %multiple_of3A, %add3A_1363 : i32
    %dma_start3A_1365 = arith.constant 0 : i32
    %dma_start3A_1366 = tpu.memref_slice %arg6[%arg0, %add3A_1364, %dma_start3A_1365] : memref<2x10000x128xf32, #tpu.memory_space<hbm>> -> memref<1x80x128xf32, #tpu.memory_space<hbm>>
    %dma_start3A_1367 = tpu.memref_squeeze %dma_start3A_1366 : memref<1x80x128xf32, #tpu.memory_space<hbm>> -> memref<80x128xf32, #tpu.memory_space<hbm>>
    %dma_start3A_1368 = arith.constant 0 : i32
    %dma_start3A_1369 = tpu.memref_slice %arg19[%add3A_1362, %dma_start3A_1368] : memref<10000x128xf32, #tpu.memory_space<vmem_shared>> -> memref<80x128xf32, #tpu.memory_space<vmem_shared>>
    tpu.enqueue_dma source(%dma_start3A_1369 : memref<80x128xf32, #tpu.memory_space<vmem_shared>>) target(%dma_start3A_1367 : memref<80x128xf32, #tpu.memory_space<hbm>>) target_semaphore(%arg20 : memref<!tpu.dma_semaphore, #tpu.memory_space<semaphore_mem>>)
    %dma_wait3A_1370 = arith.constant 0 : i32
    %dma_wait3A_1371 = tpu.memref_slice %arg6[%arg0, %multiple_of3A, %dma_wait3A_1370] : memref<2x10000x128xf32, #tpu.memory_space<hbm>> -> memref<1x80x128xf32, #tpu.memory_space<hbm>>
    %dma_wait3A_1372 = tpu.memref_squeeze %dma_wait3A_1371 : memref<1x80x128xf32, #tpu.memory_space<hbm>> -> memref<80x128xf32, #tpu.memory_space<hbm>>
    %dma_wait3A_1373 = arith.constant 0 : i32
    %dma_wait3A_1374 = tpu.memref_slice %arg19[%multiple_of3A, %dma_wait3A_1373] : memref<10000x128xf32, #tpu.memory_space<vmem_shared>> -> memref<80x128xf32, #tpu.memory_space<vmem_shared>>
    tpu.wait_dma2 semaphore(%arg20 : memref<!tpu.dma_semaphore, #tpu.memory_space<semaphore_mem>>) src(%dma_wait3A_1374 : memref<80x128xf32, #tpu.memory_space<vmem_shared>>) dst(%dma_wait3A_1372 : memref<80x128xf32, #tpu.memory_space<hbm>>)
    %dma_wait3A_1375 = arith.constant 0 : i32
    %dma_wait3A_1376 = tpu.memref_slice %arg6[%arg0, %multiple_of3A, %dma_wait3A_1375] : memref<2x10000x128xf32, #tpu.memory_space<hbm>> -> memref<1x80x128xf32, #tpu.memory_space<hbm>>
    %dma_wait3A_1377 = tpu.memref_squeeze %dma_wait3A_1376 : memref<1x80x128xf32, #tpu.memory_space<hbm>> -> memref<80x128xf32, #tpu.memory_space<hbm>>
    %dma_wait3A_1378 = arith.constant 0 : i32
    %dma_wait3A_1379 = tpu.memref_slice %arg19[%multiple_of3A, %dma_wait3A_1378] : memref<10000x128xf32, #tpu.memory_space<vmem_shared>> -> memref<80x128xf32, #tpu.memory_space<vmem_shared>>
    tpu.wait_dma2 semaphore(%arg20 : memref<!tpu.dma_semaphore, #tpu.memory_space<semaphore_mem>>) src(%dma_wait3A_1379 : memref<80x128xf32, #tpu.memory_space<vmem_shared>>) dst(%dma_wait3A_1377 : memref<80x128xf32, #tpu.memory_space<hbm>>)
    %dma_wait3A_1380 = arith.constant 0 : i32
    %dma_wait3A_1381 = tpu.memref_slice %arg6[%arg0, %multiple_of3A, %dma_wait3A_1380] : memref<2x10000x128xf32, #tpu.memory_space<hbm>> -> memref<1x80x128xf32, #tpu.memory_space<hbm>>
    %dma_wait3A_1382 = tpu.memref_squeeze %dma_wait3A_1381 : memref<1x80x128xf32, #tpu.memory_space<hbm>> -> memref<80x128xf32, #tpu.memory_space<hbm>>
    %dma_wait3A_1383 = arith.constant 0 : i32
    %dma_wait3A_1384 = tpu.memref_slice %arg19[%multiple_of3A, %dma_wait3A_1383] : memref<10000x128xf32, #tpu.memory_space<vmem_shared>> -> memref<80x128xf32, #tpu.memory_space<vmem_shared>>
    tpu.wait_dma2 semaphore(%arg20 : memref<!tpu.dma_semaphore, #tpu.memory_space<semaphore_mem>>) src(%dma_wait3A_1384 : memref<80x128xf32, #tpu.memory_space<vmem_shared>>) dst(%dma_wait3A_1382 : memref<80x128xf32, #tpu.memory_space<hbm>>)
    %dma_wait3A_1385 = arith.constant 0 : i32
    %dma_wait3A_1386 = tpu.memref_slice %arg6[%arg0, %multiple_of3A, %dma_wait3A_1385] : memref<2x10000x128xf32, #tpu.memory_space<hbm>> -> memref<1x80x128xf32, #tpu.memory_space<hbm>>
    %dma_wait3A_1387 = tpu.memref_squeeze %dma_wait3A_1386 : memref<1x80x128xf32, #tpu.memory_space<hbm>> -> memref<80x128xf32, #tpu.memory_space<hbm>>
    %dma_wait3A_1388 = arith.constant 0 : i32
    %dma_wait3A_1389 = tpu.memref_slice %arg19[%multiple_of3A, %dma_wait3A_1388] : memref<10000x128xf32, #tpu.memory_space<vmem_shared>> -> memref<80x128xf32, #tpu.memory_space<vmem_shared>>
    tpu.wait_dma2 semaphore(%arg20 : memref<!tpu.dma_semaphore, #tpu.memory_space<semaphore_mem>>) src(%dma_wait3A_1389 : memref<80x128xf32, #tpu.memory_space<vmem_shared>>) dst(%dma_wait3A_1387 : memref<80x128xf32, #tpu.memory_space<hbm>>)
    %dma_wait3A_1390 = arith.constant 0 : i32
    %dma_wait3A_1391 = tpu.memref_slice %arg6[%arg0, %multiple_of3A, %dma_wait3A_1390] : memref<2x10000x128xf32, #tpu.memory_space<hbm>> -> memref<1x80x128xf32, #tpu.memory_space<hbm>>
    %dma_wait3A_1392 = tpu.memref_squeeze %dma_wait3A_1391 : memref<1x80x128xf32, #tpu.memory_space<hbm>> -> memref<80x128xf32, #tpu.memory_space<hbm>>
    %dma_wait3A_1393 = arith.constant 0 : i32
    %dma_wait3A_1394 = tpu.memref_slice %arg19[%multiple_of3A, %dma_wait3A_1393] : memref<10000x128xf32, #tpu.memory_space<vmem_shared>> -> memref<80x128xf32, #tpu.memory_space<vmem_shared>>
    tpu.wait_dma2 semaphore(%arg20 : memref<!tpu.dma_semaphore, #tpu.memory_space<semaphore_mem>>) src(%dma_wait3A_1394 : memref<80x128xf32, #tpu.memory_space<vmem_shared>>) dst(%dma_wait3A_1392 : memref<80x128xf32, #tpu.memory_space<hbm>>)
    %dma_wait3A_1395 = arith.constant 0 : i32
    %dma_wait3A_1396 = tpu.memref_slice %arg6[%arg0, %multiple_of3A, %dma_wait3A_1395] : memref<2x10000x128xf32, #tpu.memory_space<hbm>> -> memref<1x80x128xf32, #tpu.memory_space<hbm>>
    %dma_wait3A_1397 = tpu.memref_squeeze %dma_wait3A_1396 : memref<1x80x128xf32, #tpu.memory_space<hbm>> -> memref<80x128xf32, #tpu.memory_space<hbm>>
    %dma_wait3A_1398 = arith.constant 0 : i32
    %dma_wait3A_1399 = tpu.memref_slice %arg19[%multiple_of3A, %dma_wait3A_1398] : memref<10000x128xf32, #tpu.memory_space<vmem_shared>> -> memref<80x128xf32, #tpu.memory_space<vmem_shared>>
    tpu.wait_dma2 semaphore(%arg20 : memref<!tpu.dma_semaphore, #tpu.memory_space<semaphore_mem>>) src(%dma_wait3A_1399 : memref<80x128xf32, #tpu.memory_space<vmem_shared>>) dst(%dma_wait3A_1397 : memref<80x128xf32, #tpu.memory_space<hbm>>)
    %dma_wait3A_1400 = arith.constant 0 : i32
    %dma_wait3A_1401 = tpu.memref_slice %arg6[%arg0, %multiple_of3A, %dma_wait3A_1400] : memref<2x10000x128xf32, #tpu.memory_space<hbm>> -> memref<1x80x128xf32, #tpu.memory_space<hbm>>
    %dma_wait3A_1402 = tpu.memref_squeeze %dma_wait3A_1401 : memref<1x80x128xf32, #tpu.memory_space<hbm>> -> memref<80x128xf32, #tpu.memory_space<hbm>>
    %dma_wait3A_1403 = arith.constant 0 : i32
    %dma_wait3A_1404 = tpu.memref_slice %arg19[%multiple_of3A, %dma_wait3A_1403] : memref<10000x128xf32, #tpu.memory_space<vmem_shared>> -> memref<80x128xf32, #tpu.memory_space<vmem_shared>>
    tpu.wait_dma2 semaphore(%arg20 : memref<!tpu.dma_semaphore, #tpu.memory_space<semaphore_mem>>) src(%dma_wait3A_1404 : memref<80x128xf32, #tpu.memory_space<vmem_shared>>) dst(%dma_wait3A_1402 : memref<80x128xf32, #tpu.memory_space<hbm>>)
    %dma_wait3A_1405 = arith.constant 0 : i32
    %dma_wait3A_1406 = tpu.memref_slice %arg6[%arg0, %multiple_of3A, %dma_wait3A_1405] : memref<2x10000x128xf32, #tpu.memory_space<hbm>> -> memref<1x80x128xf32, #tpu.memory_space<hbm>>
    %dma_wait3A_1407 = tpu.memref_squeeze %dma_wait3A_1406 : memref<1x80x128xf32, #tpu.memory_space<hbm>> -> memref<80x128xf32, #tpu.memory_space<hbm>>
    %dma_wait3A_1408 = arith.constant 0 : i32
    %dma_wait3A_1409 = tpu.memref_slice %arg19[%multiple_of3A, %dma_wait3A_1408] : memref<10000x128xf32, #tpu.memory_space<vmem_shared>> -> memref<80x128xf32, #tpu.memory_space<vmem_shared>>
    tpu.wait_dma2 semaphore(%arg20 : memref<!tpu.dma_semaphore, #tpu.memory_space<semaphore_mem>>) src(%dma_wait3A_1409 : memref<80x128xf32, #tpu.memory_space<vmem_shared>>) dst(%dma_wait3A_1407 : memref<80x128xf32, #tpu.memory_space<hbm>>)
    %dma_wait3A_1410 = tpu.memref_slice %arg5[%multiple_of3A_1295] : memref<20000xf32, #tpu.memory_space<hbm>> -> memref<640xf32, #tpu.memory_space<hbm>>
    %dma_wait3A_1411 = tpu.memref_slice %arg5[%multiple_of3A_1295] : memref<20000xf32, #tpu.memory_space<hbm>> -> memref<640xf32, #tpu.memory_space<hbm>>
    tpu.wait_dma2 semaphore(%arg21 : memref<!tpu.dma_semaphore, #tpu.memory_space<semaphore_mem>>) src(%arg17 : memref<640xf32, #tpu.memory_space<vmem>>) dst(%dma_wait3A_1411 : memref<640xf32, #tpu.memory_space<hbm>>)
    return
  }
}

module attributes {stable_mosaic.version = 14 : i64} {
  func.func @_tc_prep_body(%arg0: memref<10000x128xf32, #tpu.memory_space<vmem>>, %arg1: memref<128x128xf32, #tpu.memory_space<vmem>>, %arg2: memref<1x128xf32, #tpu.memory_space<vmem>>, %arg3: memref<128x1xf32, #tpu.memory_space<vmem>>, %arg4: memref<1x1xf32, #tpu.memory_space<vmem>>, %arg5: memref<1x10000xf32, #tpu.memory_space<vmem>>, %arg6: memref<10000x128xf32, #tpu.memory_space<vmem>>) attributes {dimension_semantics = [], scalar_prefetch = 0 : i64, scratch_operands = 0 : i64, tpu.core_type = #tpu.core_type<tc>} {
    %get3A = arith.constant 0 : index
    %get3A_0 = arith.constant 0 : index
    %get3A_1 = vector.load %arg1[%get3A, %get3A_0] : memref<128x128xf32, #tpu.memory_space<vmem>>, vector<128x128xf32>
    %get3A_2 = arith.constant 0 : index
    %get3A_3 = arith.constant 0 : index
    %get3A_4 = vector.load %arg3[%get3A_2, %get3A_3] : memref<128x1xf32, #tpu.memory_space<vmem>>, vector<128x1xf32>
    %dot_general3A = arith.constant dense<0.000000e+00> : vector<128x1xf32>
    %dot_general3A_5 = tpu.matmul %get3A_1, %get3A_4, %dot_general3A {dimension_numbers = #tpu.dot_dimension_numbers<[1], [0], [0], [1], [0, 0, 1, 1], [], []>, transpose_lhs_hint = false} : vector<128x128xf32>, vector<128x1xf32>, vector<128x1xf32> -> vector<128x1xf32>
    %get3A_6 = arith.constant 0 : index
    %get3A_7 = arith.constant 0 : index
    %get3A_8 = vector.load %arg2[%get3A_6, %get3A_7] : memref<1x128xf32, #tpu.memory_space<vmem>>, vector<1x128xf32>
    %get3A_9 = arith.constant 0 : index
    %get3A_10 = arith.constant 0 : index
    %get3A_11 = vector.load %arg3[%get3A_9, %get3A_10] : memref<128x1xf32, #tpu.memory_space<vmem>>, vector<128x1xf32>
    %dot_general3A_12 = arith.constant dense<0.000000e+00> : vector<1x1xf32>
    %dot_general3A_13 = tpu.matmul %get3A_8, %get3A_11, %dot_general3A_12 {dimension_numbers = #tpu.dot_dimension_numbers<[1], [0], [0], [1], [0, 0, 1, 1], [], []>, transpose_lhs_hint = false} : vector<1x128xf32>, vector<128x1xf32>, vector<1x1xf32> -> vector<1x1xf32>
    %get3A_14 = arith.constant 0 : index
    %get3A_15 = arith.constant 0 : index
    %get3A_16 = vector.load %arg4[%get3A_14, %get3A_15] : memref<1x1xf32, #tpu.memory_space<vmem>>, vector<1x1xf32>
    %get3A_17 = vector.extract %get3A_16[0, 0] : f32 from vector<1x1xf32>
    %add3A = vector.broadcast %get3A_17 : f32 to vector<1x1xf32>
    %add3A_18 = arith.addf %dot_general3A_13, %add3A : vector<1x1xf32>
    %get3A_19 = arith.constant 0 : index
    %get3A_20 = arith.constant 0 : index
    %get3A_21 = vector.load %arg0[%get3A_19, %get3A_20] : memref<10000x128xf32, #tpu.memory_space<vmem>>, vector<10000x128xf32>
    %dot_general3A_22 = arith.constant dense<0.000000e+00> : vector<10000x1xf32>
    %dot_general3A_23 = tpu.matmul %get3A_21, %dot_general3A_5, %dot_general3A_22 {dimension_numbers = #tpu.dot_dimension_numbers<[1], [0], [0], [1], [0, 0, 1, 1], [], []>, transpose_lhs_hint = false} : vector<10000x128xf32>, vector<128x1xf32>, vector<10000x1xf32> -> vector<10000x1xf32>
    %add3A_24 = vector.broadcast %add3A_18 : vector<1x1xf32> to vector<10000x1xf32>
    %add3A_25 = arith.addf %dot_general3A_23, %add3A_24 : vector<10000x1xf32>
    %get3A_26 = arith.constant 0 : index
    %get3A_27 = arith.constant 0 : index
    %get3A_28 = vector.load %arg0[%get3A_26, %get3A_27] : memref<10000x128xf32, #tpu.memory_space<vmem>>, vector<10000x128xf32>
    %dot_general3A_29 = arith.constant dense<0.000000e+00> : vector<1x10000xf32>
    %dot_general3A_30 = tpu.matmul %dot_general3A_5, %get3A_28, %dot_general3A_29 {dimension_numbers = #tpu.dot_dimension_numbers<[0], [1], [1], [0], [0, 1, 1, 0], [], []>, transpose_lhs_hint = false} : vector<128x1xf32>, vector<10000x128xf32>, vector<1x10000xf32> -> vector<1x10000xf32>
    %add3A_31 = vector.broadcast %add3A_18 : vector<1x1xf32> to vector<1x10000xf32>
    %add3A_32 = arith.addf %dot_general3A_30, %add3A_31 : vector<1x10000xf32>
    %reduce_max3A = vector.shape_cast %add3A_32 : vector<1x10000xf32> to vector<1x1x10000xf32>
    %reduce_max3A_33 = arith.constant dense<0xFF800000> : vector<1xf32>
    %reduce_max3A_34 = vector.multi_reduction <maximumf>, %reduce_max3A, %reduce_max3A_33 [1, 2] : vector<1x1x10000xf32> to vector<1xf32>
    %reduce_max3A_35 = vector.shape_cast %reduce_max3A_34 : vector<1xf32> to vector<1x1x1xf32>
    %reduce_max3A_36 = vector.extract %reduce_max3A_35[0, 0, 0] : f32 from vector<1x1x1xf32>
    %sub3A = vector.broadcast %reduce_max3A_36 : f32 to vector<1x10000xf32>
    %sub3A_37 = arith.subf %add3A_32, %sub3A : vector<1x10000xf32>
    %exp3A = math.exp %sub3A_37 : vector<1x10000xf32>
    %swap3A = arith.constant 0 : index
    %swap3A_38 = arith.constant 0 : index
    %swap3A_39 = vector.load %arg5[%swap3A, %swap3A_38] : memref<1x10000xf32, #tpu.memory_space<vmem>>, vector<1x10000xf32>
    tpu.vector_store %arg5[%swap3A, %swap3A_38], %exp3A {strides = array<i32>} : memref<1x10000xf32, #tpu.memory_space<vmem>>, vector<1x10000xf32>,
    %get3A_40 = arith.constant 0 : index
    %get3A_41 = arith.constant 0 : index
    %get3A_42 = vector.load %arg0[%get3A_40, %get3A_41] : memref<10000x128xf32, #tpu.memory_space<vmem>>, vector<10000x128xf32>
    %sub3A_43 = vector.broadcast %reduce_max3A_36 : f32 to vector<10000x1xf32>
    %sub3A_44 = arith.subf %add3A_25, %sub3A_43 : vector<10000x1xf32>
    %exp3A_45 = math.exp %sub3A_44 : vector<10000x1xf32>
    %mul3A = vector.broadcast %exp3A_45 : vector<10000x1xf32> to vector<10000x128xf32>
    %mul3A_46 = arith.mulf %get3A_42, %mul3A : vector<10000x128xf32>
    %swap3A_47 = arith.constant 0 : index
    %swap3A_48 = arith.constant 0 : index
    %swap3A_49 = vector.load %arg6[%swap3A_47, %swap3A_48] : memref<10000x128xf32, #tpu.memory_space<vmem>>, vector<10000x128xf32>
    tpu.vector_store %arg6[%swap3A_47, %swap3A_48], %mul3A_46 {strides = array<i32>} : memref<10000x128xf32, #tpu.memory_space<vmem>>, vector<10000x128xf32>,
    return
  }
}

module attributes {stable_mosaic.version = 14 : i64} {
  func.func @_tc_fin_body(%arg0: memref<2x10000x128xf32, #tpu.memory_space<vmem>>, %arg1: memref<2x10000xf32, #tpu.memory_space<vmem>>, %arg2: memref<10000x128xf32, #tpu.memory_space<vmem>>) attributes {dimension_semantics = [], scalar_prefetch = 0 : i64, scratch_operands = 0 : i64, tpu.core_type = #tpu.core_type<tc>} {
    %get3A = arith.constant 0 : index
    %get3A_0 = arith.constant 0 : index
    %get3A_1 = vector.load %arg1[%get3A, %get3A_0] : memref<2x10000xf32, #tpu.memory_space<vmem>>, vector<1x10000xf32>
    %get3A_2 = vector.shape_cast %get3A_1 : vector<1x10000xf32> to vector<10000xf32>
    %get3A_3 = arith.constant 1 : index
    %get3A_4 = arith.constant 0 : index
    %get3A_5 = vector.load %arg1[%get3A_3, %get3A_4] : memref<2x10000xf32, #tpu.memory_space<vmem>>, vector<1x10000xf32>
    %get3A_6 = vector.shape_cast %get3A_5 : vector<1x10000xf32> to vector<10000xf32>
    %add3A = arith.addf %get3A_2, %get3A_6 : vector<10000xf32>
    %add3A_7 = arith.constant 1.000000e-16 : f32
    %add3A_8 = vector.broadcast %add3A_7 : f32 to vector<10000xf32>
    %add3A_9 = arith.addf %add3A, %add3A_8 : vector<10000xf32>
    %div3A = arith.constant 1.000000e+00 : f32
    %div3A_10 = vector.broadcast %div3A : f32 to vector<10000xf32>
    %div3A_11 = arith.divf %div3A_10, %add3A_9 : vector<10000xf32>
    %reshape3A = vector.shape_cast %div3A_11 : vector<10000xf32> to vector<10000x1xf32>
    %get3A_12 = arith.constant 0 : index
    %get3A_13 = arith.constant 0 : index
    %get3A_14 = arith.constant 0 : index
    %get3A_15 = vector.load %arg0[%get3A_12, %get3A_13, %get3A_14] : memref<2x10000x128xf32, #tpu.memory_space<vmem>>, vector<1x10000x128xf32>
    %get3A_16 = vector.shape_cast %get3A_15 : vector<1x10000x128xf32> to vector<10000x128xf32>
    %get3A_17 = arith.constant 1 : index
    %get3A_18 = arith.constant 0 : index
    %get3A_19 = arith.constant 0 : index
    %get3A_20 = vector.load %arg0[%get3A_17, %get3A_18, %get3A_19] : memref<2x10000x128xf32, #tpu.memory_space<vmem>>, vector<1x10000x128xf32>
    %get3A_21 = vector.shape_cast %get3A_20 : vector<1x10000x128xf32> to vector<10000x128xf32>
    %add3A_22 = arith.addf %get3A_16, %get3A_21 : vector<10000x128xf32>
    %mul3A = vector.broadcast %reshape3A : vector<10000x1xf32> to vector<10000x128xf32>
    %mul3A_23 = arith.mulf %add3A_22, %mul3A : vector<10000x128xf32>
    %swap3A = arith.constant 0 : index
    %swap3A_24 = arith.constant 0 : index
    %swap3A_25 = vector.load %arg2[%swap3A, %swap3A_24] : memref<10000x128xf32, #tpu.memory_space<vmem>>, vector<10000x128xf32>
    tpu.vector_store %arg2[%swap3A, %swap3A_24], %mul3A_23 {strides = array<i32>} : memref<10000x128xf32, #tpu.memory_space<vmem>>, vector<10000x128xf32>,
    return
  }
}

</mosaic_0001>

<sc_bundles>
// kernel: kernel.5.cloned.1.call-start
scs
__scs_entry_jumppad:
0x0: {  	(pc) =	sbr.rel $0x88, $3  }
0x1: {  	(tag) =	ssettag $0x0;
	lr =	simm.s32 $0x1  }
0x2: {  	[smem:$0x3F9B] =	sst lr;
	_ =	strace $0xD0000000  }
0x3: {  	_ = 	snop  }
0x4: {  	_ = 	snop  }
0x5: {  	_ = 	snop  }
0x6: {  	_ = 	snop  }
0x7: {  	_ = 	snop  }
__scs_overlays_trampoline_lowered:
0x8: {  	[smem:$0x3FAA] =	sst s0  }
0x9: {  	[smem:$0x3FAB] =	sst s1  }
0xa: {  	[smem:$0x3FAC] =	sst s2  }
0xb: {  	[smem:$0x3FAD] =	sst s3  }
0xc: {  	[smem:$0x3FAE] =	sst s4  }
0xd: {  	[smem:$0x3FAF] =	sst s5  }
0xe: {  	[smem:$0x3FB0] =	sst s6  }
0xf: {  	[smem:$0x3FB1] =	sst s7  }
0x10: {  	[smem:$0x3FB2] =	sst s8  }
0x11: {  	[smem:$0x3FB3] =	sst s9;
	s0 =	simm.s32 @!p0 $0x0  }
0x12: {  	s1 =	sld [smem:$0x3F99];
	s0 =	simm.s32 @p0 $0x1  }
0x13: {  	[smem:$0x3FB4] =	sst s0;
	s0 =	simm.s32 @!p1 $0x0  }
0x14: {  	s2 =	sld [smem:$0x3F98];
	s0 =	simm.s32 @p1 $0x1  }
0x15: {  	[smem:$0x3FB5] =	sst s0;
	s0 =	simm.s32 @!p2 $0x0  }
0x16: {  	s3 =	sld [smem:$0x3FDB];
	s0 =	simm.s32 @p2 $0x1  }
0x17: {  	s4 =	simm.s32 $0x1BF5;
	[smem:$0x3FB7] =	sst s0  }
0x18: {  	s0 =	sld [smem:$0x3F9A];
	_ =	swait.ge [sflag:s4], $0x0  }
0x19: {  	s7 =	sld [smem:$0x3F9B]  }
0x1a: {  	s8 =	sadd.s32 $0xFFFFE003, lr  }
0x1b: {  	s9 =	sadd.s32 $0xFFFFFEF7, lr;
	s5 =	simm.s32 $0xFFFFFFFF;
	p2 =	slt.u32 s8, $0xFFFFF086  }
0x1c: {  	p1 =	slt.u32 s9, $0xF7A;
	s5 =	simm.s32 @!p2 $0x0  }
0x1d: {  	s5 =	simm.s32 @p1 $0x1;
	p0 =	seq.s32 s7, s2  }
0x1e: {  	s7 =	smul.u32 @!p0 $0xF7A, s2;
	p2 =	seq.s32 @!p0 s5, $0x0  }
0x1f: {  	s9 =	smul.u32 $0xF7A, s1;
	s8 =	simm.s32 @!p0 $0x1BF5;
	p2 =	por !p2, p0  }
0x20: {  	[sflag:s8] =	ssyncset.s32 @!p0 $0xFFFFF086;
	s6 =	sadd.s32 @!p0 s3, s7;
	s7 =	simm.s32 @!p0 $0x108  }
0x21: {  	s3 =	sadd.s32 s3, s9;
	s6 =	sadd.s32 @!p0 $0x88, s6;
	s7 =	simm.s32 @p2 $0x1082  }
0x22: {  	[simem:s7], [sflag:s8] =	dma.local @!p0 [hbm:s6], $0xF7A  }
0x23: {  	s9 =	sor.u32 $0xD0000000, s2;
	s6 =	simm.s32 $0x108;
	_ =	swait.ge @!p0 [sflag:s8], $0x0  }
0x24: {  	s3 =	sadd.s32 $0x88, s3;
	s6 =	simm.s32 @!p1 $0x1082;
	[sflag:s4] =	ssyncset.s32 $0xFFFFF086  }
0x25: {  	[simem:s6], [sflag:s4] =	dma.local [hbm:s3], $0xF7A  }
0x26: {  	[smem:$0x3F9B] =	sst s1;
	(tag) =	ssettag s2;
	_ =	strace s9  }
0x27: {  	s1 =	sld [smem:$0x3FAB]  }
0x28: {  	s2 =	sld [smem:$0x3FAC]  }
0x29: {  	s4 =	sld [smem:$0x3FAE]  }
0x2a: {  	p0 =	seq.s32 s5, $0x0;
	s5 =	sld [smem:$0x3FAF]  }
0x2b: {  	s6 =	sld [smem:$0x3FB0]  }
0x2c: {  	s7 =	sld [smem:$0x3FB1]  }
0x2d: {  	s3 =	simm.s32 $0x108;
	s8 =	sld [smem:$0x3FB2]  }
0x2e: {  	s3 =	simm.s32 @!p0 $0x1082;
	s9 =	sld [smem:$0x3FB3]  }
0x2f: {  	lr =	sadd.s32 s0, s3;
	s0 =	sld [smem:$0x3FAA]  }
0x30: {  	s3 =	sld [smem:$0x3FAD]  }
0x31: {  	[smem:$0x3FB6] =	sst s10  }
0x32: {  	s10 =	sld [smem:$0x3FB4];
	_ =	sdelay $0x3  }
0x33: {  	p0 =	seq.s32 s10, $0x1;
	s10 =	sld [smem:$0x3FB6];
	_ =	sdelay $0x3  }
0x34: {  	[smem:$0x3FB6] =	sst s10  }
0x35: {  	s10 =	sld [smem:$0x3FB5];
	_ =	sdelay $0x3  }
0x36: {  	p1 =	seq.s32 s10, $0x1;
	s10 =	sld [smem:$0x3FB6];
	_ =	sdelay $0x3  }
0x37: {  	[smem:$0x3FB6] =	sst s10  }
0x38: {  	s10 =	sld [smem:$0x3FB7]  }
0x39: {  	_ = 	snop;
	(pc) =	sbr.ind lr, $3  }
0x3a: {  	_ = 	snop  }
0x3b: {  	_ = 	snop  }
0x3c: {  	p2 =	seq.s32 s10, $0x1;
	s10 =	sld [smem:$0x3FB6]  }
0x3d: {  	_ =	shalt  }
0x3e: {  	_ =	shalt  }
0x3f: {  	_ =	shalt  }
0x40: {  	_ =	shalt  }
0x41: {  	_ =	shalt  }
0x42: {  	_ =	shalt  }
0x43: {  	_ =	shalt  }
0x44: {  	_ =	shalt  }
0x45: {  	_ =	shalt  }
0x46: {  	_ =	shalt  }
0x47: {  	_ =	shalt  }
0x48: {  	_ =	shalt  }
0x49: {  	_ =	shalt  }
0x4a: {  	_ =	shalt  }
0x4b: {  	_ =	shalt  }
0x4c: {  	_ =	shalt  }
0x4d: {  	_ =	shalt  }
0x4e: {  	_ =	shalt  }
0x4f: {  	_ =	shalt  }
0x50: {  	_ =	shalt  }
0x51: {  	_ =	shalt  }
0x52: {  	_ =	shalt  }
0x53: {  	_ =	shalt  }
0x54: {  	_ =	shalt  }
0x55: {  	_ =	shalt  }
0x56: {  	_ =	shalt  }
0x57: {  	_ =	shalt  }
0x58: {  	_ =	shalt  }
0x59: {  	_ =	shalt  }
0x5a: {  	_ =	shalt  }
0x5b: {  	_ =	shalt  }
0x5c: {  	_ =	shalt  }
0x5d: {  	_ =	shalt  }
0x5e: {  	_ =	shalt  }
0x5f: {  	_ =	shalt  }
0x60: {  	_ =	shalt  }
0x61: {  	_ =	shalt  }
0x62: {  	_ =	shalt  }
0x63: {  	_ =	shalt  }
0x64: {  	_ =	shalt  }
0x65: {  	_ =	shalt  }
0x66: {  	_ =	shalt  }
0x67: {  	_ =	shalt  }
0x68: {  	_ =	shalt  }
0x69: {  	_ =	shalt  }
0x6a: {  	_ =	shalt  }
0x6b: {  	_ =	shalt  }
0x6c: {  	_ =	shalt  }
0x6d: {  	_ =	shalt  }
0x6e: {  	_ =	shalt  }
0x6f: {  	_ =	shalt  }
0x70: {  	_ =	shalt  }
0x71: {  	_ =	shalt  }
0x72: {  	_ =	shalt  }
0x73: {  	_ =	shalt  }
0x74: {  	_ =	shalt  }
0x75: {  	_ =	shalt  }
0x76: {  	_ =	shalt  }
0x77: {  	_ =	shalt  }
0x78: {  	_ =	shalt  }
0x79: {  	_ =	shalt  }
0x7a: {  	_ =	shalt  }
0x7b: {  	_ =	shalt  }
0x7c: {  	_ =	shalt  }
0x7d: {  	_ =	shalt  }
0x7e: {  	_ =	shalt  }
0x7f: {  	_ =	shalt  }
0x80: {  	_ =	shalt  }
0x81: {  	_ =	shalt  }
0x82: {  	_ =	shalt  }
0x83: {  	_ =	shalt  }
0x84: {  	_ =	shalt  }
0x85: {  	_ =	shalt  }
0x86: {  	_ =	shalt  }
0x87: {  	_ =	shalt  }
.Lfunc_end0:
.L_simem_size_0:
called_computation_lowered:
.L_overlay_start_0:
0x88: {  	s2 =	sld [smem:$0x3FD9]  }
0x89: {  	s3 =	sld [smem:$0x3FFE];
	_ =	sdelay $0x1  }
0x8a: {  	s1 =	srdreg.scid  }
0x8b: {  	s0 =	sand.u32 $0x1, s1  }
0x8c: {  	s17 =	sshll.u32 s0, $0xA;
	s2 =	sadd.s32 s3, s2  }
0x8d: {  	s2 =	sadd.s32 s2, s17  }
0x8e: {  	[smem:$0x3FC2] =	sst s2  }
0x8f: {  	_ = 	snop  }
0x90: {  	s2 =	sld [smem:$0x3FD0];
	(tm) =	ssettm $0x1  }
0x91: {  	s18 =	sld [smem:$0x3FFB];
	_ =	sdelay $0x3  }
0x92: {  	_ =	strace s18  }
0x93: {  	s3 =	sld [smem:$0x3FFC];
	_ =	sdelay $0x3  }
0x94: {  	_ =	strace s3  }
0x95: {  	s3 =	sld [smem:$0x3FFD];
	_ =	sdelay $0x3  }
0x96: {  	_ =	strace s3  }
0x97: {  	_ =	strace $0x8FFFFFFF  }
0x98: {  	s19 =	sld [smem:$0x3FDB];
	_ =	sdelay $0x1  }
0x99: {  	s4 =	simm.s32 $_scs_section_size  }
0x9a: {  	s5 =	simm.s32 $_size__tile_overlayer_lowered;
	s6 =	simm.s32 $_tile_overlayer_lowered  }
0x9b: {  	s22 =	simm.s32 $0x1BFF;
	s21 =	sshll.u32 s6, $0x1;
	s3 =	sadd.s32 s4, s19  }
0x9c: {  	s7 =	simm.s32 $0x0;
	s20 =	sshll.u32 s5, $0x1;
	s5 =	sadd.s32 s21, s3  }
0x9d: {  	[timem:s7], [sflag:s22] =	dma.local [hbm:s5], s20  }
0x9e: {  	_ =	swait.ge [sflag:s22], s20  }
0x9f: {  	s4 =	ssub.s32 $0x0, s20;
	[sflag:s22] =	ssyncset.done $0x0  }
0xa0: {  	[sflag:s22] =	ssyncadd.s32 s4;
	_ =	sdelay $0x1  }
0xa1: {  	s23 =	simm.s32 $0x1B8B  }
0xa2: {  	_ =	swait.ge [sflag:s23], $0x1  }
0xa3: {  	[sflag:s23] =	ssyncset.done $0x0  }
0xa4: {  	s25 =	simm.s32 $0x1B8E;
	s24 =	sld [smem:$0x3FFE];
	[sflag:s23] =	ssyncadd.s32 $0xFFFFFFFF  }
0xa5: {  	s26 =	simm.s32 $execute0_lowered;
	[smem:$0x3FD2] =	sst s25  }
0xa6: {  	s5 =	sshll.u32 s26, $0x1;
	_ =	strace $0x80000046;
	[dreg:$0x1] =	wrdreg $0xFFFFFFFF  }
0xa7: {  	s28 =	simm.s32 $_size_execute0_lowered;
	s3 =	sadd.s32 s3, s5;
	[dreg:$0x0] =	wrdreg $0x0  }
0xa8: {  	s5 =	sshll.u32 s28, $0x1;
	[dreg:$0x2] =	wrdreg s3  }
0xa9: {  	[dreg:$0x3] =	wrdreg s5  }
0xaa: {  	[dreg:$0x4] =	wrdreg $0xC0  }
0xab: {  	_ =	task [dreg:s7], $0x5FFFF  }
0xac: {  	[dreg:$0x1] =	wrdreg $0xFFFFFFFF  }
0xad: {  	[dreg:$0x0] =	wrdreg $0x60  }
0xae: {  	[dreg:$0x2] =	wrdreg s24  }
0xaf: {  	[dreg:$0x3] =	wrdreg s2  }
0xb0: {  	[dreg:$0x4] =	wrdreg $0xBE780  }
0xb1: {  	[dreg:$0x5] =	wrdreg $0xBC000  }
0xb2: {  	[dreg:$0x6] =	wrdreg $0x9  }
0xb3: {  	_ =	task.clear_ibuf [dreg:s7], $0x7FFFF;
	_ =	strace $0x90000046  }
0xb4: {  	s29 =	simm.s32 $0x9;
	_ =	strace $0x80000048  }
0xb5: {  	_ =	swait.ge [sflag:s29], $0x1  }
0xb6: {  	[sflag:s29] =	ssyncadd.s32 $0xFFFFFFFF  }
0xb7: {  	_ =	strace $0x90000048  }
0xb8: {  	_ =	sfence  }
0xb9: {  	s30 =	sld [smem:$0x0];
	_ =	sdelay $0x2  }
0xba: {  	s31 =	sshll.u32 s1, $0xD;
	s1 =	sshrl.u32 s1, $0x2  }
0xbb: {  	s3 =	sand.u32 $0x4000, s31;
	s1 =	sadd.s32 s1, s30  }
0xbc: {  	s0 =	sor.u32 s3, s0;
	s1 =	sshll.u32 s1, $0x11  }
0xbd: {  	s0 =	sor.u32 s1, s0  }
0xbe: {  	s0 =	sadd.s32 $0x8F2B, s0  }
0xbf: {  	[sflag:s0] =	ssyncadd.remote.s32 $0x1  }
0xc0: {  	_ =	sfence.sel $0xFFFF  }
0xc1: {  	[dreg:$0x0] =	wrdreg $0xFFFFFFFF;
	(pc) =	sbr.abs _section_cstart, $3  }
0xc2: {  	[dreg:$0x1] =	wrdreg $0xFFFFFFFF  }
0xc3: {  	_ =	task.clear_ibuf [dreg:s7], $0x2FFFF;
	_ =	strace $0x9FFFFFFF  }
0xc4: {  	(tm) =	ssettm $0x7FFFFFFF  }
0xc5: {  	_ =	shalt  }
tec
execute0_lowered:
.L_overlay_start_1:
0x0: {  	(tag) =	ssettag $0x1  }
0x1: {  	s0 =	srdreg.scid;
	s2 =	rddreg [dreg:$0x0]  }
0x2: {  	s1 =	rddreg [dreg:$0x1];
	s19 =	stileid.u32  }
0x3: {  	s3 =	rddreg [dreg:$0x2];
	s6 =	smul.u32 $0x270, s19  }
0x4: {  	s0 =	sand.u32 $0x1, s0;
	s8 =	sadd.s32 $0x2A000, s2;
	s26 =	smul.u32 $0x13800, s19  }
0x5: {  	s4 =	sshll.u32 s0, $0x4;
	s7 =	smul.u32 $0x2710, s0;
	s9 =	ssub.s32 $0x2, s0  }
0x6: {  	s12 =	smul.u32 $0x138800, s0;
	s5 =	sor.u32 s19, s4;
	s4 =	rddreg [dreg:$0x3]  }
0x7: {  	s10 =	sshrl.u32 s9, $0x1;
	s11 =	sshll.u32 s6, $0x7;
	s5 =	smul.u32 $0x5000, s5  }
0x8: {  	s0 =	ssub.s32 s9, s10;
	s9 =	sadd.s32 $0x2800, s11;
	s13 =	sadd.s32 $0x5000, s11  }
0x9: {  	s15 =	sadd.s32 $0x7800, s11;
	s16 =	sadd.s32 $0xA000, s11;
	s17 =	sadd.s32 $0xC800, s11  }
0xa: {  	s18 =	sadd.s32 $0xF000, s11;
	s10 =	sadd.s32 s26, s12;
	s11 =	sadd.s32 $0x11800, s11  }
0xb: {  	s7 =	sadd.s32 s6, s7;
	s10 =	sshrl.u32 s10, $0x3;
	s14 =	sadd.s32 s12, s9  }
0xc: {  	s20 =	sadd.s32 s12, s13;
	s22 =	sadd.s32 s12, s15;
	s24 =	sadd.s32 s12, s16  }
0xd: {  	s26 =	sadd.s32 s12, s17;
	s7 =	sshrl.u32 s7, $0x3;
	s10 =	sadd.s32 s8, s10  }
0xe: {  	s14 =	sshrl.u32 s14, $0x3;
	s21 =	sshrl.u32 s20, $0x3;
	s23 =	sshrl.u32 s22, $0x3  }
0xf: {  	s25 =	sshrl.u32 s24, $0x3;
	s20 =	sadd.s32 s12, s18;
	s12 =	sadd.s32 s12, s11  }
0x10: {  	s5 =	sshrl.u32 s5, $0x3;
	[dreg:$0x5] =	wrdreg s10;
	s10 =	sadd.s32 s8, s14  }
0x11: {  	s24 =	smul.u32 $0x4E000, s19;
	[dreg:$0x6] =	wrdreg s10;
	s10 =	sadd.s32 s8, s21  }
0x12: {  	s7 =	sadd.s32 s7, s2;
	[dreg:$0x7] =	wrdreg s10;
	s10 =	sadd.s32 s8, s23  }
0x13: {  	s14 =	sshrl.u32 s26, $0x3;
	s23 =	simm.s32 $0x0;
	[dreg:$0x8] =	wrdreg s10  }
0x14: {  	s22 =	sshrl.u32 s12, $0x3;
	s10 =	sadd.s32 s8, s25;
	[smem:$0x7FF] =	sst s23  }
0x15: {  	s21 =	sshrl.u32 s20, $0x3;
	[dreg:$0x9] =	wrdreg s10;
	s10 =	sadd.s32 s8, s14  }
0x16: {  	s5 =	sadd.s32 s5, s2;
	[dreg:$0xa] =	wrdreg s10;
	s10 =	sadd.s32 s8, s21  }
0x17: {  	s26 =	sshrl.u32 s24, $0x2;
	s8 =	sadd.s32 s8, s22;
	[dreg:$0xb] =	wrdreg s10  }
0x18: {  	s25 =	sadd.s32 s6, s4;
	s14 =	sadd.s32 $0x29000, s2;
	[dreg:$0xc] =	wrdreg s8  }
0x19: {  	s2 =	sadd.s32 s26, s3;
	_ =	strace $0x80000047;
	[dreg:$0xd] =	wrdreg s25  }
0x1a: {  	s6 =	sadd.s32 s9, s3;
	[dreg:$0xe] =	wrdreg s2  }
0x1b: {  	s8 =	sadd.s32 s13, s3;
	[dreg:$0xf] =	wrdreg s6  }
0x1c: {  	s9 =	sadd.s32 s15, s3;
	[dreg:$0x10] =	wrdreg s8  }
0x1d: {  	s10 =	sadd.s32 s16, s3;
	[dreg:$0x11] =	wrdreg s9  }
0x1e: {  	s12 =	sadd.s32 s17, s3;
	[dreg:$0x12] =	wrdreg s10  }
0x1f: {  	s13 =	sadd.s32 s18, s3;
	[dreg:$0x13] =	wrdreg s12  }
0x20: {  	s15 =	sadd.s32 s11, s3;
	[dreg:$0x14] =	wrdreg s13  }
0x21: {  	s16 =	sadd.s32 $0x1000, s5;
	[dreg:$0x15] =	wrdreg s15  }
0x22: {  	s17 =	sadd.s32 $0x15000, s5;
	[dreg:$0x16] =	wrdreg s16  }
0x23: {  	s18 =	sadd.s32 $0x1200, s5;
	[dreg:$0x17] =	wrdreg s17  }
0x24: {  	s19 =	sadd.s32 $0x15200, s5;
	[dreg:$0x18] =	wrdreg s18  }
0x25: {  	s20 =	sadd.s32 $0x1400, s5;
	[dreg:$0x19] =	wrdreg s19  }
0x26: {  	s28 =	simm.s32 $0x6980;
	s21 =	sadd.s32 $0x15400, s5;
	[dreg:$0x1a] =	wrdreg s20  }
0x27: {  	s29 =	simm.s32 $0x4080;
	s22 =	sadd.s32 $0x1600, s5;
	[dreg:$0x1b] =	wrdreg s21  }
0x28: {  	s30 =	simm.s32 $0x3000;
	s23 =	sadd.s32 $0x15600, s5;
	[dreg:$0x1c] =	wrdreg s22  }
0x29: {  	s31 =	simm.s32 $0x0;
	s24 =	sadd.s32 $0x1800, s5;
	[dreg:$0x1d] =	wrdreg s23  }
0x2a: {  	s0 =	smax.u32 s0, $0x1;
	s26 =	sadd.s32 $0x29600, s7;
	[dreg:$0x1e] =	wrdreg s24  }
0x2b: {  	s11 =	simm.s32 $0xD;
	s7 =	simm.s32 $0x7;
	[smem:$0x7FC] =	sst s26  }
0x2c: {  	s25 =	sadd.s32 $0x15800, s5;
	[smem:$0x7FD] =	sst s0;
	s26 =	simm.s32 $0xB980  }
0x2d: {  	s8 =	simm.s32 $0x4180;
	s9 =	simm.s32 $0x1;
	s10 =	simm.s32 $0x2  }
0x2e: {  	s13 =	simm.s32 $0x1000;
	s24 =	simm.s32 $0x50;
	s2 =	simm.s32 $0x4  }
0x2f: {  	s0 =	simm.s32 $0x9180;
	s5 =	simm.s32 $0x4100;
	s6 =	simm.s32 $0x5  }
0x30: {  	s15 =	simm.s32 $0xA;
	s16 =	simm.s32 $0x3;
	s17 =	simm.s32 $0x6  }
0x31: {  	s18 =	simm.s32 $0x8;
	s19 =	simm.s32 $0xB;
	s20 =	simm.s32 $0x9  }
0x32: {  	v0 =	vimm.f32 $0.0e+00;
	s21 =	simm.s32 $0xC;
	[dreg:$0x1f] =	wrdreg s25;
	s25 =	simm.s32 $0x4000  }
.LBB2_1:
0x33: {  	s12 =	simm.s32 $0x0;
	s22 =	simm.s32 $0x200  }
.LBB2_2:
0x34: {  	p0 =	sne.s32 s22, $0x9E00;
	[tilespmem:s12+$0x41F0] =	vst v0  }
0x35: {  	[tilespmem:s12+$0x4180] =	vst v0  }
0x36: {  	[tilespmem:s12+$0x4190] =	vst v0  }
.Ltmp0:
0x37: {  	[tilespmem:s12+$0x41A0] =	vst v0;
	(pc) =	sbr.rel @p0 .LBB2_2-.Ltmp0, $4  }
0x38: {  	[tilespmem:s12+$0x41B0] =	vst v0  }
0x39: {  	[tilespmem:s12+$0x41C0] =	vst v0  }
0x3a: {  	[tilespmem:s12+$0x41D0] =	vst v0  }
0x3b: {  	[tilespmem:s12+$0x41E0] =	vst v0;
	s12 =	sshra.s32 s22, $0x2;
	s22 =	sadd.s32 $0x200, s22  }
0x3c: {  	[tilespmem:s12+$0x41F0] =	vst v0  }
0x3d: {  	[tilespmem:s12+$0x4180] =	vst v0  }
0x3e: {  	[tilespmem:s12+$0x4190] =	vst v0  }
0x3f: {  	[tilespmem:s12+$0x41A0] =	vst v0  }
0x40: {  	[tilespmem:s12+$0x41B0] =	vst v0  }
0x41: {  	[tilespmem:s12+$0x41C0] =	vst v0  }
0x42: {  	[tilespmem:s12+$0x41D0] =	vst v0  }
0x43: {  	[tilespmem:s12+$0x41E0] =	vst v0  }
0x44: {  	[tilespmem:$0xB980] =	vst v0  }
0x45: {  	[tilespmem:$0xB990] =	vst v0  }
0x46: {  	[tilespmem:$0xB9A0] =	vst v0  }
0x47: {  	[tilespmem:$0xB9B0] =	vst v0  }
0x48: {  	[tilespmem:$0xB9C0] =	vst v0  }
0x49: {  	[tilespmem:$0xB9D0] =	vst v0  }
0x4a: {  	[tilespmem:$0xB9E0] =	vst v0  }
0x4b: {  	[tilespmem:$0xB9F0] =	vst v0  }
0x4c: {  	[tilespmem:$0xBA00] =	vst v0  }
0x4d: {  	[tilespmem:$0xBA10] =	vst v0  }
0x4e: {  	[tilespmem:$0xBA20] =	vst v0  }
0x4f: {  	[tilespmem:$0xBA30] =	vst v0  }
0x50: {  	[tilespmem:$0xBA40] =	vst v0  }
0x51: {  	[tilespmem:$0xBA50] =	vst v0  }
0x52: {  	[tilespmem:$0xBA60] =	vst v0  }
0x53: {  	[tilespmem:$0xBA70] =	vst v0  }
0x54: {  	[tilespmem:$0xBA80] =	vst v0  }
0x55: {  	[tilespmem:$0xBA90] =	vst v0  }
0x56: {  	[tilespmem:$0xBAA0] =	vst v0  }
0x57: {  	[tilespmem:$0xBAB0] =	vst v0  }
0x58: {  	[tilespmem:$0xBAC0] =	vst v0  }
0x59: {  	[tilespmem:$0xBAD0] =	vst v0  }
0x5a: {  	[tilespmem:$0xBAE0] =	vst v0  }
0x5b: {  	[tilespmem:$0xBAF0] =	vst v0  }
0x5c: {  	[tilespmem:$0xBB00] =	vst v0  }
0x5d: {  	[tilespmem:$0xBB10] =	vst v0  }
0x5e: {  	[tilespmem:$0xBB20] =	vst v0  }
0x5f: {  	[tilespmem:$0xBB30] =	vst v0  }
0x60: {  	[tilespmem:$0xBB40] =	vst v0  }
0x61: {  	[tilespmem:$0xBB50] =	vst v0  }
0x62: {  	[tilespmem:$0xBB60] =	vst v0  }
0x63: {  	[tilespmem:$0xBB70] =	vst v0  }
0x64: {  	[tilespmem:$0xBB80] =	vst v0  }
0x65: {  	[tilespmem:$0xBB90] =	vst v0  }
0x66: {  	[tilespmem:$0xBBA0] =	vst v0  }
0x67: {  	[tilespmem:$0xBBB0] =	vst v0  }
0x68: {  	[tilespmem:$0xBBC0] =	vst v0  }
0x69: {  	[tilespmem:$0xBBD0] =	vst v0  }
0x6a: {  	[tilespmem:$0xBBE0] =	vst v0  }
0x6b: {  	s23 =	rddreg [dreg:$0xd];
	[tilespmem:$0xBBF0] =	vst v0  }
0x6c: {  	[spmem:s23] =	stream.linear.scatter [tilespmem:s26], [sflag:$0x2], $0x280, $0x38;
	[tilespmem:$0x1F6F8] =	vst v63  }
0x6d: {  	s22 =	rddreg [dreg:$0xe]  }
0x6e: {  	[spmem:s22] =	stream.linear.scatter [tilespmem:s8], [sflag:$0x1], $0x2800, $0x38;
	[tilespmem:$0x1F6F8] =	vst v63  }
0x6f: {  	s23 =	rddreg [dreg:$0xf]  }
0x70: {  	[spmem:s23] =	stream.linear.scatter [tilespmem:s8], [sflag:$0x1], $0x2800, $0x38;
	[tilespmem:$0x1F6F8] =	vst v63  }
0x71: {  	s26 =	rddreg [dreg:$0x10]  }
0x72: {  	[spmem:s26] =	stream.linear.scatter [tilespmem:s8], [sflag:$0x1], $0x2800, $0x38;
	[tilespmem:$0x1F6F8] =	vst v63  }
0x73: {  	s22 =	rddreg [dreg:$0x11]  }
0x74: {  	[spmem:s22] =	stream.linear.scatter [tilespmem:s8], [sflag:$0x1], $0x2800, $0x38;
	[tilespmem:$0x1F6F8] =	vst v63  }
0x75: {  	s23 =	rddreg [dreg:$0x12]  }
0x76: {  	[spmem:s23] =	stream.linear.scatter [tilespmem:s8], [sflag:$0x1], $0x2800, $0x38;
	[tilespmem:$0x1F6F8] =	vst v63  }
0x77: {  	s26 =	rddreg [dreg:$0x13]  }
0x78: {  	[spmem:s26] =	stream.linear.scatter [tilespmem:s8], [sflag:$0x1], $0x2800, $0x38;
	[tilespmem:$0x1F6F8] =	vst v63  }
0x79: {  	s22 =	rddreg [dreg:$0x14]  }
0x7a: {  	[spmem:s22] =	stream.linear.scatter [tilespmem:s8], [sflag:$0x1], $0x2800, $0x38;
	[tilespmem:$0x1F6F8] =	vst v63  }
0x7b: {  	s23 =	rddreg [dreg:$0x15]  }
0x7c: {  	[spmem:s23] =	stream.linear.scatter [tilespmem:s8], [sflag:$0x1], $0x2800, $0x38;
	[tilespmem:$0x1F6F8] =	vst v63  }
0x7d: {  	_ =	swait.ge [sflag:s9], $0x2800  }
0x7e: {  	[sflag:s9] =	ssyncset.done $0x0  }
0x7f: {  	[sflag:s9] =	ssyncadd.s32 $0xFFFFD800  }
0x80: {  	_ =	swait.ge [sflag:s9], $0x2800  }
0x81: {  	[sflag:s9] =	ssyncset.done $0x0  }
0x82: {  	[sflag:s9] =	ssyncadd.s32 $0xFFFFD800  }
0x83: {  	_ =	swait.ge [sflag:s9], $0x2800  }
0x84: {  	[sflag:s9] =	ssyncset.done $0x0  }
0x85: {  	[sflag:s9] =	ssyncadd.s32 $0xFFFFD800  }
0x86: {  	_ =	swait.ge [sflag:s9], $0x2800  }
0x87: {  	[sflag:s9] =	ssyncset.done $0x0  }
0x88: {  	[sflag:s9] =	ssyncadd.s32 $0xFFFFD800  }
0x89: {  	_ =	swait.ge [sflag:s9], $0x2800  }
0x8a: {  	[sflag:s9] =	ssyncset.done $0x0  }
0x8b: {  	[sflag:s9] =	ssyncadd.s32 $0xFFFFD800  }
0x8c: {  	_ =	swait.ge [sflag:s9], $0x2800  }
0x8d: {  	[sflag:s9] =	ssyncset.done $0x0  }
0x8e: {  	[sflag:s9] =	ssyncadd.s32 $0xFFFFD800  }
0x8f: {  	_ =	swait.ge [sflag:s9], $0x2800  }
0x90: {  	[sflag:s9] =	ssyncset.done $0x0  }
0x91: {  	[sflag:s9] =	ssyncadd.s32 $0xFFFFD800  }
0x92: {  	_ =	swait.ge [sflag:s9], $0x2800  }
0x93: {  	[sflag:s9] =	ssyncset.done $0x0  }
0x94: {  	[sflag:s9] =	ssyncadd.s32 $0xFFFFD800  }
0x95: {  	_ =	swait.ge [sflag:s10], $0x280  }
0x96: {  	[sflag:s10] =	ssyncset.done $0x0  }
0x97: {  	[sflag:s10] =	ssyncadd.s32 $0xFFFFFD80  }
0x98: {  	[bflag:$0x0] =	sbarrier.arrive $0xFFFF  }
0x99: {  	s12 =	simm.s32 $0x0;
	s22 =	rddreg [dreg:$0x16]  }
0x9a: {  	[tilespmem:s12], [sflag:$0xD] =	stream.linear.gather [hbm4b:s22+s12], $0xC80, $0x38;
	[tilespmem:$0x1F6F8] =	vst v63  }
0x9b: {  	_ =	swait.ge [sflag:s11], $0xC80  }
0x9c: {  	[sflag:s11] =	ssyncset.done $0x0  }
0x9d: {  	s26 =	rddreg [dreg:$0x17];
	[sflag:s11] =	ssyncadd.s32 $0xFFFFF380  }
0x9e: {  	[tilespmem:s13], [sflag:$0xD] =	stream.linear.gather [hbm4b:s26+s12], $0xC80, $0x38;
	[tilespmem:$0x1F6F8] =	vst v63  }
0x9f: {  	_ =	swait.ge [sflag:s11], $0xC80  }
0xa0: {  	[sflag:s11] =	ssyncset.done $0x0  }
0xa1: {  	[sflag:s11] =	ssyncadd.s32 $0xFFFFF380  }
0xa2: {  	[tilespmem:s8], [sflag:$0x1] =	stream.indirect.gather [hbm4b:s1+s24], $0x80, s12, s24, $0xb8;
	[tilespmem:$0x1F6F8] =	vst v63  }
0xa3: {  	_ = 	snop  }
0xa4: {  	[tilespmem:s25], [sflag:$0x4] =	stream.indirect.gather [hbm4b:s14+s24], $0x1, s12, s24, $0xb8;
	[tilespmem:$0x1F6F8] =	vst v63  }
0xa5: {  	s26 =	simm.s32 $0x80  }
0xa6: {  	[tilespmem:s28], [sflag:$0x2] =	stream.indirect.gather [hbm4b:s1+s24], $0x80, s26, s24, $0xb8;
	[tilespmem:$0x1F6F8] =	vst v63  }
0xa7: {  	_ = 	snop  }
0xa8: {  	[tilespmem:s29], [sflag:$0x5] =	stream.indirect.gather [hbm4b:s14+s24], $0x1, s26, s24, $0xb8;
	[tilespmem:$0x1F6F8] =	vst v63  }
0xa9: {  	s23 =	simm.s32 $0x2000;
	s13 =	rddreg [dreg:$0x18]  }
0xaa: {  	[tilespmem:s23], [sflag:$0xD] =	stream.linear.gather [hbm4b:s13+s12], $0xC80, $0x38;
	[tilespmem:$0x1F6F8] =	vst v63  }
0xab: {  	_ =	swait.ge [sflag:s11], $0xC80  }
0xac: {  	[sflag:s11] =	ssyncset.done $0x0  }
0xad: {  	s23 =	rddreg [dreg:$0x19];
	[sflag:s11] =	ssyncadd.s32 $0xFFFFF380  }
0xae: {  	[tilespmem:s30], [sflag:$0xD] =	stream.linear.gather [hbm4b:s23+s12], $0xC80, $0x38;
	[tilespmem:$0x1F6F8] =	vst v63  }
0xaf: {  	_ =	swait.ge [sflag:s11], $0xC80  }
0xb0: {  	[sflag:s11] =	ssyncset.done $0x0  }
0xb1: {  	[sflag:s11] =	ssyncadd.s32 $0xFFFFF380  }
0xb2: {  	_ =	swait.ge [sflag:s9], $0x2800  }
0xb3: {  	[sflag:s9] =	ssyncset.done $0x0  }
0xb4: {  	[sflag:s9] =	ssyncadd.s32 $0xFFFFD800  }
0xb5: {  	_ =	swait.ge [sflag:s2], $0x50  }
0xb6: {  	[sflag:s2] =	ssyncset.done $0x0  }
0xb7: {  	s22 =	simm.s32 $0x100;
	[sflag:s2] =	ssyncadd.s32 $0xFFFFFFB0  }
0xb8: {  	[tilespmem:s0], [sflag:$0x3] =	stream.indirect.gather [hbm4b:s1+s24], $0x80, s22, s24, $0xb8;
	[tilespmem:$0x1F6F8] =	vst v63  }
0xb9: {  	_ = 	snop  }
0xba: {  	[tilespmem:s5], [sflag:$0x6] =	stream.indirect.gather [hbm4b:s14+s24], $0x1, s22, s24, $0xb8;
	[tilespmem:$0x1F6F8] =	vst v63  }
0xbb: {  	s13 =	simm.s32 $0x1000  }
0xbc: {  	[spmem:s4] =	stream.indirect.scatter.add.f32 [tilespmem:s25], [sflag:$0x7], $0x1, s13, s24, $0xb8;
	[tilespmem:$0x1F6F8] =	vst v63  }
0xbd: {  	_ = 	snop  }
0xbe: {  	[spmem:s3] =	stream.indirect.scatter.add.f32 [tilespmem:s8], [sflag:$0xA], $0x80, s13, s24, $0xb8;
	[tilespmem:$0x1F6F8] =	vst v63  }
0xbf: {  	_ =	swait.ge [sflag:s10], $0x2800  }
0xc0: {  	[sflag:s10] =	ssyncset.done $0x0  }
0xc1: {  	[sflag:s10] =	ssyncadd.s32 $0xFFFFD800  }
0xc2: {  	_ =	swait.ge [sflag:s6], $0x50  }
0xc3: {  	[sflag:s6] =	ssyncset.done $0x0  }
0xc4: {  	[sflag:s6] =	ssyncadd.s32 $0xFFFFFFB0  }
0xc5: {  	_ =	swait.ge [sflag:s7], $0x50  }
0xc6: {  	[sflag:s7] =	ssyncset.done $0x0  }
0xc7: {  	[sflag:s7] =	ssyncadd.s32 $0xFFFFFFB0  }
0xc8: {  	_ =	swait.ge [sflag:s15], $0x2800  }
0xc9: {  	[sflag:s15] =	ssyncset.done $0x0  }
0xca: {  	s23 =	simm.s32 $0x180;
	[sflag:s15] =	ssyncadd.s32 $0xFFFFD800  }
0xcb: {  	[tilespmem:s8], [sflag:$0x1] =	stream.indirect.gather [hbm4b:s1+s24], $0x80, s23, s24, $0xb8;
	[tilespmem:$0x1F6F8] =	vst v63  }
0xcc: {  	_ = 	snop  }
0xcd: {  	[tilespmem:s25], [sflag:$0x4] =	stream.indirect.gather [hbm4b:s14+s24], $0x1, s23, s24, $0xb8;
	[tilespmem:$0x1F6F8] =	vst v63  }
0xce: {  	s30 =	simm.s32 $0x1080  }
0xcf: {  	[spmem:s4] =	stream.indirect.scatter.add.f32 [tilespmem:s29], [sflag:$0x8], $0x1, s30, s24, $0xb8;
	[tilespmem:$0x1F6F8] =	vst v63  }
0xd0: {  	_ = 	snop  }
0xd1: {  	[spmem:s3] =	stream.indirect.scatter.add.f32 [tilespmem:s28], [sflag:$0xB], $0x80, s30, s24, $0xb8;
	[tilespmem:$0x1F6F8] =	vst v63  }
0xd2: {  	_ =	swait.ge [sflag:s16], $0x2800  }
0xd3: {  	[sflag:s16] =	ssyncset.done $0x0  }
0xd4: {  	[sflag:s16] =	ssyncadd.s32 $0xFFFFD800  }
0xd5: {  	_ =	swait.ge [sflag:s17], $0x50  }
0xd6: {  	[sflag:s17] =	ssyncset.done $0x0  }
0xd7: {  	[sflag:s17] =	ssyncadd.s32 $0xFFFFFFB0  }
0xd8: {  	_ =	swait.ge [sflag:s18], $0x50  }
0xd9: {  	[sflag:s18] =	ssyncset.done $0x0  }
0xda: {  	[sflag:s18] =	ssyncadd.s32 $0xFFFFFFB0  }
0xdb: {  	_ =	swait.ge [sflag:s19], $0x2800  }
0xdc: {  	[sflag:s19] =	ssyncset.done $0x0  }
0xdd: {  	s22 =	simm.s32 $0x200;
	[sflag:s19] =	ssyncadd.s32 $0xFFFFD800  }
0xde: {  	[tilespmem:s28], [sflag:$0x2] =	stream.indirect.gather [hbm4b:s1+s24], $0x80, s22, s24, $0xb8;
	[tilespmem:$0x1F6F8] =	vst v63  }
0xdf: {  	_ = 	snop  }
0xe0: {  	[tilespmem:s29], [sflag:$0x5] =	stream.indirect.gather [hbm4b:s14+s24], $0x1, s22, s24, $0xb8;
	[tilespmem:$0x1F6F8] =	vst v63  }
0xe1: {  	s23 =	simm.s32 $0x1100  }
0xe2: {  	[spmem:s4] =	stream.indirect.scatter.add.f32 [tilespmem:s5], [sflag:$0x9], $0x1, s23, s24, $0xb8;
	[tilespmem:$0x1F6F8] =	vst v63  }
0xe3: {  	_ = 	snop  }
0xe4: {  	[spmem:s3] =	stream.indirect.scatter.add.f32 [tilespmem:s0], [sflag:$0xC], $0x80, s23, s24, $0xb8;
	[tilespmem:$0x1F6F8] =	vst v63  }
0xe5: {  	_ =	swait.ge [sflag:s9], $0x2800  }
0xe6: {  	[sflag:s9] =	ssyncset.done $0x0  }
0xe7: {  	[sflag:s9] =	ssyncadd.s32 $0xFFFFD800  }
0xe8: {  	_ =	swait.ge [sflag:s2], $0x50  }
0xe9: {  	[sflag:s2] =	ssyncset.done $0x0  }
0xea: {  	[sflag:s2] =	ssyncadd.s32 $0xFFFFFFB0  }
0xeb: {  	_ =	swait.ge [sflag:s20], $0x50  }
0xec: {  	[sflag:s20] =	ssyncset.done $0x0  }
0xed: {  	[sflag:s20] =	ssyncadd.s32 $0xFFFFFFB0  }
0xee: {  	_ =	swait.ge [sflag:s21], $0x2800  }
0xef: {  	[sflag:s21] =	ssyncset.done $0x0  }
0xf0: {  	s30 =	simm.s32 $0x280;
	[sflag:s21] =	ssyncadd.s32 $0xFFFFD800  }
0xf1: {  	[tilespmem:s0], [sflag:$0x3] =	stream.indirect.gather [hbm4b:s1+s24], $0x80, s30, s24, $0xb8;
	[tilespmem:$0x1F6F8] =	vst v63  }
0xf2: {  	_ = 	snop  }
0xf3: {  	[tilespmem:s5], [sflag:$0x6] =	stream.indirect.gather [hbm4b:s14+s24], $0x1, s30, s24, $0xb8;
	[tilespmem:$0x1F6F8] =	vst v63  }
0xf4: {  	s12 =	simm.s32 $0x600;
	s22 =	simm.s32 $0x1180  }
0xf5: {  	[spmem:s4] =	stream.indirect.scatter.add.f32 [tilespmem:s25], [sflag:$0x7], $0x1, s22, s24, $0xb8;
	[tilespmem:$0x1F6F8] =	vst v63  }
.LBB2_4:
0xf6: {  	[spmem:s3] =	stream.indirect.scatter.add.f32 [tilespmem:s8], [sflag:$0xA], $0x80, s22, s24, $0xb8;
	[tilespmem:$0x1F6F8] =	vst v63  }
0xf7: {  	s22 =	smov.u32 s12  }
0xf8: {  	p0 =	sne.s32 s12, $0x2400;
	s12 =	sadd.s32 $0x600, s12;
	_ =	swait.ge [sflag:s10], $0x2800  }
0xf9: {  	[sflag:s10] =	ssyncset.done $0x0  }
0xfa: {  	[sflag:s10] =	ssyncadd.s32 $0xFFFFD800  }
0xfb: {  	_ =	swait.ge [sflag:s6], $0x50  }
0xfc: {  	[sflag:s6] =	ssyncset.done $0x0  }
0xfd: {  	[sflag:s6] =	ssyncadd.s32 $0xFFFFFFB0  }
0xfe: {  	_ =	swait.ge [sflag:s7], $0x50  }
0xff: {  	[sflag:s7] =	ssyncset.done $0x0  }
0x100: {  	[sflag:s7] =	ssyncadd.s32 $0xFFFFFFB0  }
0x101: {  	_ =	swait.ge [sflag:s15], $0x2800  }
0x102: {  	s22 =	sshra.s32 s22, $0x2;
	[sflag:s15] =	ssyncset.done $0x0  }
0x103: {  	s23 =	sadd.s32 $0x180, s22;
	[sflag:s15] =	ssyncadd.s32 $0xFFFFD800  }
0x104: {  	[tilespmem:s8], [sflag:$0x1] =	stream.indirect.gather [hbm4b:s1+s24], $0x80, s23, s24, $0xb8;
	[tilespmem:$0x1F6F8] =	vst v63  }
0x105: {  	_ = 	snop  }
0x106: {  	[tilespmem:s25], [sflag:$0x4] =	stream.indirect.gather [hbm4b:s14+s24], $0x1, s23, s24, $0xb8;
	[tilespmem:$0x1F6F8] =	vst v63  }
0x107: {  	s23 =	sadd.s32 $0x1080, s22  }
0x108: {  	[spmem:s4] =	stream.indirect.scatter.add.f32 [tilespmem:s29], [sflag:$0x8], $0x1, s23, s24, $0xb8;
	[tilespmem:$0x1F6F8] =	vst v63  }
0x109: {  	_ = 	snop  }
0x10a: {  	[spmem:s3] =	stream.indirect.scatter.add.f32 [tilespmem:s28], [sflag:$0xB], $0x80, s23, s24, $0xb8;
	[tilespmem:$0x1F6F8] =	vst v63  }
0x10b: {  	_ =	swait.ge [sflag:s16], $0x2800  }
0x10c: {  	[sflag:s16] =	ssyncset.done $0x0  }
0x10d: {  	[sflag:s16] =	ssyncadd.s32 $0xFFFFD800  }
0x10e: {  	_ =	swait.ge [sflag:s17], $0x50  }
0x10f: {  	[sflag:s17] =	ssyncset.done $0x0  }
0x110: {  	[sflag:s17] =	ssyncadd.s32 $0xFFFFFFB0  }
0x111: {  	_ =	swait.ge [sflag:s18], $0x50  }
0x112: {  	[sflag:s18] =	ssyncset.done $0x0  }
0x113: {  	[sflag:s18] =	ssyncadd.s32 $0xFFFFFFB0  }
0x114: {  	_ =	swait.ge [sflag:s19], $0x2800  }
0x115: {  	[sflag:s19] =	ssyncset.done $0x0  }
0x116: {  	s23 =	sadd.s32 $0x200, s22;
	[sflag:s19] =	ssyncadd.s32 $0xFFFFD800  }
0x117: {  	[tilespmem:s28], [sflag:$0x2] =	stream.indirect.gather [hbm4b:s1+s24], $0x80, s23, s24, $0xb8;
	[tilespmem:$0x1F6F8] =	vst v63  }
0x118: {  	_ = 	snop  }
0x119: {  	[tilespmem:s29], [sflag:$0x5] =	stream.indirect.gather [hbm4b:s14+s24], $0x1, s23, s24, $0xb8;
	[tilespmem:$0x1F6F8] =	vst v63  }
0x11a: {  	s23 =	sadd.s32 $0x1100, s22  }
0x11b: {  	[spmem:s4] =	stream.indirect.scatter.add.f32 [tilespmem:s5], [sflag:$0x9], $0x1, s23, s24, $0xb8;
	[tilespmem:$0x1F6F8] =	vst v63  }
0x11c: {  	_ = 	snop  }
0x11d: {  	[spmem:s3] =	stream.indirect.scatter.add.f32 [tilespmem:s0], [sflag:$0xC], $0x80, s23, s24, $0xb8;
	[tilespmem:$0x1F6F8] =	vst v63  }
0x11e: {  	_ =	swait.ge [sflag:s9], $0x2800  }
0x11f: {  	[sflag:s9] =	ssyncset.done $0x0  }
0x120: {  	[sflag:s9] =	ssyncadd.s32 $0xFFFFD800  }
0x121: {  	_ =	swait.ge [sflag:s2], $0x50  }
0x122: {  	[sflag:s2] =	ssyncset.done $0x0  }
0x123: {  	[sflag:s2] =	ssyncadd.s32 $0xFFFFFFB0  }
0x124: {  	_ =	swait.ge [sflag:s20], $0x50  }
0x125: {  	[sflag:s20] =	ssyncset.done $0x0  }
0x126: {  	[sflag:s20] =	ssyncadd.s32 $0xFFFFFFB0  }
0x127: {  	_ =	swait.ge [sflag:s21], $0x2800  }
0x128: {  	[sflag:s21] =	ssyncset.done $0x0  }
0x129: {  	s23 =	sadd.s32 $0x280, s22;
	[sflag:s21] =	ssyncadd.s32 $0xFFFFD800  }
0x12a: {  	[tilespmem:s0], [sflag:$0x3] =	stream.indirect.gather [hbm4b:s1+s24], $0x80, s23, s24, $0xb8;
	[tilespmem:$0x1F6F8] =	vst v63  }
.Ltmp1:
0x12b: {  	_ = 	snop;
	(pc) =	sbr.rel @p0 .LBB2_4-.Ltmp1, $4  }
0x12c: {  	_ = 	snop  }
0x12d: {  	[tilespmem:s5], [sflag:$0x6] =	stream.indirect.gather [hbm4b:s14+s24], $0x1, s23, s24, $0xb8;
	[tilespmem:$0x1F6F8] =	vst v63  }
0x12e: {  	s22 =	sadd.s32 $0x1180, s22  }
0x12f: {  	[spmem:s4] =	stream.indirect.scatter.add.f32 [tilespmem:s25], [sflag:$0x7], $0x1, s22, s24, $0xb8;
	[tilespmem:$0x1F6F8] =	vst v63  }
0x130: {  	[spmem:s3] =	stream.indirect.scatter.add.f32 [tilespmem:s8], [sflag:$0xA], $0x80, s22, s24, $0xb8;
	[tilespmem:$0x1F6F8] =	vst v63  }
0x131: {  	_ =	swait.ge [sflag:s10], $0x2800  }
0x132: {  	[sflag:s10] =	ssyncset.done $0x0  }
0x133: {  	[sflag:s10] =	ssyncadd.s32 $0xFFFFD800  }
0x134: {  	_ =	swait.ge [sflag:s6], $0x50  }
0x135: {  	[sflag:s6] =	ssyncset.done $0x0  }
0x136: {  	[sflag:s6] =	ssyncadd.s32 $0xFFFFFFB0  }
0x137: {  	_ =	swait.ge [sflag:s7], $0x50  }
0x138: {  	[sflag:s7] =	ssyncset.done $0x0  }
0x139: {  	[sflag:s7] =	ssyncadd.s32 $0xFFFFFFB0  }
0x13a: {  	_ =	swait.ge [sflag:s15], $0x2800  }
0x13b: {  	[sflag:s15] =	ssyncset.done $0x0  }
0x13c: {  	s12 =	simm.s32 $0xC00;
	[sflag:s15] =	ssyncadd.s32 $0xFFFFD800  }
0x13d: {  	[tilespmem:s8], [sflag:$0x1] =	stream.indirect.gather [hbm4b:s1+s24], $0x80, s12, s24, $0xb8;
	[tilespmem:$0x1F6F8] =	vst v63  }
0x13e: {  	_ = 	snop  }
0x13f: {  	[tilespmem:s25], [sflag:$0x4] =	stream.indirect.gather [hbm4b:s14+s24], $0x1, s12, s24, $0xb8;
	[tilespmem:$0x1F6F8] =	vst v63  }
0x140: {  	s22 =	simm.s32 $0x1B00  }
0x141: {  	[spmem:s4] =	stream.indirect.scatter.add.f32 [tilespmem:s29], [sflag:$0x8], $0x1, s22, s24, $0xb8;
	[tilespmem:$0x1F6F8] =	vst v63  }
0x142: {  	_ = 	snop  }
0x143: {  	[spmem:s3] =	stream.indirect.scatter.add.f32 [tilespmem:s28], [sflag:$0xB], $0x80, s22, s24, $0xb8;
	[tilespmem:$0x1F6F8] =	vst v63  }
0x144: {  	_ =	swait.ge [sflag:s16], $0x2800  }
0x145: {  	[sflag:s16] =	ssyncset.done $0x0  }
0x146: {  	[sflag:s16] =	ssyncadd.s32 $0xFFFFD800  }
0x147: {  	_ =	swait.ge [sflag:s17], $0x50  }
0x148: {  	[sflag:s17] =	ssyncset.done $0x0  }
0x149: {  	[sflag:s17] =	ssyncadd.s32 $0xFFFFFFB0  }
0x14a: {  	_ =	swait.ge [sflag:s18], $0x50  }
0x14b: {  	[sflag:s18] =	ssyncset.done $0x0  }
0x14c: {  	[sflag:s18] =	ssyncadd.s32 $0xFFFFFFB0  }
0x14d: {  	_ =	swait.ge [sflag:s19], $0x2800  }
0x14e: {  	[sflag:s19] =	ssyncset.done $0x0  }
0x14f: {  	s23 =	simm.s32 $0x2000;
	[sflag:s19] =	ssyncadd.s32 $0xFFFFD800  }
0x150: {  	[tilespmem:s28], [sflag:$0x2] =	stream.indirect.gather [hbm4b:s1+s24], $0x80, s23, s24, $0xb8;
	[tilespmem:$0x1F6F8] =	vst v63  }
0x151: {  	_ = 	snop  }
0x152: {  	[tilespmem:s29], [sflag:$0x5] =	stream.indirect.gather [hbm4b:s14+s24], $0x1, s23, s24, $0xb8;
	[tilespmem:$0x1F6F8] =	vst v63  }
0x153: {  	s22 =	simm.s32 $0x1B80  }
0x154: {  	[spmem:s4] =	stream.indirect.scatter.add.f32 [tilespmem:s5], [sflag:$0x9], $0x1, s22, s24, $0xb8;
	[tilespmem:$0x1F6F8] =	vst v63  }
0x155: {  	_ = 	snop  }
0x156: {  	[spmem:s3] =	stream.indirect.scatter.add.f32 [tilespmem:s0], [sflag:$0xC], $0x80, s22, s24, $0xb8;
	[tilespmem:$0x1F6F8] =	vst v63  }
0x157: {  	_ =	swait.ge [sflag:s9], $0x2800  }
0x158: {  	[sflag:s9] =	ssyncset.done $0x0  }
0x159: {  	[sflag:s9] =	ssyncadd.s32 $0xFFFFD800  }
0x15a: {  	_ =	swait.ge [sflag:s2], $0x50  }
0x15b: {  	[sflag:s2] =	ssyncset.done $0x0  }
0x15c: {  	[sflag:s2] =	ssyncadd.s32 $0xFFFFFFB0  }
0x15d: {  	_ =	swait.ge [sflag:s20], $0x50  }
0x15e: {  	[sflag:s20] =	ssyncset.done $0x0  }
0x15f: {  	[sflag:s20] =	ssyncadd.s32 $0xFFFFFFB0  }
0x160: {  	_ =	swait.ge [sflag:s21], $0x2800  }
0x161: {  	[sflag:s21] =	ssyncset.done $0x0  }
0x162: {  	s23 =	simm.s32 $0x2080;
	[sflag:s21] =	ssyncadd.s32 $0xFFFFD800  }
0x163: {  	[tilespmem:s0], [sflag:$0x3] =	stream.indirect.gather [hbm4b:s1+s24], $0x80, s23, s24, $0xb8;
	[tilespmem:$0x1F6F8] =	vst v63  }
0x164: {  	_ = 	snop  }
0x165: {  	[tilespmem:s5], [sflag:$0x6] =	stream.indirect.gather [hbm4b:s14+s24], $0x1, s23, s24, $0xb8;
	[tilespmem:$0x1F6F8] =	vst v63  }
0x166: {  	s22 =	simm.s32 $0x1C00  }
0x167: {  	[spmem:s4] =	stream.indirect.scatter.add.f32 [tilespmem:s25], [sflag:$0x7], $0x1, s22, s24, $0xb8;
	[tilespmem:$0x1F6F8] =	vst v63  }
0x168: {  	_ = 	snop  }
0x169: {  	[spmem:s3] =	stream.indirect.scatter.add.f32 [tilespmem:s8], [sflag:$0xA], $0x80, s22, s24, $0xb8;
	[tilespmem:$0x1F6F8] =	vst v63  }
0x16a: {  	s12 =	simm.s32 $0x0;
	s23 =	rddreg [dreg:$0x1a]  }
0x16b: {  	[tilespmem:s12], [sflag:$0xD] =	stream.linear.gather [hbm4b:s23+s12], $0xC80, $0x38;
	[tilespmem:$0x1F6F8] =	vst v63  }
0x16c: {  	_ =	swait.ge [sflag:s11], $0xC80  }
0x16d: {  	[sflag:s11] =	ssyncset.done $0x0  }
0x16e: {  	s23 =	rddreg [dreg:$0x1b];
	[sflag:s11] =	ssyncadd.s32 $0xFFFFF380  }
0x16f: {  	[tilespmem:s13], [sflag:$0xD] =	stream.linear.gather [hbm4b:s23+s12], $0xC80, $0x38;
	[tilespmem:$0x1F6F8] =	vst v63  }
0x170: {  	_ =	swait.ge [sflag:s11], $0xC80  }
0x171: {  	[sflag:s11] =	ssyncset.done $0x0  }
0x172: {  	[sflag:s11] =	ssyncadd.s32 $0xFFFFF380  }
0x173: {  	_ =	swait.ge [sflag:s10], $0x2800  }
0x174: {  	[sflag:s10] =	ssyncset.done $0x0  }
0x175: {  	[sflag:s10] =	ssyncadd.s32 $0xFFFFD800  }
0x176: {  	_ =	swait.ge [sflag:s6], $0x50  }
0x177: {  	[sflag:s6] =	ssyncset.done $0x0  }
0x178: {  	[sflag:s6] =	ssyncadd.s32 $0xFFFFFFB0  }
0x179: {  	_ =	swait.ge [sflag:s7], $0x50  }
0x17a: {  	[sflag:s7] =	ssyncset.done $0x0  }
0x17b: {  	[sflag:s7] =	ssyncadd.s32 $0xFFFFFFB0  }
0x17c: {  	_ =	swait.ge [sflag:s15], $0x2800  }
0x17d: {  	[sflag:s15] =	ssyncset.done $0x0  }
0x17e: {  	s13 =	simm.s32 $0x2100;
	[sflag:s15] =	ssyncadd.s32 $0xFFFFD800  }
0x17f: {  	[tilespmem:s8], [sflag:$0x1] =	stream.indirect.gather [hbm4b:s1+s24], $0x80, s13, s24, $0xb8;
	[tilespmem:$0x1F6F8] =	vst v63  }
0x180: {  	_ = 	snop  }
0x181: {  	[tilespmem:s25], [sflag:$0x4] =	stream.indirect.gather [hbm4b:s14+s24], $0x1, s13, s24, $0xb8;
	[tilespmem:$0x1F6F8] =	vst v63  }
0x182: {  	s22 =	simm.s32 $0x3000  }
0x183: {  	[spmem:s4] =	stream.indirect.scatter.add.f32 [tilespmem:s29], [sflag:$0x8], $0x1, s22, s24, $0xb8;
	[tilespmem:$0x1F6F8] =	vst v63  }
0x184: {  	_ = 	snop  }
0x185: {  	[spmem:s3] =	stream.indirect.scatter.add.f32 [tilespmem:s28], [sflag:$0xB], $0x80, s22, s24, $0xb8;
	[tilespmem:$0x1F6F8] =	vst v63  }
0x186: {  	_ =	swait.ge [sflag:s16], $0x2800  }
0x187: {  	[sflag:s16] =	ssyncset.done $0x0  }
0x188: {  	[sflag:s16] =	ssyncadd.s32 $0xFFFFD800  }
0x189: {  	_ =	swait.ge [sflag:s17], $0x50  }
0x18a: {  	[sflag:s17] =	ssyncset.done $0x0  }
0x18b: {  	[sflag:s17] =	ssyncadd.s32 $0xFFFFFFB0  }
0x18c: {  	_ =	swait.ge [sflag:s18], $0x50  }
0x18d: {  	[sflag:s18] =	ssyncset.done $0x0  }
0x18e: {  	[sflag:s18] =	ssyncadd.s32 $0xFFFFFFB0  }
0x18f: {  	_ =	swait.ge [sflag:s19], $0x2800  }
0x190: {  	[sflag:s19] =	ssyncset.done $0x0  }
0x191: {  	s23 =	simm.s32 $0x2180;
	[sflag:s19] =	ssyncadd.s32 $0xFFFFD800  }
0x192: {  	[tilespmem:s28], [sflag:$0x2] =	stream.indirect.gather [hbm4b:s1+s24], $0x80, s23, s24, $0xb8;
	[tilespmem:$0x1F6F8] =	vst v63  }
0x193: {  	_ = 	snop  }
0x194: {  	[tilespmem:s29], [sflag:$0x5] =	stream.indirect.gather [hbm4b:s14+s24], $0x1, s23, s24, $0xb8;
	[tilespmem:$0x1F6F8] =	vst v63  }
0x195: {  	s22 =	simm.s32 $0x3080  }
0x196: {  	[spmem:s4] =	stream.indirect.scatter.add.f32 [tilespmem:s5], [sflag:$0x9], $0x1, s22, s24, $0xb8;
	[tilespmem:$0x1F6F8] =	vst v63  }
0x197: {  	_ = 	snop  }
0x198: {  	[spmem:s3] =	stream.indirect.scatter.add.f32 [tilespmem:s0], [sflag:$0xC], $0x80, s22, s24, $0xb8;
	[tilespmem:$0x1F6F8] =	vst v63  }
0x199: {  	_ =	swait.ge [sflag:s9], $0x2800  }
0x19a: {  	[sflag:s9] =	ssyncset.done $0x0  }
0x19b: {  	[sflag:s9] =	ssyncadd.s32 $0xFFFFD800  }
0x19c: {  	_ =	swait.ge [sflag:s2], $0x50  }
0x19d: {  	[sflag:s2] =	ssyncset.done $0x0  }
0x19e: {  	[sflag:s2] =	ssyncadd.s32 $0xFFFFFFB0  }
0x19f: {  	_ =	swait.ge [sflag:s20], $0x50  }
0x1a0: {  	[sflag:s20] =	ssyncset.done $0x0  }
0x1a1: {  	[sflag:s20] =	ssyncadd.s32 $0xFFFFFFB0  }
0x1a2: {  	_ =	swait.ge [sflag:s21], $0x2800  }
0x1a3: {  	[sflag:s21] =	ssyncset.done $0x0  }
0x1a4: {  	s23 =	simm.s32 $0x2200;
	[sflag:s21] =	ssyncadd.s32 $0xFFFFD800  }
0x1a5: {  	[tilespmem:s0], [sflag:$0x3] =	stream.indirect.gather [hbm4b:s1+s24], $0x80, s23, s24, $0xb8;
	[tilespmem:$0x1F6F8] =	vst v63  }
0x1a6: {  	_ = 	snop  }
0x1a7: {  	[tilespmem:s5], [sflag:$0x6] =	stream.indirect.gather [hbm4b:s14+s24], $0x1, s23, s24, $0xb8;
	[tilespmem:$0x1F6F8] =	vst v63  }
0x1a8: {  	s22 =	simm.s32 $0x3100  }
0x1a9: {  	[spmem:s4] =	stream.indirect.scatter.add.f32 [tilespmem:s25], [sflag:$0x7], $0x1, s22, s24, $0xb8;
	[tilespmem:$0x1F6F8] =	vst v63  }
0x1aa: {  	_ = 	snop  }
0x1ab: {  	[spmem:s3] =	stream.indirect.scatter.add.f32 [tilespmem:s8], [sflag:$0xA], $0x80, s22, s24, $0xb8;
	[tilespmem:$0x1F6F8] =	vst v63  }
0x1ac: {  	_ =	swait.ge [sflag:s10], $0x2800  }
0x1ad: {  	[sflag:s10] =	ssyncset.done $0x0  }
0x1ae: {  	[sflag:s10] =	ssyncadd.s32 $0xFFFFD800  }
0x1af: {  	_ =	swait.ge [sflag:s6], $0x50  }
0x1b0: {  	[sflag:s6] =	ssyncset.done $0x0  }
0x1b1: {  	[sflag:s6] =	ssyncadd.s32 $0xFFFFFFB0  }
0x1b2: {  	_ =	swait.ge [sflag:s7], $0x50  }
0x1b3: {  	[sflag:s7] =	ssyncset.done $0x0  }
0x1b4: {  	[sflag:s7] =	ssyncadd.s32 $0xFFFFFFB0  }
0x1b5: {  	_ =	swait.ge [sflag:s15], $0x2800  }
0x1b6: {  	[sflag:s15] =	ssyncset.done $0x0  }
0x1b7: {  	s23 =	simm.s32 $0x2280;
	[sflag:s15] =	ssyncadd.s32 $0xFFFFD800  }
0x1b8: {  	[tilespmem:s8], [sflag:$0x1] =	stream.indirect.gather [hbm4b:s1+s24], $0x80, s23, s24, $0xb8;
	[tilespmem:$0x1F6F8] =	vst v63  }
0x1b9: {  	s30 =	simm.s32 $0x2000  }
0x1ba: {  	[tilespmem:s25], [sflag:$0x4] =	stream.indirect.gather [hbm4b:s14+s24], $0x1, s23, s24, $0xb8;
	[tilespmem:$0x1F6F8] =	vst v63  }
0x1bb: {  	s12 =	simm.s32 $0x600;
	s13 =	simm.s32 $0x3000;
	s22 =	simm.s32 $0x3180  }
0x1bc: {  	[spmem:s4] =	stream.indirect.scatter.add.f32 [tilespmem:s29], [sflag:$0x8], $0x1, s22, s24, $0xb8;
	[tilespmem:$0x1F6F8] =	vst v63  }
.LBB2_6:
0x1bd: {  	[spmem:s3] =	stream.indirect.scatter.add.f32 [tilespmem:s28], [sflag:$0xB], $0x80, s22, s24, $0xb8;
	[tilespmem:$0x1F6F8] =	vst v63  }
0x1be: {  	s22 =	smov.u32 s12  }
0x1bf: {  	p0 =	sne.s32 s12, $0x2400;
	s12 =	sadd.s32 $0x600, s12;
	_ =	swait.ge [sflag:s16], $0x2800  }
0x1c0: {  	[sflag:s16] =	ssyncset.done $0x0  }
0x1c1: {  	[sflag:s16] =	ssyncadd.s32 $0xFFFFD800  }
0x1c2: {  	_ =	swait.ge [sflag:s17], $0x50  }
0x1c3: {  	[sflag:s17] =	ssyncset.done $0x0  }
0x1c4: {  	[sflag:s17] =	ssyncadd.s32 $0xFFFFFFB0  }
0x1c5: {  	_ =	swait.ge [sflag:s18], $0x50  }
0x1c6: {  	[sflag:s18] =	ssyncset.done $0x0  }
0x1c7: {  	[sflag:s18] =	ssyncadd.s32 $0xFFFFFFB0  }
0x1c8: {  	_ =	swait.ge [sflag:s19], $0x2800  }
0x1c9: {  	s22 =	sshra.s32 s22, $0x2;
	[sflag:s19] =	ssyncset.done $0x0  }
0x1ca: {  	s23 =	sadd.s32 $0x2180, s22;
	[sflag:s19] =	ssyncadd.s32 $0xFFFFD800  }
0x1cb: {  	[tilespmem:s28], [sflag:$0x2] =	stream.indirect.gather [hbm4b:s1+s24], $0x80, s23, s24, $0xb8;
	[tilespmem:$0x1F6F8] =	vst v63  }
0x1cc: {  	_ = 	snop  }
0x1cd: {  	[tilespmem:s29], [sflag:$0x5] =	stream.indirect.gather [hbm4b:s14+s24], $0x1, s23, s24, $0xb8;
	[tilespmem:$0x1F6F8] =	vst v63  }
0x1ce: {  	s23 =	sadd.s32 $0x3080, s22  }
0x1cf: {  	[spmem:s4] =	stream.indirect.scatter.add.f32 [tilespmem:s5], [sflag:$0x9], $0x1, s23, s24, $0xb8;
	[tilespmem:$0x1F6F8] =	vst v63  }
0x1d0: {  	_ = 	snop  }
0x1d1: {  	[spmem:s3] =	stream.indirect.scatter.add.f32 [tilespmem:s0], [sflag:$0xC], $0x80, s23, s24, $0xb8;
	[tilespmem:$0x1F6F8] =	vst v63  }
0x1d2: {  	_ =	swait.ge [sflag:s9], $0x2800  }
0x1d3: {  	[sflag:s9] =	ssyncset.done $0x0  }
0x1d4: {  	[sflag:s9] =	ssyncadd.s32 $0xFFFFD800  }
0x1d5: {  	_ =	swait.ge [sflag:s2], $0x50  }
0x1d6: {  	[sflag:s2] =	ssyncset.done $0x0  }
0x1d7: {  	[sflag:s2] =	ssyncadd.s32 $0xFFFFFFB0  }
0x1d8: {  	_ =	swait.ge [sflag:s20], $0x50  }
0x1d9: {  	[sflag:s20] =	ssyncset.done $0x0  }
0x1da: {  	[sflag:s20] =	ssyncadd.s32 $0xFFFFFFB0  }
0x1db: {  	_ =	swait.ge [sflag:s21], $0x2800  }
0x1dc: {  	[sflag:s21] =	ssyncset.done $0x0  }
0x1dd: {  	s23 =	sadd.s32 $0x2200, s22;
	[sflag:s21] =	ssyncadd.s32 $0xFFFFD800  }
0x1de: {  	[tilespmem:s0], [sflag:$0x3] =	stream.indirect.gather [hbm4b:s1+s24], $0x80, s23, s24, $0xb8;
	[tilespmem:$0x1F6F8] =	vst v63  }
0x1df: {  	_ = 	snop  }
0x1e0: {  	[tilespmem:s5], [sflag:$0x6] =	stream.indirect.gather [hbm4b:s14+s24], $0x1, s23, s24, $0xb8;
	[tilespmem:$0x1F6F8] =	vst v63  }
0x1e1: {  	s23 =	sadd.s32 $0x3100, s22  }
0x1e2: {  	[spmem:s4] =	stream.indirect.scatter.add.f32 [tilespmem:s25], [sflag:$0x7], $0x1, s23, s24, $0xb8;
	[tilespmem:$0x1F6F8] =	vst v63  }
0x1e3: {  	_ = 	snop  }
0x1e4: {  	[spmem:s3] =	stream.indirect.scatter.add.f32 [tilespmem:s8], [sflag:$0xA], $0x80, s23, s24, $0xb8;
	[tilespmem:$0x1F6F8] =	vst v63  }
0x1e5: {  	_ =	swait.ge [sflag:s10], $0x2800  }
0x1e6: {  	[sflag:s10] =	ssyncset.done $0x0  }
0x1e7: {  	[sflag:s10] =	ssyncadd.s32 $0xFFFFD800  }
0x1e8: {  	_ =	swait.ge [sflag:s6], $0x50  }
0x1e9: {  	[sflag:s6] =	ssyncset.done $0x0  }
0x1ea: {  	[sflag:s6] =	ssyncadd.s32 $0xFFFFFFB0  }
0x1eb: {  	_ =	swait.ge [sflag:s7], $0x50  }
0x1ec: {  	[sflag:s7] =	ssyncset.done $0x0  }
0x1ed: {  	[sflag:s7] =	ssyncadd.s32 $0xFFFFFFB0  }
0x1ee: {  	_ =	swait.ge [sflag:s15], $0x2800  }
0x1ef: {  	[sflag:s15] =	ssyncset.done $0x0  }
0x1f0: {  	s23 =	sadd.s32 $0x2280, s22;
	[sflag:s15] =	ssyncadd.s32 $0xFFFFD800  }
0x1f1: {  	[tilespmem:s8], [sflag:$0x1] =	stream.indirect.gather [hbm4b:s1+s24], $0x80, s23, s24, $0xb8;
	[tilespmem:$0x1F6F8] =	vst v63  }
.Ltmp2:
0x1f2: {  	_ = 	snop;
	(pc) =	sbr.rel @p0 .LBB2_6-.Ltmp2, $4  }
0x1f3: {  	_ = 	snop  }
0x1f4: {  	[tilespmem:s25], [sflag:$0x4] =	stream.indirect.gather [hbm4b:s14+s24], $0x1, s23, s24, $0xb8;
	[tilespmem:$0x1F6F8] =	vst v63  }
0x1f5: {  	s22 =	sadd.s32 $0x3180, s22  }
0x1f6: {  	[spmem:s4] =	stream.indirect.scatter.add.f32 [tilespmem:s29], [sflag:$0x8], $0x1, s22, s24, $0xb8;
	[tilespmem:$0x1F6F8] =	vst v63  }
0x1f7: {  	[spmem:s3] =	stream.indirect.scatter.add.f32 [tilespmem:s28], [sflag:$0xB], $0x80, s22, s24, $0xb8;
	[tilespmem:$0x1F6F8] =	vst v63  }
0x1f8: {  	_ =	swait.ge [sflag:s16], $0x2800  }
0x1f9: {  	[sflag:s16] =	ssyncset.done $0x0  }
0x1fa: {  	[sflag:s16] =	ssyncadd.s32 $0xFFFFD800  }
0x1fb: {  	_ =	swait.ge [sflag:s17], $0x50  }
0x1fc: {  	[sflag:s17] =	ssyncset.done $0x0  }
0x1fd: {  	[sflag:s17] =	ssyncadd.s32 $0xFFFFFFB0  }
0x1fe: {  	_ =	swait.ge [sflag:s18], $0x50  }
0x1ff: {  	[sflag:s18] =	ssyncset.done $0x0  }
0x200: {  	[sflag:s18] =	ssyncadd.s32 $0xFFFFFFB0  }
0x201: {  	_ =	swait.ge [sflag:s19], $0x2800  }
0x202: {  	[sflag:s19] =	ssyncset.done $0x0  }
0x203: {  	s12 =	simm.s32 $0x2C00;
	[sflag:s19] =	ssyncadd.s32 $0xFFFFD800  }
0x204: {  	[tilespmem:s28], [sflag:$0x2] =	stream.indirect.gather [hbm4b:s1+s24], $0x80, s12, s24, $0xb8;
	[tilespmem:$0x1F6F8] =	vst v63  }
0x205: {  	_ = 	snop  }
0x206: {  	[tilespmem:s29], [sflag:$0x5] =	stream.indirect.gather [hbm4b:s14+s24], $0x1, s12, s24, $0xb8;
	[tilespmem:$0x1F6F8] =	vst v63  }
0x207: {  	s22 =	simm.s32 $0x3B00  }
0x208: {  	[spmem:s4] =	stream.indirect.scatter.add.f32 [tilespmem:s5], [sflag:$0x9], $0x1, s22, s24, $0xb8;
	[tilespmem:$0x1F6F8] =	vst v63  }
0x209: {  	_ = 	snop  }
0x20a: {  	[spmem:s3] =	stream.indirect.scatter.add.f32 [tilespmem:s0], [sflag:$0xC], $0x80, s22, s24, $0xb8;
	[tilespmem:$0x1F6F8] =	vst v63  }
0x20b: {  	_ =	swait.ge [sflag:s9], $0x2800  }
0x20c: {  	[sflag:s9] =	ssyncset.done $0x0  }
0x20d: {  	[sflag:s9] =	ssyncadd.s32 $0xFFFFD800  }
0x20e: {  	_ =	swait.ge [sflag:s2], $0x50  }
0x20f: {  	[sflag:s2] =	ssyncset.done $0x0  }
0x210: {  	[sflag:s2] =	ssyncadd.s32 $0xFFFFFFB0  }
0x211: {  	_ =	swait.ge [sflag:s20], $0x50  }
0x212: {  	[sflag:s20] =	ssyncset.done $0x0  }
0x213: {  	[sflag:s20] =	ssyncadd.s32 $0xFFFFFFB0  }
0x214: {  	_ =	swait.ge [sflag:s21], $0x2800  }
0x215: {  	[sflag:s21] =	ssyncset.done $0x0  }
0x216: {  	s12 =	simm.s32 $0x0;
	[sflag:s21] =	ssyncadd.s32 $0xFFFFD800  }
0x217: {  	[tilespmem:s0], [sflag:$0x3] =	stream.indirect.gather [hbm4b:s1+s24], $0x80, s12, s24, $0xb8;
	[tilespmem:$0x1F6F8] =	vst v63  }
0x218: {  	_ = 	snop  }
0x219: {  	[tilespmem:s5], [sflag:$0x6] =	stream.indirect.gather [hbm4b:s14+s24], $0x1, s12, s24, $0xb8;
	[tilespmem:$0x1F6F8] =	vst v63  }
0x21a: {  	s23 =	simm.s32 $0x3B80  }
0x21b: {  	[spmem:s4] =	stream.indirect.scatter.add.f32 [tilespmem:s25], [sflag:$0x7], $0x1, s23, s24, $0xb8;
	[tilespmem:$0x1F6F8] =	vst v63  }
0x21c: {  	_ = 	snop  }
0x21d: {  	[spmem:s3] =	stream.indirect.scatter.add.f32 [tilespmem:s8], [sflag:$0xA], $0x80, s23, s24, $0xb8;
	[tilespmem:$0x1F6F8] =	vst v63  }
0x21e: {  	_ =	swait.ge [sflag:s10], $0x2800  }
0x21f: {  	[sflag:s10] =	ssyncset.done $0x0  }
0x220: {  	[sflag:s10] =	ssyncadd.s32 $0xFFFFD800  }
0x221: {  	_ =	swait.ge [sflag:s6], $0x50  }
0x222: {  	[sflag:s6] =	ssyncset.done $0x0  }
0x223: {  	[sflag:s6] =	ssyncadd.s32 $0xFFFFFFB0  }
0x224: {  	_ =	swait.ge [sflag:s7], $0x50  }
0x225: {  	[sflag:s7] =	ssyncset.done $0x0  }
0x226: {  	[sflag:s7] =	ssyncadd.s32 $0xFFFFFFB0  }
0x227: {  	_ =	swait.ge [sflag:s15], $0x2800  }
0x228: {  	[sflag:s15] =	ssyncset.done $0x0  }
0x229: {  	[sflag:s15] =	ssyncadd.s32 $0xFFFFD800  }
0x22a: {  	[tilespmem:s8], [sflag:$0x1] =	stream.indirect.gather [hbm4b:s1+s24], $0x80, s26, s24, $0xb8;
	[tilespmem:$0x1F6F8] =	vst v63  }
0x22b: {  	_ = 	snop  }
0x22c: {  	[tilespmem:s25], [sflag:$0x4] =	stream.indirect.gather [hbm4b:s14+s24], $0x1, s26, s24, $0xb8;
	[tilespmem:$0x1F6F8] =	vst v63  }
0x22d: {  	s23 =	simm.s32 $0x3C00  }
0x22e: {  	[spmem:s4] =	stream.indirect.scatter.add.f32 [tilespmem:s29], [sflag:$0x8], $0x1, s23, s24, $0xb8;
	[tilespmem:$0x1F6F8] =	vst v63  }
0x22f: {  	_ = 	snop  }
0x230: {  	[spmem:s3] =	stream.indirect.scatter.add.f32 [tilespmem:s28], [sflag:$0xB], $0x80, s23, s24, $0xb8;
	[tilespmem:$0x1F6F8] =	vst v63  }
0x231: {  	s23 =	rddreg [dreg:$0x1c]  }
0x232: {  	[tilespmem:s30], [sflag:$0xD] =	stream.linear.gather [hbm4b:s23+s12], $0xC80, $0x38;
	[tilespmem:$0x1F6F8] =	vst v63  }
0x233: {  	_ =	swait.ge [sflag:s11], $0xC80  }
0x234: {  	[sflag:s11] =	ssyncset.done $0x0  }
0x235: {  	s30 =	rddreg [dreg:$0x1d];
	[sflag:s11] =	ssyncadd.s32 $0xFFFFF380  }
0x236: {  	[tilespmem:s13], [sflag:$0xD] =	stream.linear.gather [hbm4b:s30+s12], $0xC80, $0x38;
	[tilespmem:$0x1F6F8] =	vst v63  }
0x237: {  	_ =	swait.ge [sflag:s11], $0xC80  }
0x238: {  	[sflag:s11] =	ssyncset.done $0x0  }
0x239: {  	[sflag:s11] =	ssyncadd.s32 $0xFFFFF380  }
0x23a: {  	_ =	swait.ge [sflag:s16], $0x2800  }
0x23b: {  	[sflag:s16] =	ssyncset.done $0x0  }
0x23c: {  	[sflag:s16] =	ssyncadd.s32 $0xFFFFD800  }
0x23d: {  	_ =	swait.ge [sflag:s17], $0x50  }
0x23e: {  	[sflag:s17] =	ssyncset.done $0x0  }
0x23f: {  	[sflag:s17] =	ssyncadd.s32 $0xFFFFFFB0  }
0x240: {  	_ =	swait.ge [sflag:s18], $0x50  }
0x241: {  	[sflag:s18] =	ssyncset.done $0x0  }
0x242: {  	[sflag:s18] =	ssyncadd.s32 $0xFFFFFFB0  }
0x243: {  	_ =	swait.ge [sflag:s19], $0x2800  }
0x244: {  	[sflag:s19] =	ssyncset.done $0x0  }
0x245: {  	s22 =	simm.s32 $0x100;
	[sflag:s19] =	ssyncadd.s32 $0xFFFFD800  }
0x246: {  	[tilespmem:s28], [sflag:$0x2] =	stream.indirect.gather [hbm4b:s1+s24], $0x80, s22, s24, $0xb8;
	[tilespmem:$0x1F6F8] =	vst v63  }
0x247: {  	_ = 	snop  }
0x248: {  	[tilespmem:s29], [sflag:$0x5] =	stream.indirect.gather [hbm4b:s14+s24], $0x1, s22, s24, $0xb8;
	[tilespmem:$0x1F6F8] =	vst v63  }
0x249: {  	s13 =	simm.s32 $0x1000  }
0x24a: {  	[spmem:s4] =	stream.indirect.scatter.add.f32 [tilespmem:s5], [sflag:$0x9], $0x1, s13, s24, $0xb8;
	[tilespmem:$0x1F6F8] =	vst v63  }
0x24b: {  	_ = 	snop  }
0x24c: {  	[spmem:s3] =	stream.indirect.scatter.add.f32 [tilespmem:s0], [sflag:$0xC], $0x80, s13, s24, $0xb8;
	[tilespmem:$0x1F6F8] =	vst v63  }
0x24d: {  	_ =	swait.ge [sflag:s9], $0x2800  }
0x24e: {  	[sflag:s9] =	ssyncset.done $0x0  }
0x24f: {  	[sflag:s9] =	ssyncadd.s32 $0xFFFFD800  }
0x250: {  	_ =	swait.ge [sflag:s2], $0x50  }
0x251: {  	[sflag:s2] =	ssyncset.done $0x0  }
0x252: {  	[sflag:s2] =	ssyncadd.s32 $0xFFFFFFB0  }
0x253: {  	_ =	swait.ge [sflag:s20], $0x50  }
0x254: {  	[sflag:s20] =	ssyncset.done $0x0  }
0x255: {  	[sflag:s20] =	ssyncadd.s32 $0xFFFFFFB0  }
0x256: {  	_ =	swait.ge [sflag:s21], $0x2800  }
0x257: {  	[sflag:s21] =	ssyncset.done $0x0  }
0x258: {  	s23 =	simm.s32 $0x180;
	[sflag:s21] =	ssyncadd.s32 $0xFFFFD800  }
0x259: {  	[tilespmem:s0], [sflag:$0x3] =	stream.indirect.gather [hbm4b:s1+s24], $0x80, s23, s24, $0xb8;
	[tilespmem:$0x1F6F8] =	vst v63  }
0x25a: {  	_ = 	snop  }
0x25b: {  	[tilespmem:s5], [sflag:$0x6] =	stream.indirect.gather [hbm4b:s14+s24], $0x1, s23, s24, $0xb8;
	[tilespmem:$0x1F6F8] =	vst v63  }
0x25c: {  	s30 =	simm.s32 $0x1080  }
0x25d: {  	[spmem:s4] =	stream.indirect.scatter.add.f32 [tilespmem:s25], [sflag:$0x7], $0x1, s30, s24, $0xb8;
	[tilespmem:$0x1F6F8] =	vst v63  }
0x25e: {  	_ = 	snop  }
0x25f: {  	[spmem:s3] =	stream.indirect.scatter.add.f32 [tilespmem:s8], [sflag:$0xA], $0x80, s30, s24, $0xb8;
	[tilespmem:$0x1F6F8] =	vst v63  }
0x260: {  	_ =	swait.ge [sflag:s10], $0x2800  }
0x261: {  	[sflag:s10] =	ssyncset.done $0x0  }
0x262: {  	[sflag:s10] =	ssyncadd.s32 $0xFFFFD800  }
0x263: {  	_ =	swait.ge [sflag:s6], $0x50  }
0x264: {  	[sflag:s6] =	ssyncset.done $0x0  }
0x265: {  	[sflag:s6] =	ssyncadd.s32 $0xFFFFFFB0  }
0x266: {  	_ =	swait.ge [sflag:s7], $0x50  }
0x267: {  	[sflag:s7] =	ssyncset.done $0x0  }
0x268: {  	[sflag:s7] =	ssyncadd.s32 $0xFFFFFFB0  }
0x269: {  	_ =	swait.ge [sflag:s15], $0x2800  }
0x26a: {  	[sflag:s15] =	ssyncset.done $0x0  }
0x26b: {  	s22 =	simm.s32 $0x200;
	[sflag:s15] =	ssyncadd.s32 $0xFFFFD800  }
0x26c: {  	[tilespmem:s8], [sflag:$0x1] =	stream.indirect.gather [hbm4b:s1+s24], $0x80, s22, s24, $0xb8;
	[tilespmem:$0x1F6F8] =	vst v63  }
0x26d: {  	_ = 	snop  }
0x26e: {  	[tilespmem:s25], [sflag:$0x4] =	stream.indirect.gather [hbm4b:s14+s24], $0x1, s22, s24, $0xb8;
	[tilespmem:$0x1F6F8] =	vst v63  }
0x26f: {  	s23 =	simm.s32 $0x1100  }
0x270: {  	[spmem:s4] =	stream.indirect.scatter.add.f32 [tilespmem:s29], [sflag:$0x8], $0x1, s23, s24, $0xb8;
	[tilespmem:$0x1F6F8] =	vst v63  }
0x271: {  	_ = 	snop  }
0x272: {  	[spmem:s3] =	stream.indirect.scatter.add.f32 [tilespmem:s28], [sflag:$0xB], $0x80, s23, s24, $0xb8;
	[tilespmem:$0x1F6F8] =	vst v63  }
0x273: {  	_ =	swait.ge [sflag:s16], $0x2800  }
0x274: {  	[sflag:s16] =	ssyncset.done $0x0  }
0x275: {  	[sflag:s16] =	ssyncadd.s32 $0xFFFFD800  }
0x276: {  	_ =	swait.ge [sflag:s17], $0x50  }
0x277: {  	[sflag:s17] =	ssyncset.done $0x0  }
0x278: {  	[sflag:s17] =	ssyncadd.s32 $0xFFFFFFB0  }
0x279: {  	_ =	swait.ge [sflag:s18], $0x50  }
0x27a: {  	[sflag:s18] =	ssyncset.done $0x0  }
0x27b: {  	[sflag:s18] =	ssyncadd.s32 $0xFFFFFFB0  }
0x27c: {  	_ =	swait.ge [sflag:s19], $0x2800  }
0x27d: {  	[sflag:s19] =	ssyncset.done $0x0  }
0x27e: {  	s30 =	simm.s32 $0x280;
	[sflag:s19] =	ssyncadd.s32 $0xFFFFD800  }
0x27f: {  	[tilespmem:s28], [sflag:$0x2] =	stream.indirect.gather [hbm4b:s1+s24], $0x80, s30, s24, $0xb8;
	[tilespmem:$0x1F6F8] =	vst v63  }
0x280: {  	_ = 	snop  }
0x281: {  	[tilespmem:s29], [sflag:$0x5] =	stream.indirect.gather [hbm4b:s14+s24], $0x1, s30, s24, $0xb8;
	[tilespmem:$0x1F6F8] =	vst v63  }
0x282: {  	s12 =	simm.s32 $0x600;
	s22 =	simm.s32 $0x1180  }
0x283: {  	[spmem:s4] =	stream.indirect.scatter.add.f32 [tilespmem:s5], [sflag:$0x9], $0x1, s22, s24, $0xb8;
	[tilespmem:$0x1F6F8] =	vst v63  }
.LBB2_8:
0x284: {  	[spmem:s3] =	stream.indirect.scatter.add.f32 [tilespmem:s0], [sflag:$0xC], $0x80, s22, s24, $0xb8;
	[tilespmem:$0x1F6F8] =	vst v63  }
0x285: {  	s22 =	smov.u32 s12  }
0x286: {  	p0 =	sne.s32 s12, $0x2400;
	s12 =	sadd.s32 $0x600, s12;
	_ =	swait.ge [sflag:s9], $0x2800  }
0x287: {  	[sflag:s9] =	ssyncset.done $0x0  }
0x288: {  	[sflag:s9] =	ssyncadd.s32 $0xFFFFD800  }
0x289: {  	_ =	swait.ge [sflag:s2], $0x50  }
0x28a: {  	[sflag:s2] =	ssyncset.done $0x0  }
0x28b: {  	[sflag:s2] =	ssyncadd.s32 $0xFFFFFFB0  }
0x28c: {  	_ =	swait.ge [sflag:s20], $0x50  }
0x28d: {  	[sflag:s20] =	ssyncset.done $0x0  }
0x28e: {  	[sflag:s20] =	ssyncadd.s32 $0xFFFFFFB0  }
0x28f: {  	_ =	swait.ge [sflag:s21], $0x2800  }
0x290: {  	s22 =	sshra.s32 s22, $0x2;
	[sflag:s21] =	ssyncset.done $0x0  }
0x291: {  	s23 =	sadd.s32 $0x180, s22;
	[sflag:s21] =	ssyncadd.s32 $0xFFFFD800  }
0x292: {  	[tilespmem:s0], [sflag:$0x3] =	stream.indirect.gather [hbm4b:s1+s24], $0x80, s23, s24, $0xb8;
	[tilespmem:$0x1F6F8] =	vst v63  }
0x293: {  	_ = 	snop  }
0x294: {  	[tilespmem:s5], [sflag:$0x6] =	stream.indirect.gather [hbm4b:s14+s24], $0x1, s23, s24, $0xb8;
	[tilespmem:$0x1F6F8] =	vst v63  }
0x295: {  	s23 =	sadd.s32 $0x1080, s22  }
0x296: {  	[spmem:s4] =	stream.indirect.scatter.add.f32 [tilespmem:s25], [sflag:$0x7], $0x1, s23, s24, $0xb8;
	[tilespmem:$0x1F6F8] =	vst v63  }
0x297: {  	_ = 	snop  }
0x298: {  	[spmem:s3] =	stream.indirect.scatter.add.f32 [tilespmem:s8], [sflag:$0xA], $0x80, s23, s24, $0xb8;
	[tilespmem:$0x1F6F8] =	vst v63  }
0x299: {  	_ =	swait.ge [sflag:s10], $0x2800  }
0x29a: {  	[sflag:s10] =	ssyncset.done $0x0  }
0x29b: {  	[sflag:s10] =	ssyncadd.s32 $0xFFFFD800  }
0x29c: {  	_ =	swait.ge [sflag:s6], $0x50  }
0x29d: {  	[sflag:s6] =	ssyncset.done $0x0  }
0x29e: {  	[sflag:s6] =	ssyncadd.s32 $0xFFFFFFB0  }
0x29f: {  	_ =	swait.ge [sflag:s7], $0x50  }
0x2a0: {  	[sflag:s7] =	ssyncset.done $0x0  }
0x2a1: {  	[sflag:s7] =	ssyncadd.s32 $0xFFFFFFB0  }
0x2a2: {  	_ =	swait.ge [sflag:s15], $0x2800  }
0x2a3: {  	[sflag:s15] =	ssyncset.done $0x0  }
0x2a4: {  	s23 =	sadd.s32 $0x200, s22;
	[sflag:s15] =	ssyncadd.s32 $0xFFFFD800  }
0x2a5: {  	[tilespmem:s8], [sflag:$0x1] =	stream.indirect.gather [hbm4b:s1+s24], $0x80, s23, s24, $0xb8;
	[tilespmem:$0x1F6F8] =	vst v63  }
0x2a6: {  	_ = 	snop  }
0x2a7: {  	[tilespmem:s25], [sflag:$0x4] =	stream.indirect.gather [hbm4b:s14+s24], $0x1, s23, s24, $0xb8;
	[tilespmem:$0x1F6F8] =	vst v63  }
0x2a8: {  	s23 =	sadd.s32 $0x1100, s22  }
0x2a9: {  	[spmem:s4] =	stream.indirect.scatter.add.f32 [tilespmem:s29], [sflag:$0x8], $0x1, s23, s24, $0xb8;
	[tilespmem:$0x1F6F8] =	vst v63  }
0x2aa: {  	_ = 	snop  }
0x2ab: {  	[spmem:s3] =	stream.indirect.scatter.add.f32 [tilespmem:s28], [sflag:$0xB], $0x80, s23, s24, $0xb8;
	[tilespmem:$0x1F6F8] =	vst v63  }
0x2ac: {  	_ =	swait.ge [sflag:s16], $0x2800  }
0x2ad: {  	[sflag:s16] =	ssyncset.done $0x0  }
0x2ae: {  	[sflag:s16] =	ssyncadd.s32 $0xFFFFD800  }
0x2af: {  	_ =	swait.ge [sflag:s17], $0x50  }
0x2b0: {  	[sflag:s17] =	ssyncset.done $0x0  }
0x2b1: {  	[sflag:s17] =	ssyncadd.s32 $0xFFFFFFB0  }
0x2b2: {  	_ =	swait.ge [sflag:s18], $0x50  }
0x2b3: {  	[sflag:s18] =	ssyncset.done $0x0  }
0x2b4: {  	[sflag:s18] =	ssyncadd.s32 $0xFFFFFFB0  }
0x2b5: {  	_ =	swait.ge [sflag:s19], $0x2800  }
0x2b6: {  	[sflag:s19] =	ssyncset.done $0x0  }
0x2b7: {  	s23 =	sadd.s32 $0x280, s22;
	[sflag:s19] =	ssyncadd.s32 $0xFFFFD800  }
0x2b8: {  	[tilespmem:s28], [sflag:$0x2] =	stream.indirect.gather [hbm4b:s1+s24], $0x80, s23, s24, $0xb8;
	[tilespmem:$0x1F6F8] =	vst v63  }
.Ltmp3:
0x2b9: {  	_ = 	snop;
	(pc) =	sbr.rel @p0 .LBB2_8-.Ltmp3, $4  }
0x2ba: {  	_ = 	snop  }
0x2bb: {  	[tilespmem:s29], [sflag:$0x5] =	stream.indirect.gather [hbm4b:s14+s24], $0x1, s23, s24, $0xb8;
	[tilespmem:$0x1F6F8] =	vst v63  }
0x2bc: {  	s22 =	sadd.s32 $0x1180, s22  }
0x2bd: {  	[spmem:s4] =	stream.indirect.scatter.add.f32 [tilespmem:s5], [sflag:$0x9], $0x1, s22, s24, $0xb8;
	[tilespmem:$0x1F6F8] =	vst v63  }
0x2be: {  	[spmem:s3] =	stream.indirect.scatter.add.f32 [tilespmem:s0], [sflag:$0xC], $0x80, s22, s24, $0xb8;
	[tilespmem:$0x1F6F8] =	vst v63  }
0x2bf: {  	_ =	swait.ge [sflag:s9], $0x2800  }
0x2c0: {  	[sflag:s9] =	ssyncset.done $0x0  }
0x2c1: {  	[sflag:s9] =	ssyncadd.s32 $0xFFFFD800  }
0x2c2: {  	_ =	swait.ge [sflag:s2], $0x50  }
0x2c3: {  	[sflag:s2] =	ssyncset.done $0x0  }
0x2c4: {  	[sflag:s2] =	ssyncadd.s32 $0xFFFFFFB0  }
0x2c5: {  	_ =	swait.ge [sflag:s20], $0x50  }
0x2c6: {  	[sflag:s20] =	ssyncset.done $0x0  }
0x2c7: {  	[sflag:s20] =	ssyncadd.s32 $0xFFFFFFB0  }
0x2c8: {  	_ =	swait.ge [sflag:s21], $0x2800  }
0x2c9: {  	[sflag:s21] =	ssyncset.done $0x0  }
0x2ca: {  	s12 =	simm.s32 $0xC00;
	[sflag:s21] =	ssyncadd.s32 $0xFFFFD800  }
0x2cb: {  	[tilespmem:s0], [sflag:$0x3] =	stream.indirect.gather [hbm4b:s1+s24], $0x80, s12, s24, $0xb8;
	[tilespmem:$0x1F6F8] =	vst v63  }
0x2cc: {  	_ = 	snop  }
0x2cd: {  	[tilespmem:s5], [sflag:$0x6] =	stream.indirect.gather [hbm4b:s14+s24], $0x1, s12, s24, $0xb8;
	[tilespmem:$0x1F6F8] =	vst v63  }
0x2ce: {  	s22 =	simm.s32 $0x1B00  }
0x2cf: {  	[spmem:s4] =	stream.indirect.scatter.add.f32 [tilespmem:s25], [sflag:$0x7], $0x1, s22, s24, $0xb8;
	[tilespmem:$0x1F6F8] =	vst v63  }
0x2d0: {  	_ = 	snop  }
0x2d1: {  	[spmem:s3] =	stream.indirect.scatter.add.f32 [tilespmem:s8], [sflag:$0xA], $0x80, s22, s24, $0xb8;
	[tilespmem:$0x1F6F8] =	vst v63  }
0x2d2: {  	_ =	swait.ge [sflag:s10], $0x2800  }
0x2d3: {  	[sflag:s10] =	ssyncset.done $0x0  }
0x2d4: {  	[sflag:s10] =	ssyncadd.s32 $0xFFFFD800  }
0x2d5: {  	_ =	swait.ge [sflag:s6], $0x50  }
0x2d6: {  	[sflag:s6] =	ssyncset.done $0x0  }
0x2d7: {  	[sflag:s6] =	ssyncadd.s32 $0xFFFFFFB0  }
0x2d8: {  	_ =	swait.ge [sflag:s7], $0x50  }
0x2d9: {  	[sflag:s7] =	ssyncset.done $0x0  }
0x2da: {  	[sflag:s7] =	ssyncadd.s32 $0xFFFFFFB0  }
0x2db: {  	_ =	swait.ge [sflag:s15], $0x2800  }
0x2dc: {  	[sflag:s15] =	ssyncset.done $0x0  }
0x2dd: {  	s23 =	simm.s32 $0x2000;
	[sflag:s15] =	ssyncadd.s32 $0xFFFFD800  }
0x2de: {  	[tilespmem:s8], [sflag:$0x1] =	stream.indirect.gather [hbm4b:s1+s24], $0x80, s23, s24, $0xb8;
	[tilespmem:$0x1F6F8] =	vst v63  }
0x2df: {  	_ = 	snop  }
0x2e0: {  	[tilespmem:s25], [sflag:$0x4] =	stream.indirect.gather [hbm4b:s14+s24], $0x1, s23, s24, $0xb8;
	[tilespmem:$0x1F6F8] =	vst v63  }
0x2e1: {  	s22 =	simm.s32 $0x1B80  }
0x2e2: {  	[spmem:s4] =	stream.indirect.scatter.add.f32 [tilespmem:s29], [sflag:$0x8], $0x1, s22, s24, $0xb8;
	[tilespmem:$0x1F6F8] =	vst v63  }
0x2e3: {  	_ = 	snop  }
0x2e4: {  	[spmem:s3] =	stream.indirect.scatter.add.f32 [tilespmem:s28], [sflag:$0xB], $0x80, s22, s24, $0xb8;
	[tilespmem:$0x1F6F8] =	vst v63  }
0x2e5: {  	_ =	swait.ge [sflag:s16], $0x2800  }
0x2e6: {  	[sflag:s16] =	ssyncset.done $0x0  }
0x2e7: {  	[sflag:s16] =	ssyncadd.s32 $0xFFFFD800  }
0x2e8: {  	_ =	swait.ge [sflag:s17], $0x50  }
0x2e9: {  	[sflag:s17] =	ssyncset.done $0x0  }
0x2ea: {  	[sflag:s17] =	ssyncadd.s32 $0xFFFFFFB0  }
0x2eb: {  	_ =	swait.ge [sflag:s18], $0x50  }
0x2ec: {  	[sflag:s18] =	ssyncset.done $0x0  }
0x2ed: {  	[sflag:s18] =	ssyncadd.s32 $0xFFFFFFB0  }
0x2ee: {  	_ =	swait.ge [sflag:s19], $0x2800  }
0x2ef: {  	[sflag:s19] =	ssyncset.done $0x0  }
0x2f0: {  	s23 =	simm.s32 $0x2080;
	[sflag:s19] =	ssyncadd.s32 $0xFFFFD800  }
0x2f1: {  	[tilespmem:s28], [sflag:$0x2] =	stream.indirect.gather [hbm4b:s1+s24], $0x80, s23, s24, $0xb8;
	[tilespmem:$0x1F6F8] =	vst v63  }
0x2f2: {  	_ = 	snop  }
0x2f3: {  	[tilespmem:s29], [sflag:$0x5] =	stream.indirect.gather [hbm4b:s14+s24], $0x1, s23, s24, $0xb8;
	[tilespmem:$0x1F6F8] =	vst v63  }
0x2f4: {  	s22 =	simm.s32 $0x1C00  }
0x2f5: {  	[spmem:s4] =	stream.indirect.scatter.add.f32 [tilespmem:s5], [sflag:$0x9], $0x1, s22, s24, $0xb8;
	[tilespmem:$0x1F6F8] =	vst v63  }
0x2f6: {  	_ = 	snop  }
0x2f7: {  	[spmem:s3] =	stream.indirect.scatter.add.f32 [tilespmem:s0], [sflag:$0xC], $0x80, s22, s24, $0xb8;
	[tilespmem:$0x1F6F8] =	vst v63  }
0x2f8: {  	s12 =	simm.s32 $0x0;
	s23 =	rddreg [dreg:$0x1e]  }
0x2f9: {  	[tilespmem:s12], [sflag:$0xD] =	stream.linear.gather [hbm4b:s23+s12], $0xC80, $0x38;
	[tilespmem:$0x1F6F8] =	vst v63  }
0x2fa: {  	_ =	swait.ge [sflag:s11], $0xC80  }
0x2fb: {  	[sflag:s11] =	ssyncset.done $0x0  }
0x2fc: {  	s23 =	rddreg [dreg:$0x1f];
	[sflag:s11] =	ssyncadd.s32 $0xFFFFF380  }
0x2fd: {  	[tilespmem:s13], [sflag:$0xD] =	stream.linear.gather [hbm4b:s23+s12], $0xC80, $0x38;
	[tilespmem:$0x1F6F8] =	vst v63  }
0x2fe: {  	_ =	swait.ge [sflag:s11], $0xC80  }
0x2ff: {  	[sflag:s11] =	ssyncset.done $0x0  }
0x300: {  	[sflag:s11] =	ssyncadd.s32 $0xFFFFF380  }
0x301: {  	_ =	swait.ge [sflag:s9], $0x2800  }
0x302: {  	[sflag:s9] =	ssyncset.done $0x0  }
0x303: {  	[sflag:s9] =	ssyncadd.s32 $0xFFFFD800  }
0x304: {  	_ =	swait.ge [sflag:s2], $0x50  }
0x305: {  	[sflag:s2] =	ssyncset.done $0x0  }
0x306: {  	[sflag:s2] =	ssyncadd.s32 $0xFFFFFFB0  }
0x307: {  	_ =	swait.ge [sflag:s20], $0x50  }
0x308: {  	[sflag:s20] =	ssyncset.done $0x0  }
0x309: {  	[sflag:s20] =	ssyncadd.s32 $0xFFFFFFB0  }
0x30a: {  	_ =	swait.ge [sflag:s21], $0x2800  }
0x30b: {  	[sflag:s21] =	ssyncset.done $0x0  }
0x30c: {  	s23 =	simm.s32 $0x2100;
	[sflag:s21] =	ssyncadd.s32 $0xFFFFD800  }
0x30d: {  	[tilespmem:s0], [sflag:$0x3] =	stream.indirect.gather [hbm4b:s1+s24], $0x80, s23, s24, $0xb8;
	[tilespmem:$0x1F6F8] =	vst v63  }
0x30e: {  	_ = 	snop  }
0x30f: {  	[tilespmem:s5], [sflag:$0x6] =	stream.indirect.gather [hbm4b:s14+s24], $0x1, s23, s24, $0xb8;
	[tilespmem:$0x1F6F8] =	vst v63  }
0x310: {  	s22 =	simm.s32 $0x3000  }
0x311: {  	[spmem:s4] =	stream.indirect.scatter.add.f32 [tilespmem:s25], [sflag:$0x7], $0x1, s22, s24, $0xb8;
	[tilespmem:$0x1F6F8] =	vst v63  }
0x312: {  	_ = 	snop  }
0x313: {  	[spmem:s3] =	stream.indirect.scatter.add.f32 [tilespmem:s8], [sflag:$0xA], $0x80, s22, s24, $0xb8;
	[tilespmem:$0x1F6F8] =	vst v63  }
0x314: {  	_ =	swait.ge [sflag:s10], $0x2800  }
0x315: {  	[sflag:s10] =	ssyncset.done $0x0  }
0x316: {  	[sflag:s10] =	ssyncadd.s32 $0xFFFFD800  }
0x317: {  	_ =	swait.ge [sflag:s6], $0x50  }
0x318: {  	[sflag:s6] =	ssyncset.done $0x0  }
0x319: {  	[sflag:s6] =	ssyncadd.s32 $0xFFFFFFB0  }
0x31a: {  	_ =	swait.ge [sflag:s7], $0x50  }
0x31b: {  	[sflag:s7] =	ssyncset.done $0x0  }
0x31c: {  	[sflag:s7] =	ssyncadd.s32 $0xFFFFFFB0  }
0x31d: {  	_ =	swait.ge [sflag:s15], $0x2800  }
0x31e: {  	[sflag:s15] =	ssyncset.done $0x0  }
0x31f: {  	s23 =	simm.s32 $0x2180;
	[sflag:s15] =	ssyncadd.s32 $0xFFFFD800  }
0x320: {  	[tilespmem:s8], [sflag:$0x1] =	stream.indirect.gather [hbm4b:s1+s24], $0x80, s23, s24, $0xb8;
	[tilespmem:$0x1F6F8] =	vst v63  }
0x321: {  	_ = 	snop  }
0x322: {  	[tilespmem:s25], [sflag:$0x4] =	stream.indirect.gather [hbm4b:s14+s24], $0x1, s23, s24, $0xb8;
	[tilespmem:$0x1F6F8] =	vst v63  }
0x323: {  	s22 =	simm.s32 $0x3080  }
0x324: {  	[spmem:s4] =	stream.indirect.scatter.add.f32 [tilespmem:s29], [sflag:$0x8], $0x1, s22, s24, $0xb8;
	[tilespmem:$0x1F6F8] =	vst v63  }
0x325: {  	_ = 	snop  }
0x326: {  	[spmem:s3] =	stream.indirect.scatter.add.f32 [tilespmem:s28], [sflag:$0xB], $0x80, s22, s24, $0xb8;
	[tilespmem:$0x1F6F8] =	vst v63  }
0x327: {  	_ =	swait.ge [sflag:s16], $0x2800  }
0x328: {  	[sflag:s16] =	ssyncset.done $0x0  }
0x329: {  	[sflag:s16] =	ssyncadd.s32 $0xFFFFD800  }
0x32a: {  	_ =	swait.ge [sflag:s17], $0x50  }
0x32b: {  	[sflag:s17] =	ssyncset.done $0x0  }
0x32c: {  	[sflag:s17] =	ssyncadd.s32 $0xFFFFFFB0  }
0x32d: {  	_ =	swait.ge [sflag:s18], $0x50  }
0x32e: {  	[sflag:s18] =	ssyncset.done $0x0  }
0x32f: {  	[sflag:s18] =	ssyncadd.s32 $0xFFFFFFB0  }
0x330: {  	_ =	swait.ge [sflag:s19], $0x2800  }
0x331: {  	[sflag:s19] =	ssyncset.done $0x0  }
0x332: {  	s23 =	simm.s32 $0x2200;
	[sflag:s19] =	ssyncadd.s32 $0xFFFFD800  }
0x333: {  	[tilespmem:s28], [sflag:$0x2] =	stream.indirect.gather [hbm4b:s1+s24], $0x80, s23, s24, $0xb8;
	[tilespmem:$0x1F6F8] =	vst v63  }
0x334: {  	_ = 	snop  }
0x335: {  	[tilespmem:s29], [sflag:$0x5] =	stream.indirect.gather [hbm4b:s14+s24], $0x1, s23, s24, $0xb8;
	[tilespmem:$0x1F6F8] =	vst v63  }
0x336: {  	s22 =	simm.s32 $0x3100  }
0x337: {  	[spmem:s4] =	stream.indirect.scatter.add.f32 [tilespmem:s5], [sflag:$0x9], $0x1, s22, s24, $0xb8;
	[tilespmem:$0x1F6F8] =	vst v63  }
0x338: {  	_ = 	snop  }
0x339: {  	[spmem:s3] =	stream.indirect.scatter.add.f32 [tilespmem:s0], [sflag:$0xC], $0x80, s22, s24, $0xb8;
	[tilespmem:$0x1F6F8] =	vst v63  }
0x33a: {  	_ =	swait.ge [sflag:s9], $0x2800  }
0x33b: {  	[sflag:s9] =	ssyncset.done $0x0  }
0x33c: {  	[sflag:s9] =	ssyncadd.s32 $0xFFFFD800  }
0x33d: {  	_ =	swait.ge [sflag:s2], $0x50  }
0x33e: {  	[sflag:s2] =	ssyncset.done $0x0  }
0x33f: {  	[sflag:s2] =	ssyncadd.s32 $0xFFFFFFB0  }
0x340: {  	_ =	swait.ge [sflag:s20], $0x50  }
0x341: {  	[sflag:s20] =	ssyncset.done $0x0  }
0x342: {  	[sflag:s20] =	ssyncadd.s32 $0xFFFFFFB0  }
0x343: {  	_ =	swait.ge [sflag:s21], $0x2800  }
0x344: {  	[sflag:s21] =	ssyncset.done $0x0  }
0x345: {  	s23 =	simm.s32 $0x2280;
	[sflag:s21] =	ssyncadd.s32 $0xFFFFD800  }
0x346: {  	[tilespmem:s0], [sflag:$0x3] =	stream.indirect.gather [hbm4b:s1+s24], $0x80, s23, s24, $0xb8;
	[tilespmem:$0x1F6F8] =	vst v63  }
0x347: {  	_ = 	snop  }
0x348: {  	[tilespmem:s5], [sflag:$0x6] =	stream.indirect.gather [hbm4b:s14+s24], $0x1, s23, s24, $0xb8;
	[tilespmem:$0x1F6F8] =	vst v63  }
0x349: {  	s30 =	simm.s32 $0x3000;
	s12 =	simm.s32 $0x600;
	s22 =	simm.s32 $0x3180  }
0x34a: {  	[spmem:s4] =	stream.indirect.scatter.add.f32 [tilespmem:s25], [sflag:$0x7], $0x1, s22, s24, $0xb8;
	[tilespmem:$0x1F6F8] =	vst v63  }
.LBB2_10:
0x34b: {  	[spmem:s3] =	stream.indirect.scatter.add.f32 [tilespmem:s8], [sflag:$0xA], $0x80, s22, s24, $0xb8;
	[tilespmem:$0x1F6F8] =	vst v63  }
0x34c: {  	s22 =	smov.u32 s12  }
0x34d: {  	p0 =	sne.s32 s12, $0x2400;
	s12 =	sadd.s32 $0x600, s12;
	_ =	swait.ge [sflag:s10], $0x2800  }
0x34e: {  	[sflag:s10] =	ssyncset.done $0x0  }
0x34f: {  	[sflag:s10] =	ssyncadd.s32 $0xFFFFD800  }
0x350: {  	_ =	swait.ge [sflag:s6], $0x50  }
0x351: {  	[sflag:s6] =	ssyncset.done $0x0  }
0x352: {  	[sflag:s6] =	ssyncadd.s32 $0xFFFFFFB0  }
0x353: {  	_ =	swait.ge [sflag:s7], $0x50  }
0x354: {  	[sflag:s7] =	ssyncset.done $0x0  }
0x355: {  	[sflag:s7] =	ssyncadd.s32 $0xFFFFFFB0  }
0x356: {  	_ =	swait.ge [sflag:s15], $0x2800  }
0x357: {  	s22 =	sshra.s32 s22, $0x2;
	[sflag:s15] =	ssyncset.done $0x0  }
0x358: {  	s23 =	sadd.s32 $0x2180, s22;
	[sflag:s15] =	ssyncadd.s32 $0xFFFFD800  }
0x359: {  	[tilespmem:s8], [sflag:$0x1] =	stream.indirect.gather [hbm4b:s1+s24], $0x80, s23, s24, $0xb8;
	[tilespmem:$0x1F6F8] =	vst v63  }
0x35a: {  	_ = 	snop  }
0x35b: {  	[tilespmem:s25], [sflag:$0x4] =	stream.indirect.gather [hbm4b:s14+s24], $0x1, s23, s24, $0xb8;
	[tilespmem:$0x1F6F8] =	vst v63  }
0x35c: {  	s23 =	sadd.s32 $0x3080, s22  }
0x35d: {  	[spmem:s4] =	stream.indirect.scatter.add.f32 [tilespmem:s29], [sflag:$0x8], $0x1, s23, s24, $0xb8;
	[tilespmem:$0x1F6F8] =	vst v63  }
0x35e: {  	_ = 	snop  }
0x35f: {  	[spmem:s3] =	stream.indirect.scatter.add.f32 [tilespmem:s28], [sflag:$0xB], $0x80, s23, s24, $0xb8;
	[tilespmem:$0x1F6F8] =	vst v63  }
0x360: {  	_ =	swait.ge [sflag:s16], $0x2800  }
0x361: {  	[sflag:s16] =	ssyncset.done $0x0  }
0x362: {  	[sflag:s16] =	ssyncadd.s32 $0xFFFFD800  }
0x363: {  	_ =	swait.ge [sflag:s17], $0x50  }
0x364: {  	[sflag:s17] =	ssyncset.done $0x0  }
0x365: {  	[sflag:s17] =	ssyncadd.s32 $0xFFFFFFB0  }
0x366: {  	_ =	swait.ge [sflag:s18], $0x50  }
0x367: {  	[sflag:s18] =	ssyncset.done $0x0  }
0x368: {  	[sflag:s18] =	ssyncadd.s32 $0xFFFFFFB0  }
0x369: {  	_ =	swait.ge [sflag:s19], $0x2800  }
0x36a: {  	[sflag:s19] =	ssyncset.done $0x0  }
0x36b: {  	s23 =	sadd.s32 $0x2200, s22;
	[sflag:s19] =	ssyncadd.s32 $0xFFFFD800  }
0x36c: {  	[tilespmem:s28], [sflag:$0x2] =	stream.indirect.gather [hbm4b:s1+s24], $0x80, s23, s24, $0xb8;
	[tilespmem:$0x1F6F8] =	vst v63  }
0x36d: {  	_ = 	snop  }
0x36e: {  	[tilespmem:s29], [sflag:$0x5] =	stream.indirect.gather [hbm4b:s14+s24], $0x1, s23, s24, $0xb8;
	[tilespmem:$0x1F6F8] =	vst v63  }
0x36f: {  	s23 =	sadd.s32 $0x3100, s22  }
0x370: {  	[spmem:s4] =	stream.indirect.scatter.add.f32 [tilespmem:s5], [sflag:$0x9], $0x1, s23, s24, $0xb8;
	[tilespmem:$0x1F6F8] =	vst v63  }
0x371: {  	_ = 	snop  }
0x372: {  	[spmem:s3] =	stream.indirect.scatter.add.f32 [tilespmem:s0], [sflag:$0xC], $0x80, s23, s24, $0xb8;
	[tilespmem:$0x1F6F8] =	vst v63  }
0x373: {  	_ =	swait.ge [sflag:s9], $0x2800  }
0x374: {  	[sflag:s9] =	ssyncset.done $0x0  }
0x375: {  	[sflag:s9] =	ssyncadd.s32 $0xFFFFD800  }
0x376: {  	_ =	swait.ge [sflag:s2], $0x50  }
0x377: {  	[sflag:s2] =	ssyncset.done $0x0  }
0x378: {  	[sflag:s2] =	ssyncadd.s32 $0xFFFFFFB0  }
0x379: {  	_ =	swait.ge [sflag:s20], $0x50  }
0x37a: {  	[sflag:s20] =	ssyncset.done $0x0  }
0x37b: {  	[sflag:s20] =	ssyncadd.s32 $0xFFFFFFB0  }
0x37c: {  	_ =	swait.ge [sflag:s21], $0x2800  }
0x37d: {  	[sflag:s21] =	ssyncset.done $0x0  }
0x37e: {  	s23 =	sadd.s32 $0x2280, s22;
	[sflag:s21] =	ssyncadd.s32 $0xFFFFD800  }
0x37f: {  	[tilespmem:s0], [sflag:$0x3] =	stream.indirect.gather [hbm4b:s1+s24], $0x80, s23, s24, $0xb8;
	[tilespmem:$0x1F6F8] =	vst v63  }
.Ltmp4:
0x380: {  	_ = 	snop;
	(pc) =	sbr.rel @p0 .LBB2_10-.Ltmp4, $4  }
0x381: {  	_ = 	snop  }
0x382: {  	[tilespmem:s5], [sflag:$0x6] =	stream.indirect.gather [hbm4b:s14+s24], $0x1, s23, s24, $0xb8;
	[tilespmem:$0x1F6F8] =	vst v63  }
0x383: {  	s22 =	sadd.s32 $0x3180, s22  }
0x384: {  	[spmem:s4] =	stream.indirect.scatter.add.f32 [tilespmem:s25], [sflag:$0x7], $0x1, s22, s24, $0xb8;
	[tilespmem:$0x1F6F8] =	vst v63  }
0x385: {  	[spmem:s3] =	stream.indirect.scatter.add.f32 [tilespmem:s8], [sflag:$0xA], $0x80, s22, s24, $0xb8;
	[tilespmem:$0x1F6F8] =	vst v63  }
0x386: {  	_ =	swait.ge [sflag:s10], $0x2800  }
0x387: {  	[sflag:s10] =	ssyncset.done $0x0  }
0x388: {  	[sflag:s10] =	ssyncadd.s32 $0xFFFFD800  }
0x389: {  	_ =	swait.ge [sflag:s6], $0x50  }
0x38a: {  	[sflag:s6] =	ssyncset.done $0x0  }
0x38b: {  	[sflag:s6] =	ssyncadd.s32 $0xFFFFFFB0  }
0x38c: {  	_ =	swait.ge [sflag:s7], $0x50  }
0x38d: {  	[sflag:s7] =	ssyncset.done $0x0  }
0x38e: {  	[sflag:s7] =	ssyncadd.s32 $0xFFFFFFB0  }
0x38f: {  	_ =	swait.ge [sflag:s15], $0x2800  }
0x390: {  	[sflag:s15] =	ssyncset.done $0x0  }
0x391: {  	s12 =	simm.s32 $0x2C00;
	[sflag:s15] =	ssyncadd.s32 $0xFFFFD800  }
0x392: {  	[tilespmem:s8], [sflag:$0x1] =	stream.indirect.gather [hbm4b:s1+s24], $0x80, s12, s24, $0xb8;
	[tilespmem:$0x1F6F8] =	vst v63  }
0x393: {  	_ = 	snop  }
0x394: {  	[tilespmem:s25], [sflag:$0x4] =	stream.indirect.gather [hbm4b:s14+s24], $0x1, s12, s24, $0xb8;
	[tilespmem:$0x1F6F8] =	vst v63  }
0x395: {  	s23 =	simm.s32 $0x3B00  }
0x396: {  	[spmem:s4] =	stream.indirect.scatter.add.f32 [tilespmem:s29], [sflag:$0x8], $0x1, s23, s24, $0xb8;
	[tilespmem:$0x1F6F8] =	vst v63  }
0x397: {  	_ = 	snop  }
0x398: {  	[spmem:s3] =	stream.indirect.scatter.add.f32 [tilespmem:s28], [sflag:$0xB], $0x80, s23, s24, $0xb8;
	[tilespmem:$0x1F6F8] =	vst v63  }
0x399: {  	_ =	swait.ge [sflag:s16], $0x2800  }
0x39a: {  	[sflag:s16] =	ssyncset.done $0x0  }
0x39b: {  	[sflag:s16] =	ssyncadd.s32 $0xFFFFD800  }
0x39c: {  	_ =	swait.ge [sflag:s17], $0x50  }
0x39d: {  	[sflag:s17] =	ssyncset.done $0x0  }
0x39e: {  	[sflag:s17] =	ssyncadd.s32 $0xFFFFFFB0  }
0x39f: {  	_ =	swait.ge [sflag:s18], $0x50  }
0x3a0: {  	[sflag:s18] =	ssyncset.done $0x0  }
0x3a1: {  	[sflag:s18] =	ssyncadd.s32 $0xFFFFFFB0  }
0x3a2: {  	_ =	swait.ge [sflag:s19], $0x2800  }
0x3a3: {  	[sflag:s19] =	ssyncset.done $0x0  }
0x3a4: {  	s22 =	simm.s32 $0x0;
	[sflag:s19] =	ssyncadd.s32 $0xFFFFD800  }
0x3a5: {  	[tilespmem:s28], [sflag:$0x2] =	stream.indirect.gather [hbm4b:s1+s24], $0x80, s22, s24, $0xb8;
	[tilespmem:$0x1F6F8] =	vst v63  }
0x3a6: {  	_ = 	snop  }
0x3a7: {  	[tilespmem:s29], [sflag:$0x5] =	stream.indirect.gather [hbm4b:s14+s24], $0x1, s22, s24, $0xb8;
	[tilespmem:$0x1F6F8] =	vst v63  }
0x3a8: {  	s23 =	simm.s32 $0x3B80  }
0x3a9: {  	[spmem:s4] =	stream.indirect.scatter.add.f32 [tilespmem:s5], [sflag:$0x9], $0x1, s23, s24, $0xb8;
	[tilespmem:$0x1F6F8] =	vst v63  }
0x3aa: {  	_ = 	snop  }
0x3ab: {  	[spmem:s3] =	stream.indirect.scatter.add.f32 [tilespmem:s0], [sflag:$0xC], $0x80, s23, s24, $0xb8;
	[tilespmem:$0x1F6F8] =	vst v63  }
0x3ac: {  	_ =	swait.ge [sflag:s9], $0x2800  }
0x3ad: {  	[sflag:s9] =	ssyncset.done $0x0  }
0x3ae: {  	[sflag:s9] =	ssyncadd.s32 $0xFFFFD800  }
0x3af: {  	_ =	swait.ge [sflag:s2], $0x50  }
0x3b0: {  	[sflag:s2] =	ssyncset.done $0x0  }
0x3b1: {  	[sflag:s2] =	ssyncadd.s32 $0xFFFFFFB0  }
0x3b2: {  	_ =	swait.ge [sflag:s20], $0x50  }
0x3b3: {  	[sflag:s20] =	ssyncset.done $0x0  }
0x3b4: {  	[sflag:s20] =	ssyncadd.s32 $0xFFFFFFB0  }
0x3b5: {  	_ =	swait.ge [sflag:s21], $0x2800  }
0x3b6: {  	[sflag:s21] =	ssyncset.done $0x0  }
0x3b7: {  	[sflag:s21] =	ssyncadd.s32 $0xFFFFD800  }
0x3b8: {  	[tilespmem:s0], [sflag:$0x3] =	stream.indirect.gather [hbm4b:s1+s24], $0x80, s26, s24, $0xb8;
	[tilespmem:$0x1F6F8] =	vst v63  }
0x3b9: {  	_ = 	snop  }
0x3ba: {  	[tilespmem:s5], [sflag:$0x6] =	stream.indirect.gather [hbm4b:s14+s24], $0x1, s26, s24, $0xb8;
	[tilespmem:$0x1F6F8] =	vst v63  }
0x3bb: {  	s26 =	simm.s32 $0x3C00  }
0x3bc: {  	[spmem:s4] =	stream.indirect.scatter.add.f32 [tilespmem:s25], [sflag:$0x7], $0x1, s26, s24, $0xb8;
	[tilespmem:$0x1F6F8] =	vst v63  }
0x3bd: {  	_ = 	snop  }
0x3be: {  	[spmem:s3] =	stream.indirect.scatter.add.f32 [tilespmem:s8], [sflag:$0xA], $0x80, s26, s24, $0xb8;
	[tilespmem:$0x1F6F8] =	vst v63  }
0x3bf: {  	_ =	swait.ge [sflag:s10], $0x2800  }
0x3c0: {  	[sflag:s10] =	ssyncset.done $0x0  }
0x3c1: {  	[sflag:s10] =	ssyncadd.s32 $0xFFFFD800  }
0x3c2: {  	_ =	swait.ge [sflag:s6], $0x50  }
0x3c3: {  	[sflag:s6] =	ssyncset.done $0x0  }
0x3c4: {  	[sflag:s6] =	ssyncadd.s32 $0xFFFFFFB0  }
0x3c5: {  	_ =	swait.ge [sflag:s7], $0x50  }
0x3c6: {  	[sflag:s7] =	ssyncset.done $0x0  }
0x3c7: {  	[sflag:s7] =	ssyncadd.s32 $0xFFFFFFB0  }
0x3c8: {  	_ =	swait.ge [sflag:s15], $0x2800  }
0x3c9: {  	[sflag:s15] =	ssyncset.done $0x0  }
0x3ca: {  	s22 =	simm.s32 $0x100;
	[sflag:s15] =	ssyncadd.s32 $0xFFFFD800  }
0x3cb: {  	[tilespmem:s8], [sflag:$0x1] =	stream.indirect.gather [hbm4b:s1+s24], $0x80, s22, s24, $0xb8;
	[tilespmem:$0x1F6F8] =	vst v63  }
0x3cc: {  	_ = 	snop  }
0x3cd: {  	[tilespmem:s25], [sflag:$0x4] =	stream.indirect.gather [hbm4b:s14+s24], $0x1, s22, s24, $0xb8;
	[tilespmem:$0x1F6F8] =	vst v63  }
0x3ce: {  	_ = 	snop  }
0x3cf: {  	[spmem:s4] =	stream.indirect.scatter.add.f32 [tilespmem:s29], [sflag:$0x8], $0x1, s13, s24, $0xb8;
	[tilespmem:$0x1F6F8] =	vst v63  }
0x3d0: {  	_ = 	snop  }
0x3d1: {  	[spmem:s3] =	stream.indirect.scatter.add.f32 [tilespmem:s28], [sflag:$0xB], $0x80, s13, s24, $0xb8;
	[tilespmem:$0x1F6F8] =	vst v63  }
0x3d2: {  	_ =	swait.ge [sflag:s16], $0x2800  }
0x3d3: {  	[sflag:s16] =	ssyncset.done $0x0  }
0x3d4: {  	[sflag:s16] =	ssyncadd.s32 $0xFFFFD800  }
0x3d5: {  	_ =	swait.ge [sflag:s17], $0x50  }
0x3d6: {  	[sflag:s17] =	ssyncset.done $0x0  }
0x3d7: {  	[sflag:s17] =	ssyncadd.s32 $0xFFFFFFB0  }
0x3d8: {  	_ =	swait.ge [sflag:s18], $0x50  }
0x3d9: {  	[sflag:s18] =	ssyncset.done $0x0  }
0x3da: {  	[sflag:s18] =	ssyncadd.s32 $0xFFFFFFB0  }
0x3db: {  	_ =	swait.ge [sflag:s19], $0x2800  }
0x3dc: {  	[sflag:s19] =	ssyncset.done $0x0  }
0x3dd: {  	s23 =	simm.s32 $0x180;
	[sflag:s19] =	ssyncadd.s32 $0xFFFFD800  }
0x3de: {  	[tilespmem:s28], [sflag:$0x2] =	stream.indirect.gather [hbm4b:s1+s24], $0x80, s23, s24, $0xb8;
	[tilespmem:$0x1F6F8] =	vst v63  }
0x3df: {  	_ = 	snop  }
0x3e0: {  	[tilespmem:s29], [sflag:$0x5] =	stream.indirect.gather [hbm4b:s14+s24], $0x1, s23, s24, $0xb8;
	[tilespmem:$0x1F6F8] =	vst v63  }
0x3e1: {  	s26 =	simm.s32 $0x1080  }
0x3e2: {  	[spmem:s4] =	stream.indirect.scatter.add.f32 [tilespmem:s5], [sflag:$0x9], $0x1, s26, s24, $0xb8;
	[tilespmem:$0x1F6F8] =	vst v63  }
0x3e3: {  	_ = 	snop  }
0x3e4: {  	[spmem:s3] =	stream.indirect.scatter.add.f32 [tilespmem:s0], [sflag:$0xC], $0x80, s26, s24, $0xb8;
	[tilespmem:$0x1F6F8] =	vst v63  }
0x3e5: {  	_ =	swait.ge [sflag:s9], $0x2800  }
0x3e6: {  	[sflag:s9] =	ssyncset.done $0x0  }
0x3e7: {  	[sflag:s9] =	ssyncadd.s32 $0xFFFFD800  }
0x3e8: {  	_ =	swait.ge [sflag:s2], $0x50  }
0x3e9: {  	[sflag:s2] =	ssyncset.done $0x0  }
0x3ea: {  	[sflag:s2] =	ssyncadd.s32 $0xFFFFFFB0  }
0x3eb: {  	_ =	swait.ge [sflag:s20], $0x50  }
0x3ec: {  	[sflag:s20] =	ssyncset.done $0x0  }
0x3ed: {  	[sflag:s20] =	ssyncadd.s32 $0xFFFFFFB0  }
0x3ee: {  	_ =	swait.ge [sflag:s21], $0x2800  }
0x3ef: {  	[sflag:s21] =	ssyncset.done $0x0  }
0x3f0: {  	s22 =	simm.s32 $0x200;
	[sflag:s21] =	ssyncadd.s32 $0xFFFFD800  }
0x3f1: {  	[tilespmem:s0], [sflag:$0x3] =	stream.indirect.gather [hbm4b:s1+s24], $0x80, s22, s24, $0xb8;
	[tilespmem:$0x1F6F8] =	vst v63  }
0x3f2: {  	_ = 	snop  }
0x3f3: {  	[tilespmem:s5], [sflag:$0x6] =	stream.indirect.gather [hbm4b:s14+s24], $0x1, s22, s24, $0xb8;
	[tilespmem:$0x1F6F8] =	vst v63  }
0x3f4: {  	s23 =	simm.s32 $0x1100  }
0x3f5: {  	[spmem:s4] =	stream.indirect.scatter.add.f32 [tilespmem:s25], [sflag:$0x7], $0x1, s23, s24, $0xb8;
	[tilespmem:$0x1F6F8] =	vst v63  }
0x3f6: {  	_ = 	snop  }
0x3f7: {  	[spmem:s3] =	stream.indirect.scatter.add.f32 [tilespmem:s8], [sflag:$0xA], $0x80, s23, s24, $0xb8;
	[tilespmem:$0x1F6F8] =	vst v63  }
0x3f8: {  	_ =	swait.ge [sflag:s10], $0x2800  }
0x3f9: {  	[sflag:s10] =	ssyncset.done $0x0  }
0x3fa: {  	[sflag:s10] =	ssyncadd.s32 $0xFFFFD800  }
0x3fb: {  	_ =	swait.ge [sflag:s6], $0x50  }
0x3fc: {  	[sflag:s6] =	ssyncset.done $0x0  }
0x3fd: {  	[sflag:s6] =	ssyncadd.s32 $0xFFFFFFB0  }
0x3fe: {  	_ =	swait.ge [sflag:s7], $0x50  }
0x3ff: {  	[sflag:s7] =	ssyncset.done $0x0  }
0x400: {  	[sflag:s7] =	ssyncadd.s32 $0xFFFFFFB0  }
0x401: {  	_ =	swait.ge [sflag:s15], $0x2800  }
0x402: {  	[sflag:s15] =	ssyncset.done $0x0  }
0x403: {  	s26 =	simm.s32 $0x280;
	[sflag:s15] =	ssyncadd.s32 $0xFFFFD800  }
0x404: {  	[tilespmem:s8], [sflag:$0x1] =	stream.indirect.gather [hbm4b:s1+s24], $0x80, s26, s24, $0xb8;
	[tilespmem:$0x1F6F8] =	vst v63  }
0x405: {  	_ = 	snop  }
0x406: {  	[tilespmem:s25], [sflag:$0x4] =	stream.indirect.gather [hbm4b:s14+s24], $0x1, s26, s24, $0xb8;
	[tilespmem:$0x1F6F8] =	vst v63  }
0x407: {  	s12 =	simm.s32 $0x600;
	s22 =	simm.s32 $0x1180  }
0x408: {  	[spmem:s4] =	stream.indirect.scatter.add.f32 [tilespmem:s29], [sflag:$0x8], $0x1, s22, s24, $0xb8;
	[tilespmem:$0x1F6F8] =	vst v63  }
.LBB2_12:
0x409: {  	[spmem:s3] =	stream.indirect.scatter.add.f32 [tilespmem:s28], [sflag:$0xB], $0x80, s22, s24, $0xb8;
	[tilespmem:$0x1F6F8] =	vst v63  }
0x40a: {  	s22 =	smov.u32 s12  }
0x40b: {  	p0 =	sne.s32 s12, $0x2400;
	s12 =	sadd.s32 $0x600, s12;
	_ =	swait.ge [sflag:s16], $0x2800  }
0x40c: {  	[sflag:s16] =	ssyncset.done $0x0  }
0x40d: {  	[sflag:s16] =	ssyncadd.s32 $0xFFFFD800  }
0x40e: {  	_ =	swait.ge [sflag:s17], $0x50  }
0x40f: {  	[sflag:s17] =	ssyncset.done $0x0  }
0x410: {  	[sflag:s17] =	ssyncadd.s32 $0xFFFFFFB0  }
0x411: {  	_ =	swait.ge [sflag:s18], $0x50  }
0x412: {  	[sflag:s18] =	ssyncset.done $0x0  }
0x413: {  	[sflag:s18] =	ssyncadd.s32 $0xFFFFFFB0  }
0x414: {  	_ =	swait.ge [sflag:s19], $0x2800  }
0x415: {  	s22 =	sshra.s32 s22, $0x2;
	[sflag:s19] =	ssyncset.done $0x0  }
0x416: {  	s23 =	sadd.s32 $0x180, s22;
	[sflag:s19] =	ssyncadd.s32 $0xFFFFD800  }
0x417: {  	[tilespmem:s28], [sflag:$0x2] =	stream.indirect.gather [hbm4b:s1+s24], $0x80, s23, s24, $0xb8;
	[tilespmem:$0x1F6F8] =	vst v63  }
0x418: {  	_ = 	snop  }
0x419: {  	[tilespmem:s29], [sflag:$0x5] =	stream.indirect.gather [hbm4b:s14+s24], $0x1, s23, s24, $0xb8;
	[tilespmem:$0x1F6F8] =	vst v63  }
0x41a: {  	s23 =	sadd.s32 $0x1080, s22  }
0x41b: {  	[spmem:s4] =	stream.indirect.scatter.add.f32 [tilespmem:s5], [sflag:$0x9], $0x1, s23, s24, $0xb8;
	[tilespmem:$0x1F6F8] =	vst v63  }
0x41c: {  	_ = 	snop  }
0x41d: {  	[spmem:s3] =	stream.indirect.scatter.add.f32 [tilespmem:s0], [sflag:$0xC], $0x80, s23, s24, $0xb8;
	[tilespmem:$0x1F6F8] =	vst v63  }
0x41e: {  	_ =	swait.ge [sflag:s9], $0x2800  }
0x41f: {  	[sflag:s9] =	ssyncset.done $0x0  }
0x420: {  	[sflag:s9] =	ssyncadd.s32 $0xFFFFD800  }
0x421: {  	_ =	swait.ge [sflag:s2], $0x50  }
0x422: {  	[sflag:s2] =	ssyncset.done $0x0  }
0x423: {  	[sflag:s2] =	ssyncadd.s32 $0xFFFFFFB0  }
0x424: {  	_ =	swait.ge [sflag:s20], $0x50  }
0x425: {  	[sflag:s20] =	ssyncset.done $0x0  }
0x426: {  	[sflag:s20] =	ssyncadd.s32 $0xFFFFFFB0  }
0x427: {  	_ =	swait.ge [sflag:s21], $0x2800  }
0x428: {  	[sflag:s21] =	ssyncset.done $0x0  }
0x429: {  	s23 =	sadd.s32 $0x200, s22;
	[sflag:s21] =	ssyncadd.s32 $0xFFFFD800  }
0x42a: {  	[tilespmem:s0], [sflag:$0x3] =	stream.indirect.gather [hbm4b:s1+s24], $0x80, s23, s24, $0xb8;
	[tilespmem:$0x1F6F8] =	vst v63  }
0x42b: {  	_ = 	snop  }
0x42c: {  	[tilespmem:s5], [sflag:$0x6] =	stream.indirect.gather [hbm4b:s14+s24], $0x1, s23, s24, $0xb8;
	[tilespmem:$0x1F6F8] =	vst v63  }
0x42d: {  	s23 =	sadd.s32 $0x1100, s22  }
0x42e: {  	[spmem:s4] =	stream.indirect.scatter.add.f32 [tilespmem:s25], [sflag:$0x7], $0x1, s23, s24, $0xb8;
	[tilespmem:$0x1F6F8] =	vst v63  }
0x42f: {  	_ = 	snop  }
0x430: {  	[spmem:s3] =	stream.indirect.scatter.add.f32 [tilespmem:s8], [sflag:$0xA], $0x80, s23, s24, $0xb8;
	[tilespmem:$0x1F6F8] =	vst v63  }
0x431: {  	_ =	swait.ge [sflag:s10], $0x2800  }
0x432: {  	[sflag:s10] =	ssyncset.done $0x0  }
0x433: {  	[sflag:s10] =	ssyncadd.s32 $0xFFFFD800  }
0x434: {  	_ =	swait.ge [sflag:s6], $0x50  }
0x435: {  	[sflag:s6] =	ssyncset.done $0x0  }
0x436: {  	[sflag:s6] =	ssyncadd.s32 $0xFFFFFFB0  }
0x437: {  	_ =	swait.ge [sflag:s7], $0x50  }
0x438: {  	[sflag:s7] =	ssyncset.done $0x0  }
0x439: {  	[sflag:s7] =	ssyncadd.s32 $0xFFFFFFB0  }
0x43a: {  	_ =	swait.ge [sflag:s15], $0x2800  }
0x43b: {  	[sflag:s15] =	ssyncset.done $0x0  }
0x43c: {  	s23 =	sadd.s32 $0x280, s22;
	[sflag:s15] =	ssyncadd.s32 $0xFFFFD800  }
0x43d: {  	[tilespmem:s8], [sflag:$0x1] =	stream.indirect.gather [hbm4b:s1+s24], $0x80, s23, s24, $0xb8;
	[tilespmem:$0x1F6F8] =	vst v63  }
.Ltmp5:
0x43e: {  	_ = 	snop;
	(pc) =	sbr.rel @p0 .LBB2_12-.Ltmp5, $4  }
0x43f: {  	_ = 	snop  }
0x440: {  	[tilespmem:s25], [sflag:$0x4] =	stream.indirect.gather [hbm4b:s14+s24], $0x1, s23, s24, $0xb8;
	[tilespmem:$0x1F6F8] =	vst v63  }
0x441: {  	s22 =	sadd.s32 $0x1180, s22  }
0x442: {  	[spmem:s4] =	stream.indirect.scatter.add.f32 [tilespmem:s29], [sflag:$0x8], $0x1, s22, s24, $0xb8;
	[tilespmem:$0x1F6F8] =	vst v63  }
0x443: {  	[spmem:s3] =	stream.indirect.scatter.add.f32 [tilespmem:s28], [sflag:$0xB], $0x80, s22, s24, $0xb8;
	[tilespmem:$0x1F6F8] =	vst v63  }
0x444: {  	_ =	swait.ge [sflag:s16], $0x2800  }
0x445: {  	[sflag:s16] =	ssyncset.done $0x0  }
0x446: {  	[sflag:s16] =	ssyncadd.s32 $0xFFFFD800  }
0x447: {  	_ =	swait.ge [sflag:s17], $0x50  }
0x448: {  	[sflag:s17] =	ssyncset.done $0x0  }
0x449: {  	[sflag:s17] =	ssyncadd.s32 $0xFFFFFFB0  }
0x44a: {  	_ =	swait.ge [sflag:s18], $0x50  }
0x44b: {  	[sflag:s18] =	ssyncset.done $0x0  }
0x44c: {  	[sflag:s18] =	ssyncadd.s32 $0xFFFFFFB0  }
0x44d: {  	_ =	swait.ge [sflag:s19], $0x2800  }
0x44e: {  	[sflag:s19] =	ssyncset.done $0x0  }
0x44f: {  	s12 =	simm.s32 $0xC00;
	[sflag:s19] =	ssyncadd.s32 $0xFFFFD800  }
0x450: {  	[tilespmem:s28], [sflag:$0x2] =	stream.indirect.gather [hbm4b:s1+s24], $0x80, s12, s24, $0xb8;
	[tilespmem:$0x1F6F8] =	vst v63  }
0x451: {  	_ = 	snop  }
0x452: {  	[tilespmem:s29], [sflag:$0x5] =	stream.indirect.gather [hbm4b:s14+s24], $0x1, s12, s24, $0xb8;
	[tilespmem:$0x1F6F8] =	vst v63  }
0x453: {  	s26 =	simm.s32 $0x1B00  }
0x454: {  	[spmem:s4] =	stream.indirect.scatter.add.f32 [tilespmem:s5], [sflag:$0x9], $0x1, s26, s24, $0xb8;
	[tilespmem:$0x1F6F8] =	vst v63  }
0x455: {  	_ = 	snop  }
0x456: {  	[spmem:s3] =	stream.indirect.scatter.add.f32 [tilespmem:s0], [sflag:$0xC], $0x80, s26, s24, $0xb8;
	[tilespmem:$0x1F6F8] =	vst v63  }
0x457: {  	_ =	swait.ge [sflag:s9], $0x2800  }
0x458: {  	[sflag:s9] =	ssyncset.done $0x0  }
0x459: {  	[sflag:s9] =	ssyncadd.s32 $0xFFFFD800  }
0x45a: {  	_ =	swait.ge [sflag:s2], $0x50  }
0x45b: {  	[sflag:s2] =	ssyncset.done $0x0  }
0x45c: {  	[sflag:s2] =	ssyncadd.s32 $0xFFFFFFB0  }
0x45d: {  	_ =	swait.ge [sflag:s20], $0x50  }
0x45e: {  	[sflag:s20] =	ssyncset.done $0x0  }
0x45f: {  	[sflag:s20] =	ssyncadd.s32 $0xFFFFFFB0  }
0x460: {  	_ =	swait.ge [sflag:s21], $0x2800  }
0x461: {  	[sflag:s21] =	ssyncset.done $0x0  }
0x462: {  	s22 =	simm.s32 $0x1B80;
	[sflag:s21] =	ssyncadd.s32 $0xFFFFD800  }
0x463: {  	[spmem:s4] =	stream.indirect.scatter.add.f32 [tilespmem:s25], [sflag:$0x7], $0x1, s22, s24, $0xb8;
	[tilespmem:$0x1F6F8] =	vst v63  }
0x464: {  	_ = 	snop  }
0x465: {  	[spmem:s3] =	stream.indirect.scatter.add.f32 [tilespmem:s8], [sflag:$0xA], $0x80, s22, s24, $0xb8;
	[tilespmem:$0x1F6F8] =	vst v63  }
0x466: {  	_ =	swait.ge [sflag:s10], $0x2800  }
0x467: {  	[sflag:s10] =	ssyncset.done $0x0  }
0x468: {  	[sflag:s10] =	ssyncadd.s32 $0xFFFFD800  }
0x469: {  	_ =	swait.ge [sflag:s6], $0x50  }
0x46a: {  	[sflag:s6] =	ssyncset.done $0x0  }
0x46b: {  	[sflag:s6] =	ssyncadd.s32 $0xFFFFFFB0  }
0x46c: {  	_ =	swait.ge [sflag:s7], $0x50  }
0x46d: {  	[sflag:s7] =	ssyncset.done $0x0  }
0x46e: {  	[sflag:s7] =	ssyncadd.s32 $0xFFFFFFB0  }
0x46f: {  	_ =	swait.ge [sflag:s15], $0x2800  }
0x470: {  	[sflag:s15] =	ssyncset.done $0x0  }
0x471: {  	s23 =	simm.s32 $0x1C00;
	[sflag:s15] =	ssyncadd.s32 $0xFFFFD800  }
0x472: {  	[spmem:s4] =	stream.indirect.scatter.add.f32 [tilespmem:s29], [sflag:$0x8], $0x1, s23, s24, $0xb8;
	[tilespmem:$0x1F6F8] =	vst v63  }
0x473: {  	_ = 	snop  }
0x474: {  	[spmem:s3] =	stream.indirect.scatter.add.f32 [tilespmem:s28], [sflag:$0xB], $0x80, s23, s24, $0xb8;
	[tilespmem:$0x1F6F8] =	vst v63  }
0x475: {  	_ =	swait.ge [sflag:s18], $0x50  }
0x476: {  	[sflag:s18] =	ssyncset.done $0x0  }
0x477: {  	[sflag:s18] =	ssyncadd.s32 $0xFFFFFFB0  }
0x478: {  	_ =	swait.ge [sflag:s19], $0x2800  }
0x479: {  	[sflag:s19] =	ssyncset.done $0x0  }
0x47a: {  	[sflag:s19] =	ssyncadd.s32 $0xFFFFD800  }
0x47b: {  	[bflag:$0x0] =	sbarrier.arrive $0xFFFF  }
0x47c: {  	s23 =	simm.s32 $0xB980;
	s26 =	rddreg [dreg:$0xd]  }
0x47d: {  	[tilespmem:s23], [sflag:$0xD] =	stream.linear.gather [spmem:s26], $0x280, $0x38;
	[tilespmem:$0x1F6F8] =	vst v63  }
0x47e: {  	_ =	swait.ge [sflag:s11], $0x280  }
0x47f: {  	s22 =	sld [smem:$0x7FC]  }
0x480: {  	[sflag:s11] =	ssyncset.done $0x0  }
0x481: {  	s12 =	simm.s32 $0x0;
	[sflag:s11] =	ssyncadd.s32 $0xFFFFFD80  }
0x482: {  	[hbm4b:s22+s12] =	stream.linear.scatter [tilespmem:s23], [sflag:$0x2], $0x280, $0x38;
	[tilespmem:$0x1F6F8] =	vst v63  }
0x483: {  	s22 =	stileid.u32  }
0x484: {  	s23 =	rddreg [dreg:$0xe];
	s12 =	sshll.u32 s22, $0x6  }
0x485: {  	s22 =	sshrl.u32 s23, $0x3;
	s23 =	rddreg [dreg:$0x5];
	s12 =	sor.u32 $0x1C01, s12  }
0x486: {  	[hbm:s23], [sflag:s12] =	dma.local [spmem:s22], $0x500  }
0x487: {  	s22 =	rddreg [dreg:$0xf]  }
0x488: {  	s23 =	rddreg [dreg:$0x6];
	s22 =	sshrl.u32 s22, $0x3  }
0x489: {  	[hbm:s23], [sflag:s12] =	dma.local [spmem:s22], $0x500  }
0x48a: {  	s22 =	rddreg [dreg:$0x10]  }
0x48b: {  	s23 =	rddreg [dreg:$0x7];
	s22 =	sshrl.u32 s22, $0x3  }
0x48c: {  	[hbm:s23], [sflag:s12] =	dma.local [spmem:s22], $0x500  }
0x48d: {  	s22 =	rddreg [dreg:$0x11]  }
0x48e: {  	s23 =	rddreg [dreg:$0x8];
	s22 =	sshrl.u32 s22, $0x3  }
0x48f: {  	[hbm:s23], [sflag:s12] =	dma.local [spmem:s22], $0x500  }
0x490: {  	s22 =	rddreg [dreg:$0x12]  }
0x491: {  	s23 =	rddreg [dreg:$0x9];
	s22 =	sshrl.u32 s22, $0x3  }
0x492: {  	[hbm:s23], [sflag:s12] =	dma.local [spmem:s22], $0x500  }
0x493: {  	s22 =	rddreg [dreg:$0x13]  }
0x494: {  	s23 =	rddreg [dreg:$0xa];
	s22 =	sshrl.u32 s22, $0x3  }
0x495: {  	[hbm:s23], [sflag:s12] =	dma.local [spmem:s22], $0x500  }
0x496: {  	s22 =	rddreg [dreg:$0x14]  }
0x497: {  	s23 =	rddreg [dreg:$0xb];
	s22 =	sshrl.u32 s22, $0x3  }
0x498: {  	[hbm:s23], [sflag:s12] =	dma.local [spmem:s22], $0x500  }
0x499: {  	s22 =	rddreg [dreg:$0x15]  }
0x49a: {  	s23 =	rddreg [dreg:$0xc];
	s22 =	sshrl.u32 s22, $0x3  }
0x49b: {  	[hbm:s23], [sflag:s12] =	dma.local [spmem:s22], $0x500  }
0x49c: {  	_ =	swait.ge [sflag:s9], $0x500  }
0x49d: {  	[sflag:s9] =	ssyncset.done $0x0  }
0x49e: {  	[sflag:s9] =	ssyncadd.s32 $0xFFFFFB00  }
0x49f: {  	_ =	swait.ge [sflag:s9], $0x500  }
0x4a0: {  	[sflag:s9] =	ssyncset.done $0x0  }
0x4a1: {  	[sflag:s9] =	ssyncadd.s32 $0xFFFFFB00  }
0x4a2: {  	_ =	swait.ge [sflag:s9], $0x500  }
0x4a3: {  	[sflag:s9] =	ssyncset.done $0x0  }
0x4a4: {  	[sflag:s9] =	ssyncadd.s32 $0xFFFFFB00  }
0x4a5: {  	_ =	swait.ge [sflag:s9], $0x500  }
0x4a6: {  	[sflag:s9] =	ssyncset.done $0x0  }
0x4a7: {  	[sflag:s9] =	ssyncadd.s32 $0xFFFFFB00  }
0x4a8: {  	_ =	swait.ge [sflag:s9], $0x500  }
0x4a9: {  	[sflag:s9] =	ssyncset.done $0x0  }
0x4aa: {  	[sflag:s9] =	ssyncadd.s32 $0xFFFFFB00  }
0x4ab: {  	_ =	swait.ge [sflag:s9], $0x500  }
0x4ac: {  	[sflag:s9] =	ssyncset.done $0x0  }
0x4ad: {  	[sflag:s9] =	ssyncadd.s32 $0xFFFFFB00  }
0x4ae: {  	_ =	swait.ge [sflag:s9], $0x500  }
0x4af: {  	[sflag:s9] =	ssyncset.done $0x0  }
0x4b0: {  	[sflag:s9] =	ssyncadd.s32 $0xFFFFFB00  }
0x4b1: {  	_ =	swait.ge [sflag:s9], $0x500  }
0x4b2: {  	[sflag:s9] =	ssyncset.done $0x0  }
0x4b3: {  	[sflag:s9] =	ssyncadd.s32 $0xFFFFFB00  }
0x4b4: {  	_ =	swait.ge [sflag:s10], $0x280  }
0x4b5: {  	s23 =	sld [smem:$0x7FD];
	_ =	sdelay $0x1  }
0x4b6: {  	s31 =	sadd.s32 $0x1, s31  }
0x4b7: {  	p0 =	sne.s32 s31, s23  }
.Ltmp6:
0x4b8: {  	_ = 	snop;
	(pc) =	sbr.rel @p0 .LBB2_1-.Ltmp6, $3  }
0x4b9: {  	_ =	sdelay $0x1  }
0x4ba: {  	[sflag:s10] =	ssyncset.done $0x0  }
0x4bb: {  	s26 =	simm.s32 $0xB980;
	[sflag:s10] =	ssyncadd.s32 $0xFFFFFD80  }
0x4bc: {  	_ =	sfence.sel $0x180000  }
0x4bd: {  	[bflag:$0x0] =	sbarrier.arrive $0xFFFF  }
0x4be: {  	_ =	strace $0x90000047  }
0x4bf: {  	s0 =	stileid.u32;
	[bflag:$0x2] =	sbarrier.arrive $0xFFFF  }
0x4c0: {  	p0 =	sne.s32 s0, $0x0;
	s0 =	rddreg [dreg:$0x4]  }
0x4c1: {  	s0 =	sadd.s32 @!p0 $0x100000, s0  }
0x4c2: {  	[sflag:s0] =	ssyncadd.tile.s32 @!p0 $0x1;
	_ =	shalt  }
.Lfunc_end2:
_tile_overlayer_lowered:
.L_overlay_start_2:
0x4c3: {  	(tag) =	ssettag $0x2  }
0x4c4: {  	s0 =	rddreg [dreg:$0x0];
	s2 =	stileid.u32  }
0x4c5: {  	s1 =	rddreg [dreg:$0x1];
	p0 =	sne.s32 s2, $0x0  }
0x4c6: {  	s3 =	rddreg [dreg:$0x2];
	[bflag:$0x3] =	sbarrier.arrive $0xFFFF;
	s2 =	simm.s32 @!p0 $0x1C0D  }
0x4c7: {  	[timem:s3], [sflag:s2] =	dma.local @!p0 [hbm:s0], s1  }
0x4c8: {  	s0 =	simm.s32 @!p0 $0xD  }
0x4c9: {  	_ =	swait.ge @!p0 [sflag:s0], s1  }
0x4ca: {  	s1 =	ssub.s32 @!p0 $0x0, s1;
	[sflag:s0] =	ssyncset.done @!p0 $0x0  }
0x4cb: {  	[sflag:s0] =	ssyncadd.s32 @!p0 s1  }
0x4cc: {  	[bflag:$0x3] =	sbarrier.arrive $0xFFFF  }
0x4cd: {  	_ =	shalt  }

</sc_bundles>
